<compile_context>
chip_gen: v7x
topology: tpu7x:2x2x1
jax: 0.10.2.dev20260603
libtpu: 0.0.44.dev20260713+nightly
codegen_flags: <defaults>
</compile_context>

<pallas_src>
import jax
import jax.numpy as jnp
from jax import lax
from jax.experimental import pallas as pl
from jax.experimental.pallas import tpu as pltpu
from jax.experimental.pallas import tpu_sc as plsc

N = 10000
E = 320000
D_IN = 128
D_H = 64
D_OUT = 128

NUM_CORES = 2
NUM_SUBCORES = 16
CHUNK = 128
NBUF = 4
SLACK = 2
NCH0 = 152
NCH1 = 8
TOTAL_CH = NUM_SUBCORES * (NCH0 + NCH1)
E_PAD = TOTAL_CH * CHUNK
N_PAD = 10112
RPT = N_PAD // NUM_SUBCORES
CNT_W = 16
L = 16


def _zero_vmem_2d(ref, rows, cols):
    z = jnp.zeros((L,), jnp.float32)

    def zrow(i, carry):
        for k in range(cols // L):
            ref[i, pl.ds(k * L, L)] = z
        return carry

    lax.fori_loop(0, rows, zrow, 0)


def _make_sc_segsum(with_counts):
    mesh = plsc.VectorSubcoreMesh(core_axis_name="c", subcore_axis_name="s",
                                  num_cores=NUM_CORES,
                                  num_subcores=NUM_SUBCORES)
    out_type = [jax.ShapeDtypeStruct((NUM_CORES, N_PAD, D_H), jnp.float32)]
    scratch = [
        pltpu.VMEM((NCH0, CHUNK), jnp.int32),
        pltpu.VMEM((NCH0, CHUNK), jnp.int32),
        pltpu.VMEM((NBUF, CHUNK, D_H), jnp.float32),
        pltpu.VMEM_SHARED((N_PAD, D_H), jnp.float32),
    ] + [pltpu.SemaphoreType.DMA] * (2 * NBUF)
    if with_counts:
        out_type.append(
            jax.ShapeDtypeStruct((NUM_CORES, N_PAD, CNT_W), jnp.float32))
        scratch += [
            pltpu.VMEM((CHUNK, CNT_W), jnp.float32),
            pltpu.VMEM((CHUNK, CNT_W), jnp.float32),
            pltpu.VMEM_SHARED((N_PAD, CNT_W), jnp.float32),
            pltpu.SemaphoreType.DMA,
        ]

    def body(p_hbm, srcs_hbm, dsts_hbm, *rest):
        if with_counts:
            (ones_hbm, s_out, c_out, src_v, dst_v, rows_v, acc,
             *sems, ones_v, zc_v, cacc, csem) = rest
        else:
            s_out, src_v, dst_v, rows_v, acc, *sems = rest
        gsem = sems[:NBUF]
        ssem = sems[NBUF:2 * NBUF]
        c = lax.axis_index("c")
        s = lax.axis_index("s")
        row0 = s * RPT
        n = jnp.where(c == 0, NCH0, NCH1)

        r0 = rows_v.at[0]
        _zero_vmem_2d(r0, CHUNK, D_H)
        for k in range(RPT // CHUNK):
            pltpu.sync_copy(r0, acc.at[pl.ds(row0 + k * CHUNK, CHUNK)])
        rem = RPT % CHUNK
        if rem:
            pltpu.sync_copy(r0.at[pl.ds(0, rem)],
                            acc.at[pl.ds(row0 + (RPT // CHUNK) * CHUNK, rem)])
        if with_counts:
            _zero_vmem_2d(zc_v, CHUNK, CNT_W)
            for k in range(RPT // CHUNK):
                pltpu.sync_copy(zc_v,
                                cacc.at[pl.ds(row0 + k * CHUNK, CHUNK)])
            if rem:
                pltpu.sync_copy(
                    zc_v.at[pl.ds(0, rem)],
                    cacc.at[pl.ds(row0 + (RPT // CHUNK) * CHUNK, rem)])
            pltpu.sync_copy(ones_hbm, ones_v)

        @pl.when(c == 0)
        def _():
            pltpu.sync_copy(srcs_hbm.at[pl.ds(s * NCH0, NCH0)], src_v)
            pltpu.sync_copy(dsts_hbm.at[pl.ds(s * NCH0, NCH0)], dst_v)

        @pl.when(c == 1)
        def _():
            base = NUM_SUBCORES * NCH0 + s * NCH1
            pltpu.sync_copy(srcs_hbm.at[pl.ds(base, NCH1)],
                            src_v.at[pl.ds(0, NCH1)])
            pltpu.sync_copy(dsts_hbm.at[pl.ds(base, NCH1)],
                            dst_v.at[pl.ds(0, NCH1)])

        plsc.subcore_barrier()

        for b in range(NBUF):
            pltpu.async_copy(p_hbm.at[src_v.at[b]], rows_v.at[b], gsem[b])

        def group_body(g, carry):
            for b in range(NBUF):
                j = g * NBUF + b
                pltpu.make_async_copy(
                    p_hbm.at[src_v.at[j]], rows_v.at[b], gsem[b]).wait()
                pltpu.async_copy(rows_v.at[b], acc.at[dst_v.at[j]],
                                 ssem[b], add=True)
                if with_counts:
                    pltpu.async_copy(ones_v, cacc.at[dst_v.at[j]],
                                     csem, add=True)

                    @pl.when(j >= 2 * NBUF)
                    def _():
                        pltpu.make_async_copy(
                            ones_v, cacc.at[dst_v.at[0]], csem).wait()
                br = (b + SLACK) % NBUF
                jd = j - SLACK
                jr = jd + NBUF

                @pl.when(jnp.logical_and(jd >= 0, jr < n))
                def _():
                    pltpu.make_async_copy(
                        rows_v.at[br], acc.at[dst_v.at[jd]],
                        ssem[br]).wait()
                    pltpu.async_copy(
                        p_hbm.at[src_v.at[jr]], rows_v.at[br], gsem[br])
            return carry

        lax.fori_loop(0, n // NBUF, group_body, 0)
        for b in range(NBUF):
            pltpu.make_async_copy(
                rows_v.at[b], acc.at[dst_v.at[0]], ssem[b]).wait()
        if with_counts:
            def cdrain(j, carry):
                pltpu.make_async_copy(
                    ones_v, cacc.at[dst_v.at[0]], csem).wait()
                return carry
            lax.fori_loop(0, 2 * NBUF, cdrain, 0)
        plsc.subcore_barrier()
        pltpu.sync_copy(acc.at[pl.ds(row0, RPT)],
                        s_out.at[c, pl.ds(row0, RPT)])
        if with_counts:
            pltpu.sync_copy(cacc.at[pl.ds(row0, RPT)],
                            c_out.at[c, pl.ds(row0, RPT)])

    return pl.kernel(body, out_type=tuple(out_type), mesh=mesh,
                     scratch_types=tuple(scratch),
                     compiler_params=pltpu.CompilerParams(
                         use_tc_tiling_on_sc=False))


def _tc_proj(h, Wl, Wr, b2d):
    n = h.shape[0]
    dout = Wl.shape[1]

    def body(h_ref, wl_ref, wr_ref, b_ref, p_ref, q_ref):
        hv = h_ref[...]
        p_ref[...] = jnp.dot(hv, wl_ref[...],
                             preferred_element_type=jnp.float32)
        q_ref[...] = jnp.dot(hv, wr_ref[...],
                             preferred_element_type=jnp.float32) + b_ref[...]

    return pl.pallas_call(
        body,
        out_shape=(jax.ShapeDtypeStruct((n, dout), jnp.float32),
                   jax.ShapeDtypeStruct((n, dout), jnp.float32)),
    )(h, Wl, Wr, b2d)


def _tc_combine(s_parts, cnt_parts, q, g2, be2, m2, v2):

    def body(s_ref, c_ref, q_ref, g_ref, be_ref, m_ref, v_ref, o_ref):
        ssum = s_ref[0, :N, :] + s_ref[1, :N, :]
        cnt = c_ref[0, :N, 0:1] + c_ref[1, :N, 0:1]
        recip = 1.0 / jnp.maximum(cnt, 1.0)
        t = ssum * recip + q_ref[...]
        scale = g_ref[...] * lax.rsqrt(v_ref[...] + 1e-5)
        o_ref[...] = jnp.maximum((t - m_ref[...]) * scale + be_ref[...], 0.0)

    return pl.pallas_call(
        body, out_shape=jax.ShapeDtypeStruct((N, D_H), jnp.float32),
    )(s_parts, cnt_parts, q, g2, be2, m2, v2)


def _tc_final(s_parts, cnt_parts, h, Wl, Wr, b2d):

    def body(s_ref, c_ref, h_ref, wl_ref, wr_ref, b_ref, o_ref):
        ssum = s_ref[0, :N, :] + s_ref[1, :N, :]
        cnt = c_ref[0, :N, 0:1] + c_ref[1, :N, 0:1]
        agg = ssum * (1.0 / jnp.maximum(cnt, 1.0))
        o_ref[...] = (
            jnp.dot(agg, wl_ref[...], preferred_element_type=jnp.float32)
            + jnp.dot(h_ref[...], wr_ref[...],
                      preferred_element_type=jnp.float32)
            + b_ref[...])

    return pl.pallas_call(
        body, out_shape=jax.ShapeDtypeStruct((N, D_OUT), jnp.float32),
    )(s_parts, cnt_parts, h, Wl, Wr, b2d)


def kernel(x, edge_index, Wl0, Wr0, b0, g0, be0, m0, v0,
           Wl1, Wr1, b1, g1, be1, m1, v1, Wl2, Wr2, b2):
    src = edge_index[0]
    dst = edge_index[1]
    pad = E_PAD - E
    srcs = jnp.concatenate(
        [src, jnp.zeros((pad,), jnp.int32)]).reshape(TOTAL_CH, CHUNK)
    dsts = jnp.concatenate(
        [dst, jnp.full((pad,), N, jnp.int32)]).reshape(TOTAL_CH, CHUNK)
    ones = jnp.ones((CHUNK, CNT_W), jnp.float32)

    seg_cnt = _make_sc_segsum(True)
    seg = _make_sc_segsum(False)

    r2 = lambda a: a.reshape(1, -1)

    p0, q0 = _tc_proj(x, Wl0, Wr0, r2(b0))
    s0, cnt = seg_cnt(p0, srcs, dsts, ones)
    h1 = _tc_combine(s0, cnt, q0, r2(g0), r2(be0), r2(m0), r2(v0))

    p1, q1 = _tc_proj(h1, Wl1, Wr1, r2(b1))
    outs = seg(p1, srcs, dsts)
    s1 = outs[0] if isinstance(outs, (tuple, list)) else outs
    h2 = _tc_combine(s1, cnt, q1, r2(g1), r2(be1), r2(m1), r2(v1))

    outs = seg(h2, srcs, dsts)
    s2 = outs[0] if isinstance(outs, (tuple, list)) else outs
    return _tc_final(s2, cnt, h2, Wl2, Wr2, r2(b2))

# --- scband reference (transcript-rebuilt; emitter-appended) ---
"""Pipeline reference for scband-graph-sageencoder-70007966925389 (READ-ONLY COPY).

The authoritative reference and input builder live on the scoring server;
editing this copy changes nothing except your own understanding.
"""

import jax, jax.numpy as jnp
import numpy as np

N = 10000
E = 320000
D_IN = 128
D_H = 64
D_OUT = 128


def setup_inputs(seed: int = 0) -> dict:
    key = jax.random.key(seed)
    ks = jax.random.split(key, 16)
    inp = {}
    inp["x"] = jax.random.normal(ks[0], (N, D_IN), dtype=jnp.float32)
    inp["edge_index"] = jax.random.randint(ks[1], (2, E), 0, N, dtype=jnp.int32)

    def lin(k, fan_in, shape):
        return jax.random.normal(k, shape, dtype=jnp.float32) * (1.0 / np.sqrt(fan_in))

    # Layer 0: SAGEConv(D_IN -> D_H)
    inp["Wl0"] = lin(ks[2], D_IN, (D_IN, D_H))
    inp["Wr0"] = lin(ks[3], D_IN, (D_IN, D_H))
    inp["b0"] = jnp.zeros((D_H,), dtype=jnp.float32)
    inp["g0"] = 1.0 + 0.1 * jax.random.normal(ks[4], (D_H,), dtype=jnp.float32)
    inp["be0"] = 0.1 * jax.random.normal(ks[5], (D_H,), dtype=jnp.float32)
    inp["m0"] = jnp.zeros((D_H,), dtype=jnp.float32)
    inp["v0"] = jnp.ones((D_H,), dtype=jnp.float32)
    # Layer 1: SAGEConv(D_H -> D_H)
    inp["Wl1"] = lin(ks[6], D_H, (D_H, D_H))
    inp["Wr1"] = lin(ks[7], D_H, (D_H, D_H))
    inp["b1"] = jnp.zeros((D_H,), dtype=jnp.float32)
    inp["g1"] = 1.0 + 0.1 * jax.random.normal(ks[8], (D_H,), dtype=jnp.float32)
    inp["be1"] = 0.1 * jax.random.normal(ks[9], (D_H,), dtype=jnp.float32)
    inp["m1"] = jnp.zeros((D_H,), dtype=jnp.float32)
    inp["v1"] = jnp.ones((D_H,), dtype=jnp.float32)
    # Layer 2: SAGEConv(D_H -> D_OUT)
    inp["Wl2"] = lin(ks[10], D_H, (D_H, D_OUT))
    inp["Wr2"] = lin(ks[11], D_H, (D_H, D_OUT))
    inp["b2"] = jnp.zeros((D_OUT,), dtype=jnp.float32)
    return inp


def _sage_conv(x, src, dst, Wl, Wr, b):
    # PyG-style SAGEConv with mean aggregation:
    # out = lin_l(mean_{j in N(i)} x_j) + lin_r(x_i)
    msgs = jnp.take(x, src, axis=0)
    s = jax.ops.segment_sum(msgs, dst, num_segments=N)
    cnt = jax.ops.segment_sum(jnp.ones((src.shape[0],), dtype=x.dtype), dst, num_segments=N)
    agg = s / jnp.maximum(cnt, 1.0)[:, None]
    return agg @ Wl + b + x @ Wr


def _bn(h, g, be, m, v):
    # BatchNorm1d in eval mode with running statistics
    return (h - m) / jnp.sqrt(v + 1e-5) * g + be


def reference(x, edge_index, Wl0, Wr0, b0, g0, be0, m0, v0, Wl1, Wr1, b1, g1, be1, m1, v1, Wl2, Wr2, b2):
    src = edge_index[0]
    dst = edge_index[1]
    h = _sage_conv(x, src, dst, Wl0, Wr0, b0)
    h = jax.nn.relu(_bn(h, g0, be0, m0, v0))
    # dropout is identity in eval mode
    h = _sage_conv(h, src, dst, Wl1, Wr1, b1)
    h = jax.nn.relu(_bn(h, g1, be1, m1, v1))
    h = _sage_conv(h, src, dst, Wl2, Wr2, b2)
    return h

if __name__ == "__main__":
    import jax
    _d = setup_inputs()
    print(jax.jit(kernel)(*tuple(_d.values())))

</pallas_src>

<mosaic_0001>
#map = affine_map<(d0, d1) -> (0, 0)>
#map1 = affine_map<(d0, d1) -> (0, 0, 0)>
module attributes {stable_mosaic.version = 14 : i64} {
  func.func @body(%arg0: i32, %arg1: i32, %arg2: memref<10000x64xf32, #tpu.memory_space<hbm>>, %arg3: memref<2560x128xi32, #tpu.memory_space<hbm>>, %arg4: memref<2560x128xi32, #tpu.memory_space<hbm>>, %arg5: memref<2x10112x64xf32, #tpu.memory_space<hbm>>, %arg6: memref<152x128xi32, #tpu.memory_space<vmem>>, %arg7: memref<152x128xi32, #tpu.memory_space<vmem>>, %arg8: memref<4x128x64xf32, #tpu.memory_space<vmem>>, %arg9: memref<10112x64xf32, #tpu.memory_space<vmem_shared>>, %arg10: memref<!tpu.dma_semaphore, #tpu.memory_space<semaphore_mem>>, %arg11: memref<!tpu.dma_semaphore, #tpu.memory_space<semaphore_mem>>, %arg12: memref<!tpu.dma_semaphore, #tpu.memory_space<semaphore_mem>>, %arg13: memref<!tpu.dma_semaphore, #tpu.memory_space<semaphore_mem>>, %arg14: memref<!tpu.dma_semaphore, #tpu.memory_space<semaphore_mem>>, %arg15: memref<!tpu.dma_semaphore, #tpu.memory_space<semaphore_mem>>, %arg16: memref<!tpu.dma_semaphore, #tpu.memory_space<semaphore_mem>>, %arg17: memref<!tpu.dma_semaphore, #tpu.memory_space<semaphore_mem>>) attributes {dimension_semantics = [#tpu.dimension_semantics<core_parallel>, #tpu.dimension_semantics<subcore_parallel>], iteration_bounds = array<i64: 2, 16>, scalar_prefetch = 0 : i64, scratch_operands = 12 : i64, tpu.core_type = #tpu.core_type<sc_vector_subcore>, window_params = [{transform_indices = #map}, {transform_indices = #map}, {transform_indices = #map}, {transform_indices = #map1}]} {
    %mul3A = arith.constant 632 : i32
    %mul3A_0 = arith.muli %arg1, %mul3A : i32
    %eq3A = arith.constant 0 : i32
    %eq3A_1 = arith.cmpi eq, %arg0, %eq3A : i32
    %jit3A = arith.constant 152 : i32
    %jit3A_2 = arith.constant 8 : i32
    %select_n3A = arith.select %eq3A_1, %jit3A, %jit3A_2 : i32
    %broadcast_in_dim3A = arith.constant 0.000000e+00 : f32
    %broadcast_in_dim3A_3 = vector.broadcast %broadcast_in_dim3A : f32 to vector<16xf32>
    %scan3A = arith.constant 0 : i32
    %scan3A_4 = arith.constant 0 : i32
    %scan3A_5 = arith.constant 0 : i32
    %scan3A_6 = arith.constant 128 : i32
    %scan3A_7 = arith.addi %scan3A_5, %scan3A_6 : i32
    %scan3A_8 = arith.constant 1 : i32
    scf.for %scan3A_153 = %scan3A_5 to %scan3A_7 step %scan3A_8  : i32 {
      %swap3A = arith.constant 0 : i32
      %swap3A_154 = arith.constant 0 : i32
      %swap3A_155 = tpu.memref_slice %arg8[%scan3A_4, %swap3A, %swap3A_154] : memref<4x128x64xf32, #tpu.memory_space<vmem>> -> memref<1x128x64xf32, #tpu.memory_space<vmem>>
      %swap3A_156 = tpu.memref_squeeze %swap3A_155 : memref<1x128x64xf32, #tpu.memory_space<vmem>> -> memref<128x64xf32, #tpu.memory_space<vmem>>
      %swap3A_157 = arith.index_cast %scan3A_153 : i32 to index
      %swap3A_158 = arith.constant 0 : index
      %swap3A_159 = tpu.vector_load %swap3A_156[%swap3A_157, %swap3A_158] {strides = array<i32>} : memref<128x64xf32, #tpu.memory_space<vmem>>, vector<1x16xf32>,
      %swap3A_160 = vector.shape_cast %swap3A_159 : vector<1x16xf32> to vector<16xf32>
      %swap3A_161 = vector.shape_cast %broadcast_in_dim3A_3 : vector<16xf32> to vector<1x16xf32>
      tpu.vector_store %swap3A_156[%swap3A_157, %swap3A_158], %swap3A_161 {strides = array<i32>} : memref<128x64xf32, #tpu.memory_space<vmem>>, vector<1x16xf32>,
      %swap3A_162 = arith.constant 0 : i32
      %swap3A_163 = arith.constant 0 : i32
      %swap3A_164 = tpu.memref_slice %arg8[%scan3A_4, %swap3A_162, %swap3A_163] : memref<4x128x64xf32, #tpu.memory_space<vmem>> -> memref<1x128x64xf32, #tpu.memory_space<vmem>>
      %swap3A_165 = tpu.memref_squeeze %swap3A_164 : memref<1x128x64xf32, #tpu.memory_space<vmem>> -> memref<128x64xf32, #tpu.memory_space<vmem>>
      %swap3A_166 = arith.index_cast %scan3A_153 : i32 to index
      %swap3A_167 = arith.constant 16 : index
      %swap3A_168 = tpu.vector_load %swap3A_165[%swap3A_166, %swap3A_167] {strides = array<i32>} : memref<128x64xf32, #tpu.memory_space<vmem>>, vector<1x16xf32>,
      %swap3A_169 = vector.shape_cast %swap3A_168 : vector<1x16xf32> to vector<16xf32>
      %swap3A_170 = vector.shape_cast %broadcast_in_dim3A_3 : vector<16xf32> to vector<1x16xf32>
      tpu.vector_store %swap3A_165[%swap3A_166, %swap3A_167], %swap3A_170 {strides = array<i32>} : memref<128x64xf32, #tpu.memory_space<vmem>>, vector<1x16xf32>,
      %swap3A_171 = arith.constant 0 : i32
      %swap3A_172 = arith.constant 0 : i32
      %swap3A_173 = tpu.memref_slice %arg8[%scan3A_4, %swap3A_171, %swap3A_172] : memref<4x128x64xf32, #tpu.memory_space<vmem>> -> memref<1x128x64xf32, #tpu.memory_space<vmem>>
      %swap3A_174 = tpu.memref_squeeze %swap3A_173 : memref<1x128x64xf32, #tpu.memory_space<vmem>> -> memref<128x64xf32, #tpu.memory_space<vmem>>
      %swap3A_175 = arith.index_cast %scan3A_153 : i32 to index
      %swap3A_176 = arith.constant 32 : index
      %swap3A_177 = tpu.vector_load %swap3A_174[%swap3A_175, %swap3A_176] {strides = array<i32>} : memref<128x64xf32, #tpu.memory_space<vmem>>, vector<1x16xf32>,
      %swap3A_178 = vector.shape_cast %swap3A_177 : vector<1x16xf32> to vector<16xf32>
      %swap3A_179 = vector.shape_cast %broadcast_in_dim3A_3 : vector<16xf32> to vector<1x16xf32>
      tpu.vector_store %swap3A_174[%swap3A_175, %swap3A_176], %swap3A_179 {strides = array<i32>} : memref<128x64xf32, #tpu.memory_space<vmem>>, vector<1x16xf32>,
      %swap3A_180 = arith.constant 0 : i32
      %swap3A_181 = arith.constant 0 : i32
      %swap3A_182 = tpu.memref_slice %arg8[%scan3A_4, %swap3A_180, %swap3A_181] : memref<4x128x64xf32, #tpu.memory_space<vmem>> -> memref<1x128x64xf32, #tpu.memory_space<vmem>>
      %swap3A_183 = tpu.memref_squeeze %swap3A_182 : memref<1x128x64xf32, #tpu.memory_space<vmem>> -> memref<128x64xf32, #tpu.memory_space<vmem>>
      %swap3A_184 = arith.index_cast %scan3A_153 : i32 to index
      %swap3A_185 = arith.constant 48 : index
      %swap3A_186 = tpu.vector_load %swap3A_183[%swap3A_184, %swap3A_185] {strides = array<i32>} : memref<128x64xf32, #tpu.memory_space<vmem>>, vector<1x16xf32>,
      %swap3A_187 = vector.shape_cast %swap3A_186 : vector<1x16xf32> to vector<16xf32>
      %swap3A_188 = vector.shape_cast %broadcast_in_dim3A_3 : vector<16xf32> to vector<1x16xf32>
      tpu.vector_store %swap3A_183[%swap3A_184, %swap3A_185], %swap3A_188 {strides = array<i32>} : memref<128x64xf32, #tpu.memory_space<vmem>>, vector<1x16xf32>,
    }
    %scan3A_9 = arith.constant 128 : i32
    %add3A = arith.constant 0 : i32
    %add3A_10 = arith.addi %mul3A_0, %add3A : i32
    %run_scoped3A = arith.constant 0 : i32
    "tpu.region"() ({
      %run_scoped3A_153 = tpu.sem_alloc : memref<!tpu.dma_semaphore, #tpu.memory_space<semaphore_mem>>
      %dma_start3A_154 = arith.constant 0 : i32
      %dma_start3A_155 = arith.constant 0 : i32
      %dma_start3A_156 = tpu.memref_slice %arg8[%run_scoped3A, %dma_start3A_154, %dma_start3A_155] : memref<4x128x64xf32, #tpu.memory_space<vmem>> -> memref<1x128x64xf32, #tpu.memory_space<vmem>>
      %dma_start3A_157 = tpu.memref_squeeze %dma_start3A_156 : memref<1x128x64xf32, #tpu.memory_space<vmem>> -> memref<128x64xf32, #tpu.memory_space<vmem>>
      %dma_start3A_158 = arith.constant 0 : i32
      %dma_start3A_159 = tpu.memref_slice %arg9[%add3A_10, %dma_start3A_158] : memref<10112x64xf32, #tpu.memory_space<vmem_shared>> -> memref<128x64xf32, #tpu.memory_space<vmem_shared>>
      %dma_start3A_160 = arith.constant 0 : i32
      %dma_start3A_161 = tpu.memref_slice %arg9[%add3A_10, %dma_start3A_160] : memref<10112x64xf32, #tpu.memory_space<vmem_shared>> -> memref<128x64xf32, #tpu.memory_space<vmem_shared>>
      %dma_start3A_162 = arith.constant 0 : i32
      %dma_start3A_163 = arith.constant 0 : i32
      %dma_start3A_164 = tpu.memref_slice %arg8[%run_scoped3A, %dma_start3A_162, %dma_start3A_163] : memref<4x128x64xf32, #tpu.memory_space<vmem>> -> memref<1x128x64xf32, #tpu.memory_space<vmem>>
      %dma_start3A_165 = tpu.memref_squeeze %dma_start3A_164 : memref<1x128x64xf32, #tpu.memory_space<vmem>> -> memref<128x64xf32, #tpu.memory_space<vmem>>
      tpu.enqueue_dma source(%dma_start3A_165 : memref<128x64xf32, #tpu.memory_space<vmem>>) target(%dma_start3A_161 : memref<128x64xf32, #tpu.memory_space<vmem_shared>>) target_semaphore(%run_scoped3A_153 : memref<!tpu.dma_semaphore, #tpu.memory_space<semaphore_mem>>)
      %dma_wait3A_166 = arith.constant 0 : i32
      %dma_wait3A_167 = arith.constant 0 : i32
      %dma_wait3A_168 = tpu.memref_slice %arg8[%run_scoped3A, %dma_wait3A_166, %dma_wait3A_167] : memref<4x128x64xf32, #tpu.memory_space<vmem>> -> memref<1x128x64xf32, #tpu.memory_space<vmem>>
      %dma_wait3A_169 = tpu.memref_squeeze %dma_wait3A_168 : memref<1x128x64xf32, #tpu.memory_space<vmem>> -> memref<128x64xf32, #tpu.memory_space<vmem>>
      %dma_wait3A_170 = arith.constant 0 : i32
      %dma_wait3A_171 = tpu.memref_slice %arg9[%add3A_10, %dma_wait3A_170] : memref<10112x64xf32, #tpu.memory_space<vmem_shared>> -> memref<128x64xf32, #tpu.memory_space<vmem_shared>>
      %dma_wait3A_172 = arith.constant 0 : i32
      %dma_wait3A_173 = tpu.memref_slice %arg9[%add3A_10, %dma_wait3A_172] : memref<10112x64xf32, #tpu.memory_space<vmem_shared>> -> memref<128x64xf32, #tpu.memory_space<vmem_shared>>
      %dma_wait3A_174 = arith.constant 0 : i32
      %dma_wait3A_175 = arith.constant 0 : i32
      %dma_wait3A_176 = tpu.memref_slice %arg8[%run_scoped3A, %dma_wait3A_174, %dma_wait3A_175] : memref<4x128x64xf32, #tpu.memory_space<vmem>> -> memref<1x128x64xf32, #tpu.memory_space<vmem>>
      %dma_wait3A_177 = tpu.memref_squeeze %dma_wait3A_176 : memref<1x128x64xf32, #tpu.memory_space<vmem>> -> memref<128x64xf32, #tpu.memory_space<vmem>>
      tpu.wait_dma2 semaphore(%run_scoped3A_153 : memref<!tpu.dma_semaphore, #tpu.memory_space<semaphore_mem>>) src(%dma_wait3A_177 : memref<128x64xf32, #tpu.memory_space<vmem>>) dst(%dma_wait3A_173 : memref<128x64xf32, #tpu.memory_space<vmem_shared>>)
      tpu.yield
    }) : () -> ()
    %add3A_11 = arith.constant 128 : i32
    %add3A_12 = arith.addi %mul3A_0, %add3A_11 : i32
    %run_scoped3A_13 = arith.constant 0 : i32
    "tpu.region"() ({
      %run_scoped3A_153 = tpu.sem_alloc : memref<!tpu.dma_semaphore, #tpu.memory_space<semaphore_mem>>
      %dma_start3A_154 = arith.constant 0 : i32
      %dma_start3A_155 = arith.constant 0 : i32
      %dma_start3A_156 = tpu.memref_slice %arg8[%run_scoped3A_13, %dma_start3A_154, %dma_start3A_155] : memref<4x128x64xf32, #tpu.memory_space<vmem>> -> memref<1x128x64xf32, #tpu.memory_space<vmem>>
      %dma_start3A_157 = tpu.memref_squeeze %dma_start3A_156 : memref<1x128x64xf32, #tpu.memory_space<vmem>> -> memref<128x64xf32, #tpu.memory_space<vmem>>
      %dma_start3A_158 = arith.constant 0 : i32
      %dma_start3A_159 = tpu.memref_slice %arg9[%add3A_12, %dma_start3A_158] : memref<10112x64xf32, #tpu.memory_space<vmem_shared>> -> memref<128x64xf32, #tpu.memory_space<vmem_shared>>
      %dma_start3A_160 = arith.constant 0 : i32
      %dma_start3A_161 = tpu.memref_slice %arg9[%add3A_12, %dma_start3A_160] : memref<10112x64xf32, #tpu.memory_space<vmem_shared>> -> memref<128x64xf32, #tpu.memory_space<vmem_shared>>
      %dma_start3A_162 = arith.constant 0 : i32
      %dma_start3A_163 = arith.constant 0 : i32
      %dma_start3A_164 = tpu.memref_slice %arg8[%run_scoped3A_13, %dma_start3A_162, %dma_start3A_163] : memref<4x128x64xf32, #tpu.memory_space<vmem>> -> memref<1x128x64xf32, #tpu.memory_space<vmem>>
      %dma_start3A_165 = tpu.memref_squeeze %dma_start3A_164 : memref<1x128x64xf32, #tpu.memory_space<vmem>> -> memref<128x64xf32, #tpu.memory_space<vmem>>
      tpu.enqueue_dma source(%dma_start3A_165 : memref<128x64xf32, #tpu.memory_space<vmem>>) target(%dma_start3A_161 : memref<128x64xf32, #tpu.memory_space<vmem_shared>>) target_semaphore(%run_scoped3A_153 : memref<!tpu.dma_semaphore, #tpu.memory_space<semaphore_mem>>)
      %dma_wait3A_166 = arith.constant 0 : i32
      %dma_wait3A_167 = arith.constant 0 : i32
      %dma_wait3A_168 = tpu.memref_slice %arg8[%run_scoped3A_13, %dma_wait3A_166, %dma_wait3A_167] : memref<4x128x64xf32, #tpu.memory_space<vmem>> -> memref<1x128x64xf32, #tpu.memory_space<vmem>>
      %dma_wait3A_169 = tpu.memref_squeeze %dma_wait3A_168 : memref<1x128x64xf32, #tpu.memory_space<vmem>> -> memref<128x64xf32, #tpu.memory_space<vmem>>
      %dma_wait3A_170 = arith.constant 0 : i32
      %dma_wait3A_171 = tpu.memref_slice %arg9[%add3A_12, %dma_wait3A_170] : memref<10112x64xf32, #tpu.memory_space<vmem_shared>> -> memref<128x64xf32, #tpu.memory_space<vmem_shared>>
      %dma_wait3A_172 = arith.constant 0 : i32
      %dma_wait3A_173 = tpu.memref_slice %arg9[%add3A_12, %dma_wait3A_172] : memref<10112x64xf32, #tpu.memory_space<vmem_shared>> -> memref<128x64xf32, #tpu.memory_space<vmem_shared>>
      %dma_wait3A_174 = arith.constant 0 : i32
      %dma_wait3A_175 = arith.constant 0 : i32
      %dma_wait3A_176 = tpu.memref_slice %arg8[%run_scoped3A_13, %dma_wait3A_174, %dma_wait3A_175] : memref<4x128x64xf32, #tpu.memory_space<vmem>> -> memref<1x128x64xf32, #tpu.memory_space<vmem>>
      %dma_wait3A_177 = tpu.memref_squeeze %dma_wait3A_176 : memref<1x128x64xf32, #tpu.memory_space<vmem>> -> memref<128x64xf32, #tpu.memory_space<vmem>>
      tpu.wait_dma2 semaphore(%run_scoped3A_153 : memref<!tpu.dma_semaphore, #tpu.memory_space<semaphore_mem>>) src(%dma_wait3A_177 : memref<128x64xf32, #tpu.memory_space<vmem>>) dst(%dma_wait3A_173 : memref<128x64xf32, #tpu.memory_space<vmem_shared>>)
      tpu.yield
    }) : () -> ()
    %add3A_14 = arith.constant 256 : i32
    %add3A_15 = arith.addi %mul3A_0, %add3A_14 : i32
    %run_scoped3A_16 = arith.constant 0 : i32
    "tpu.region"() ({
      %run_scoped3A_153 = tpu.sem_alloc : memref<!tpu.dma_semaphore, #tpu.memory_space<semaphore_mem>>
      %dma_start3A_154 = arith.constant 0 : i32
      %dma_start3A_155 = arith.constant 0 : i32
      %dma_start3A_156 = tpu.memref_slice %arg8[%run_scoped3A_16, %dma_start3A_154, %dma_start3A_155] : memref<4x128x64xf32, #tpu.memory_space<vmem>> -> memref<1x128x64xf32, #tpu.memory_space<vmem>>
      %dma_start3A_157 = tpu.memref_squeeze %dma_start3A_156 : memref<1x128x64xf32, #tpu.memory_space<vmem>> -> memref<128x64xf32, #tpu.memory_space<vmem>>
      %dma_start3A_158 = arith.constant 0 : i32
      %dma_start3A_159 = tpu.memref_slice %arg9[%add3A_15, %dma_start3A_158] : memref<10112x64xf32, #tpu.memory_space<vmem_shared>> -> memref<128x64xf32, #tpu.memory_space<vmem_shared>>
      %dma_start3A_160 = arith.constant 0 : i32
      %dma_start3A_161 = tpu.memref_slice %arg9[%add3A_15, %dma_start3A_160] : memref<10112x64xf32, #tpu.memory_space<vmem_shared>> -> memref<128x64xf32, #tpu.memory_space<vmem_shared>>
      %dma_start3A_162 = arith.constant 0 : i32
      %dma_start3A_163 = arith.constant 0 : i32
      %dma_start3A_164 = tpu.memref_slice %arg8[%run_scoped3A_16, %dma_start3A_162, %dma_start3A_163] : memref<4x128x64xf32, #tpu.memory_space<vmem>> -> memref<1x128x64xf32, #tpu.memory_space<vmem>>
      %dma_start3A_165 = tpu.memref_squeeze %dma_start3A_164 : memref<1x128x64xf32, #tpu.memory_space<vmem>> -> memref<128x64xf32, #tpu.memory_space<vmem>>
      tpu.enqueue_dma source(%dma_start3A_165 : memref<128x64xf32, #tpu.memory_space<vmem>>) target(%dma_start3A_161 : memref<128x64xf32, #tpu.memory_space<vmem_shared>>) target_semaphore(%run_scoped3A_153 : memref<!tpu.dma_semaphore, #tpu.memory_space<semaphore_mem>>)
      %dma_wait3A_166 = arith.constant 0 : i32
      %dma_wait3A_167 = arith.constant 0 : i32
      %dma_wait3A_168 = tpu.memref_slice %arg8[%run_scoped3A_16, %dma_wait3A_166, %dma_wait3A_167] : memref<4x128x64xf32, #tpu.memory_space<vmem>> -> memref<1x128x64xf32, #tpu.memory_space<vmem>>
      %dma_wait3A_169 = tpu.memref_squeeze %dma_wait3A_168 : memref<1x128x64xf32, #tpu.memory_space<vmem>> -> memref<128x64xf32, #tpu.memory_space<vmem>>
      %dma_wait3A_170 = arith.constant 0 : i32
      %dma_wait3A_171 = tpu.memref_slice %arg9[%add3A_15, %dma_wait3A_170] : memref<10112x64xf32, #tpu.memory_space<vmem_shared>> -> memref<128x64xf32, #tpu.memory_space<vmem_shared>>
      %dma_wait3A_172 = arith.constant 0 : i32
      %dma_wait3A_173 = tpu.memref_slice %arg9[%add3A_15, %dma_wait3A_172] : memref<10112x64xf32, #tpu.memory_space<vmem_shared>> -> memref<128x64xf32, #tpu.memory_space<vmem_shared>>
      %dma_wait3A_174 = arith.constant 0 : i32
      %dma_wait3A_175 = arith.constant 0 : i32
      %dma_wait3A_176 = tpu.memref_slice %arg8[%run_scoped3A_16, %dma_wait3A_174, %dma_wait3A_175] : memref<4x128x64xf32, #tpu.memory_space<vmem>> -> memref<1x128x64xf32, #tpu.memory_space<vmem>>
      %dma_wait3A_177 = tpu.memref_squeeze %dma_wait3A_176 : memref<1x128x64xf32, #tpu.memory_space<vmem>> -> memref<128x64xf32, #tpu.memory_space<vmem>>
      tpu.wait_dma2 semaphore(%run_scoped3A_153 : memref<!tpu.dma_semaphore, #tpu.memory_space<semaphore_mem>>) src(%dma_wait3A_177 : memref<128x64xf32, #tpu.memory_space<vmem>>) dst(%dma_wait3A_173 : memref<128x64xf32, #tpu.memory_space<vmem_shared>>)
      tpu.yield
    }) : () -> ()
    %add3A_17 = arith.constant 384 : i32
    %add3A_18 = arith.addi %mul3A_0, %add3A_17 : i32
    %run_scoped3A_19 = arith.constant 0 : i32
    "tpu.region"() ({
      %run_scoped3A_153 = tpu.sem_alloc : memref<!tpu.dma_semaphore, #tpu.memory_space<semaphore_mem>>
      %dma_start3A_154 = arith.constant 0 : i32
      %dma_start3A_155 = arith.constant 0 : i32
      %dma_start3A_156 = tpu.memref_slice %arg8[%run_scoped3A_19, %dma_start3A_154, %dma_start3A_155] : memref<4x128x64xf32, #tpu.memory_space<vmem>> -> memref<1x128x64xf32, #tpu.memory_space<vmem>>
      %dma_start3A_157 = tpu.memref_squeeze %dma_start3A_156 : memref<1x128x64xf32, #tpu.memory_space<vmem>> -> memref<128x64xf32, #tpu.memory_space<vmem>>
      %dma_start3A_158 = arith.constant 0 : i32
      %dma_start3A_159 = tpu.memref_slice %arg9[%add3A_18, %dma_start3A_158] : memref<10112x64xf32, #tpu.memory_space<vmem_shared>> -> memref<128x64xf32, #tpu.memory_space<vmem_shared>>
      %dma_start3A_160 = arith.constant 0 : i32
      %dma_start3A_161 = tpu.memref_slice %arg9[%add3A_18, %dma_start3A_160] : memref<10112x64xf32, #tpu.memory_space<vmem_shared>> -> memref<128x64xf32, #tpu.memory_space<vmem_shared>>
      %dma_start3A_162 = arith.constant 0 : i32
      %dma_start3A_163 = arith.constant 0 : i32
      %dma_start3A_164 = tpu.memref_slice %arg8[%run_scoped3A_19, %dma_start3A_162, %dma_start3A_163] : memref<4x128x64xf32, #tpu.memory_space<vmem>> -> memref<1x128x64xf32, #tpu.memory_space<vmem>>
      %dma_start3A_165 = tpu.memref_squeeze %dma_start3A_164 : memref<1x128x64xf32, #tpu.memory_space<vmem>> -> memref<128x64xf32, #tpu.memory_space<vmem>>
      tpu.enqueue_dma source(%dma_start3A_165 : memref<128x64xf32, #tpu.memory_space<vmem>>) target(%dma_start3A_161 : memref<128x64xf32, #tpu.memory_space<vmem_shared>>) target_semaphore(%run_scoped3A_153 : memref<!tpu.dma_semaphore, #tpu.memory_space<semaphore_mem>>)
      %dma_wait3A_166 = arith.constant 0 : i32
      %dma_wait3A_167 = arith.constant 0 : i32
      %dma_wait3A_168 = tpu.memref_slice %arg8[%run_scoped3A_19, %dma_wait3A_166, %dma_wait3A_167] : memref<4x128x64xf32, #tpu.memory_space<vmem>> -> memref<1x128x64xf32, #tpu.memory_space<vmem>>
      %dma_wait3A_169 = tpu.memref_squeeze %dma_wait3A_168 : memref<1x128x64xf32, #tpu.memory_space<vmem>> -> memref<128x64xf32, #tpu.memory_space<vmem>>
      %dma_wait3A_170 = arith.constant 0 : i32
      %dma_wait3A_171 = tpu.memref_slice %arg9[%add3A_18, %dma_wait3A_170] : memref<10112x64xf32, #tpu.memory_space<vmem_shared>> -> memref<128x64xf32, #tpu.memory_space<vmem_shared>>
      %dma_wait3A_172 = arith.constant 0 : i32
      %dma_wait3A_173 = tpu.memref_slice %arg9[%add3A_18, %dma_wait3A_172] : memref<10112x64xf32, #tpu.memory_space<vmem_shared>> -> memref<128x64xf32, #tpu.memory_space<vmem_shared>>
      %dma_wait3A_174 = arith.constant 0 : i32
      %dma_wait3A_175 = arith.constant 0 : i32
      %dma_wait3A_176 = tpu.memref_slice %arg8[%run_scoped3A_19, %dma_wait3A_174, %dma_wait3A_175] : memref<4x128x64xf32, #tpu.memory_space<vmem>> -> memref<1x128x64xf32, #tpu.memory_space<vmem>>
      %dma_wait3A_177 = tpu.memref_squeeze %dma_wait3A_176 : memref<1x128x64xf32, #tpu.memory_space<vmem>> -> memref<128x64xf32, #tpu.memory_space<vmem>>
      tpu.wait_dma2 semaphore(%run_scoped3A_153 : memref<!tpu.dma_semaphore, #tpu.memory_space<semaphore_mem>>) src(%dma_wait3A_177 : memref<128x64xf32, #tpu.memory_space<vmem>>) dst(%dma_wait3A_173 : memref<128x64xf32, #tpu.memory_space<vmem_shared>>)
      tpu.yield
    }) : () -> ()
    %add3A_20 = arith.constant 512 : i32
    %add3A_21 = arith.addi %mul3A_0, %add3A_20 : i32
    %run_scoped3A_22 = arith.constant 0 : i32
    "tpu.region"() ({
      %run_scoped3A_153 = tpu.sem_alloc : memref<!tpu.dma_semaphore, #tpu.memory_space<semaphore_mem>>
      %dma_start3A_154 = arith.constant 0 : i32
      %dma_start3A_155 = arith.constant 0 : i32
      %dma_start3A_156 = tpu.memref_slice %arg8[%run_scoped3A_22, %dma_start3A_154, %dma_start3A_155] : memref<4x128x64xf32, #tpu.memory_space<vmem>> -> memref<1x128x64xf32, #tpu.memory_space<vmem>>
      %dma_start3A_157 = tpu.memref_squeeze %dma_start3A_156 : memref<1x128x64xf32, #tpu.memory_space<vmem>> -> memref<128x64xf32, #tpu.memory_space<vmem>>
      %dma_start3A_158 = arith.constant 0 : i32
      %dma_start3A_159 = arith.constant 0 : i32
      %dma_start3A_160 = tpu.memref_slice %dma_start3A_157[%dma_start3A_158, %dma_start3A_159] : memref<128x64xf32, #tpu.memory_space<vmem>> -> memref<120x64xf32, #tpu.memory_space<vmem>>
      %dma_start3A_161 = arith.constant 0 : i32
      %dma_start3A_162 = tpu.memref_slice %arg9[%add3A_21, %dma_start3A_161] : memref<10112x64xf32, #tpu.memory_space<vmem_shared>> -> memref<120x64xf32, #tpu.memory_space<vmem_shared>>
      %dma_start3A_163 = arith.constant 0 : i32
      %dma_start3A_164 = tpu.memref_slice %arg9[%add3A_21, %dma_start3A_163] : memref<10112x64xf32, #tpu.memory_space<vmem_shared>> -> memref<120x64xf32, #tpu.memory_space<vmem_shared>>
      %dma_start3A_165 = arith.constant 0 : i32
      %dma_start3A_166 = arith.constant 0 : i32
      %dma_start3A_167 = tpu.memref_slice %arg8[%run_scoped3A_22, %dma_start3A_165, %dma_start3A_166] : memref<4x128x64xf32, #tpu.memory_space<vmem>> -> memref<1x128x64xf32, #tpu.memory_space<vmem>>
      %dma_start3A_168 = tpu.memref_squeeze %dma_start3A_167 : memref<1x128x64xf32, #tpu.memory_space<vmem>> -> memref<128x64xf32, #tpu.memory_space<vmem>>
      %dma_start3A_169 = arith.constant 0 : i32
      %dma_start3A_170 = arith.constant 0 : i32
      %dma_start3A_171 = tpu.memref_slice %dma_start3A_168[%dma_start3A_169, %dma_start3A_170] : memref<128x64xf32, #tpu.memory_space<vmem>> -> memref<120x64xf32, #tpu.memory_space<vmem>>
      tpu.enqueue_dma source(%dma_start3A_171 : memref<120x64xf32, #tpu.memory_space<vmem>>) target(%dma_start3A_164 : memref<120x64xf32, #tpu.memory_space<vmem_shared>>) target_semaphore(%run_scoped3A_153 : memref<!tpu.dma_semaphore, #tpu.memory_space<semaphore_mem>>)
      %dma_wait3A_172 = arith.constant 0 : i32
      %dma_wait3A_173 = arith.constant 0 : i32
      %dma_wait3A_174 = tpu.memref_slice %arg8[%run_scoped3A_22, %dma_wait3A_172, %dma_wait3A_173] : memref<4x128x64xf32, #tpu.memory_space<vmem>> -> memref<1x128x64xf32, #tpu.memory_space<vmem>>
      %dma_wait3A_175 = tpu.memref_squeeze %dma_wait3A_174 : memref<1x128x64xf32, #tpu.memory_space<vmem>> -> memref<128x64xf32, #tpu.memory_space<vmem>>
      %dma_wait3A_176 = arith.constant 0 : i32
      %dma_wait3A_177 = arith.constant 0 : i32
      %dma_wait3A_178 = tpu.memref_slice %dma_wait3A_175[%dma_wait3A_176, %dma_wait3A_177] : memref<128x64xf32, #tpu.memory_space<vmem>> -> memref<120x64xf32, #tpu.memory_space<vmem>>
      %dma_wait3A_179 = arith.constant 0 : i32
      %dma_wait3A_180 = tpu.memref_slice %arg9[%add3A_21, %dma_wait3A_179] : memref<10112x64xf32, #tpu.memory_space<vmem_shared>> -> memref<120x64xf32, #tpu.memory_space<vmem_shared>>
      %dma_wait3A_181 = arith.constant 0 : i32
      %dma_wait3A_182 = tpu.memref_slice %arg9[%add3A_21, %dma_wait3A_181] : memref<10112x64xf32, #tpu.memory_space<vmem_shared>> -> memref<120x64xf32, #tpu.memory_space<vmem_shared>>
      %dma_wait3A_183 = arith.constant 0 : i32
      %dma_wait3A_184 = arith.constant 0 : i32
      %dma_wait3A_185 = tpu.memref_slice %arg8[%run_scoped3A_22, %dma_wait3A_183, %dma_wait3A_184] : memref<4x128x64xf32, #tpu.memory_space<vmem>> -> memref<1x128x64xf32, #tpu.memory_space<vmem>>
      %dma_wait3A_186 = tpu.memref_squeeze %dma_wait3A_185 : memref<1x128x64xf32, #tpu.memory_space<vmem>> -> memref<128x64xf32, #tpu.memory_space<vmem>>
      %dma_wait3A_187 = arith.constant 0 : i32
      %dma_wait3A_188 = arith.constant 0 : i32
      %dma_wait3A_189 = tpu.memref_slice %dma_wait3A_186[%dma_wait3A_187, %dma_wait3A_188] : memref<128x64xf32, #tpu.memory_space<vmem>> -> memref<120x64xf32, #tpu.memory_space<vmem>>
      tpu.wait_dma2 semaphore(%run_scoped3A_153 : memref<!tpu.dma_semaphore, #tpu.memory_space<semaphore_mem>>) src(%dma_wait3A_189 : memref<120x64xf32, #tpu.memory_space<vmem>>) dst(%dma_wait3A_182 : memref<120x64xf32, #tpu.memory_space<vmem_shared>>)
      tpu.yield
    }) : () -> ()
    %eq3A_23 = arith.constant 0 : i32
    %eq3A_24 = arith.cmpi eq, %arg0, %eq3A_23 : i32
    %convert_element_type3A = arith.extui %eq3A_24 : i1 to i32
    %cond3A = arith.constant 0 : i32
    %cond3A_25 = arith.cmpi ne, %convert_element_type3A, %cond3A : i32
    scf.if %cond3A_25 {
      %mul3A_153 = arith.constant 152 : i32
      %mul3A_154 = arith.muli %arg1, %mul3A_153 : i32
      "tpu.region"() ({
        %run_scoped3A_157 = tpu.sem_alloc : memref<!tpu.dma_semaphore, #tpu.memory_space<semaphore_mem>>
        %dma_start3A_158 = arith.constant 0 : i32
        %dma_start3A_159 = tpu.memref_slice %arg3[%mul3A_154, %dma_start3A_158] : memref<2560x128xi32, #tpu.memory_space<hbm>> -> memref<152x128xi32, #tpu.memory_space<hbm>>
        %dma_start3A_160 = arith.constant 0 : i32
        %dma_start3A_161 = tpu.memref_slice %arg3[%mul3A_154, %dma_start3A_160] : memref<2560x128xi32, #tpu.memory_space<hbm>> -> memref<152x128xi32, #tpu.memory_space<hbm>>
        tpu.enqueue_dma source(%dma_start3A_161 : memref<152x128xi32, #tpu.memory_space<hbm>>) target(%arg6 : memref<152x128xi32, #tpu.memory_space<vmem>>) target_semaphore(%run_scoped3A_157 : memref<!tpu.dma_semaphore, #tpu.memory_space<semaphore_mem>>)
        %dma_wait3A_162 = arith.constant 0 : i32
        %dma_wait3A_163 = tpu.memref_slice %arg3[%mul3A_154, %dma_wait3A_162] : memref<2560x128xi32, #tpu.memory_space<hbm>> -> memref<152x128xi32, #tpu.memory_space<hbm>>
        %dma_wait3A_164 = arith.constant 0 : i32
        %dma_wait3A_165 = tpu.memref_slice %arg3[%mul3A_154, %dma_wait3A_164] : memref<2560x128xi32, #tpu.memory_space<hbm>> -> memref<152x128xi32, #tpu.memory_space<hbm>>
        tpu.wait_dma2 semaphore(%run_scoped3A_157 : memref<!tpu.dma_semaphore, #tpu.memory_space<semaphore_mem>>) src(%dma_wait3A_165 : memref<152x128xi32, #tpu.memory_space<hbm>>) dst(%arg6 : memref<152x128xi32, #tpu.memory_space<vmem>>)
        tpu.yield
      }) : () -> ()
      %mul3A_155 = arith.constant 152 : i32
      %mul3A_156 = arith.muli %arg1, %mul3A_155 : i32
      "tpu.region"() ({
        %run_scoped3A_157 = tpu.sem_alloc : memref<!tpu.dma_semaphore, #tpu.memory_space<semaphore_mem>>
        %dma_start3A_158 = arith.constant 0 : i32
        %dma_start3A_159 = tpu.memref_slice %arg4[%mul3A_156, %dma_start3A_158] : memref<2560x128xi32, #tpu.memory_space<hbm>> -> memref<152x128xi32, #tpu.memory_space<hbm>>
        %dma_start3A_160 = arith.constant 0 : i32
        %dma_start3A_161 = tpu.memref_slice %arg4[%mul3A_156, %dma_start3A_160] : memref<2560x128xi32, #tpu.memory_space<hbm>> -> memref<152x128xi32, #tpu.memory_space<hbm>>
        tpu.enqueue_dma source(%dma_start3A_161 : memref<152x128xi32, #tpu.memory_space<hbm>>) target(%arg7 : memref<152x128xi32, #tpu.memory_space<vmem>>) target_semaphore(%run_scoped3A_157 : memref<!tpu.dma_semaphore, #tpu.memory_space<semaphore_mem>>)
        %dma_wait3A_162 = arith.constant 0 : i32
        %dma_wait3A_163 = tpu.memref_slice %arg4[%mul3A_156, %dma_wait3A_162] : memref<2560x128xi32, #tpu.memory_space<hbm>> -> memref<152x128xi32, #tpu.memory_space<hbm>>
        %dma_wait3A_164 = arith.constant 0 : i32
        %dma_wait3A_165 = tpu.memref_slice %arg4[%mul3A_156, %dma_wait3A_164] : memref<2560x128xi32, #tpu.memory_space<hbm>> -> memref<152x128xi32, #tpu.memory_space<hbm>>
        tpu.wait_dma2 semaphore(%run_scoped3A_157 : memref<!tpu.dma_semaphore, #tpu.memory_space<semaphore_mem>>) src(%dma_wait3A_165 : memref<152x128xi32, #tpu.memory_space<hbm>>) dst(%arg7 : memref<152x128xi32, #tpu.memory_space<vmem>>)
        tpu.yield
      }) : () -> ()
    } else {
    }
    %eq3A_26 = arith.constant 1 : i32
    %eq3A_27 = arith.cmpi eq, %arg0, %eq3A_26 : i32
    %convert_element_type3A_28 = arith.extui %eq3A_27 : i1 to i32
    %cond3A_29 = arith.constant 0 : i32
    %cond3A_30 = arith.cmpi ne, %convert_element_type3A_28, %cond3A_29 : i32
    scf.if %cond3A_30 {
      %mul3A_153 = arith.constant 8 : i32
      %mul3A_154 = arith.muli %arg1, %mul3A_153 : i32
      %add3A_155 = arith.constant 2432 : i32
      %add3A_156 = arith.addi %add3A_155, %mul3A_154 : i32
      "tpu.region"() ({
        %run_scoped3A_157 = tpu.sem_alloc : memref<!tpu.dma_semaphore, #tpu.memory_space<semaphore_mem>>
        %dma_start3A_158 = arith.constant 0 : i32
        %dma_start3A_159 = arith.constant 0 : i32
        %dma_start3A_160 = tpu.memref_slice %arg6[%dma_start3A_158, %dma_start3A_159] : memref<152x128xi32, #tpu.memory_space<vmem>> -> memref<8x128xi32, #tpu.memory_space<vmem>>
        %dma_start3A_161 = arith.constant 0 : i32
        %dma_start3A_162 = tpu.memref_slice %arg3[%add3A_156, %dma_start3A_161] : memref<2560x128xi32, #tpu.memory_space<hbm>> -> memref<8x128xi32, #tpu.memory_space<hbm>>
        %dma_start3A_163 = arith.constant 0 : i32
        %dma_start3A_164 = arith.constant 0 : i32
        %dma_start3A_165 = tpu.memref_slice %arg6[%dma_start3A_163, %dma_start3A_164] : memref<152x128xi32, #tpu.memory_space<vmem>> -> memref<8x128xi32, #tpu.memory_space<vmem>>
        %dma_start3A_166 = arith.constant 0 : i32
        %dma_start3A_167 = tpu.memref_slice %arg3[%add3A_156, %dma_start3A_166] : memref<2560x128xi32, #tpu.memory_space<hbm>> -> memref<8x128xi32, #tpu.memory_space<hbm>>
        tpu.enqueue_dma source(%dma_start3A_167 : memref<8x128xi32, #tpu.memory_space<hbm>>) target(%dma_start3A_165 : memref<8x128xi32, #tpu.memory_space<vmem>>) target_semaphore(%run_scoped3A_157 : memref<!tpu.dma_semaphore, #tpu.memory_space<semaphore_mem>>)
        %dma_wait3A_168 = arith.constant 0 : i32
        %dma_wait3A_169 = arith.constant 0 : i32
        %dma_wait3A_170 = tpu.memref_slice %arg6[%dma_wait3A_168, %dma_wait3A_169] : memref<152x128xi32, #tpu.memory_space<vmem>> -> memref<8x128xi32, #tpu.memory_space<vmem>>
        %dma_wait3A_171 = arith.constant 0 : i32
        %dma_wait3A_172 = tpu.memref_slice %arg3[%add3A_156, %dma_wait3A_171] : memref<2560x128xi32, #tpu.memory_space<hbm>> -> memref<8x128xi32, #tpu.memory_space<hbm>>
        %dma_wait3A_173 = arith.constant 0 : i32
        %dma_wait3A_174 = arith.constant 0 : i32
        %dma_wait3A_175 = tpu.memref_slice %arg6[%dma_wait3A_173, %dma_wait3A_174] : memref<152x128xi32, #tpu.memory_space<vmem>> -> memref<8x128xi32, #tpu.memory_space<vmem>>
        %dma_wait3A_176 = arith.constant 0 : i32
        %dma_wait3A_177 = tpu.memref_slice %arg3[%add3A_156, %dma_wait3A_176] : memref<2560x128xi32, #tpu.memory_space<hbm>> -> memref<8x128xi32, #tpu.memory_space<hbm>>
        tpu.wait_dma2 semaphore(%run_scoped3A_157 : memref<!tpu.dma_semaphore, #tpu.memory_space<semaphore_mem>>) src(%dma_wait3A_177 : memref<8x128xi32, #tpu.memory_space<hbm>>) dst(%dma_wait3A_175 : memref<8x128xi32, #tpu.memory_space<vmem>>)
        tpu.yield
      }) : () -> ()
      "tpu.region"() ({
        %run_scoped3A_157 = tpu.sem_alloc : memref<!tpu.dma_semaphore, #tpu.memory_space<semaphore_mem>>
        %dma_start3A_158 = arith.constant 0 : i32
        %dma_start3A_159 = arith.constant 0 : i32
        %dma_start3A_160 = tpu.memref_slice %arg7[%dma_start3A_158, %dma_start3A_159] : memref<152x128xi32, #tpu.memory_space<vmem>> -> memref<8x128xi32, #tpu.memory_space<vmem>>
        %dma_start3A_161 = arith.constant 0 : i32
        %dma_start3A_162 = tpu.memref_slice %arg4[%add3A_156, %dma_start3A_161] : memref<2560x128xi32, #tpu.memory_space<hbm>> -> memref<8x128xi32, #tpu.memory_space<hbm>>
        %dma_start3A_163 = arith.constant 0 : i32
        %dma_start3A_164 = arith.constant 0 : i32
        %dma_start3A_165 = tpu.memref_slice %arg7[%dma_start3A_163, %dma_start3A_164] : memref<152x128xi32, #tpu.memory_space<vmem>> -> memref<8x128xi32, #tpu.memory_space<vmem>>
        %dma_start3A_166 = arith.constant 0 : i32
        %dma_start3A_167 = tpu.memref_slice %arg4[%add3A_156, %dma_start3A_166] : memref<2560x128xi32, #tpu.memory_space<hbm>> -> memref<8x128xi32, #tpu.memory_space<hbm>>
        tpu.enqueue_dma source(%dma_start3A_167 : memref<8x128xi32, #tpu.memory_space<hbm>>) target(%dma_start3A_165 : memref<8x128xi32, #tpu.memory_space<vmem>>) target_semaphore(%run_scoped3A_157 : memref<!tpu.dma_semaphore, #tpu.memory_space<semaphore_mem>>)
        %dma_wait3A_168 = arith.constant 0 : i32
        %dma_wait3A_169 = arith.constant 0 : i32
        %dma_wait3A_170 = tpu.memref_slice %arg7[%dma_wait3A_168, %dma_wait3A_169] : memref<152x128xi32, #tpu.memory_space<vmem>> -> memref<8x128xi32, #tpu.memory_space<vmem>>
        %dma_wait3A_171 = arith.constant 0 : i32
        %dma_wait3A_172 = tpu.memref_slice %arg4[%add3A_156, %dma_wait3A_171] : memref<2560x128xi32, #tpu.memory_space<hbm>> -> memref<8x128xi32, #tpu.memory_space<hbm>>
        %dma_wait3A_173 = arith.constant 0 : i32
        %dma_wait3A_174 = arith.constant 0 : i32
        %dma_wait3A_175 = tpu.memref_slice %arg7[%dma_wait3A_173, %dma_wait3A_174] : memref<152x128xi32, #tpu.memory_space<vmem>> -> memref<8x128xi32, #tpu.memory_space<vmem>>
        %dma_wait3A_176 = arith.constant 0 : i32
        %dma_wait3A_177 = tpu.memref_slice %arg4[%add3A_156, %dma_wait3A_176] : memref<2560x128xi32, #tpu.memory_space<hbm>> -> memref<8x128xi32, #tpu.memory_space<hbm>>
        tpu.wait_dma2 semaphore(%run_scoped3A_157 : memref<!tpu.dma_semaphore, #tpu.memory_space<semaphore_mem>>) src(%dma_wait3A_177 : memref<8x128xi32, #tpu.memory_space<hbm>>) dst(%dma_wait3A_175 : memref<8x128xi32, #tpu.memory_space<vmem>>)
        tpu.yield
      }) : () -> ()
    } else {
    }
    %barrier3A = arith.constant 0 : index
    tpu.barrier barrier_id(%barrier3A)
    %dma_start3A = arith.constant 0 : i32
    %dma_start3A_31 = arith.constant 0 : i32
    %dma_start3A_32 = arith.constant 0 : i32
    %dma_start3A_33 = arith.constant 0 : i32
    %dma_start3A_34 = tpu.memref_slice %arg8[%dma_start3A_31, %dma_start3A_32, %dma_start3A_33] : memref<4x128x64xf32, #tpu.memory_space<vmem>> -> memref<1x128x64xf32, #tpu.memory_space<vmem>>
    %dma_start3A_35 = tpu.memref_squeeze %dma_start3A_34 : memref<1x128x64xf32, #tpu.memory_space<vmem>> -> memref<128x64xf32, #tpu.memory_space<vmem>>
    %dma_start3A_36 = arith.constant 0 : i32
    %dma_start3A_37 = tpu.memref_slice %arg6[%dma_start3A, %dma_start3A_36] : memref<152x128xi32, #tpu.memory_space<vmem>> -> memref<1x128xi32, #tpu.memory_space<vmem>>
    %dma_start3A_38 = tpu.memref_squeeze %dma_start3A_37 : memref<1x128xi32, #tpu.memory_space<vmem>> -> memref<128xi32, #tpu.memory_space<vmem>>
    %dma_start3A_39 = arith.constant 0 : i32
    %dma_start3A_40 = arith.constant 0 : i32
    %dma_start3A_41 = tpu.memref_slice %arg2[%dma_start3A_39, %dma_start3A_40] : memref<10000x64xf32, #tpu.memory_space<hbm>> -> memref<10000x64xf32, #tpu.memory_space<hbm>>
    tpu.enqueue_indirect_dma source(%dma_start3A_41 : memref<10000x64xf32, #tpu.memory_space<hbm>>) target(%dma_start3A_35 : memref<128x64xf32, #tpu.memory_space<vmem>>) offsets(%dma_start3A_38 : memref<128xi32, #tpu.memory_space<vmem>>) semaphore(%arg10 : memref<!tpu.dma_semaphore, #tpu.memory_space<semaphore_mem>>)
    %dma_start3A_42 = arith.constant 1 : i32
    %dma_start3A_43 = arith.constant 1 : i32
    %dma_start3A_44 = arith.constant 0 : i32
    %dma_start3A_45 = arith.constant 0 : i32
    %dma_start3A_46 = tpu.memref_slice %arg8[%dma_start3A_43, %dma_start3A_44, %dma_start3A_45] : memref<4x128x64xf32, #tpu.memory_space<vmem>> -> memref<1x128x64xf32, #tpu.memory_space<vmem>>
    %dma_start3A_47 = tpu.memref_squeeze %dma_start3A_46 : memref<1x128x64xf32, #tpu.memory_space<vmem>> -> memref<128x64xf32, #tpu.memory_space<vmem>>
    %dma_start3A_48 = arith.constant 0 : i32
    %dma_start3A_49 = tpu.memref_slice %arg6[%dma_start3A_42, %dma_start3A_48] : memref<152x128xi32, #tpu.memory_space<vmem>> -> memref<1x128xi32, #tpu.memory_space<vmem>>
    %dma_start3A_50 = tpu.memref_squeeze %dma_start3A_49 : memref<1x128xi32, #tpu.memory_space<vmem>> -> memref<128xi32, #tpu.memory_space<vmem>>
    %dma_start3A_51 = arith.constant 0 : i32
    %dma_start3A_52 = arith.constant 0 : i32
    %dma_start3A_53 = tpu.memref_slice %arg2[%dma_start3A_51, %dma_start3A_52] : memref<10000x64xf32, #tpu.memory_space<hbm>> -> memref<10000x64xf32, #tpu.memory_space<hbm>>
    tpu.enqueue_indirect_dma source(%dma_start3A_53 : memref<10000x64xf32, #tpu.memory_space<hbm>>) target(%dma_start3A_47 : memref<128x64xf32, #tpu.memory_space<vmem>>) offsets(%dma_start3A_50 : memref<128xi32, #tpu.memory_space<vmem>>) semaphore(%arg11 : memref<!tpu.dma_semaphore, #tpu.memory_space<semaphore_mem>>)
    %dma_start3A_54 = arith.constant 2 : i32
    %dma_start3A_55 = arith.constant 2 : i32
    %dma_start3A_56 = arith.constant 0 : i32
    %dma_start3A_57 = arith.constant 0 : i32
    %dma_start3A_58 = tpu.memref_slice %arg8[%dma_start3A_55, %dma_start3A_56, %dma_start3A_57] : memref<4x128x64xf32, #tpu.memory_space<vmem>> -> memref<1x128x64xf32, #tpu.memory_space<vmem>>
    %dma_start3A_59 = tpu.memref_squeeze %dma_start3A_58 : memref<1x128x64xf32, #tpu.memory_space<vmem>> -> memref<128x64xf32, #tpu.memory_space<vmem>>
    %dma_start3A_60 = arith.constant 0 : i32
    %dma_start3A_61 = tpu.memref_slice %arg6[%dma_start3A_54, %dma_start3A_60] : memref<152x128xi32, #tpu.memory_space<vmem>> -> memref<1x128xi32, #tpu.memory_space<vmem>>
    %dma_start3A_62 = tpu.memref_squeeze %dma_start3A_61 : memref<1x128xi32, #tpu.memory_space<vmem>> -> memref<128xi32, #tpu.memory_space<vmem>>
    %dma_start3A_63 = arith.constant 0 : i32
    %dma_start3A_64 = arith.constant 0 : i32
    %dma_start3A_65 = tpu.memref_slice %arg2[%dma_start3A_63, %dma_start3A_64] : memref<10000x64xf32, #tpu.memory_space<hbm>> -> memref<10000x64xf32, #tpu.memory_space<hbm>>
    tpu.enqueue_indirect_dma source(%dma_start3A_65 : memref<10000x64xf32, #tpu.memory_space<hbm>>) target(%dma_start3A_59 : memref<128x64xf32, #tpu.memory_space<vmem>>) offsets(%dma_start3A_62 : memref<128xi32, #tpu.memory_space<vmem>>) semaphore(%arg12 : memref<!tpu.dma_semaphore, #tpu.memory_space<semaphore_mem>>)
    %dma_start3A_66 = arith.constant 3 : i32
    %dma_start3A_67 = arith.constant 3 : i32
    %dma_start3A_68 = arith.constant 0 : i32
    %dma_start3A_69 = arith.constant 0 : i32
    %dma_start3A_70 = tpu.memref_slice %arg8[%dma_start3A_67, %dma_start3A_68, %dma_start3A_69] : memref<4x128x64xf32, #tpu.memory_space<vmem>> -> memref<1x128x64xf32, #tpu.memory_space<vmem>>
    %dma_start3A_71 = tpu.memref_squeeze %dma_start3A_70 : memref<1x128x64xf32, #tpu.memory_space<vmem>> -> memref<128x64xf32, #tpu.memory_space<vmem>>
    %dma_start3A_72 = arith.constant 0 : i32
    %dma_start3A_73 = tpu.memref_slice %arg6[%dma_start3A_66, %dma_start3A_72] : memref<152x128xi32, #tpu.memory_space<vmem>> -> memref<1x128xi32, #tpu.memory_space<vmem>>
    %dma_start3A_74 = tpu.memref_squeeze %dma_start3A_73 : memref<1x128xi32, #tpu.memory_space<vmem>> -> memref<128xi32, #tpu.memory_space<vmem>>
    %dma_start3A_75 = arith.constant 0 : i32
    %dma_start3A_76 = arith.constant 0 : i32
    %dma_start3A_77 = tpu.memref_slice %arg2[%dma_start3A_75, %dma_start3A_76] : memref<10000x64xf32, #tpu.memory_space<hbm>> -> memref<10000x64xf32, #tpu.memory_space<hbm>>
    tpu.enqueue_indirect_dma source(%dma_start3A_77 : memref<10000x64xf32, #tpu.memory_space<hbm>>) target(%dma_start3A_71 : memref<128x64xf32, #tpu.memory_space<vmem>>) offsets(%dma_start3A_74 : memref<128xi32, #tpu.memory_space<vmem>>) semaphore(%arg13 : memref<!tpu.dma_semaphore, #tpu.memory_space<semaphore_mem>>)
    %jit3A_78 = arith.constant 4 : i32
    %div3A = arith.divsi %select_n3A, %jit3A_78 : i32
    %sign3A = arith.constant 0 : i32
    %sign3A_79 = arith.cmpi sgt, %select_n3A, %sign3A : i32
    %sign3A_80 = arith.extui %sign3A_79 : i1 to i32
    %sign3A_81 = arith.constant 0 : i32
    %sign3A_82 = arith.cmpi slt, %select_n3A, %sign3A_81 : i32
    %sign3A_83 = arith.extui %sign3A_82 : i1 to i32
    %sign3A_84 = arith.subi %sign3A_80, %sign3A_83 : i32
    %sign3A_85 = arith.constant 0 : i32
    %sign3A_86 = arith.cmpi sgt, %jit3A_78, %sign3A_85 : i32
    %sign3A_87 = arith.extui %sign3A_86 : i1 to i32
    %sign3A_88 = arith.constant 0 : i32
    %sign3A_89 = arith.cmpi slt, %jit3A_78, %sign3A_88 : i32
    %sign3A_90 = arith.extui %sign3A_89 : i1 to i32
    %sign3A_91 = arith.subi %sign3A_87, %sign3A_90 : i32
    %ne3A = arith.cmpi ne, %sign3A_84, %sign3A_91 : i32
    %rem3A = arith.remsi %select_n3A, %jit3A_78 : i32
    %ne3A_92 = arith.constant 0 : i32
    %ne3A_93 = arith.cmpi ne, %rem3A, %ne3A_92 : i32
    %and3A = arith.andi %ne3A, %ne3A_93 : i1
    %sub3A = arith.constant 1 : i32
    %sub3A_94 = arith.subi %div3A, %sub3A : i32
    %select_n3A_95 = arith.select %and3A, %sub3A_94, %div3A : i32
    %while3A = arith.constant 0 : i32
    %while3A_96 = arith.constant 0 : i32
    %while3A_97 = arith.subi %select_n3A_95, %while3A_96 : i32
    %while3A_98 = arith.addi %while3A_96, %while3A_97 : i32
    %while3A_99 = arith.constant 1 : i32
    %while3A_100 = arith.divsi %while3A_97, %while3A_99 : i32
    %while3A_101 = arith.muli %while3A_100, %while3A_99 : i32
    %while3A_102 = arith.addi %while3A_96, %while3A_101 : i32
    %while3A_103 = arith.constant 1 : i32
    scf.for %while3A_153 = %while3A_96 to %while3A_102 step %while3A_103  : i32 {
      %mul3A_154 = arith.constant 4 : i32
      %mul3A_155 = arith.muli %while3A_153, %mul3A_154 : i32
      %add3A_156 = arith.constant 0 : i32
      %add3A_157 = arith.addi %mul3A_155, %add3A_156 : i32
      %dma_wait3A_158 = arith.constant 0 : i32
      %dma_wait3A_159 = arith.constant 0 : i32
      %dma_wait3A_160 = arith.constant 0 : i32
      %dma_wait3A_161 = tpu.memref_slice %arg8[%dma_wait3A_158, %dma_wait3A_159, %dma_wait3A_160] : memref<4x128x64xf32, #tpu.memory_space<vmem>> -> memref<1x128x64xf32, #tpu.memory_space<vmem>>
      %dma_wait3A_162 = tpu.memref_squeeze %dma_wait3A_161 : memref<1x128x64xf32, #tpu.memory_space<vmem>> -> memref<128x64xf32, #tpu.memory_space<vmem>>
      %dma_wait3A_163 = arith.constant 0 : i32
      %dma_wait3A_164 = tpu.memref_slice %arg6[%add3A_157, %dma_wait3A_163] : memref<152x128xi32, #tpu.memory_space<vmem>> -> memref<1x128xi32, #tpu.memory_space<vmem>>
      %dma_wait3A_165 = tpu.memref_squeeze %dma_wait3A_164 : memref<1x128xi32, #tpu.memory_space<vmem>> -> memref<128xi32, #tpu.memory_space<vmem>>
      %dma_wait3A_166 = arith.constant 0 : i32
      %dma_wait3A_167 = arith.constant 0 : i32
      %dma_wait3A_168 = tpu.memref_slice %arg2[%dma_wait3A_166, %dma_wait3A_167] : memref<10000x64xf32, #tpu.memory_space<hbm>> -> memref<10000x64xf32, #tpu.memory_space<hbm>>
      tpu.wait_indirect_dma semaphore(%arg10 : memref<!tpu.dma_semaphore, #tpu.memory_space<semaphore_mem>>) src(%dma_wait3A_168 : memref<10000x64xf32, #tpu.memory_space<hbm>>) dst(%dma_wait3A_162 : memref<128x64xf32, #tpu.memory_space<vmem>>)
      %dma_start3A_169 = arith.constant 0 : i32
      %dma_start3A_170 = arith.constant 0 : i32
      %dma_start3A_171 = arith.constant 0 : i32
      %dma_start3A_172 = tpu.memref_slice %arg8[%dma_start3A_169, %dma_start3A_170, %dma_start3A_171] : memref<4x128x64xf32, #tpu.memory_space<vmem>> -> memref<1x128x64xf32, #tpu.memory_space<vmem>>
      %dma_start3A_173 = tpu.memref_squeeze %dma_start3A_172 : memref<1x128x64xf32, #tpu.memory_space<vmem>> -> memref<128x64xf32, #tpu.memory_space<vmem>>
      %dma_start3A_174 = arith.constant 0 : i32
      %dma_start3A_175 = tpu.memref_slice %arg7[%add3A_157, %dma_start3A_174] : memref<152x128xi32, #tpu.memory_space<vmem>> -> memref<1x128xi32, #tpu.memory_space<vmem>>
      %dma_start3A_176 = tpu.memref_squeeze %dma_start3A_175 : memref<1x128xi32, #tpu.memory_space<vmem>> -> memref<128xi32, #tpu.memory_space<vmem>>
      %dma_start3A_177 = arith.constant 0 : i32
      %dma_start3A_178 = arith.constant 0 : i32
      %dma_start3A_179 = tpu.memref_slice %arg9[%dma_start3A_177, %dma_start3A_178] : memref<10112x64xf32, #tpu.memory_space<vmem_shared>> -> memref<10112x64xf32, #tpu.memory_space<vmem_shared>>
      tpu.enqueue_indirect_dma source(%dma_start3A_173 : memref<128x64xf32, #tpu.memory_space<vmem>>) target(%dma_start3A_179 : memref<10112x64xf32, #tpu.memory_space<vmem_shared>>) offsets(%dma_start3A_176 : memref<128xi32, #tpu.memory_space<vmem>>) semaphore(%arg14 : memref<!tpu.dma_semaphore, #tpu.memory_space<semaphore_mem>>) {add = true}
      %sub3A_180 = arith.constant 2 : i32
      %sub3A_181 = arith.subi %add3A_157, %sub3A_180 : i32
      %add3A_182 = arith.constant 4 : i32
      %add3A_183 = arith.addi %sub3A_181, %add3A_182 : i32
      %ge3A = arith.constant 0 : i32
      %ge3A_184 = arith.cmpi sge, %sub3A_181, %ge3A : i32
      %lt3A = arith.cmpi slt, %add3A_183, %select_n3A : i32
      %and3A_185 = arith.andi %ge3A_184, %lt3A : i1
      %convert_element_type3A_186 = arith.extui %and3A_185 : i1 to i32
      %cond3A_187 = arith.constant 0 : i32
      %cond3A_188 = arith.cmpi ne, %convert_element_type3A_186, %cond3A_187 : i32
      scf.if %cond3A_188 {
        %dma_wait3A_300 = arith.constant 2 : i32
        %dma_wait3A_301 = arith.constant 0 : i32
        %dma_wait3A_302 = arith.constant 0 : i32
        %dma_wait3A_303 = tpu.memref_slice %arg8[%dma_wait3A_300, %dma_wait3A_301, %dma_wait3A_302] : memref<4x128x64xf32, #tpu.memory_space<vmem>> -> memref<1x128x64xf32, #tpu.memory_space<vmem>>
        %dma_wait3A_304 = tpu.memref_squeeze %dma_wait3A_303 : memref<1x128x64xf32, #tpu.memory_space<vmem>> -> memref<128x64xf32, #tpu.memory_space<vmem>>
        %dma_wait3A_305 = arith.constant 0 : i32
        %dma_wait3A_306 = tpu.memref_slice %arg7[%sub3A_181, %dma_wait3A_305] : memref<152x128xi32, #tpu.memory_space<vmem>> -> memref<1x128xi32, #tpu.memory_space<vmem>>
        %dma_wait3A_307 = tpu.memref_squeeze %dma_wait3A_306 : memref<1x128xi32, #tpu.memory_space<vmem>> -> memref<128xi32, #tpu.memory_space<vmem>>
        %dma_wait3A_308 = arith.constant 0 : i32
        %dma_wait3A_309 = arith.constant 0 : i32
        %dma_wait3A_310 = tpu.memref_slice %arg9[%dma_wait3A_308, %dma_wait3A_309] : memref<10112x64xf32, #tpu.memory_space<vmem_shared>> -> memref<10112x64xf32, #tpu.memory_space<vmem_shared>>
        tpu.wait_indirect_dma semaphore(%arg16 : memref<!tpu.dma_semaphore, #tpu.memory_space<semaphore_mem>>) src(%dma_wait3A_304 : memref<128x64xf32, #tpu.memory_space<vmem>>) dst(%dma_wait3A_310 : memref<10112x64xf32, #tpu.memory_space<vmem_shared>>)
        %dma_start3A_311 = arith.constant 2 : i32
        %dma_start3A_312 = arith.constant 0 : i32
        %dma_start3A_313 = arith.constant 0 : i32
        %dma_start3A_314 = tpu.memref_slice %arg8[%dma_start3A_311, %dma_start3A_312, %dma_start3A_313] : memref<4x128x64xf32, #tpu.memory_space<vmem>> -> memref<1x128x64xf32, #tpu.memory_space<vmem>>
        %dma_start3A_315 = tpu.memref_squeeze %dma_start3A_314 : memref<1x128x64xf32, #tpu.memory_space<vmem>> -> memref<128x64xf32, #tpu.memory_space<vmem>>
        %dma_start3A_316 = arith.constant 0 : i32
        %dma_start3A_317 = tpu.memref_slice %arg6[%add3A_183, %dma_start3A_316] : memref<152x128xi32, #tpu.memory_space<vmem>> -> memref<1x128xi32, #tpu.memory_space<vmem>>
        %dma_start3A_318 = tpu.memref_squeeze %dma_start3A_317 : memref<1x128xi32, #tpu.memory_space<vmem>> -> memref<128xi32, #tpu.memory_space<vmem>>
        %dma_start3A_319 = arith.constant 0 : i32
        %dma_start3A_320 = arith.constant 0 : i32
        %dma_start3A_321 = tpu.memref_slice %arg2[%dma_start3A_319, %dma_start3A_320] : memref<10000x64xf32, #tpu.memory_space<hbm>> -> memref<10000x64xf32, #tpu.memory_space<hbm>>
        tpu.enqueue_indirect_dma source(%dma_start3A_321 : memref<10000x64xf32, #tpu.memory_space<hbm>>) target(%dma_start3A_315 : memref<128x64xf32, #tpu.memory_space<vmem>>) offsets(%dma_start3A_318 : memref<128xi32, #tpu.memory_space<vmem>>) semaphore(%arg12 : memref<!tpu.dma_semaphore, #tpu.memory_space<semaphore_mem>>)
      } else {
      }
      %mul3A_189 = arith.constant 4 : i32
      %mul3A_190 = arith.muli %while3A_153, %mul3A_189 : i32
      %add3A_191 = arith.constant 1 : i32
      %add3A_192 = arith.addi %mul3A_190, %add3A_191 : i32
      %dma_wait3A_193 = arith.constant 1 : i32
      %dma_wait3A_194 = arith.constant 0 : i32
      %dma_wait3A_195 = arith.constant 0 : i32
      %dma_wait3A_196 = tpu.memref_slice %arg8[%dma_wait3A_193, %dma_wait3A_194, %dma_wait3A_195] : memref<4x128x64xf32, #tpu.memory_space<vmem>> -> memref<1x128x64xf32, #tpu.memory_space<vmem>>
      %dma_wait3A_197 = tpu.memref_squeeze %dma_wait3A_196 : memref<1x128x64xf32, #tpu.memory_space<vmem>> -> memref<128x64xf32, #tpu.memory_space<vmem>>
      %dma_wait3A_198 = arith.constant 0 : i32
      %dma_wait3A_199 = tpu.memref_slice %arg6[%add3A_192, %dma_wait3A_198] : memref<152x128xi32, #tpu.memory_space<vmem>> -> memref<1x128xi32, #tpu.memory_space<vmem>>
      %dma_wait3A_200 = tpu.memref_squeeze %dma_wait3A_199 : memref<1x128xi32, #tpu.memory_space<vmem>> -> memref<128xi32, #tpu.memory_space<vmem>>
      %dma_wait3A_201 = arith.constant 0 : i32
      %dma_wait3A_202 = arith.constant 0 : i32
      %dma_wait3A_203 = tpu.memref_slice %arg2[%dma_wait3A_201, %dma_wait3A_202] : memref<10000x64xf32, #tpu.memory_space<hbm>> -> memref<10000x64xf32, #tpu.memory_space<hbm>>
      tpu.wait_indirect_dma semaphore(%arg11 : memref<!tpu.dma_semaphore, #tpu.memory_space<semaphore_mem>>) src(%dma_wait3A_203 : memref<10000x64xf32, #tpu.memory_space<hbm>>) dst(%dma_wait3A_197 : memref<128x64xf32, #tpu.memory_space<vmem>>)
      %dma_start3A_204 = arith.constant 1 : i32
      %dma_start3A_205 = arith.constant 0 : i32
      %dma_start3A_206 = arith.constant 0 : i32
      %dma_start3A_207 = tpu.memref_slice %arg8[%dma_start3A_204, %dma_start3A_205, %dma_start3A_206] : memref<4x128x64xf32, #tpu.memory_space<vmem>> -> memref<1x128x64xf32, #tpu.memory_space<vmem>>
      %dma_start3A_208 = tpu.memref_squeeze %dma_start3A_207 : memref<1x128x64xf32, #tpu.memory_space<vmem>> -> memref<128x64xf32, #tpu.memory_space<vmem>>
      %dma_start3A_209 = arith.constant 0 : i32
      %dma_start3A_210 = tpu.memref_slice %arg7[%add3A_192, %dma_start3A_209] : memref<152x128xi32, #tpu.memory_space<vmem>> -> memref<1x128xi32, #tpu.memory_space<vmem>>
      %dma_start3A_211 = tpu.memref_squeeze %dma_start3A_210 : memref<1x128xi32, #tpu.memory_space<vmem>> -> memref<128xi32, #tpu.memory_space<vmem>>
      %dma_start3A_212 = arith.constant 0 : i32
      %dma_start3A_213 = arith.constant 0 : i32
      %dma_start3A_214 = tpu.memref_slice %arg9[%dma_start3A_212, %dma_start3A_213] : memref<10112x64xf32, #tpu.memory_space<vmem_shared>> -> memref<10112x64xf32, #tpu.memory_space<vmem_shared>>
      tpu.enqueue_indirect_dma source(%dma_start3A_208 : memref<128x64xf32, #tpu.memory_space<vmem>>) target(%dma_start3A_214 : memref<10112x64xf32, #tpu.memory_space<vmem_shared>>) offsets(%dma_start3A_211 : memref<128xi32, #tpu.memory_space<vmem>>) semaphore(%arg15 : memref<!tpu.dma_semaphore, #tpu.memory_space<semaphore_mem>>) {add = true}
      %sub3A_215 = arith.constant 2 : i32
      %sub3A_216 = arith.subi %add3A_192, %sub3A_215 : i32
      %add3A_217 = arith.constant 4 : i32
      %add3A_218 = arith.addi %sub3A_216, %add3A_217 : i32
      %ge3A_219 = arith.constant 0 : i32
      %ge3A_220 = arith.cmpi sge, %sub3A_216, %ge3A_219 : i32
      %lt3A_221 = arith.cmpi slt, %add3A_218, %select_n3A : i32
      %and3A_222 = arith.andi %ge3A_220, %lt3A_221 : i1
      %convert_element_type3A_223 = arith.extui %and3A_222 : i1 to i32
      %cond3A_224 = arith.constant 0 : i32
      %cond3A_225 = arith.cmpi ne, %convert_element_type3A_223, %cond3A_224 : i32
      scf.if %cond3A_225 {
        %dma_wait3A_300 = arith.constant 3 : i32
        %dma_wait3A_301 = arith.constant 0 : i32
        %dma_wait3A_302 = arith.constant 0 : i32
        %dma_wait3A_303 = tpu.memref_slice %arg8[%dma_wait3A_300, %dma_wait3A_301, %dma_wait3A_302] : memref<4x128x64xf32, #tpu.memory_space<vmem>> -> memref<1x128x64xf32, #tpu.memory_space<vmem>>
        %dma_wait3A_304 = tpu.memref_squeeze %dma_wait3A_303 : memref<1x128x64xf32, #tpu.memory_space<vmem>> -> memref<128x64xf32, #tpu.memory_space<vmem>>
        %dma_wait3A_305 = arith.constant 0 : i32
        %dma_wait3A_306 = tpu.memref_slice %arg7[%sub3A_216, %dma_wait3A_305] : memref<152x128xi32, #tpu.memory_space<vmem>> -> memref<1x128xi32, #tpu.memory_space<vmem>>
        %dma_wait3A_307 = tpu.memref_squeeze %dma_wait3A_306 : memref<1x128xi32, #tpu.memory_space<vmem>> -> memref<128xi32, #tpu.memory_space<vmem>>
        %dma_wait3A_308 = arith.constant 0 : i32
        %dma_wait3A_309 = arith.constant 0 : i32
        %dma_wait3A_310 = tpu.memref_slice %arg9[%dma_wait3A_308, %dma_wait3A_309] : memref<10112x64xf32, #tpu.memory_space<vmem_shared>> -> memref<10112x64xf32, #tpu.memory_space<vmem_shared>>
        tpu.wait_indirect_dma semaphore(%arg17 : memref<!tpu.dma_semaphore, #tpu.memory_space<semaphore_mem>>) src(%dma_wait3A_304 : memref<128x64xf32, #tpu.memory_space<vmem>>) dst(%dma_wait3A_310 : memref<10112x64xf32, #tpu.memory_space<vmem_shared>>)
        %dma_start3A_311 = arith.constant 3 : i32
        %dma_start3A_312 = arith.constant 0 : i32
        %dma_start3A_313 = arith.constant 0 : i32
        %dma_start3A_314 = tpu.memref_slice %arg8[%dma_start3A_311, %dma_start3A_312, %dma_start3A_313] : memref<4x128x64xf32, #tpu.memory_space<vmem>> -> memref<1x128x64xf32, #tpu.memory_space<vmem>>
        %dma_start3A_315 = tpu.memref_squeeze %dma_start3A_314 : memref<1x128x64xf32, #tpu.memory_space<vmem>> -> memref<128x64xf32, #tpu.memory_space<vmem>>
        %dma_start3A_316 = arith.constant 0 : i32
        %dma_start3A_317 = tpu.memref_slice %arg6[%add3A_218, %dma_start3A_316] : memref<152x128xi32, #tpu.memory_space<vmem>> -> memref<1x128xi32, #tpu.memory_space<vmem>>
        %dma_start3A_318 = tpu.memref_squeeze %dma_start3A_317 : memref<1x128xi32, #tpu.memory_space<vmem>> -> memref<128xi32, #tpu.memory_space<vmem>>
        %dma_start3A_319 = arith.constant 0 : i32
        %dma_start3A_320 = arith.constant 0 : i32
        %dma_start3A_321 = tpu.memref_slice %arg2[%dma_start3A_319, %dma_start3A_320] : memref<10000x64xf32, #tpu.memory_space<hbm>> -> memref<10000x64xf32, #tpu.memory_space<hbm>>
        tpu.enqueue_indirect_dma source(%dma_start3A_321 : memref<10000x64xf32, #tpu.memory_space<hbm>>) target(%dma_start3A_315 : memref<128x64xf32, #tpu.memory_space<vmem>>) offsets(%dma_start3A_318 : memref<128xi32, #tpu.memory_space<vmem>>) semaphore(%arg13 : memref<!tpu.dma_semaphore, #tpu.memory_space<semaphore_mem>>)
      } else {
      }
      %mul3A_226 = arith.constant 4 : i32
      %mul3A_227 = arith.muli %while3A_153, %mul3A_226 : i32
      %add3A_228 = arith.constant 2 : i32
      %add3A_229 = arith.addi %mul3A_227, %add3A_228 : i32
      %dma_wait3A_230 = arith.constant 2 : i32
      %dma_wait3A_231 = arith.constant 0 : i32
      %dma_wait3A_232 = arith.constant 0 : i32
      %dma_wait3A_233 = tpu.memref_slice %arg8[%dma_wait3A_230, %dma_wait3A_231, %dma_wait3A_232] : memref<4x128x64xf32, #tpu.memory_space<vmem>> -> memref<1x128x64xf32, #tpu.memory_space<vmem>>
      %dma_wait3A_234 = tpu.memref_squeeze %dma_wait3A_233 : memref<1x128x64xf32, #tpu.memory_space<vmem>> -> memref<128x64xf32, #tpu.memory_space<vmem>>
      %dma_wait3A_235 = arith.constant 0 : i32
      %dma_wait3A_236 = tpu.memref_slice %arg6[%add3A_229, %dma_wait3A_235] : memref<152x128xi32, #tpu.memory_space<vmem>> -> memref<1x128xi32, #tpu.memory_space<vmem>>
      %dma_wait3A_237 = tpu.memref_squeeze %dma_wait3A_236 : memref<1x128xi32, #tpu.memory_space<vmem>> -> memref<128xi32, #tpu.memory_space<vmem>>
      %dma_wait3A_238 = arith.constant 0 : i32
      %dma_wait3A_239 = arith.constant 0 : i32
      %dma_wait3A_240 = tpu.memref_slice %arg2[%dma_wait3A_238, %dma_wait3A_239] : memref<10000x64xf32, #tpu.memory_space<hbm>> -> memref<10000x64xf32, #tpu.memory_space<hbm>>
      tpu.wait_indirect_dma semaphore(%arg12 : memref<!tpu.dma_semaphore, #tpu.memory_space<semaphore_mem>>) src(%dma_wait3A_240 : memref<10000x64xf32, #tpu.memory_space<hbm>>) dst(%dma_wait3A_234 : memref<128x64xf32, #tpu.memory_space<vmem>>)
      %dma_start3A_241 = arith.constant 2 : i32
      %dma_start3A_242 = arith.constant 0 : i32
      %dma_start3A_243 = arith.constant 0 : i32
      %dma_start3A_244 = tpu.memref_slice %arg8[%dma_start3A_241, %dma_start3A_242, %dma_start3A_243] : memref<4x128x64xf32, #tpu.memory_space<vmem>> -> memref<1x128x64xf32, #tpu.memory_space<vmem>>
      %dma_start3A_245 = tpu.memref_squeeze %dma_start3A_244 : memref<1x128x64xf32, #tpu.memory_space<vmem>> -> memref<128x64xf32, #tpu.memory_space<vmem>>
      %dma_start3A_246 = arith.constant 0 : i32
      %dma_start3A_247 = tpu.memref_slice %arg7[%add3A_229, %dma_start3A_246] : memref<152x128xi32, #tpu.memory_space<vmem>> -> memref<1x128xi32, #tpu.memory_space<vmem>>
      %dma_start3A_248 = tpu.memref_squeeze %dma_start3A_247 : memref<1x128xi32, #tpu.memory_space<vmem>> -> memref<128xi32, #tpu.memory_space<vmem>>
      %dma_start3A_249 = arith.constant 0 : i32
      %dma_start3A_250 = arith.constant 0 : i32
      %dma_start3A_251 = tpu.memref_slice %arg9[%dma_start3A_249, %dma_start3A_250] : memref<10112x64xf32, #tpu.memory_space<vmem_shared>> -> memref<10112x64xf32, #tpu.memory_space<vmem_shared>>
      tpu.enqueue_indirect_dma source(%dma_start3A_245 : memref<128x64xf32, #tpu.memory_space<vmem>>) target(%dma_start3A_251 : memref<10112x64xf32, #tpu.memory_space<vmem_shared>>) offsets(%dma_start3A_248 : memref<128xi32, #tpu.memory_space<vmem>>) semaphore(%arg16 : memref<!tpu.dma_semaphore, #tpu.memory_space<semaphore_mem>>) {add = true}
      %sub3A_252 = arith.constant 2 : i32
      %sub3A_253 = arith.subi %add3A_229, %sub3A_252 : i32
      %add3A_254 = arith.constant 4 : i32
      %add3A_255 = arith.addi %sub3A_253, %add3A_254 : i32
      %ge3A_256 = arith.constant 0 : i32
      %ge3A_257 = arith.cmpi sge, %sub3A_253, %ge3A_256 : i32
      %lt3A_258 = arith.cmpi slt, %add3A_255, %select_n3A : i32
      %and3A_259 = arith.andi %ge3A_257, %lt3A_258 : i1
      %convert_element_type3A_260 = arith.extui %and3A_259 : i1 to i32
      %cond3A_261 = arith.constant 0 : i32
      %cond3A_262 = arith.cmpi ne, %convert_element_type3A_260, %cond3A_261 : i32
      scf.if %cond3A_262 {
        %dma_wait3A_300 = arith.constant 0 : i32
        %dma_wait3A_301 = arith.constant 0 : i32
        %dma_wait3A_302 = arith.constant 0 : i32
        %dma_wait3A_303 = tpu.memref_slice %arg8[%dma_wait3A_300, %dma_wait3A_301, %dma_wait3A_302] : memref<4x128x64xf32, #tpu.memory_space<vmem>> -> memref<1x128x64xf32, #tpu.memory_space<vmem>>
        %dma_wait3A_304 = tpu.memref_squeeze %dma_wait3A_303 : memref<1x128x64xf32, #tpu.memory_space<vmem>> -> memref<128x64xf32, #tpu.memory_space<vmem>>
        %dma_wait3A_305 = arith.constant 0 : i32
        %dma_wait3A_306 = tpu.memref_slice %arg7[%sub3A_253, %dma_wait3A_305] : memref<152x128xi32, #tpu.memory_space<vmem>> -> memref<1x128xi32, #tpu.memory_space<vmem>>
        %dma_wait3A_307 = tpu.memref_squeeze %dma_wait3A_306 : memref<1x128xi32, #tpu.memory_space<vmem>> -> memref<128xi32, #tpu.memory_space<vmem>>
        %dma_wait3A_308 = arith.constant 0 : i32
        %dma_wait3A_309 = arith.constant 0 : i32
        %dma_wait3A_310 = tpu.memref_slice %arg9[%dma_wait3A_308, %dma_wait3A_309] : memref<10112x64xf32, #tpu.memory_space<vmem_shared>> -> memref<10112x64xf32, #tpu.memory_space<vmem_shared>>
        tpu.wait_indirect_dma semaphore(%arg14 : memref<!tpu.dma_semaphore, #tpu.memory_space<semaphore_mem>>) src(%dma_wait3A_304 : memref<128x64xf32, #tpu.memory_space<vmem>>) dst(%dma_wait3A_310 : memref<10112x64xf32, #tpu.memory_space<vmem_shared>>)
        %dma_start3A_311 = arith.constant 0 : i32
        %dma_start3A_312 = arith.constant 0 : i32
        %dma_start3A_313 = arith.constant 0 : i32
        %dma_start3A_314 = tpu.memref_slice %arg8[%dma_start3A_311, %dma_start3A_312, %dma_start3A_313] : memref<4x128x64xf32, #tpu.memory_space<vmem>> -> memref<1x128x64xf32, #tpu.memory_space<vmem>>
        %dma_start3A_315 = tpu.memref_squeeze %dma_start3A_314 : memref<1x128x64xf32, #tpu.memory_space<vmem>> -> memref<128x64xf32, #tpu.memory_space<vmem>>
        %dma_start3A_316 = arith.constant 0 : i32
        %dma_start3A_317 = tpu.memref_slice %arg6[%add3A_255, %dma_start3A_316] : memref<152x128xi32, #tpu.memory_space<vmem>> -> memref<1x128xi32, #tpu.memory_space<vmem>>
        %dma_start3A_318 = tpu.memref_squeeze %dma_start3A_317 : memref<1x128xi32, #tpu.memory_space<vmem>> -> memref<128xi32, #tpu.memory_space<vmem>>
        %dma_start3A_319 = arith.constant 0 : i32
        %dma_start3A_320 = arith.constant 0 : i32
        %dma_start3A_321 = tpu.memref_slice %arg2[%dma_start3A_319, %dma_start3A_320] : memref<10000x64xf32, #tpu.memory_space<hbm>> -> memref<10000x64xf32, #tpu.memory_space<hbm>>
        tpu.enqueue_indirect_dma source(%dma_start3A_321 : memref<10000x64xf32, #tpu.memory_space<hbm>>) target(%dma_start3A_315 : memref<128x64xf32, #tpu.memory_space<vmem>>) offsets(%dma_start3A_318 : memref<128xi32, #tpu.memory_space<vmem>>) semaphore(%arg10 : memref<!tpu.dma_semaphore, #tpu.memory_space<semaphore_mem>>)
      } else {
      }
      %mul3A_263 = arith.constant 4 : i32
      %mul3A_264 = arith.muli %while3A_153, %mul3A_263 : i32
      %add3A_265 = arith.constant 3 : i32
      %add3A_266 = arith.addi %mul3A_264, %add3A_265 : i32
      %dma_wait3A_267 = arith.constant 3 : i32
      %dma_wait3A_268 = arith.constant 0 : i32
      %dma_wait3A_269 = arith.constant 0 : i32
      %dma_wait3A_270 = tpu.memref_slice %arg8[%dma_wait3A_267, %dma_wait3A_268, %dma_wait3A_269] : memref<4x128x64xf32, #tpu.memory_space<vmem>> -> memref<1x128x64xf32, #tpu.memory_space<vmem>>
      %dma_wait3A_271 = tpu.memref_squeeze %dma_wait3A_270 : memref<1x128x64xf32, #tpu.memory_space<vmem>> -> memref<128x64xf32, #tpu.memory_space<vmem>>
      %dma_wait3A_272 = arith.constant 0 : i32
      %dma_wait3A_273 = tpu.memref_slice %arg6[%add3A_266, %dma_wait3A_272] : memref<152x128xi32, #tpu.memory_space<vmem>> -> memref<1x128xi32, #tpu.memory_space<vmem>>
      %dma_wait3A_274 = tpu.memref_squeeze %dma_wait3A_273 : memref<1x128xi32, #tpu.memory_space<vmem>> -> memref<128xi32, #tpu.memory_space<vmem>>
      %dma_wait3A_275 = arith.constant 0 : i32
      %dma_wait3A_276 = arith.constant 0 : i32
      %dma_wait3A_277 = tpu.memref_slice %arg2[%dma_wait3A_275, %dma_wait3A_276] : memref<10000x64xf32, #tpu.memory_space<hbm>> -> memref<10000x64xf32, #tpu.memory_space<hbm>>
      tpu.wait_indirect_dma semaphore(%arg13 : memref<!tpu.dma_semaphore, #tpu.memory_space<semaphore_mem>>) src(%dma_wait3A_277 : memref<10000x64xf32, #tpu.memory_space<hbm>>) dst(%dma_wait3A_271 : memref<128x64xf32, #tpu.memory_space<vmem>>)
      %dma_start3A_278 = arith.constant 3 : i32
      %dma_start3A_279 = arith.constant 0 : i32
      %dma_start3A_280 = arith.constant 0 : i32
      %dma_start3A_281 = tpu.memref_slice %arg8[%dma_start3A_278, %dma_start3A_279, %dma_start3A_280] : memref<4x128x64xf32, #tpu.memory_space<vmem>> -> memref<1x128x64xf32, #tpu.memory_space<vmem>>
      %dma_start3A_282 = tpu.memref_squeeze %dma_start3A_281 : memref<1x128x64xf32, #tpu.memory_space<vmem>> -> memref<128x64xf32, #tpu.memory_space<vmem>>
      %dma_start3A_283 = arith.constant 0 : i32
      %dma_start3A_284 = tpu.memref_slice %arg7[%add3A_266, %dma_start3A_283] : memref<152x128xi32, #tpu.memory_space<vmem>> -> memref<1x128xi32, #tpu.memory_space<vmem>>
      %dma_start3A_285 = tpu.memref_squeeze %dma_start3A_284 : memref<1x128xi32, #tpu.memory_space<vmem>> -> memref<128xi32, #tpu.memory_space<vmem>>
      %dma_start3A_286 = arith.constant 0 : i32
      %dma_start3A_287 = arith.constant 0 : i32
      %dma_start3A_288 = tpu.memref_slice %arg9[%dma_start3A_286, %dma_start3A_287] : memref<10112x64xf32, #tpu.memory_space<vmem_shared>> -> memref<10112x64xf32, #tpu.memory_space<vmem_shared>>
      tpu.enqueue_indirect_dma source(%dma_start3A_282 : memref<128x64xf32, #tpu.memory_space<vmem>>) target(%dma_start3A_288 : memref<10112x64xf32, #tpu.memory_space<vmem_shared>>) offsets(%dma_start3A_285 : memref<128xi32, #tpu.memory_space<vmem>>) semaphore(%arg17 : memref<!tpu.dma_semaphore, #tpu.memory_space<semaphore_mem>>) {add = true}
      %sub3A_289 = arith.constant 2 : i32
      %sub3A_290 = arith.subi %add3A_266, %sub3A_289 : i32
      %add3A_291 = arith.constant 4 : i32
      %add3A_292 = arith.addi %sub3A_290, %add3A_291 : i32
      %ge3A_293 = arith.constant 0 : i32
      %ge3A_294 = arith.cmpi sge, %sub3A_290, %ge3A_293 : i32
      %lt3A_295 = arith.cmpi slt, %add3A_292, %select_n3A : i32
      %and3A_296 = arith.andi %ge3A_294, %lt3A_295 : i1
      %convert_element_type3A_297 = arith.extui %and3A_296 : i1 to i32
      %cond3A_298 = arith.constant 0 : i32
      %cond3A_299 = arith.cmpi ne, %convert_element_type3A_297, %cond3A_298 : i32
      scf.if %cond3A_299 {
        %dma_wait3A_300 = arith.constant 1 : i32
        %dma_wait3A_301 = arith.constant 0 : i32
        %dma_wait3A_302 = arith.constant 0 : i32
        %dma_wait3A_303 = tpu.memref_slice %arg8[%dma_wait3A_300, %dma_wait3A_301, %dma_wait3A_302] : memref<4x128x64xf32, #tpu.memory_space<vmem>> -> memref<1x128x64xf32, #tpu.memory_space<vmem>>
        %dma_wait3A_304 = tpu.memref_squeeze %dma_wait3A_303 : memref<1x128x64xf32, #tpu.memory_space<vmem>> -> memref<128x64xf32, #tpu.memory_space<vmem>>
        %dma_wait3A_305 = arith.constant 0 : i32
        %dma_wait3A_306 = tpu.memref_slice %arg7[%sub3A_290, %dma_wait3A_305] : memref<152x128xi32, #tpu.memory_space<vmem>> -> memref<1x128xi32, #tpu.memory_space<vmem>>
        %dma_wait3A_307 = tpu.memref_squeeze %dma_wait3A_306 : memref<1x128xi32, #tpu.memory_space<vmem>> -> memref<128xi32, #tpu.memory_space<vmem>>
        %dma_wait3A_308 = arith.constant 0 : i32
        %dma_wait3A_309 = arith.constant 0 : i32
        %dma_wait3A_310 = tpu.memref_slice %arg9[%dma_wait3A_308, %dma_wait3A_309] : memref<10112x64xf32, #tpu.memory_space<vmem_shared>> -> memref<10112x64xf32, #tpu.memory_space<vmem_shared>>
        tpu.wait_indirect_dma semaphore(%arg15 : memref<!tpu.dma_semaphore, #tpu.memory_space<semaphore_mem>>) src(%dma_wait3A_304 : memref<128x64xf32, #tpu.memory_space<vmem>>) dst(%dma_wait3A_310 : memref<10112x64xf32, #tpu.memory_space<vmem_shared>>)
        %dma_start3A_311 = arith.constant 1 : i32
        %dma_start3A_312 = arith.constant 0 : i32
        %dma_start3A_313 = arith.constant 0 : i32
        %dma_start3A_314 = tpu.memref_slice %arg8[%dma_start3A_311, %dma_start3A_312, %dma_start3A_313] : memref<4x128x64xf32, #tpu.memory_space<vmem>> -> memref<1x128x64xf32, #tpu.memory_space<vmem>>
        %dma_start3A_315 = tpu.memref_squeeze %dma_start3A_314 : memref<1x128x64xf32, #tpu.memory_space<vmem>> -> memref<128x64xf32, #tpu.memory_space<vmem>>
        %dma_start3A_316 = arith.constant 0 : i32
        %dma_start3A_317 = tpu.memref_slice %arg6[%add3A_292, %dma_start3A_316] : memref<152x128xi32, #tpu.memory_space<vmem>> -> memref<1x128xi32, #tpu.memory_space<vmem>>
        %dma_start3A_318 = tpu.memref_squeeze %dma_start3A_317 : memref<1x128xi32, #tpu.memory_space<vmem>> -> memref<128xi32, #tpu.memory_space<vmem>>
        %dma_start3A_319 = arith.constant 0 : i32
        %dma_start3A_320 = arith.constant 0 : i32
        %dma_start3A_321 = tpu.memref_slice %arg2[%dma_start3A_319, %dma_start3A_320] : memref<10000x64xf32, #tpu.memory_space<hbm>> -> memref<10000x64xf32, #tpu.memory_space<hbm>>
        tpu.enqueue_indirect_dma source(%dma_start3A_321 : memref<10000x64xf32, #tpu.memory_space<hbm>>) target(%dma_start3A_315 : memref<128x64xf32, #tpu.memory_space<vmem>>) offsets(%dma_start3A_318 : memref<128xi32, #tpu.memory_space<vmem>>) semaphore(%arg11 : memref<!tpu.dma_semaphore, #tpu.memory_space<semaphore_mem>>)
      } else {
      }
    }
    %while3A_104 = arith.constant 1 : i32
    scf.for %while3A_153 = %while3A_102 to %while3A_98 step %while3A_104  : i32 {
      %mul3A_154 = arith.constant 4 : i32
      %mul3A_155 = arith.muli %while3A_153, %mul3A_154 : i32
      %add3A_156 = arith.constant 0 : i32
      %add3A_157 = arith.addi %mul3A_155, %add3A_156 : i32
      %dma_wait3A_158 = arith.constant 0 : i32
      %dma_wait3A_159 = arith.constant 0 : i32
      %dma_wait3A_160 = arith.constant 0 : i32
      %dma_wait3A_161 = tpu.memref_slice %arg8[%dma_wait3A_158, %dma_wait3A_159, %dma_wait3A_160] : memref<4x128x64xf32, #tpu.memory_space<vmem>> -> memref<1x128x64xf32, #tpu.memory_space<vmem>>
      %dma_wait3A_162 = tpu.memref_squeeze %dma_wait3A_161 : memref<1x128x64xf32, #tpu.memory_space<vmem>> -> memref<128x64xf32, #tpu.memory_space<vmem>>
      %dma_wait3A_163 = arith.constant 0 : i32
      %dma_wait3A_164 = tpu.memref_slice %arg6[%add3A_157, %dma_wait3A_163] : memref<152x128xi32, #tpu.memory_space<vmem>> -> memref<1x128xi32, #tpu.memory_space<vmem>>
      %dma_wait3A_165 = tpu.memref_squeeze %dma_wait3A_164 : memref<1x128xi32, #tpu.memory_space<vmem>> -> memref<128xi32, #tpu.memory_space<vmem>>
      %dma_wait3A_166 = arith.constant 0 : i32
      %dma_wait3A_167 = arith.constant 0 : i32
      %dma_wait3A_168 = tpu.memref_slice %arg2[%dma_wait3A_166, %dma_wait3A_167] : memref<10000x64xf32, #tpu.memory_space<hbm>> -> memref<10000x64xf32, #tpu.memory_space<hbm>>
      tpu.wait_indirect_dma semaphore(%arg10 : memref<!tpu.dma_semaphore, #tpu.memory_space<semaphore_mem>>) src(%dma_wait3A_168 : memref<10000x64xf32, #tpu.memory_space<hbm>>) dst(%dma_wait3A_162 : memref<128x64xf32, #tpu.memory_space<vmem>>)
      %dma_start3A_169 = arith.constant 0 : i32
      %dma_start3A_170 = arith.constant 0 : i32
      %dma_start3A_171 = arith.constant 0 : i32
      %dma_start3A_172 = tpu.memref_slice %arg8[%dma_start3A_169, %dma_start3A_170, %dma_start3A_171] : memref<4x128x64xf32, #tpu.memory_space<vmem>> -> memref<1x128x64xf32, #tpu.memory_space<vmem>>
      %dma_start3A_173 = tpu.memref_squeeze %dma_start3A_172 : memref<1x128x64xf32, #tpu.memory_space<vmem>> -> memref<128x64xf32, #tpu.memory_space<vmem>>
      %dma_start3A_174 = arith.constant 0 : i32
      %dma_start3A_175 = tpu.memref_slice %arg7[%add3A_157, %dma_start3A_174] : memref<152x128xi32, #tpu.memory_space<vmem>> -> memref<1x128xi32, #tpu.memory_space<vmem>>
      %dma_start3A_176 = tpu.memref_squeeze %dma_start3A_175 : memref<1x128xi32, #tpu.memory_space<vmem>> -> memref<128xi32, #tpu.memory_space<vmem>>
      %dma_start3A_177 = arith.constant 0 : i32
      %dma_start3A_178 = arith.constant 0 : i32
      %dma_start3A_179 = tpu.memref_slice %arg9[%dma_start3A_177, %dma_start3A_178] : memref<10112x64xf32, #tpu.memory_space<vmem_shared>> -> memref<10112x64xf32, #tpu.memory_space<vmem_shared>>
      tpu.enqueue_indirect_dma source(%dma_start3A_173 : memref<128x64xf32, #tpu.memory_space<vmem>>) target(%dma_start3A_179 : memref<10112x64xf32, #tpu.memory_space<vmem_shared>>) offsets(%dma_start3A_176 : memref<128xi32, #tpu.memory_space<vmem>>) semaphore(%arg14 : memref<!tpu.dma_semaphore, #tpu.memory_space<semaphore_mem>>) {add = true}
      %sub3A_180 = arith.constant 2 : i32
      %sub3A_181 = arith.subi %add3A_157, %sub3A_180 : i32
      %add3A_182 = arith.constant 4 : i32
      %add3A_183 = arith.addi %sub3A_181, %add3A_182 : i32
      %ge3A = arith.constant 0 : i32
      %ge3A_184 = arith.cmpi sge, %sub3A_181, %ge3A : i32
      %lt3A = arith.cmpi slt, %add3A_183, %select_n3A : i32
      %and3A_185 = arith.andi %ge3A_184, %lt3A : i1
      %convert_element_type3A_186 = arith.extui %and3A_185 : i1 to i32
      %cond3A_187 = arith.constant 0 : i32
      %cond3A_188 = arith.cmpi ne, %convert_element_type3A_186, %cond3A_187 : i32
      scf.if %cond3A_188 {
        %dma_wait3A_300 = arith.constant 2 : i32
        %dma_wait3A_301 = arith.constant 0 : i32
        %dma_wait3A_302 = arith.constant 0 : i32
        %dma_wait3A_303 = tpu.memref_slice %arg8[%dma_wait3A_300, %dma_wait3A_301, %dma_wait3A_302] : memref<4x128x64xf32, #tpu.memory_space<vmem>> -> memref<1x128x64xf32, #tpu.memory_space<vmem>>
        %dma_wait3A_304 = tpu.memref_squeeze %dma_wait3A_303 : memref<1x128x64xf32, #tpu.memory_space<vmem>> -> memref<128x64xf32, #tpu.memory_space<vmem>>
        %dma_wait3A_305 = arith.constant 0 : i32
        %dma_wait3A_306 = tpu.memref_slice %arg7[%sub3A_181, %dma_wait3A_305] : memref<152x128xi32, #tpu.memory_space<vmem>> -> memref<1x128xi32, #tpu.memory_space<vmem>>
        %dma_wait3A_307 = tpu.memref_squeeze %dma_wait3A_306 : memref<1x128xi32, #tpu.memory_space<vmem>> -> memref<128xi32, #tpu.memory_space<vmem>>
        %dma_wait3A_308 = arith.constant 0 : i32
        %dma_wait3A_309 = arith.constant 0 : i32
        %dma_wait3A_310 = tpu.memref_slice %arg9[%dma_wait3A_308, %dma_wait3A_309] : memref<10112x64xf32, #tpu.memory_space<vmem_shared>> -> memref<10112x64xf32, #tpu.memory_space<vmem_shared>>
        tpu.wait_indirect_dma semaphore(%arg16 : memref<!tpu.dma_semaphore, #tpu.memory_space<semaphore_mem>>) src(%dma_wait3A_304 : memref<128x64xf32, #tpu.memory_space<vmem>>) dst(%dma_wait3A_310 : memref<10112x64xf32, #tpu.memory_space<vmem_shared>>)
        %dma_start3A_311 = arith.constant 2 : i32
        %dma_start3A_312 = arith.constant 0 : i32
        %dma_start3A_313 = arith.constant 0 : i32
        %dma_start3A_314 = tpu.memref_slice %arg8[%dma_start3A_311, %dma_start3A_312, %dma_start3A_313] : memref<4x128x64xf32, #tpu.memory_space<vmem>> -> memref<1x128x64xf32, #tpu.memory_space<vmem>>
        %dma_start3A_315 = tpu.memref_squeeze %dma_start3A_314 : memref<1x128x64xf32, #tpu.memory_space<vmem>> -> memref<128x64xf32, #tpu.memory_space<vmem>>
        %dma_start3A_316 = arith.constant 0 : i32
        %dma_start3A_317 = tpu.memref_slice %arg6[%add3A_183, %dma_start3A_316] : memref<152x128xi32, #tpu.memory_space<vmem>> -> memref<1x128xi32, #tpu.memory_space<vmem>>
        %dma_start3A_318 = tpu.memref_squeeze %dma_start3A_317 : memref<1x128xi32, #tpu.memory_space<vmem>> -> memref<128xi32, #tpu.memory_space<vmem>>
        %dma_start3A_319 = arith.constant 0 : i32
        %dma_start3A_320 = arith.constant 0 : i32
        %dma_start3A_321 = tpu.memref_slice %arg2[%dma_start3A_319, %dma_start3A_320] : memref<10000x64xf32, #tpu.memory_space<hbm>> -> memref<10000x64xf32, #tpu.memory_space<hbm>>
        tpu.enqueue_indirect_dma source(%dma_start3A_321 : memref<10000x64xf32, #tpu.memory_space<hbm>>) target(%dma_start3A_315 : memref<128x64xf32, #tpu.memory_space<vmem>>) offsets(%dma_start3A_318 : memref<128xi32, #tpu.memory_space<vmem>>) semaphore(%arg12 : memref<!tpu.dma_semaphore, #tpu.memory_space<semaphore_mem>>)
      } else {
      }
      %mul3A_189 = arith.constant 4 : i32
      %mul3A_190 = arith.muli %while3A_153, %mul3A_189 : i32
      %add3A_191 = arith.constant 1 : i32
      %add3A_192 = arith.addi %mul3A_190, %add3A_191 : i32
      %dma_wait3A_193 = arith.constant 1 : i32
      %dma_wait3A_194 = arith.constant 0 : i32
      %dma_wait3A_195 = arith.constant 0 : i32
      %dma_wait3A_196 = tpu.memref_slice %arg8[%dma_wait3A_193, %dma_wait3A_194, %dma_wait3A_195] : memref<4x128x64xf32, #tpu.memory_space<vmem>> -> memref<1x128x64xf32, #tpu.memory_space<vmem>>
      %dma_wait3A_197 = tpu.memref_squeeze %dma_wait3A_196 : memref<1x128x64xf32, #tpu.memory_space<vmem>> -> memref<128x64xf32, #tpu.memory_space<vmem>>
      %dma_wait3A_198 = arith.constant 0 : i32
      %dma_wait3A_199 = tpu.memref_slice %arg6[%add3A_192, %dma_wait3A_198] : memref<152x128xi32, #tpu.memory_space<vmem>> -> memref<1x128xi32, #tpu.memory_space<vmem>>
      %dma_wait3A_200 = tpu.memref_squeeze %dma_wait3A_199 : memref<1x128xi32, #tpu.memory_space<vmem>> -> memref<128xi32, #tpu.memory_space<vmem>>
      %dma_wait3A_201 = arith.constant 0 : i32
      %dma_wait3A_202 = arith.constant 0 : i32
      %dma_wait3A_203 = tpu.memref_slice %arg2[%dma_wait3A_201, %dma_wait3A_202] : memref<10000x64xf32, #tpu.memory_space<hbm>> -> memref<10000x64xf32, #tpu.memory_space<hbm>>
      tpu.wait_indirect_dma semaphore(%arg11 : memref<!tpu.dma_semaphore, #tpu.memory_space<semaphore_mem>>) src(%dma_wait3A_203 : memref<10000x64xf32, #tpu.memory_space<hbm>>) dst(%dma_wait3A_197 : memref<128x64xf32, #tpu.memory_space<vmem>>)
      %dma_start3A_204 = arith.constant 1 : i32
      %dma_start3A_205 = arith.constant 0 : i32
      %dma_start3A_206 = arith.constant 0 : i32
      %dma_start3A_207 = tpu.memref_slice %arg8[%dma_start3A_204, %dma_start3A_205, %dma_start3A_206] : memref<4x128x64xf32, #tpu.memory_space<vmem>> -> memref<1x128x64xf32, #tpu.memory_space<vmem>>
      %dma_start3A_208 = tpu.memref_squeeze %dma_start3A_207 : memref<1x128x64xf32, #tpu.memory_space<vmem>> -> memref<128x64xf32, #tpu.memory_space<vmem>>
      %dma_start3A_209 = arith.constant 0 : i32
      %dma_start3A_210 = tpu.memref_slice %arg7[%add3A_192, %dma_start3A_209] : memref<152x128xi32, #tpu.memory_space<vmem>> -> memref<1x128xi32, #tpu.memory_space<vmem>>
      %dma_start3A_211 = tpu.memref_squeeze %dma_start3A_210 : memref<1x128xi32, #tpu.memory_space<vmem>> -> memref<128xi32, #tpu.memory_space<vmem>>
      %dma_start3A_212 = arith.constant 0 : i32
      %dma_start3A_213 = arith.constant 0 : i32
      %dma_start3A_214 = tpu.memref_slice %arg9[%dma_start3A_212, %dma_start3A_213] : memref<10112x64xf32, #tpu.memory_space<vmem_shared>> -> memref<10112x64xf32, #tpu.memory_space<vmem_shared>>
      tpu.enqueue_indirect_dma source(%dma_start3A_208 : memref<128x64xf32, #tpu.memory_space<vmem>>) target(%dma_start3A_214 : memref<10112x64xf32, #tpu.memory_space<vmem_shared>>) offsets(%dma_start3A_211 : memref<128xi32, #tpu.memory_space<vmem>>) semaphore(%arg15 : memref<!tpu.dma_semaphore, #tpu.memory_space<semaphore_mem>>) {add = true}
      %sub3A_215 = arith.constant 2 : i32
      %sub3A_216 = arith.subi %add3A_192, %sub3A_215 : i32
      %add3A_217 = arith.constant 4 : i32
      %add3A_218 = arith.addi %sub3A_216, %add3A_217 : i32
      %ge3A_219 = arith.constant 0 : i32
      %ge3A_220 = arith.cmpi sge, %sub3A_216, %ge3A_219 : i32
      %lt3A_221 = arith.cmpi slt, %add3A_218, %select_n3A : i32
      %and3A_222 = arith.andi %ge3A_220, %lt3A_221 : i1
      %convert_element_type3A_223 = arith.extui %and3A_222 : i1 to i32
      %cond3A_224 = arith.constant 0 : i32
      %cond3A_225 = arith.cmpi ne, %convert_element_type3A_223, %cond3A_224 : i32
      scf.if %cond3A_225 {
        %dma_wait3A_300 = arith.constant 3 : i32
        %dma_wait3A_301 = arith.constant 0 : i32
        %dma_wait3A_302 = arith.constant 0 : i32
        %dma_wait3A_303 = tpu.memref_slice %arg8[%dma_wait3A_300, %dma_wait3A_301, %dma_wait3A_302] : memref<4x128x64xf32, #tpu.memory_space<vmem>> -> memref<1x128x64xf32, #tpu.memory_space<vmem>>
        %dma_wait3A_304 = tpu.memref_squeeze %dma_wait3A_303 : memref<1x128x64xf32, #tpu.memory_space<vmem>> -> memref<128x64xf32, #tpu.memory_space<vmem>>
        %dma_wait3A_305 = arith.constant 0 : i32
        %dma_wait3A_306 = tpu.memref_slice %arg7[%sub3A_216, %dma_wait3A_305] : memref<152x128xi32, #tpu.memory_space<vmem>> -> memref<1x128xi32, #tpu.memory_space<vmem>>
        %dma_wait3A_307 = tpu.memref_squeeze %dma_wait3A_306 : memref<1x128xi32, #tpu.memory_space<vmem>> -> memref<128xi32, #tpu.memory_space<vmem>>
        %dma_wait3A_308 = arith.constant 0 : i32
        %dma_wait3A_309 = arith.constant 0 : i32
        %dma_wait3A_310 = tpu.memref_slice %arg9[%dma_wait3A_308, %dma_wait3A_309] : memref<10112x64xf32, #tpu.memory_space<vmem_shared>> -> memref<10112x64xf32, #tpu.memory_space<vmem_shared>>
        tpu.wait_indirect_dma semaphore(%arg17 : memref<!tpu.dma_semaphore, #tpu.memory_space<semaphore_mem>>) src(%dma_wait3A_304 : memref<128x64xf32, #tpu.memory_space<vmem>>) dst(%dma_wait3A_310 : memref<10112x64xf32, #tpu.memory_space<vmem_shared>>)
        %dma_start3A_311 = arith.constant 3 : i32
        %dma_start3A_312 = arith.constant 0 : i32
        %dma_start3A_313 = arith.constant 0 : i32
        %dma_start3A_314 = tpu.memref_slice %arg8[%dma_start3A_311, %dma_start3A_312, %dma_start3A_313] : memref<4x128x64xf32, #tpu.memory_space<vmem>> -> memref<1x128x64xf32, #tpu.memory_space<vmem>>
        %dma_start3A_315 = tpu.memref_squeeze %dma_start3A_314 : memref<1x128x64xf32, #tpu.memory_space<vmem>> -> memref<128x64xf32, #tpu.memory_space<vmem>>
        %dma_start3A_316 = arith.constant 0 : i32
        %dma_start3A_317 = tpu.memref_slice %arg6[%add3A_218, %dma_start3A_316] : memref<152x128xi32, #tpu.memory_space<vmem>> -> memref<1x128xi32, #tpu.memory_space<vmem>>
        %dma_start3A_318 = tpu.memref_squeeze %dma_start3A_317 : memref<1x128xi32, #tpu.memory_space<vmem>> -> memref<128xi32, #tpu.memory_space<vmem>>
        %dma_start3A_319 = arith.constant 0 : i32
        %dma_start3A_320 = arith.constant 0 : i32
        %dma_start3A_321 = tpu.memref_slice %arg2[%dma_start3A_319, %dma_start3A_320] : memref<10000x64xf32, #tpu.memory_space<hbm>> -> memref<10000x64xf32, #tpu.memory_space<hbm>>
        tpu.enqueue_indirect_dma source(%dma_start3A_321 : memref<10000x64xf32, #tpu.memory_space<hbm>>) target(%dma_start3A_315 : memref<128x64xf32, #tpu.memory_space<vmem>>) offsets(%dma_start3A_318 : memref<128xi32, #tpu.memory_space<vmem>>) semaphore(%arg13 : memref<!tpu.dma_semaphore, #tpu.memory_space<semaphore_mem>>)
      } else {
      }
      %mul3A_226 = arith.constant 4 : i32
      %mul3A_227 = arith.muli %while3A_153, %mul3A_226 : i32
      %add3A_228 = arith.constant 2 : i32
      %add3A_229 = arith.addi %mul3A_227, %add3A_228 : i32
      %dma_wait3A_230 = arith.constant 2 : i32
      %dma_wait3A_231 = arith.constant 0 : i32
      %dma_wait3A_232 = arith.constant 0 : i32
      %dma_wait3A_233 = tpu.memref_slice %arg8[%dma_wait3A_230, %dma_wait3A_231, %dma_wait3A_232] : memref<4x128x64xf32, #tpu.memory_space<vmem>> -> memref<1x128x64xf32, #tpu.memory_space<vmem>>
      %dma_wait3A_234 = tpu.memref_squeeze %dma_wait3A_233 : memref<1x128x64xf32, #tpu.memory_space<vmem>> -> memref<128x64xf32, #tpu.memory_space<vmem>>
      %dma_wait3A_235 = arith.constant 0 : i32
      %dma_wait3A_236 = tpu.memref_slice %arg6[%add3A_229, %dma_wait3A_235] : memref<152x128xi32, #tpu.memory_space<vmem>> -> memref<1x128xi32, #tpu.memory_space<vmem>>
      %dma_wait3A_237 = tpu.memref_squeeze %dma_wait3A_236 : memref<1x128xi32, #tpu.memory_space<vmem>> -> memref<128xi32, #tpu.memory_space<vmem>>
      %dma_wait3A_238 = arith.constant 0 : i32
      %dma_wait3A_239 = arith.constant 0 : i32
      %dma_wait3A_240 = tpu.memref_slice %arg2[%dma_wait3A_238, %dma_wait3A_239] : memref<10000x64xf32, #tpu.memory_space<hbm>> -> memref<10000x64xf32, #tpu.memory_space<hbm>>
      tpu.wait_indirect_dma semaphore(%arg12 : memref<!tpu.dma_semaphore, #tpu.memory_space<semaphore_mem>>) src(%dma_wait3A_240 : memref<10000x64xf32, #tpu.memory_space<hbm>>) dst(%dma_wait3A_234 : memref<128x64xf32, #tpu.memory_space<vmem>>)
      %dma_start3A_241 = arith.constant 2 : i32
      %dma_start3A_242 = arith.constant 0 : i32
      %dma_start3A_243 = arith.constant 0 : i32
      %dma_start3A_244 = tpu.memref_slice %arg8[%dma_start3A_241, %dma_start3A_242, %dma_start3A_243] : memref<4x128x64xf32, #tpu.memory_space<vmem>> -> memref<1x128x64xf32, #tpu.memory_space<vmem>>
      %dma_start3A_245 = tpu.memref_squeeze %dma_start3A_244 : memref<1x128x64xf32, #tpu.memory_space<vmem>> -> memref<128x64xf32, #tpu.memory_space<vmem>>
      %dma_start3A_246 = arith.constant 0 : i32
      %dma_start3A_247 = tpu.memref_slice %arg7[%add3A_229, %dma_start3A_246] : memref<152x128xi32, #tpu.memory_space<vmem>> -> memref<1x128xi32, #tpu.memory_space<vmem>>
      %dma_start3A_248 = tpu.memref_squeeze %dma_start3A_247 : memref<1x128xi32, #tpu.memory_space<vmem>> -> memref<128xi32, #tpu.memory_space<vmem>>
      %dma_start3A_249 = arith.constant 0 : i32
      %dma_start3A_250 = arith.constant 0 : i32
      %dma_start3A_251 = tpu.memref_slice %arg9[%dma_start3A_249, %dma_start3A_250] : memref<10112x64xf32, #tpu.memory_space<vmem_shared>> -> memref<10112x64xf32, #tpu.memory_space<vmem_shared>>
      tpu.enqueue_indirect_dma source(%dma_start3A_245 : memref<128x64xf32, #tpu.memory_space<vmem>>) target(%dma_start3A_251 : memref<10112x64xf32, #tpu.memory_space<vmem_shared>>) offsets(%dma_start3A_248 : memref<128xi32, #tpu.memory_space<vmem>>) semaphore(%arg16 : memref<!tpu.dma_semaphore, #tpu.memory_space<semaphore_mem>>) {add = true}
      %sub3A_252 = arith.constant 2 : i32
      %sub3A_253 = arith.subi %add3A_229, %sub3A_252 : i32
      %add3A_254 = arith.constant 4 : i32
      %add3A_255 = arith.addi %sub3A_253, %add3A_254 : i32
      %ge3A_256 = arith.constant 0 : i32
      %ge3A_257 = arith.cmpi sge, %sub3A_253, %ge3A_256 : i32
      %lt3A_258 = arith.cmpi slt, %add3A_255, %select_n3A : i32
      %and3A_259 = arith.andi %ge3A_257, %lt3A_258 : i1
      %convert_element_type3A_260 = arith.extui %and3A_259 : i1 to i32
      %cond3A_261 = arith.constant 0 : i32
      %cond3A_262 = arith.cmpi ne, %convert_element_type3A_260, %cond3A_261 : i32
      scf.if %cond3A_262 {
        %dma_wait3A_300 = arith.constant 0 : i32
        %dma_wait3A_301 = arith.constant 0 : i32
        %dma_wait3A_302 = arith.constant 0 : i32
        %dma_wait3A_303 = tpu.memref_slice %arg8[%dma_wait3A_300, %dma_wait3A_301, %dma_wait3A_302] : memref<4x128x64xf32, #tpu.memory_space<vmem>> -> memref<1x128x64xf32, #tpu.memory_space<vmem>>
        %dma_wait3A_304 = tpu.memref_squeeze %dma_wait3A_303 : memref<1x128x64xf32, #tpu.memory_space<vmem>> -> memref<128x64xf32, #tpu.memory_space<vmem>>
        %dma_wait3A_305 = arith.constant 0 : i32
        %dma_wait3A_306 = tpu.memref_slice %arg7[%sub3A_253, %dma_wait3A_305] : memref<152x128xi32, #tpu.memory_space<vmem>> -> memref<1x128xi32, #tpu.memory_space<vmem>>
        %dma_wait3A_307 = tpu.memref_squeeze %dma_wait3A_306 : memref<1x128xi32, #tpu.memory_space<vmem>> -> memref<128xi32, #tpu.memory_space<vmem>>
        %dma_wait3A_308 = arith.constant 0 : i32
        %dma_wait3A_309 = arith.constant 0 : i32
        %dma_wait3A_310 = tpu.memref_slice %arg9[%dma_wait3A_308, %dma_wait3A_309] : memref<10112x64xf32, #tpu.memory_space<vmem_shared>> -> memref<10112x64xf32, #tpu.memory_space<vmem_shared>>
        tpu.wait_indirect_dma semaphore(%arg14 : memref<!tpu.dma_semaphore, #tpu.memory_space<semaphore_mem>>) src(%dma_wait3A_304 : memref<128x64xf32, #tpu.memory_space<vmem>>) dst(%dma_wait3A_310 : memref<10112x64xf32, #tpu.memory_space<vmem_shared>>)
        %dma_start3A_311 = arith.constant 0 : i32
        %dma_start3A_312 = arith.constant 0 : i32
        %dma_start3A_313 = arith.constant 0 : i32
        %dma_start3A_314 = tpu.memref_slice %arg8[%dma_start3A_311, %dma_start3A_312, %dma_start3A_313] : memref<4x128x64xf32, #tpu.memory_space<vmem>> -> memref<1x128x64xf32, #tpu.memory_space<vmem>>
        %dma_start3A_315 = tpu.memref_squeeze %dma_start3A_314 : memref<1x128x64xf32, #tpu.memory_space<vmem>> -> memref<128x64xf32, #tpu.memory_space<vmem>>
        %dma_start3A_316 = arith.constant 0 : i32
        %dma_start3A_317 = tpu.memref_slice %arg6[%add3A_255, %dma_start3A_316] : memref<152x128xi32, #tpu.memory_space<vmem>> -> memref<1x128xi32, #tpu.memory_space<vmem>>
        %dma_start3A_318 = tpu.memref_squeeze %dma_start3A_317 : memref<1x128xi32, #tpu.memory_space<vmem>> -> memref<128xi32, #tpu.memory_space<vmem>>
        %dma_start3A_319 = arith.constant 0 : i32
        %dma_start3A_320 = arith.constant 0 : i32
        %dma_start3A_321 = tpu.memref_slice %arg2[%dma_start3A_319, %dma_start3A_320] : memref<10000x64xf32, #tpu.memory_space<hbm>> -> memref<10000x64xf32, #tpu.memory_space<hbm>>
        tpu.enqueue_indirect_dma source(%dma_start3A_321 : memref<10000x64xf32, #tpu.memory_space<hbm>>) target(%dma_start3A_315 : memref<128x64xf32, #tpu.memory_space<vmem>>) offsets(%dma_start3A_318 : memref<128xi32, #tpu.memory_space<vmem>>) semaphore(%arg10 : memref<!tpu.dma_semaphore, #tpu.memory_space<semaphore_mem>>)
      } else {
      }
      %mul3A_263 = arith.constant 4 : i32
      %mul3A_264 = arith.muli %while3A_153, %mul3A_263 : i32
      %add3A_265 = arith.constant 3 : i32
      %add3A_266 = arith.addi %mul3A_264, %add3A_265 : i32
      %dma_wait3A_267 = arith.constant 3 : i32
      %dma_wait3A_268 = arith.constant 0 : i32
      %dma_wait3A_269 = arith.constant 0 : i32
      %dma_wait3A_270 = tpu.memref_slice %arg8[%dma_wait3A_267, %dma_wait3A_268, %dma_wait3A_269] : memref<4x128x64xf32, #tpu.memory_space<vmem>> -> memref<1x128x64xf32, #tpu.memory_space<vmem>>
      %dma_wait3A_271 = tpu.memref_squeeze %dma_wait3A_270 : memref<1x128x64xf32, #tpu.memory_space<vmem>> -> memref<128x64xf32, #tpu.memory_space<vmem>>
      %dma_wait3A_272 = arith.constant 0 : i32
      %dma_wait3A_273 = tpu.memref_slice %arg6[%add3A_266, %dma_wait3A_272] : memref<152x128xi32, #tpu.memory_space<vmem>> -> memref<1x128xi32, #tpu.memory_space<vmem>>
      %dma_wait3A_274 = tpu.memref_squeeze %dma_wait3A_273 : memref<1x128xi32, #tpu.memory_space<vmem>> -> memref<128xi32, #tpu.memory_space<vmem>>
      %dma_wait3A_275 = arith.constant 0 : i32
      %dma_wait3A_276 = arith.constant 0 : i32
      %dma_wait3A_277 = tpu.memref_slice %arg2[%dma_wait3A_275, %dma_wait3A_276] : memref<10000x64xf32, #tpu.memory_space<hbm>> -> memref<10000x64xf32, #tpu.memory_space<hbm>>
      tpu.wait_indirect_dma semaphore(%arg13 : memref<!tpu.dma_semaphore, #tpu.memory_space<semaphore_mem>>) src(%dma_wait3A_277 : memref<10000x64xf32, #tpu.memory_space<hbm>>) dst(%dma_wait3A_271 : memref<128x64xf32, #tpu.memory_space<vmem>>)
      %dma_start3A_278 = arith.constant 3 : i32
      %dma_start3A_279 = arith.constant 0 : i32
      %dma_start3A_280 = arith.constant 0 : i32
      %dma_start3A_281 = tpu.memref_slice %arg8[%dma_start3A_278, %dma_start3A_279, %dma_start3A_280] : memref<4x128x64xf32, #tpu.memory_space<vmem>> -> memref<1x128x64xf32, #tpu.memory_space<vmem>>
      %dma_start3A_282 = tpu.memref_squeeze %dma_start3A_281 : memref<1x128x64xf32, #tpu.memory_space<vmem>> -> memref<128x64xf32, #tpu.memory_space<vmem>>
      %dma_start3A_283 = arith.constant 0 : i32
      %dma_start3A_284 = tpu.memref_slice %arg7[%add3A_266, %dma_start3A_283] : memref<152x128xi32, #tpu.memory_space<vmem>> -> memref<1x128xi32, #tpu.memory_space<vmem>>
      %dma_start3A_285 = tpu.memref_squeeze %dma_start3A_284 : memref<1x128xi32, #tpu.memory_space<vmem>> -> memref<128xi32, #tpu.memory_space<vmem>>
      %dma_start3A_286 = arith.constant 0 : i32
      %dma_start3A_287 = arith.constant 0 : i32
      %dma_start3A_288 = tpu.memref_slice %arg9[%dma_start3A_286, %dma_start3A_287] : memref<10112x64xf32, #tpu.memory_space<vmem_shared>> -> memref<10112x64xf32, #tpu.memory_space<vmem_shared>>
      tpu.enqueue_indirect_dma source(%dma_start3A_282 : memref<128x64xf32, #tpu.memory_space<vmem>>) target(%dma_start3A_288 : memref<10112x64xf32, #tpu.memory_space<vmem_shared>>) offsets(%dma_start3A_285 : memref<128xi32, #tpu.memory_space<vmem>>) semaphore(%arg17 : memref<!tpu.dma_semaphore, #tpu.memory_space<semaphore_mem>>) {add = true}
      %sub3A_289 = arith.constant 2 : i32
      %sub3A_290 = arith.subi %add3A_266, %sub3A_289 : i32
      %add3A_291 = arith.constant 4 : i32
      %add3A_292 = arith.addi %sub3A_290, %add3A_291 : i32
      %ge3A_293 = arith.constant 0 : i32
      %ge3A_294 = arith.cmpi sge, %sub3A_290, %ge3A_293 : i32
      %lt3A_295 = arith.cmpi slt, %add3A_292, %select_n3A : i32
      %and3A_296 = arith.andi %ge3A_294, %lt3A_295 : i1
      %convert_element_type3A_297 = arith.extui %and3A_296 : i1 to i32
      %cond3A_298 = arith.constant 0 : i32
      %cond3A_299 = arith.cmpi ne, %convert_element_type3A_297, %cond3A_298 : i32
      scf.if %cond3A_299 {
        %dma_wait3A_300 = arith.constant 1 : i32
        %dma_wait3A_301 = arith.constant 0 : i32
        %dma_wait3A_302 = arith.constant 0 : i32
        %dma_wait3A_303 = tpu.memref_slice %arg8[%dma_wait3A_300, %dma_wait3A_301, %dma_wait3A_302] : memref<4x128x64xf32, #tpu.memory_space<vmem>> -> memref<1x128x64xf32, #tpu.memory_space<vmem>>
        %dma_wait3A_304 = tpu.memref_squeeze %dma_wait3A_303 : memref<1x128x64xf32, #tpu.memory_space<vmem>> -> memref<128x64xf32, #tpu.memory_space<vmem>>
        %dma_wait3A_305 = arith.constant 0 : i32
        %dma_wait3A_306 = tpu.memref_slice %arg7[%sub3A_290, %dma_wait3A_305] : memref<152x128xi32, #tpu.memory_space<vmem>> -> memref<1x128xi32, #tpu.memory_space<vmem>>
        %dma_wait3A_307 = tpu.memref_squeeze %dma_wait3A_306 : memref<1x128xi32, #tpu.memory_space<vmem>> -> memref<128xi32, #tpu.memory_space<vmem>>
        %dma_wait3A_308 = arith.constant 0 : i32
        %dma_wait3A_309 = arith.constant 0 : i32
        %dma_wait3A_310 = tpu.memref_slice %arg9[%dma_wait3A_308, %dma_wait3A_309] : memref<10112x64xf32, #tpu.memory_space<vmem_shared>> -> memref<10112x64xf32, #tpu.memory_space<vmem_shared>>
        tpu.wait_indirect_dma semaphore(%arg15 : memref<!tpu.dma_semaphore, #tpu.memory_space<semaphore_mem>>) src(%dma_wait3A_304 : memref<128x64xf32, #tpu.memory_space<vmem>>) dst(%dma_wait3A_310 : memref<10112x64xf32, #tpu.memory_space<vmem_shared>>)
        %dma_start3A_311 = arith.constant 1 : i32
        %dma_start3A_312 = arith.constant 0 : i32
        %dma_start3A_313 = arith.constant 0 : i32
        %dma_start3A_314 = tpu.memref_slice %arg8[%dma_start3A_311, %dma_start3A_312, %dma_start3A_313] : memref<4x128x64xf32, #tpu.memory_space<vmem>> -> memref<1x128x64xf32, #tpu.memory_space<vmem>>
        %dma_start3A_315 = tpu.memref_squeeze %dma_start3A_314 : memref<1x128x64xf32, #tpu.memory_space<vmem>> -> memref<128x64xf32, #tpu.memory_space<vmem>>
        %dma_start3A_316 = arith.constant 0 : i32
        %dma_start3A_317 = tpu.memref_slice %arg6[%add3A_292, %dma_start3A_316] : memref<152x128xi32, #tpu.memory_space<vmem>> -> memref<1x128xi32, #tpu.memory_space<vmem>>
        %dma_start3A_318 = tpu.memref_squeeze %dma_start3A_317 : memref<1x128xi32, #tpu.memory_space<vmem>> -> memref<128xi32, #tpu.memory_space<vmem>>
        %dma_start3A_319 = arith.constant 0 : i32
        %dma_start3A_320 = arith.constant 0 : i32
        %dma_start3A_321 = tpu.memref_slice %arg2[%dma_start3A_319, %dma_start3A_320] : memref<10000x64xf32, #tpu.memory_space<hbm>> -> memref<10000x64xf32, #tpu.memory_space<hbm>>
        tpu.enqueue_indirect_dma source(%dma_start3A_321 : memref<10000x64xf32, #tpu.memory_space<hbm>>) target(%dma_start3A_315 : memref<128x64xf32, #tpu.memory_space<vmem>>) offsets(%dma_start3A_318 : memref<128xi32, #tpu.memory_space<vmem>>) semaphore(%arg11 : memref<!tpu.dma_semaphore, #tpu.memory_space<semaphore_mem>>)
      } else {
      }
    }
    %dma_wait3A = arith.constant 0 : i32
    %dma_wait3A_105 = arith.constant 0 : i32
    %dma_wait3A_106 = arith.constant 0 : i32
    %dma_wait3A_107 = arith.constant 0 : i32
    %dma_wait3A_108 = tpu.memref_slice %arg8[%dma_wait3A, %dma_wait3A_106, %dma_wait3A_107] : memref<4x128x64xf32, #tpu.memory_space<vmem>> -> memref<1x128x64xf32, #tpu.memory_space<vmem>>
    %dma_wait3A_109 = tpu.memref_squeeze %dma_wait3A_108 : memref<1x128x64xf32, #tpu.memory_space<vmem>> -> memref<128x64xf32, #tpu.memory_space<vmem>>
    %dma_wait3A_110 = arith.constant 0 : i32
    %dma_wait3A_111 = tpu.memref_slice %arg7[%dma_wait3A_105, %dma_wait3A_110] : memref<152x128xi32, #tpu.memory_space<vmem>> -> memref<1x128xi32, #tpu.memory_space<vmem>>
    %dma_wait3A_112 = tpu.memref_squeeze %dma_wait3A_111 : memref<1x128xi32, #tpu.memory_space<vmem>> -> memref<128xi32, #tpu.memory_space<vmem>>
    %dma_wait3A_113 = arith.constant 0 : i32
    %dma_wait3A_114 = arith.constant 0 : i32
    %dma_wait3A_115 = tpu.memref_slice %arg9[%dma_wait3A_113, %dma_wait3A_114] : memref<10112x64xf32, #tpu.memory_space<vmem_shared>> -> memref<10112x64xf32, #tpu.memory_space<vmem_shared>>
    tpu.wait_indirect_dma semaphore(%arg14 : memref<!tpu.dma_semaphore, #tpu.memory_space<semaphore_mem>>) src(%dma_wait3A_109 : memref<128x64xf32, #tpu.memory_space<vmem>>) dst(%dma_wait3A_115 : memref<10112x64xf32, #tpu.memory_space<vmem_shared>>)
    %dma_wait3A_116 = arith.constant 1 : i32
    %dma_wait3A_117 = arith.constant 0 : i32
    %dma_wait3A_118 = arith.constant 0 : i32
    %dma_wait3A_119 = arith.constant 0 : i32
    %dma_wait3A_120 = tpu.memref_slice %arg8[%dma_wait3A_116, %dma_wait3A_118, %dma_wait3A_119] : memref<4x128x64xf32, #tpu.memory_space<vmem>> -> memref<1x128x64xf32, #tpu.memory_space<vmem>>
    %dma_wait3A_121 = tpu.memref_squeeze %dma_wait3A_120 : memref<1x128x64xf32, #tpu.memory_space<vmem>> -> memref<128x64xf32, #tpu.memory_space<vmem>>
    %dma_wait3A_122 = arith.constant 0 : i32
    %dma_wait3A_123 = tpu.memref_slice %arg7[%dma_wait3A_117, %dma_wait3A_122] : memref<152x128xi32, #tpu.memory_space<vmem>> -> memref<1x128xi32, #tpu.memory_space<vmem>>
    %dma_wait3A_124 = tpu.memref_squeeze %dma_wait3A_123 : memref<1x128xi32, #tpu.memory_space<vmem>> -> memref<128xi32, #tpu.memory_space<vmem>>
    %dma_wait3A_125 = arith.constant 0 : i32
    %dma_wait3A_126 = arith.constant 0 : i32
    %dma_wait3A_127 = tpu.memref_slice %arg9[%dma_wait3A_125, %dma_wait3A_126] : memref<10112x64xf32, #tpu.memory_space<vmem_shared>> -> memref<10112x64xf32, #tpu.memory_space<vmem_shared>>
    tpu.wait_indirect_dma semaphore(%arg15 : memref<!tpu.dma_semaphore, #tpu.memory_space<semaphore_mem>>) src(%dma_wait3A_121 : memref<128x64xf32, #tpu.memory_space<vmem>>) dst(%dma_wait3A_127 : memref<10112x64xf32, #tpu.memory_space<vmem_shared>>)
    %dma_wait3A_128 = arith.constant 2 : i32
    %dma_wait3A_129 = arith.constant 0 : i32
    %dma_wait3A_130 = arith.constant 0 : i32
    %dma_wait3A_131 = arith.constant 0 : i32
    %dma_wait3A_132 = tpu.memref_slice %arg8[%dma_wait3A_128, %dma_wait3A_130, %dma_wait3A_131] : memref<4x128x64xf32, #tpu.memory_space<vmem>> -> memref<1x128x64xf32, #tpu.memory_space<vmem>>
    %dma_wait3A_133 = tpu.memref_squeeze %dma_wait3A_132 : memref<1x128x64xf32, #tpu.memory_space<vmem>> -> memref<128x64xf32, #tpu.memory_space<vmem>>
    %dma_wait3A_134 = arith.constant 0 : i32
    %dma_wait3A_135 = tpu.memref_slice %arg7[%dma_wait3A_129, %dma_wait3A_134] : memref<152x128xi32, #tpu.memory_space<vmem>> -> memref<1x128xi32, #tpu.memory_space<vmem>>
    %dma_wait3A_136 = tpu.memref_squeeze %dma_wait3A_135 : memref<1x128xi32, #tpu.memory_space<vmem>> -> memref<128xi32, #tpu.memory_space<vmem>>
    %dma_wait3A_137 = arith.constant 0 : i32
    %dma_wait3A_138 = arith.constant 0 : i32
    %dma_wait3A_139 = tpu.memref_slice %arg9[%dma_wait3A_137, %dma_wait3A_138] : memref<10112x64xf32, #tpu.memory_space<vmem_shared>> -> memref<10112x64xf32, #tpu.memory_space<vmem_shared>>
    tpu.wait_indirect_dma semaphore(%arg16 : memref<!tpu.dma_semaphore, #tpu.memory_space<semaphore_mem>>) src(%dma_wait3A_133 : memref<128x64xf32, #tpu.memory_space<vmem>>) dst(%dma_wait3A_139 : memref<10112x64xf32, #tpu.memory_space<vmem_shared>>)
    %dma_wait3A_140 = arith.constant 3 : i32
    %dma_wait3A_141 = arith.constant 0 : i32
    %dma_wait3A_142 = arith.constant 0 : i32
    %dma_wait3A_143 = arith.constant 0 : i32
    %dma_wait3A_144 = tpu.memref_slice %arg8[%dma_wait3A_140, %dma_wait3A_142, %dma_wait3A_143] : memref<4x128x64xf32, #tpu.memory_space<vmem>> -> memref<1x128x64xf32, #tpu.memory_space<vmem>>
    %dma_wait3A_145 = tpu.memref_squeeze %dma_wait3A_144 : memref<1x128x64xf32, #tpu.memory_space<vmem>> -> memref<128x64xf32, #tpu.memory_space<vmem>>
    %dma_wait3A_146 = arith.constant 0 : i32
    %dma_wait3A_147 = tpu.memref_slice %arg7[%dma_wait3A_141, %dma_wait3A_146] : memref<152x128xi32, #tpu.memory_space<vmem>> -> memref<1x128xi32, #tpu.memory_space<vmem>>
    %dma_wait3A_148 = tpu.memref_squeeze %dma_wait3A_147 : memref<1x128xi32, #tpu.memory_space<vmem>> -> memref<128xi32, #tpu.memory_space<vmem>>
    %dma_wait3A_149 = arith.constant 0 : i32
    %dma_wait3A_150 = arith.constant 0 : i32
    %dma_wait3A_151 = tpu.memref_slice %arg9[%dma_wait3A_149, %dma_wait3A_150] : memref<10112x64xf32, #tpu.memory_space<vmem_shared>> -> memref<10112x64xf32, #tpu.memory_space<vmem_shared>>
    tpu.wait_indirect_dma semaphore(%arg17 : memref<!tpu.dma_semaphore, #tpu.memory_space<semaphore_mem>>) src(%dma_wait3A_145 : memref<128x64xf32, #tpu.memory_space<vmem>>) dst(%dma_wait3A_151 : memref<10112x64xf32, #tpu.memory_space<vmem_shared>>)
    %barrier3A_152 = arith.constant 0 : index
    tpu.barrier barrier_id(%barrier3A_152)
    "tpu.region"() ({
      %run_scoped3A_153 = tpu.sem_alloc : memref<!tpu.dma_semaphore, #tpu.memory_space<semaphore_mem>>
      %dma_start3A_154 = arith.constant 0 : i32
      %dma_start3A_155 = tpu.memref_slice %arg5[%arg0, %mul3A_0, %dma_start3A_154] : memref<2x10112x64xf32, #tpu.memory_space<hbm>> -> memref<1x632x64xf32, #tpu.memory_space<hbm>>
      %dma_start3A_156 = tpu.memref_squeeze %dma_start3A_155 : memref<1x632x64xf32, #tpu.memory_space<hbm>> -> memref<632x64xf32, #tpu.memory_space<hbm>>
      %dma_start3A_157 = arith.constant 0 : i32
      %dma_start3A_158 = tpu.memref_slice %arg9[%mul3A_0, %dma_start3A_157] : memref<10112x64xf32, #tpu.memory_space<vmem_shared>> -> memref<632x64xf32, #tpu.memory_space<vmem_shared>>
      tpu.enqueue_dma source(%dma_start3A_158 : memref<632x64xf32, #tpu.memory_space<vmem_shared>>) target(%dma_start3A_156 : memref<632x64xf32, #tpu.memory_space<hbm>>) target_semaphore(%run_scoped3A_153 : memref<!tpu.dma_semaphore, #tpu.memory_space<semaphore_mem>>)
      %dma_wait3A_159 = arith.constant 0 : i32
      %dma_wait3A_160 = tpu.memref_slice %arg5[%arg0, %mul3A_0, %dma_wait3A_159] : memref<2x10112x64xf32, #tpu.memory_space<hbm>> -> memref<1x632x64xf32, #tpu.memory_space<hbm>>
      %dma_wait3A_161 = tpu.memref_squeeze %dma_wait3A_160 : memref<1x632x64xf32, #tpu.memory_space<hbm>> -> memref<632x64xf32, #tpu.memory_space<hbm>>
      %dma_wait3A_162 = arith.constant 0 : i32
      %dma_wait3A_163 = tpu.memref_slice %arg9[%mul3A_0, %dma_wait3A_162] : memref<10112x64xf32, #tpu.memory_space<vmem_shared>> -> memref<632x64xf32, #tpu.memory_space<vmem_shared>>
      tpu.wait_dma2 semaphore(%run_scoped3A_153 : memref<!tpu.dma_semaphore, #tpu.memory_space<semaphore_mem>>) src(%dma_wait3A_163 : memref<632x64xf32, #tpu.memory_space<vmem_shared>>) dst(%dma_wait3A_161 : memref<632x64xf32, #tpu.memory_space<hbm>>)
      tpu.yield
    }) : () -> ()
    return
  }
}

#map = affine_map<(d0, d1) -> (0, 0)>
#map1 = affine_map<(d0, d1) -> (0, 0, 0)>
module attributes {stable_mosaic.version = 14 : i64} {
  func.func @body(%arg0: i32, %arg1: i32, %arg2: memref<10000x64xf32, #tpu.memory_space<hbm>>, %arg3: memref<2560x128xi32, #tpu.memory_space<hbm>>, %arg4: memref<2560x128xi32, #tpu.memory_space<hbm>>, %arg5: memref<128x16xf32, #tpu.memory_space<hbm>>, %arg6: memref<2x10112x64xf32, #tpu.memory_space<hbm>>, %arg7: memref<2x10112x16xf32, #tpu.memory_space<hbm>>, %arg8: memref<152x128xi32, #tpu.memory_space<vmem>>, %arg9: memref<152x128xi32, #tpu.memory_space<vmem>>, %arg10: memref<4x128x64xf32, #tpu.memory_space<vmem>>, %arg11: memref<10112x64xf32, #tpu.memory_space<vmem_shared>>, %arg12: memref<!tpu.dma_semaphore, #tpu.memory_space<semaphore_mem>>, %arg13: memref<!tpu.dma_semaphore, #tpu.memory_space<semaphore_mem>>, %arg14: memref<!tpu.dma_semaphore, #tpu.memory_space<semaphore_mem>>, %arg15: memref<!tpu.dma_semaphore, #tpu.memory_space<semaphore_mem>>, %arg16: memref<!tpu.dma_semaphore, #tpu.memory_space<semaphore_mem>>, %arg17: memref<!tpu.dma_semaphore, #tpu.memory_space<semaphore_mem>>, %arg18: memref<!tpu.dma_semaphore, #tpu.memory_space<semaphore_mem>>, %arg19: memref<!tpu.dma_semaphore, #tpu.memory_space<semaphore_mem>>, %arg20: memref<128x16xf32, #tpu.memory_space<vmem>>, %arg21: memref<128x16xf32, #tpu.memory_space<vmem>>, %arg22: memref<10112x16xf32, #tpu.memory_space<vmem_shared>>, %arg23: memref<!tpu.dma_semaphore, #tpu.memory_space<semaphore_mem>>) attributes {dimension_semantics = [#tpu.dimension_semantics<core_parallel>, #tpu.dimension_semantics<subcore_parallel>], iteration_bounds = array<i64: 2, 16>, scalar_prefetch = 0 : i64, scratch_operands = 16 : i64, tpu.core_type = #tpu.core_type<sc_vector_subcore>, window_params = [{transform_indices = #map}, {transform_indices = #map}, {transform_indices = #map}, {transform_indices = #map}, {transform_indices = #map1}, {transform_indices = #map1}]} {
    %mul3A = arith.constant 632 : i32
    %mul3A_0 = arith.muli %arg1, %mul3A : i32
    %eq3A = arith.constant 0 : i32
    %eq3A_1 = arith.cmpi eq, %arg0, %eq3A : i32
    %jit3A = arith.constant 152 : i32
    %jit3A_2 = arith.constant 8 : i32
    %select_n3A = arith.select %eq3A_1, %jit3A, %jit3A_2 : i32
    %broadcast_in_dim3A = arith.constant 0.000000e+00 : f32
    %broadcast_in_dim3A_3 = vector.broadcast %broadcast_in_dim3A : f32 to vector<16xf32>
    %scan3A = arith.constant 0 : i32
    %scan3A_4 = arith.constant 0 : i32
    %scan3A_5 = arith.constant 0 : i32
    %scan3A_6 = arith.constant 128 : i32
    %scan3A_7 = arith.addi %scan3A_5, %scan3A_6 : i32
    %scan3A_8 = arith.constant 1 : i32
    scf.for %scan3A_177 = %scan3A_5 to %scan3A_7 step %scan3A_8  : i32 {
      %swap3A = arith.constant 0 : i32
      %swap3A_178 = arith.constant 0 : i32
      %swap3A_179 = tpu.memref_slice %arg10[%scan3A_4, %swap3A, %swap3A_178] : memref<4x128x64xf32, #tpu.memory_space<vmem>> -> memref<1x128x64xf32, #tpu.memory_space<vmem>>
      %swap3A_180 = tpu.memref_squeeze %swap3A_179 : memref<1x128x64xf32, #tpu.memory_space<vmem>> -> memref<128x64xf32, #tpu.memory_space<vmem>>
      %swap3A_181 = arith.index_cast %scan3A_177 : i32 to index
      %swap3A_182 = arith.constant 0 : index
      %swap3A_183 = tpu.vector_load %swap3A_180[%swap3A_181, %swap3A_182] {strides = array<i32>} : memref<128x64xf32, #tpu.memory_space<vmem>>, vector<1x16xf32>,
      %swap3A_184 = vector.shape_cast %swap3A_183 : vector<1x16xf32> to vector<16xf32>
      %swap3A_185 = vector.shape_cast %broadcast_in_dim3A_3 : vector<16xf32> to vector<1x16xf32>
      tpu.vector_store %swap3A_180[%swap3A_181, %swap3A_182], %swap3A_185 {strides = array<i32>} : memref<128x64xf32, #tpu.memory_space<vmem>>, vector<1x16xf32>,
      %swap3A_186 = arith.constant 0 : i32
      %swap3A_187 = arith.constant 0 : i32
      %swap3A_188 = tpu.memref_slice %arg10[%scan3A_4, %swap3A_186, %swap3A_187] : memref<4x128x64xf32, #tpu.memory_space<vmem>> -> memref<1x128x64xf32, #tpu.memory_space<vmem>>
      %swap3A_189 = tpu.memref_squeeze %swap3A_188 : memref<1x128x64xf32, #tpu.memory_space<vmem>> -> memref<128x64xf32, #tpu.memory_space<vmem>>
      %swap3A_190 = arith.index_cast %scan3A_177 : i32 to index
      %swap3A_191 = arith.constant 16 : index
      %swap3A_192 = tpu.vector_load %swap3A_189[%swap3A_190, %swap3A_191] {strides = array<i32>} : memref<128x64xf32, #tpu.memory_space<vmem>>, vector<1x16xf32>,
      %swap3A_193 = vector.shape_cast %swap3A_192 : vector<1x16xf32> to vector<16xf32>
      %swap3A_194 = vector.shape_cast %broadcast_in_dim3A_3 : vector<16xf32> to vector<1x16xf32>
      tpu.vector_store %swap3A_189[%swap3A_190, %swap3A_191], %swap3A_194 {strides = array<i32>} : memref<128x64xf32, #tpu.memory_space<vmem>>, vector<1x16xf32>,
      %swap3A_195 = arith.constant 0 : i32
      %swap3A_196 = arith.constant 0 : i32
      %swap3A_197 = tpu.memref_slice %arg10[%scan3A_4, %swap3A_195, %swap3A_196] : memref<4x128x64xf32, #tpu.memory_space<vmem>> -> memref<1x128x64xf32, #tpu.memory_space<vmem>>
      %swap3A_198 = tpu.memref_squeeze %swap3A_197 : memref<1x128x64xf32, #tpu.memory_space<vmem>> -> memref<128x64xf32, #tpu.memory_space<vmem>>
      %swap3A_199 = arith.index_cast %scan3A_177 : i32 to index
      %swap3A_200 = arith.constant 32 : index
      %swap3A_201 = tpu.vector_load %swap3A_198[%swap3A_199, %swap3A_200] {strides = array<i32>} : memref<128x64xf32, #tpu.memory_space<vmem>>, vector<1x16xf32>,
      %swap3A_202 = vector.shape_cast %swap3A_201 : vector<1x16xf32> to vector<16xf32>
      %swap3A_203 = vector.shape_cast %broadcast_in_dim3A_3 : vector<16xf32> to vector<1x16xf32>
      tpu.vector_store %swap3A_198[%swap3A_199, %swap3A_200], %swap3A_203 {strides = array<i32>} : memref<128x64xf32, #tpu.memory_space<vmem>>, vector<1x16xf32>,
      %swap3A_204 = arith.constant 0 : i32
      %swap3A_205 = arith.constant 0 : i32
      %swap3A_206 = tpu.memref_slice %arg10[%scan3A_4, %swap3A_204, %swap3A_205] : memref<4x128x64xf32, #tpu.memory_space<vmem>> -> memref<1x128x64xf32, #tpu.memory_space<vmem>>
      %swap3A_207 = tpu.memref_squeeze %swap3A_206 : memref<1x128x64xf32, #tpu.memory_space<vmem>> -> memref<128x64xf32, #tpu.memory_space<vmem>>
      %swap3A_208 = arith.index_cast %scan3A_177 : i32 to index
      %swap3A_209 = arith.constant 48 : index
      %swap3A_210 = tpu.vector_load %swap3A_207[%swap3A_208, %swap3A_209] {strides = array<i32>} : memref<128x64xf32, #tpu.memory_space<vmem>>, vector<1x16xf32>,
      %swap3A_211 = vector.shape_cast %swap3A_210 : vector<1x16xf32> to vector<16xf32>
      %swap3A_212 = vector.shape_cast %broadcast_in_dim3A_3 : vector<16xf32> to vector<1x16xf32>
      tpu.vector_store %swap3A_207[%swap3A_208, %swap3A_209], %swap3A_212 {strides = array<i32>} : memref<128x64xf32, #tpu.memory_space<vmem>>, vector<1x16xf32>,
    }
    %scan3A_9 = arith.constant 128 : i32
    %add3A = arith.constant 0 : i32
    %add3A_10 = arith.addi %mul3A_0, %add3A : i32
    %run_scoped3A = arith.constant 0 : i32
    "tpu.region"() ({
      %run_scoped3A_177 = tpu.sem_alloc : memref<!tpu.dma_semaphore, #tpu.memory_space<semaphore_mem>>
      %dma_start3A_178 = arith.constant 0 : i32
      %dma_start3A_179 = arith.constant 0 : i32
      %dma_start3A_180 = tpu.memref_slice %arg10[%run_scoped3A, %dma_start3A_178, %dma_start3A_179] : memref<4x128x64xf32, #tpu.memory_space<vmem>> -> memref<1x128x64xf32, #tpu.memory_space<vmem>>
      %dma_start3A_181 = tpu.memref_squeeze %dma_start3A_180 : memref<1x128x64xf32, #tpu.memory_space<vmem>> -> memref<128x64xf32, #tpu.memory_space<vmem>>
      %dma_start3A_182 = arith.constant 0 : i32
      %dma_start3A_183 = tpu.memref_slice %arg11[%add3A_10, %dma_start3A_182] : memref<10112x64xf32, #tpu.memory_space<vmem_shared>> -> memref<128x64xf32, #tpu.memory_space<vmem_shared>>
      %dma_start3A_184 = arith.constant 0 : i32
      %dma_start3A_185 = tpu.memref_slice %arg11[%add3A_10, %dma_start3A_184] : memref<10112x64xf32, #tpu.memory_space<vmem_shared>> -> memref<128x64xf32, #tpu.memory_space<vmem_shared>>
      %dma_start3A_186 = arith.constant 0 : i32
      %dma_start3A_187 = arith.constant 0 : i32
      %dma_start3A_188 = tpu.memref_slice %arg10[%run_scoped3A, %dma_start3A_186, %dma_start3A_187] : memref<4x128x64xf32, #tpu.memory_space<vmem>> -> memref<1x128x64xf32, #tpu.memory_space<vmem>>
      %dma_start3A_189 = tpu.memref_squeeze %dma_start3A_188 : memref<1x128x64xf32, #tpu.memory_space<vmem>> -> memref<128x64xf32, #tpu.memory_space<vmem>>
      tpu.enqueue_dma source(%dma_start3A_189 : memref<128x64xf32, #tpu.memory_space<vmem>>) target(%dma_start3A_185 : memref<128x64xf32, #tpu.memory_space<vmem_shared>>) target_semaphore(%run_scoped3A_177 : memref<!tpu.dma_semaphore, #tpu.memory_space<semaphore_mem>>)
      %dma_wait3A_190 = arith.constant 0 : i32
      %dma_wait3A_191 = arith.constant 0 : i32
      %dma_wait3A_192 = tpu.memref_slice %arg10[%run_scoped3A, %dma_wait3A_190, %dma_wait3A_191] : memref<4x128x64xf32, #tpu.memory_space<vmem>> -> memref<1x128x64xf32, #tpu.memory_space<vmem>>
      %dma_wait3A_193 = tpu.memref_squeeze %dma_wait3A_192 : memref<1x128x64xf32, #tpu.memory_space<vmem>> -> memref<128x64xf32, #tpu.memory_space<vmem>>
      %dma_wait3A_194 = arith.constant 0 : i32
      %dma_wait3A_195 = tpu.memref_slice %arg11[%add3A_10, %dma_wait3A_194] : memref<10112x64xf32, #tpu.memory_space<vmem_shared>> -> memref<128x64xf32, #tpu.memory_space<vmem_shared>>
      %dma_wait3A_196 = arith.constant 0 : i32
      %dma_wait3A_197 = tpu.memref_slice %arg11[%add3A_10, %dma_wait3A_196] : memref<10112x64xf32, #tpu.memory_space<vmem_shared>> -> memref<128x64xf32, #tpu.memory_space<vmem_shared>>
      %dma_wait3A_198 = arith.constant 0 : i32
      %dma_wait3A_199 = arith.constant 0 : i32
      %dma_wait3A_200 = tpu.memref_slice %arg10[%run_scoped3A, %dma_wait3A_198, %dma_wait3A_199] : memref<4x128x64xf32, #tpu.memory_space<vmem>> -> memref<1x128x64xf32, #tpu.memory_space<vmem>>
      %dma_wait3A_201 = tpu.memref_squeeze %dma_wait3A_200 : memref<1x128x64xf32, #tpu.memory_space<vmem>> -> memref<128x64xf32, #tpu.memory_space<vmem>>
      tpu.wait_dma2 semaphore(%run_scoped3A_177 : memref<!tpu.dma_semaphore, #tpu.memory_space<semaphore_mem>>) src(%dma_wait3A_201 : memref<128x64xf32, #tpu.memory_space<vmem>>) dst(%dma_wait3A_197 : memref<128x64xf32, #tpu.memory_space<vmem_shared>>)
      tpu.yield
    }) : () -> ()
    %add3A_11 = arith.constant 128 : i32
    %add3A_12 = arith.addi %mul3A_0, %add3A_11 : i32
    %run_scoped3A_13 = arith.constant 0 : i32
    "tpu.region"() ({
      %run_scoped3A_177 = tpu.sem_alloc : memref<!tpu.dma_semaphore, #tpu.memory_space<semaphore_mem>>
      %dma_start3A_178 = arith.constant 0 : i32
      %dma_start3A_179 = arith.constant 0 : i32
      %dma_start3A_180 = tpu.memref_slice %arg10[%run_scoped3A_13, %dma_start3A_178, %dma_start3A_179] : memref<4x128x64xf32, #tpu.memory_space<vmem>> -> memref<1x128x64xf32, #tpu.memory_space<vmem>>
      %dma_start3A_181 = tpu.memref_squeeze %dma_start3A_180 : memref<1x128x64xf32, #tpu.memory_space<vmem>> -> memref<128x64xf32, #tpu.memory_space<vmem>>
      %dma_start3A_182 = arith.constant 0 : i32
      %dma_start3A_183 = tpu.memref_slice %arg11[%add3A_12, %dma_start3A_182] : memref<10112x64xf32, #tpu.memory_space<vmem_shared>> -> memref<128x64xf32, #tpu.memory_space<vmem_shared>>
      %dma_start3A_184 = arith.constant 0 : i32
      %dma_start3A_185 = tpu.memref_slice %arg11[%add3A_12, %dma_start3A_184] : memref<10112x64xf32, #tpu.memory_space<vmem_shared>> -> memref<128x64xf32, #tpu.memory_space<vmem_shared>>
      %dma_start3A_186 = arith.constant 0 : i32
      %dma_start3A_187 = arith.constant 0 : i32
      %dma_start3A_188 = tpu.memref_slice %arg10[%run_scoped3A_13, %dma_start3A_186, %dma_start3A_187] : memref<4x128x64xf32, #tpu.memory_space<vmem>> -> memref<1x128x64xf32, #tpu.memory_space<vmem>>
      %dma_start3A_189 = tpu.memref_squeeze %dma_start3A_188 : memref<1x128x64xf32, #tpu.memory_space<vmem>> -> memref<128x64xf32, #tpu.memory_space<vmem>>
      tpu.enqueue_dma source(%dma_start3A_189 : memref<128x64xf32, #tpu.memory_space<vmem>>) target(%dma_start3A_185 : memref<128x64xf32, #tpu.memory_space<vmem_shared>>) target_semaphore(%run_scoped3A_177 : memref<!tpu.dma_semaphore, #tpu.memory_space<semaphore_mem>>)
      %dma_wait3A_190 = arith.constant 0 : i32
      %dma_wait3A_191 = arith.constant 0 : i32
      %dma_wait3A_192 = tpu.memref_slice %arg10[%run_scoped3A_13, %dma_wait3A_190, %dma_wait3A_191] : memref<4x128x64xf32, #tpu.memory_space<vmem>> -> memref<1x128x64xf32, #tpu.memory_space<vmem>>
      %dma_wait3A_193 = tpu.memref_squeeze %dma_wait3A_192 : memref<1x128x64xf32, #tpu.memory_space<vmem>> -> memref<128x64xf32, #tpu.memory_space<vmem>>
      %dma_wait3A_194 = arith.constant 0 : i32
      %dma_wait3A_195 = tpu.memref_slice %arg11[%add3A_12, %dma_wait3A_194] : memref<10112x64xf32, #tpu.memory_space<vmem_shared>> -> memref<128x64xf32, #tpu.memory_space<vmem_shared>>
      %dma_wait3A_196 = arith.constant 0 : i32
      %dma_wait3A_197 = tpu.memref_slice %arg11[%add3A_12, %dma_wait3A_196] : memref<10112x64xf32, #tpu.memory_space<vmem_shared>> -> memref<128x64xf32, #tpu.memory_space<vmem_shared>>
      %dma_wait3A_198 = arith.constant 0 : i32
      %dma_wait3A_199 = arith.constant 0 : i32
      %dma_wait3A_200 = tpu.memref_slice %arg10[%run_scoped3A_13, %dma_wait3A_198, %dma_wait3A_199] : memref<4x128x64xf32, #tpu.memory_space<vmem>> -> memref<1x128x64xf32, #tpu.memory_space<vmem>>
      %dma_wait3A_201 = tpu.memref_squeeze %dma_wait3A_200 : memref<1x128x64xf32, #tpu.memory_space<vmem>> -> memref<128x64xf32, #tpu.memory_space<vmem>>
      tpu.wait_dma2 semaphore(%run_scoped3A_177 : memref<!tpu.dma_semaphore, #tpu.memory_space<semaphore_mem>>) src(%dma_wait3A_201 : memref<128x64xf32, #tpu.memory_space<vmem>>) dst(%dma_wait3A_197 : memref<128x64xf32, #tpu.memory_space<vmem_shared>>)
      tpu.yield
    }) : () -> ()
    %add3A_14 = arith.constant 256 : i32
    %add3A_15 = arith.addi %mul3A_0, %add3A_14 : i32
    %run_scoped3A_16 = arith.constant 0 : i32
    "tpu.region"() ({
      %run_scoped3A_177 = tpu.sem_alloc : memref<!tpu.dma_semaphore, #tpu.memory_space<semaphore_mem>>
      %dma_start3A_178 = arith.constant 0 : i32
      %dma_start3A_179 = arith.constant 0 : i32
      %dma_start3A_180 = tpu.memref_slice %arg10[%run_scoped3A_16, %dma_start3A_178, %dma_start3A_179] : memref<4x128x64xf32, #tpu.memory_space<vmem>> -> memref<1x128x64xf32, #tpu.memory_space<vmem>>
      %dma_start3A_181 = tpu.memref_squeeze %dma_start3A_180 : memref<1x128x64xf32, #tpu.memory_space<vmem>> -> memref<128x64xf32, #tpu.memory_space<vmem>>
      %dma_start3A_182 = arith.constant 0 : i32
      %dma_start3A_183 = tpu.memref_slice %arg11[%add3A_15, %dma_start3A_182] : memref<10112x64xf32, #tpu.memory_space<vmem_shared>> -> memref<128x64xf32, #tpu.memory_space<vmem_shared>>
      %dma_start3A_184 = arith.constant 0 : i32
      %dma_start3A_185 = tpu.memref_slice %arg11[%add3A_15, %dma_start3A_184] : memref<10112x64xf32, #tpu.memory_space<vmem_shared>> -> memref<128x64xf32, #tpu.memory_space<vmem_shared>>
      %dma_start3A_186 = arith.constant 0 : i32
      %dma_start3A_187 = arith.constant 0 : i32
      %dma_start3A_188 = tpu.memref_slice %arg10[%run_scoped3A_16, %dma_start3A_186, %dma_start3A_187] : memref<4x128x64xf32, #tpu.memory_space<vmem>> -> memref<1x128x64xf32, #tpu.memory_space<vmem>>
      %dma_start3A_189 = tpu.memref_squeeze %dma_start3A_188 : memref<1x128x64xf32, #tpu.memory_space<vmem>> -> memref<128x64xf32, #tpu.memory_space<vmem>>
      tpu.enqueue_dma source(%dma_start3A_189 : memref<128x64xf32, #tpu.memory_space<vmem>>) target(%dma_start3A_185 : memref<128x64xf32, #tpu.memory_space<vmem_shared>>) target_semaphore(%run_scoped3A_177 : memref<!tpu.dma_semaphore, #tpu.memory_space<semaphore_mem>>)
      %dma_wait3A_190 = arith.constant 0 : i32
      %dma_wait3A_191 = arith.constant 0 : i32
      %dma_wait3A_192 = tpu.memref_slice %arg10[%run_scoped3A_16, %dma_wait3A_190, %dma_wait3A_191] : memref<4x128x64xf32, #tpu.memory_space<vmem>> -> memref<1x128x64xf32, #tpu.memory_space<vmem>>
      %dma_wait3A_193 = tpu.memref_squeeze %dma_wait3A_192 : memref<1x128x64xf32, #tpu.memory_space<vmem>> -> memref<128x64xf32, #tpu.memory_space<vmem>>
      %dma_wait3A_194 = arith.constant 0 : i32
      %dma_wait3A_195 = tpu.memref_slice %arg11[%add3A_15, %dma_wait3A_194] : memref<10112x64xf32, #tpu.memory_space<vmem_shared>> -> memref<128x64xf32, #tpu.memory_space<vmem_shared>>
      %dma_wait3A_196 = arith.constant 0 : i32
      %dma_wait3A_197 = tpu.memref_slice %arg11[%add3A_15, %dma_wait3A_196] : memref<10112x64xf32, #tpu.memory_space<vmem_shared>> -> memref<128x64xf32, #tpu.memory_space<vmem_shared>>
      %dma_wait3A_198 = arith.constant 0 : i32
      %dma_wait3A_199 = arith.constant 0 : i32
      %dma_wait3A_200 = tpu.memref_slice %arg10[%run_scoped3A_16, %dma_wait3A_198, %dma_wait3A_199] : memref<4x128x64xf32, #tpu.memory_space<vmem>> -> memref<1x128x64xf32, #tpu.memory_space<vmem>>
      %dma_wait3A_201 = tpu.memref_squeeze %dma_wait3A_200 : memref<1x128x64xf32, #tpu.memory_space<vmem>> -> memref<128x64xf32, #tpu.memory_space<vmem>>
      tpu.wait_dma2 semaphore(%run_scoped3A_177 : memref<!tpu.dma_semaphore, #tpu.memory_space<semaphore_mem>>) src(%dma_wait3A_201 : memref<128x64xf32, #tpu.memory_space<vmem>>) dst(%dma_wait3A_197 : memref<128x64xf32, #tpu.memory_space<vmem_shared>>)
      tpu.yield
    }) : () -> ()
    %add3A_17 = arith.constant 384 : i32
    %add3A_18 = arith.addi %mul3A_0, %add3A_17 : i32
    %run_scoped3A_19 = arith.constant 0 : i32
    "tpu.region"() ({
      %run_scoped3A_177 = tpu.sem_alloc : memref<!tpu.dma_semaphore, #tpu.memory_space<semaphore_mem>>
      %dma_start3A_178 = arith.constant 0 : i32
      %dma_start3A_179 = arith.constant 0 : i32
      %dma_start3A_180 = tpu.memref_slice %arg10[%run_scoped3A_19, %dma_start3A_178, %dma_start3A_179] : memref<4x128x64xf32, #tpu.memory_space<vmem>> -> memref<1x128x64xf32, #tpu.memory_space<vmem>>
      %dma_start3A_181 = tpu.memref_squeeze %dma_start3A_180 : memref<1x128x64xf32, #tpu.memory_space<vmem>> -> memref<128x64xf32, #tpu.memory_space<vmem>>
      %dma_start3A_182 = arith.constant 0 : i32
      %dma_start3A_183 = tpu.memref_slice %arg11[%add3A_18, %dma_start3A_182] : memref<10112x64xf32, #tpu.memory_space<vmem_shared>> -> memref<128x64xf32, #tpu.memory_space<vmem_shared>>
      %dma_start3A_184 = arith.constant 0 : i32
      %dma_start3A_185 = tpu.memref_slice %arg11[%add3A_18, %dma_start3A_184] : memref<10112x64xf32, #tpu.memory_space<vmem_shared>> -> memref<128x64xf32, #tpu.memory_space<vmem_shared>>
      %dma_start3A_186 = arith.constant 0 : i32
      %dma_start3A_187 = arith.constant 0 : i32
      %dma_start3A_188 = tpu.memref_slice %arg10[%run_scoped3A_19, %dma_start3A_186, %dma_start3A_187] : memref<4x128x64xf32, #tpu.memory_space<vmem>> -> memref<1x128x64xf32, #tpu.memory_space<vmem>>
      %dma_start3A_189 = tpu.memref_squeeze %dma_start3A_188 : memref<1x128x64xf32, #tpu.memory_space<vmem>> -> memref<128x64xf32, #tpu.memory_space<vmem>>
      tpu.enqueue_dma source(%dma_start3A_189 : memref<128x64xf32, #tpu.memory_space<vmem>>) target(%dma_start3A_185 : memref<128x64xf32, #tpu.memory_space<vmem_shared>>) target_semaphore(%run_scoped3A_177 : memref<!tpu.dma_semaphore, #tpu.memory_space<semaphore_mem>>)
      %dma_wait3A_190 = arith.constant 0 : i32
      %dma_wait3A_191 = arith.constant 0 : i32
      %dma_wait3A_192 = tpu.memref_slice %arg10[%run_scoped3A_19, %dma_wait3A_190, %dma_wait3A_191] : memref<4x128x64xf32, #tpu.memory_space<vmem>> -> memref<1x128x64xf32, #tpu.memory_space<vmem>>
      %dma_wait3A_193 = tpu.memref_squeeze %dma_wait3A_192 : memref<1x128x64xf32, #tpu.memory_space<vmem>> -> memref<128x64xf32, #tpu.memory_space<vmem>>
      %dma_wait3A_194 = arith.constant 0 : i32
      %dma_wait3A_195 = tpu.memref_slice %arg11[%add3A_18, %dma_wait3A_194] : memref<10112x64xf32, #tpu.memory_space<vmem_shared>> -> memref<128x64xf32, #tpu.memory_space<vmem_shared>>
      %dma_wait3A_196 = arith.constant 0 : i32
      %dma_wait3A_197 = tpu.memref_slice %arg11[%add3A_18, %dma_wait3A_196] : memref<10112x64xf32, #tpu.memory_space<vmem_shared>> -> memref<128x64xf32, #tpu.memory_space<vmem_shared>>
      %dma_wait3A_198 = arith.constant 0 : i32
      %dma_wait3A_199 = arith.constant 0 : i32
      %dma_wait3A_200 = tpu.memref_slice %arg10[%run_scoped3A_19, %dma_wait3A_198, %dma_wait3A_199] : memref<4x128x64xf32, #tpu.memory_space<vmem>> -> memref<1x128x64xf32, #tpu.memory_space<vmem>>
      %dma_wait3A_201 = tpu.memref_squeeze %dma_wait3A_200 : memref<1x128x64xf32, #tpu.memory_space<vmem>> -> memref<128x64xf32, #tpu.memory_space<vmem>>
      tpu.wait_dma2 semaphore(%run_scoped3A_177 : memref<!tpu.dma_semaphore, #tpu.memory_space<semaphore_mem>>) src(%dma_wait3A_201 : memref<128x64xf32, #tpu.memory_space<vmem>>) dst(%dma_wait3A_197 : memref<128x64xf32, #tpu.memory_space<vmem_shared>>)
      tpu.yield
    }) : () -> ()
    %add3A_20 = arith.constant 512 : i32
    %add3A_21 = arith.addi %mul3A_0, %add3A_20 : i32
    %run_scoped3A_22 = arith.constant 0 : i32
    "tpu.region"() ({
      %run_scoped3A_177 = tpu.sem_alloc : memref<!tpu.dma_semaphore, #tpu.memory_space<semaphore_mem>>
      %dma_start3A_178 = arith.constant 0 : i32
      %dma_start3A_179 = arith.constant 0 : i32
      %dma_start3A_180 = tpu.memref_slice %arg10[%run_scoped3A_22, %dma_start3A_178, %dma_start3A_179] : memref<4x128x64xf32, #tpu.memory_space<vmem>> -> memref<1x128x64xf32, #tpu.memory_space<vmem>>
      %dma_start3A_181 = tpu.memref_squeeze %dma_start3A_180 : memref<1x128x64xf32, #tpu.memory_space<vmem>> -> memref<128x64xf32, #tpu.memory_space<vmem>>
      %dma_start3A_182 = arith.constant 0 : i32
      %dma_start3A_183 = arith.constant 0 : i32
      %dma_start3A_184 = tpu.memref_slice %dma_start3A_181[%dma_start3A_182, %dma_start3A_183] : memref<128x64xf32, #tpu.memory_space<vmem>> -> memref<120x64xf32, #tpu.memory_space<vmem>>
      %dma_start3A_185 = arith.constant 0 : i32
      %dma_start3A_186 = tpu.memref_slice %arg11[%add3A_21, %dma_start3A_185] : memref<10112x64xf32, #tpu.memory_space<vmem_shared>> -> memref<120x64xf32, #tpu.memory_space<vmem_shared>>
      %dma_start3A_187 = arith.constant 0 : i32
      %dma_start3A_188 = tpu.memref_slice %arg11[%add3A_21, %dma_start3A_187] : memref<10112x64xf32, #tpu.memory_space<vmem_shared>> -> memref<120x64xf32, #tpu.memory_space<vmem_shared>>
      %dma_start3A_189 = arith.constant 0 : i32
      %dma_start3A_190 = arith.constant 0 : i32
      %dma_start3A_191 = tpu.memref_slice %arg10[%run_scoped3A_22, %dma_start3A_189, %dma_start3A_190] : memref<4x128x64xf32, #tpu.memory_space<vmem>> -> memref<1x128x64xf32, #tpu.memory_space<vmem>>
      %dma_start3A_192 = tpu.memref_squeeze %dma_start3A_191 : memref<1x128x64xf32, #tpu.memory_space<vmem>> -> memref<128x64xf32, #tpu.memory_space<vmem>>
      %dma_start3A_193 = arith.constant 0 : i32
      %dma_start3A_194 = arith.constant 0 : i32
      %dma_start3A_195 = tpu.memref_slice %dma_start3A_192[%dma_start3A_193, %dma_start3A_194] : memref<128x64xf32, #tpu.memory_space<vmem>> -> memref<120x64xf32, #tpu.memory_space<vmem>>
      tpu.enqueue_dma source(%dma_start3A_195 : memref<120x64xf32, #tpu.memory_space<vmem>>) target(%dma_start3A_188 : memref<120x64xf32, #tpu.memory_space<vmem_shared>>) target_semaphore(%run_scoped3A_177 : memref<!tpu.dma_semaphore, #tpu.memory_space<semaphore_mem>>)
      %dma_wait3A_196 = arith.constant 0 : i32
      %dma_wait3A_197 = arith.constant 0 : i32
      %dma_wait3A_198 = tpu.memref_slice %arg10[%run_scoped3A_22, %dma_wait3A_196, %dma_wait3A_197] : memref<4x128x64xf32, #tpu.memory_space<vmem>> -> memref<1x128x64xf32, #tpu.memory_space<vmem>>
      %dma_wait3A_199 = tpu.memref_squeeze %dma_wait3A_198 : memref<1x128x64xf32, #tpu.memory_space<vmem>> -> memref<128x64xf32, #tpu.memory_space<vmem>>
      %dma_wait3A_200 = arith.constant 0 : i32
      %dma_wait3A_201 = arith.constant 0 : i32
      %dma_wait3A_202 = tpu.memref_slice %dma_wait3A_199[%dma_wait3A_200, %dma_wait3A_201] : memref<128x64xf32, #tpu.memory_space<vmem>> -> memref<120x64xf32, #tpu.memory_space<vmem>>
      %dma_wait3A_203 = arith.constant 0 : i32
      %dma_wait3A_204 = tpu.memref_slice %arg11[%add3A_21, %dma_wait3A_203] : memref<10112x64xf32, #tpu.memory_space<vmem_shared>> -> memref<120x64xf32, #tpu.memory_space<vmem_shared>>
      %dma_wait3A_205 = arith.constant 0 : i32
      %dma_wait3A_206 = tpu.memref_slice %arg11[%add3A_21, %dma_wait3A_205] : memref<10112x64xf32, #tpu.memory_space<vmem_shared>> -> memref<120x64xf32, #tpu.memory_space<vmem_shared>>
      %dma_wait3A_207 = arith.constant 0 : i32
      %dma_wait3A_208 = arith.constant 0 : i32
      %dma_wait3A_209 = tpu.memref_slice %arg10[%run_scoped3A_22, %dma_wait3A_207, %dma_wait3A_208] : memref<4x128x64xf32, #tpu.memory_space<vmem>> -> memref<1x128x64xf32, #tpu.memory_space<vmem>>
      %dma_wait3A_210 = tpu.memref_squeeze %dma_wait3A_209 : memref<1x128x64xf32, #tpu.memory_space<vmem>> -> memref<128x64xf32, #tpu.memory_space<vmem>>
      %dma_wait3A_211 = arith.constant 0 : i32
      %dma_wait3A_212 = arith.constant 0 : i32
      %dma_wait3A_213 = tpu.memref_slice %dma_wait3A_210[%dma_wait3A_211, %dma_wait3A_212] : memref<128x64xf32, #tpu.memory_space<vmem>> -> memref<120x64xf32, #tpu.memory_space<vmem>>
      tpu.wait_dma2 semaphore(%run_scoped3A_177 : memref<!tpu.dma_semaphore, #tpu.memory_space<semaphore_mem>>) src(%dma_wait3A_213 : memref<120x64xf32, #tpu.memory_space<vmem>>) dst(%dma_wait3A_206 : memref<120x64xf32, #tpu.memory_space<vmem_shared>>)
      tpu.yield
    }) : () -> ()
    %broadcast_in_dim3A_23 = arith.constant 0.000000e+00 : f32
    %broadcast_in_dim3A_24 = vector.broadcast %broadcast_in_dim3A_23 : f32 to vector<16xf32>
    %scan3A_25 = arith.constant 0 : i32
    %scan3A_26 = arith.constant 0 : i32
    %scan3A_27 = arith.constant 128 : i32
    %scan3A_28 = arith.addi %scan3A_26, %scan3A_27 : i32
    %scan3A_29 = arith.constant 1 : i32
    scf.for %scan3A_177 = %scan3A_26 to %scan3A_28 step %scan3A_29  : i32 {
      %swap3A = arith.index_cast %scan3A_177 : i32 to index
      %swap3A_178 = arith.constant 0 : index
      %swap3A_179 = tpu.vector_load %arg21[%swap3A, %swap3A_178] {strides = array<i32>} : memref<128x16xf32, #tpu.memory_space<vmem>>, vector<1x16xf32>,
      %swap3A_180 = vector.shape_cast %swap3A_179 : vector<1x16xf32> to vector<16xf32>
      %swap3A_181 = vector.shape_cast %broadcast_in_dim3A_24 : vector<16xf32> to vector<1x16xf32>
      tpu.vector_store %arg21[%swap3A, %swap3A_178], %swap3A_181 {strides = array<i32>} : memref<128x16xf32, #tpu.memory_space<vmem>>, vector<1x16xf32>,
    }
    %scan3A_30 = arith.constant 128 : i32
    %add3A_31 = arith.constant 0 : i32
    %add3A_32 = arith.addi %mul3A_0, %add3A_31 : i32
    "tpu.region"() ({
      %run_scoped3A_177 = tpu.sem_alloc : memref<!tpu.dma_semaphore, #tpu.memory_space<semaphore_mem>>
      %dma_start3A_178 = arith.constant 0 : i32
      %dma_start3A_179 = tpu.memref_slice %arg22[%add3A_32, %dma_start3A_178] : memref<10112x16xf32, #tpu.memory_space<vmem_shared>> -> memref<128x16xf32, #tpu.memory_space<vmem_shared>>
      %dma_start3A_180 = arith.constant 0 : i32
      %dma_start3A_181 = tpu.memref_slice %arg22[%add3A_32, %dma_start3A_180] : memref<10112x16xf32, #tpu.memory_space<vmem_shared>> -> memref<128x16xf32, #tpu.memory_space<vmem_shared>>
      tpu.enqueue_dma source(%arg21 : memref<128x16xf32, #tpu.memory_space<vmem>>) target(%dma_start3A_181 : memref<128x16xf32, #tpu.memory_space<vmem_shared>>) target_semaphore(%run_scoped3A_177 : memref<!tpu.dma_semaphore, #tpu.memory_space<semaphore_mem>>)
      %dma_wait3A_182 = arith.constant 0 : i32
      %dma_wait3A_183 = tpu.memref_slice %arg22[%add3A_32, %dma_wait3A_182] : memref<10112x16xf32, #tpu.memory_space<vmem_shared>> -> memref<128x16xf32, #tpu.memory_space<vmem_shared>>
      %dma_wait3A_184 = arith.constant 0 : i32
      %dma_wait3A_185 = tpu.memref_slice %arg22[%add3A_32, %dma_wait3A_184] : memref<10112x16xf32, #tpu.memory_space<vmem_shared>> -> memref<128x16xf32, #tpu.memory_space<vmem_shared>>
      tpu.wait_dma2 semaphore(%run_scoped3A_177 : memref<!tpu.dma_semaphore, #tpu.memory_space<semaphore_mem>>) src(%arg21 : memref<128x16xf32, #tpu.memory_space<vmem>>) dst(%dma_wait3A_185 : memref<128x16xf32, #tpu.memory_space<vmem_shared>>)
      tpu.yield
    }) : () -> ()
    %add3A_33 = arith.constant 128 : i32
    %add3A_34 = arith.addi %mul3A_0, %add3A_33 : i32
    "tpu.region"() ({
      %run_scoped3A_177 = tpu.sem_alloc : memref<!tpu.dma_semaphore, #tpu.memory_space<semaphore_mem>>
      %dma_start3A_178 = arith.constant 0 : i32
      %dma_start3A_179 = tpu.memref_slice %arg22[%add3A_34, %dma_start3A_178] : memref<10112x16xf32, #tpu.memory_space<vmem_shared>> -> memref<128x16xf32, #tpu.memory_space<vmem_shared>>
      %dma_start3A_180 = arith.constant 0 : i32
      %dma_start3A_181 = tpu.memref_slice %arg22[%add3A_34, %dma_start3A_180] : memref<10112x16xf32, #tpu.memory_space<vmem_shared>> -> memref<128x16xf32, #tpu.memory_space<vmem_shared>>
      tpu.enqueue_dma source(%arg21 : memref<128x16xf32, #tpu.memory_space<vmem>>) target(%dma_start3A_181 : memref<128x16xf32, #tpu.memory_space<vmem_shared>>) target_semaphore(%run_scoped3A_177 : memref<!tpu.dma_semaphore, #tpu.memory_space<semaphore_mem>>)
      %dma_wait3A_182 = arith.constant 0 : i32
      %dma_wait3A_183 = tpu.memref_slice %arg22[%add3A_34, %dma_wait3A_182] : memref<10112x16xf32, #tpu.memory_space<vmem_shared>> -> memref<128x16xf32, #tpu.memory_space<vmem_shared>>
      %dma_wait3A_184 = arith.constant 0 : i32
      %dma_wait3A_185 = tpu.memref_slice %arg22[%add3A_34, %dma_wait3A_184] : memref<10112x16xf32, #tpu.memory_space<vmem_shared>> -> memref<128x16xf32, #tpu.memory_space<vmem_shared>>
      tpu.wait_dma2 semaphore(%run_scoped3A_177 : memref<!tpu.dma_semaphore, #tpu.memory_space<semaphore_mem>>) src(%arg21 : memref<128x16xf32, #tpu.memory_space<vmem>>) dst(%dma_wait3A_185 : memref<128x16xf32, #tpu.memory_space<vmem_shared>>)
      tpu.yield
    }) : () -> ()
    %add3A_35 = arith.constant 256 : i32
    %add3A_36 = arith.addi %mul3A_0, %add3A_35 : i32
    "tpu.region"() ({
      %run_scoped3A_177 = tpu.sem_alloc : memref<!tpu.dma_semaphore, #tpu.memory_space<semaphore_mem>>
      %dma_start3A_178 = arith.constant 0 : i32
      %dma_start3A_179 = tpu.memref_slice %arg22[%add3A_36, %dma_start3A_178] : memref<10112x16xf32, #tpu.memory_space<vmem_shared>> -> memref<128x16xf32, #tpu.memory_space<vmem_shared>>
      %dma_start3A_180 = arith.constant 0 : i32
      %dma_start3A_181 = tpu.memref_slice %arg22[%add3A_36, %dma_start3A_180] : memref<10112x16xf32, #tpu.memory_space<vmem_shared>> -> memref<128x16xf32, #tpu.memory_space<vmem_shared>>
      tpu.enqueue_dma source(%arg21 : memref<128x16xf32, #tpu.memory_space<vmem>>) target(%dma_start3A_181 : memref<128x16xf32, #tpu.memory_space<vmem_shared>>) target_semaphore(%run_scoped3A_177 : memref<!tpu.dma_semaphore, #tpu.memory_space<semaphore_mem>>)
      %dma_wait3A_182 = arith.constant 0 : i32
      %dma_wait3A_183 = tpu.memref_slice %arg22[%add3A_36, %dma_wait3A_182] : memref<10112x16xf32, #tpu.memory_space<vmem_shared>> -> memref<128x16xf32, #tpu.memory_space<vmem_shared>>
      %dma_wait3A_184 = arith.constant 0 : i32
      %dma_wait3A_185 = tpu.memref_slice %arg22[%add3A_36, %dma_wait3A_184] : memref<10112x16xf32, #tpu.memory_space<vmem_shared>> -> memref<128x16xf32, #tpu.memory_space<vmem_shared>>
      tpu.wait_dma2 semaphore(%run_scoped3A_177 : memref<!tpu.dma_semaphore, #tpu.memory_space<semaphore_mem>>) src(%arg21 : memref<128x16xf32, #tpu.memory_space<vmem>>) dst(%dma_wait3A_185 : memref<128x16xf32, #tpu.memory_space<vmem_shared>>)
      tpu.yield
    }) : () -> ()
    %add3A_37 = arith.constant 384 : i32
    %add3A_38 = arith.addi %mul3A_0, %add3A_37 : i32
    "tpu.region"() ({
      %run_scoped3A_177 = tpu.sem_alloc : memref<!tpu.dma_semaphore, #tpu.memory_space<semaphore_mem>>
      %dma_start3A_178 = arith.constant 0 : i32
      %dma_start3A_179 = tpu.memref_slice %arg22[%add3A_38, %dma_start3A_178] : memref<10112x16xf32, #tpu.memory_space<vmem_shared>> -> memref<128x16xf32, #tpu.memory_space<vmem_shared>>
      %dma_start3A_180 = arith.constant 0 : i32
      %dma_start3A_181 = tpu.memref_slice %arg22[%add3A_38, %dma_start3A_180] : memref<10112x16xf32, #tpu.memory_space<vmem_shared>> -> memref<128x16xf32, #tpu.memory_space<vmem_shared>>
      tpu.enqueue_dma source(%arg21 : memref<128x16xf32, #tpu.memory_space<vmem>>) target(%dma_start3A_181 : memref<128x16xf32, #tpu.memory_space<vmem_shared>>) target_semaphore(%run_scoped3A_177 : memref<!tpu.dma_semaphore, #tpu.memory_space<semaphore_mem>>)
      %dma_wait3A_182 = arith.constant 0 : i32
      %dma_wait3A_183 = tpu.memref_slice %arg22[%add3A_38, %dma_wait3A_182] : memref<10112x16xf32, #tpu.memory_space<vmem_shared>> -> memref<128x16xf32, #tpu.memory_space<vmem_shared>>
      %dma_wait3A_184 = arith.constant 0 : i32
      %dma_wait3A_185 = tpu.memref_slice %arg22[%add3A_38, %dma_wait3A_184] : memref<10112x16xf32, #tpu.memory_space<vmem_shared>> -> memref<128x16xf32, #tpu.memory_space<vmem_shared>>
      tpu.wait_dma2 semaphore(%run_scoped3A_177 : memref<!tpu.dma_semaphore, #tpu.memory_space<semaphore_mem>>) src(%arg21 : memref<128x16xf32, #tpu.memory_space<vmem>>) dst(%dma_wait3A_185 : memref<128x16xf32, #tpu.memory_space<vmem_shared>>)
      tpu.yield
    }) : () -> ()
    %add3A_39 = arith.constant 512 : i32
    %add3A_40 = arith.addi %mul3A_0, %add3A_39 : i32
    "tpu.region"() ({
      %run_scoped3A_177 = tpu.sem_alloc : memref<!tpu.dma_semaphore, #tpu.memory_space<semaphore_mem>>
      %dma_start3A_178 = arith.constant 0 : i32
      %dma_start3A_179 = arith.constant 0 : i32
      %dma_start3A_180 = tpu.memref_slice %arg21[%dma_start3A_178, %dma_start3A_179] : memref<128x16xf32, #tpu.memory_space<vmem>> -> memref<120x16xf32, #tpu.memory_space<vmem>>
      %dma_start3A_181 = arith.constant 0 : i32
      %dma_start3A_182 = tpu.memref_slice %arg22[%add3A_40, %dma_start3A_181] : memref<10112x16xf32, #tpu.memory_space<vmem_shared>> -> memref<120x16xf32, #tpu.memory_space<vmem_shared>>
      %dma_start3A_183 = arith.constant 0 : i32
      %dma_start3A_184 = tpu.memref_slice %arg22[%add3A_40, %dma_start3A_183] : memref<10112x16xf32, #tpu.memory_space<vmem_shared>> -> memref<120x16xf32, #tpu.memory_space<vmem_shared>>
      %dma_start3A_185 = arith.constant 0 : i32
      %dma_start3A_186 = arith.constant 0 : i32
      %dma_start3A_187 = tpu.memref_slice %arg21[%dma_start3A_185, %dma_start3A_186] : memref<128x16xf32, #tpu.memory_space<vmem>> -> memref<120x16xf32, #tpu.memory_space<vmem>>
      tpu.enqueue_dma source(%dma_start3A_187 : memref<120x16xf32, #tpu.memory_space<vmem>>) target(%dma_start3A_184 : memref<120x16xf32, #tpu.memory_space<vmem_shared>>) target_semaphore(%run_scoped3A_177 : memref<!tpu.dma_semaphore, #tpu.memory_space<semaphore_mem>>)
      %dma_wait3A_188 = arith.constant 0 : i32
      %dma_wait3A_189 = arith.constant 0 : i32
      %dma_wait3A_190 = tpu.memref_slice %arg21[%dma_wait3A_188, %dma_wait3A_189] : memref<128x16xf32, #tpu.memory_space<vmem>> -> memref<120x16xf32, #tpu.memory_space<vmem>>
      %dma_wait3A_191 = arith.constant 0 : i32
      %dma_wait3A_192 = tpu.memref_slice %arg22[%add3A_40, %dma_wait3A_191] : memref<10112x16xf32, #tpu.memory_space<vmem_shared>> -> memref<120x16xf32, #tpu.memory_space<vmem_shared>>
      %dma_wait3A_193 = arith.constant 0 : i32
      %dma_wait3A_194 = tpu.memref_slice %arg22[%add3A_40, %dma_wait3A_193] : memref<10112x16xf32, #tpu.memory_space<vmem_shared>> -> memref<120x16xf32, #tpu.memory_space<vmem_shared>>
      %dma_wait3A_195 = arith.constant 0 : i32
      %dma_wait3A_196 = arith.constant 0 : i32
      %dma_wait3A_197 = tpu.memref_slice %arg21[%dma_wait3A_195, %dma_wait3A_196] : memref<128x16xf32, #tpu.memory_space<vmem>> -> memref<120x16xf32, #tpu.memory_space<vmem>>
      tpu.wait_dma2 semaphore(%run_scoped3A_177 : memref<!tpu.dma_semaphore, #tpu.memory_space<semaphore_mem>>) src(%dma_wait3A_197 : memref<120x16xf32, #tpu.memory_space<vmem>>) dst(%dma_wait3A_194 : memref<120x16xf32, #tpu.memory_space<vmem_shared>>)
      tpu.yield
    }) : () -> ()
    "tpu.region"() ({
      %run_scoped3A_177 = tpu.sem_alloc : memref<!tpu.dma_semaphore, #tpu.memory_space<semaphore_mem>>
      tpu.enqueue_dma source(%arg5 : memref<128x16xf32, #tpu.memory_space<hbm>>) target(%arg20 : memref<128x16xf32, #tpu.memory_space<vmem>>) target_semaphore(%run_scoped3A_177 : memref<!tpu.dma_semaphore, #tpu.memory_space<semaphore_mem>>)
      tpu.wait_dma2 semaphore(%run_scoped3A_177 : memref<!tpu.dma_semaphore, #tpu.memory_space<semaphore_mem>>) src(%arg5 : memref<128x16xf32, #tpu.memory_space<hbm>>) dst(%arg20 : memref<128x16xf32, #tpu.memory_space<vmem>>)
      tpu.yield
    }) : () -> ()
    %eq3A_41 = arith.constant 0 : i32
    %eq3A_42 = arith.cmpi eq, %arg0, %eq3A_41 : i32
    %convert_element_type3A = arith.extui %eq3A_42 : i1 to i32
    %cond3A = arith.constant 0 : i32
    %cond3A_43 = arith.cmpi ne, %convert_element_type3A, %cond3A : i32
    scf.if %cond3A_43 {
      %mul3A_177 = arith.constant 152 : i32
      %mul3A_178 = arith.muli %arg1, %mul3A_177 : i32
      "tpu.region"() ({
        %run_scoped3A_181 = tpu.sem_alloc : memref<!tpu.dma_semaphore, #tpu.memory_space<semaphore_mem>>
        %dma_start3A_182 = arith.constant 0 : i32
        %dma_start3A_183 = tpu.memref_slice %arg3[%mul3A_178, %dma_start3A_182] : memref<2560x128xi32, #tpu.memory_space<hbm>> -> memref<152x128xi32, #tpu.memory_space<hbm>>
        %dma_start3A_184 = arith.constant 0 : i32
        %dma_start3A_185 = tpu.memref_slice %arg3[%mul3A_178, %dma_start3A_184] : memref<2560x128xi32, #tpu.memory_space<hbm>> -> memref<152x128xi32, #tpu.memory_space<hbm>>
        tpu.enqueue_dma source(%dma_start3A_185 : memref<152x128xi32, #tpu.memory_space<hbm>>) target(%arg8 : memref<152x128xi32, #tpu.memory_space<vmem>>) target_semaphore(%run_scoped3A_181 : memref<!tpu.dma_semaphore, #tpu.memory_space<semaphore_mem>>)
        %dma_wait3A_186 = arith.constant 0 : i32
        %dma_wait3A_187 = tpu.memref_slice %arg3[%mul3A_178, %dma_wait3A_186] : memref<2560x128xi32, #tpu.memory_space<hbm>> -> memref<152x128xi32, #tpu.memory_space<hbm>>
        %dma_wait3A_188 = arith.constant 0 : i32
        %dma_wait3A_189 = tpu.memref_slice %arg3[%mul3A_178, %dma_wait3A_188] : memref<2560x128xi32, #tpu.memory_space<hbm>> -> memref<152x128xi32, #tpu.memory_space<hbm>>
        tpu.wait_dma2 semaphore(%run_scoped3A_181 : memref<!tpu.dma_semaphore, #tpu.memory_space<semaphore_mem>>) src(%dma_wait3A_189 : memref<152x128xi32, #tpu.memory_space<hbm>>) dst(%arg8 : memref<152x128xi32, #tpu.memory_space<vmem>>)
        tpu.yield
      }) : () -> ()
      %mul3A_179 = arith.constant 152 : i32
      %mul3A_180 = arith.muli %arg1, %mul3A_179 : i32
      "tpu.region"() ({
        %run_scoped3A_181 = tpu.sem_alloc : memref<!tpu.dma_semaphore, #tpu.memory_space<semaphore_mem>>
        %dma_start3A_182 = arith.constant 0 : i32
        %dma_start3A_183 = tpu.memref_slice %arg4[%mul3A_180, %dma_start3A_182] : memref<2560x128xi32, #tpu.memory_space<hbm>> -> memref<152x128xi32, #tpu.memory_space<hbm>>
        %dma_start3A_184 = arith.constant 0 : i32
        %dma_start3A_185 = tpu.memref_slice %arg4[%mul3A_180, %dma_start3A_184] : memref<2560x128xi32, #tpu.memory_space<hbm>> -> memref<152x128xi32, #tpu.memory_space<hbm>>
        tpu.enqueue_dma source(%dma_start3A_185 : memref<152x128xi32, #tpu.memory_space<hbm>>) target(%arg9 : memref<152x128xi32, #tpu.memory_space<vmem>>) target_semaphore(%run_scoped3A_181 : memref<!tpu.dma_semaphore, #tpu.memory_space<semaphore_mem>>)
        %dma_wait3A_186 = arith.constant 0 : i32
        %dma_wait3A_187 = tpu.memref_slice %arg4[%mul3A_180, %dma_wait3A_186] : memref<2560x128xi32, #tpu.memory_space<hbm>> -> memref<152x128xi32, #tpu.memory_space<hbm>>
        %dma_wait3A_188 = arith.constant 0 : i32
        %dma_wait3A_189 = tpu.memref_slice %arg4[%mul3A_180, %dma_wait3A_188] : memref<2560x128xi32, #tpu.memory_space<hbm>> -> memref<152x128xi32, #tpu.memory_space<hbm>>
        tpu.wait_dma2 semaphore(%run_scoped3A_181 : memref<!tpu.dma_semaphore, #tpu.memory_space<semaphore_mem>>) src(%dma_wait3A_189 : memref<152x128xi32, #tpu.memory_space<hbm>>) dst(%arg9 : memref<152x128xi32, #tpu.memory_space<vmem>>)
        tpu.yield
      }) : () -> ()
    } else {
    }
    %eq3A_44 = arith.constant 1 : i32
    %eq3A_45 = arith.cmpi eq, %arg0, %eq3A_44 : i32
    %convert_element_type3A_46 = arith.extui %eq3A_45 : i1 to i32
    %cond3A_47 = arith.constant 0 : i32
    %cond3A_48 = arith.cmpi ne, %convert_element_type3A_46, %cond3A_47 : i32
    scf.if %cond3A_48 {
      %mul3A_177 = arith.constant 8 : i32
      %mul3A_178 = arith.muli %arg1, %mul3A_177 : i32
      %add3A_179 = arith.constant 2432 : i32
      %add3A_180 = arith.addi %add3A_179, %mul3A_178 : i32
      "tpu.region"() ({
        %run_scoped3A_181 = tpu.sem_alloc : memref<!tpu.dma_semaphore, #tpu.memory_space<semaphore_mem>>
        %dma_start3A_182 = arith.constant 0 : i32
        %dma_start3A_183 = arith.constant 0 : i32
        %dma_start3A_184 = tpu.memref_slice %arg8[%dma_start3A_182, %dma_start3A_183] : memref<152x128xi32, #tpu.memory_space<vmem>> -> memref<8x128xi32, #tpu.memory_space<vmem>>
        %dma_start3A_185 = arith.constant 0 : i32
        %dma_start3A_186 = tpu.memref_slice %arg3[%add3A_180, %dma_start3A_185] : memref<2560x128xi32, #tpu.memory_space<hbm>> -> memref<8x128xi32, #tpu.memory_space<hbm>>
        %dma_start3A_187 = arith.constant 0 : i32
        %dma_start3A_188 = arith.constant 0 : i32
        %dma_start3A_189 = tpu.memref_slice %arg8[%dma_start3A_187, %dma_start3A_188] : memref<152x128xi32, #tpu.memory_space<vmem>> -> memref<8x128xi32, #tpu.memory_space<vmem>>
        %dma_start3A_190 = arith.constant 0 : i32
        %dma_start3A_191 = tpu.memref_slice %arg3[%add3A_180, %dma_start3A_190] : memref<2560x128xi32, #tpu.memory_space<hbm>> -> memref<8x128xi32, #tpu.memory_space<hbm>>
        tpu.enqueue_dma source(%dma_start3A_191 : memref<8x128xi32, #tpu.memory_space<hbm>>) target(%dma_start3A_189 : memref<8x128xi32, #tpu.memory_space<vmem>>) target_semaphore(%run_scoped3A_181 : memref<!tpu.dma_semaphore, #tpu.memory_space<semaphore_mem>>)
        %dma_wait3A_192 = arith.constant 0 : i32
        %dma_wait3A_193 = arith.constant 0 : i32
        %dma_wait3A_194 = tpu.memref_slice %arg8[%dma_wait3A_192, %dma_wait3A_193] : memref<152x128xi32, #tpu.memory_space<vmem>> -> memref<8x128xi32, #tpu.memory_space<vmem>>
        %dma_wait3A_195 = arith.constant 0 : i32
        %dma_wait3A_196 = tpu.memref_slice %arg3[%add3A_180, %dma_wait3A_195] : memref<2560x128xi32, #tpu.memory_space<hbm>> -> memref<8x128xi32, #tpu.memory_space<hbm>>
        %dma_wait3A_197 = arith.constant 0 : i32
        %dma_wait3A_198 = arith.constant 0 : i32
        %dma_wait3A_199 = tpu.memref_slice %arg8[%dma_wait3A_197, %dma_wait3A_198] : memref<152x128xi32, #tpu.memory_space<vmem>> -> memref<8x128xi32, #tpu.memory_space<vmem>>
        %dma_wait3A_200 = arith.constant 0 : i32
        %dma_wait3A_201 = tpu.memref_slice %arg3[%add3A_180, %dma_wait3A_200] : memref<2560x128xi32, #tpu.memory_space<hbm>> -> memref<8x128xi32, #tpu.memory_space<hbm>>
        tpu.wait_dma2 semaphore(%run_scoped3A_181 : memref<!tpu.dma_semaphore, #tpu.memory_space<semaphore_mem>>) src(%dma_wait3A_201 : memref<8x128xi32, #tpu.memory_space<hbm>>) dst(%dma_wait3A_199 : memref<8x128xi32, #tpu.memory_space<vmem>>)
        tpu.yield
      }) : () -> ()
      "tpu.region"() ({
        %run_scoped3A_181 = tpu.sem_alloc : memref<!tpu.dma_semaphore, #tpu.memory_space<semaphore_mem>>
        %dma_start3A_182 = arith.constant 0 : i32
        %dma_start3A_183 = arith.constant 0 : i32
        %dma_start3A_184 = tpu.memref_slice %arg9[%dma_start3A_182, %dma_start3A_183] : memref<152x128xi32, #tpu.memory_space<vmem>> -> memref<8x128xi32, #tpu.memory_space<vmem>>
        %dma_start3A_185 = arith.constant 0 : i32
        %dma_start3A_186 = tpu.memref_slice %arg4[%add3A_180, %dma_start3A_185] : memref<2560x128xi32, #tpu.memory_space<hbm>> -> memref<8x128xi32, #tpu.memory_space<hbm>>
        %dma_start3A_187 = arith.constant 0 : i32
        %dma_start3A_188 = arith.constant 0 : i32
        %dma_start3A_189 = tpu.memref_slice %arg9[%dma_start3A_187, %dma_start3A_188] : memref<152x128xi32, #tpu.memory_space<vmem>> -> memref<8x128xi32, #tpu.memory_space<vmem>>
        %dma_start3A_190 = arith.constant 0 : i32
        %dma_start3A_191 = tpu.memref_slice %arg4[%add3A_180, %dma_start3A_190] : memref<2560x128xi32, #tpu.memory_space<hbm>> -> memref<8x128xi32, #tpu.memory_space<hbm>>
        tpu.enqueue_dma source(%dma_start3A_191 : memref<8x128xi32, #tpu.memory_space<hbm>>) target(%dma_start3A_189 : memref<8x128xi32, #tpu.memory_space<vmem>>) target_semaphore(%run_scoped3A_181 : memref<!tpu.dma_semaphore, #tpu.memory_space<semaphore_mem>>)
        %dma_wait3A_192 = arith.constant 0 : i32
        %dma_wait3A_193 = arith.constant 0 : i32
        %dma_wait3A_194 = tpu.memref_slice %arg9[%dma_wait3A_192, %dma_wait3A_193] : memref<152x128xi32, #tpu.memory_space<vmem>> -> memref<8x128xi32, #tpu.memory_space<vmem>>
        %dma_wait3A_195 = arith.constant 0 : i32
        %dma_wait3A_196 = tpu.memref_slice %arg4[%add3A_180, %dma_wait3A_195] : memref<2560x128xi32, #tpu.memory_space<hbm>> -> memref<8x128xi32, #tpu.memory_space<hbm>>
        %dma_wait3A_197 = arith.constant 0 : i32
        %dma_wait3A_198 = arith.constant 0 : i32
        %dma_wait3A_199 = tpu.memref_slice %arg9[%dma_wait3A_197, %dma_wait3A_198] : memref<152x128xi32, #tpu.memory_space<vmem>> -> memref<8x128xi32, #tpu.memory_space<vmem>>
        %dma_wait3A_200 = arith.constant 0 : i32
        %dma_wait3A_201 = tpu.memref_slice %arg4[%add3A_180, %dma_wait3A_200] : memref<2560x128xi32, #tpu.memory_space<hbm>> -> memref<8x128xi32, #tpu.memory_space<hbm>>
        tpu.wait_dma2 semaphore(%run_scoped3A_181 : memref<!tpu.dma_semaphore, #tpu.memory_space<semaphore_mem>>) src(%dma_wait3A_201 : memref<8x128xi32, #tpu.memory_space<hbm>>) dst(%dma_wait3A_199 : memref<8x128xi32, #tpu.memory_space<vmem>>)
        tpu.yield
      }) : () -> ()
    } else {
    }
    %barrier3A = arith.constant 0 : index
    tpu.barrier barrier_id(%barrier3A)
    %dma_start3A = arith.constant 0 : i32
    %dma_start3A_49 = arith.constant 0 : i32
    %dma_start3A_50 = arith.constant 0 : i32
    %dma_start3A_51 = arith.constant 0 : i32
    %dma_start3A_52 = tpu.memref_slice %arg10[%dma_start3A_49, %dma_start3A_50, %dma_start3A_51] : memref<4x128x64xf32, #tpu.memory_space<vmem>> -> memref<1x128x64xf32, #tpu.memory_space<vmem>>
    %dma_start3A_53 = tpu.memref_squeeze %dma_start3A_52 : memref<1x128x64xf32, #tpu.memory_space<vmem>> -> memref<128x64xf32, #tpu.memory_space<vmem>>
    %dma_start3A_54 = arith.constant 0 : i32
    %dma_start3A_55 = tpu.memref_slice %arg8[%dma_start3A, %dma_start3A_54] : memref<152x128xi32, #tpu.memory_space<vmem>> -> memref<1x128xi32, #tpu.memory_space<vmem>>
    %dma_start3A_56 = tpu.memref_squeeze %dma_start3A_55 : memref<1x128xi32, #tpu.memory_space<vmem>> -> memref<128xi32, #tpu.memory_space<vmem>>
    %dma_start3A_57 = arith.constant 0 : i32
    %dma_start3A_58 = arith.constant 0 : i32
    %dma_start3A_59 = tpu.memref_slice %arg2[%dma_start3A_57, %dma_start3A_58] : memref<10000x64xf32, #tpu.memory_space<hbm>> -> memref<10000x64xf32, #tpu.memory_space<hbm>>
    tpu.enqueue_indirect_dma source(%dma_start3A_59 : memref<10000x64xf32, #tpu.memory_space<hbm>>) target(%dma_start3A_53 : memref<128x64xf32, #tpu.memory_space<vmem>>) offsets(%dma_start3A_56 : memref<128xi32, #tpu.memory_space<vmem>>) semaphore(%arg12 : memref<!tpu.dma_semaphore, #tpu.memory_space<semaphore_mem>>)
    %dma_start3A_60 = arith.constant 1 : i32
    %dma_start3A_61 = arith.constant 1 : i32
    %dma_start3A_62 = arith.constant 0 : i32
    %dma_start3A_63 = arith.constant 0 : i32
    %dma_start3A_64 = tpu.memref_slice %arg10[%dma_start3A_61, %dma_start3A_62, %dma_start3A_63] : memref<4x128x64xf32, #tpu.memory_space<vmem>> -> memref<1x128x64xf32, #tpu.memory_space<vmem>>
    %dma_start3A_65 = tpu.memref_squeeze %dma_start3A_64 : memref<1x128x64xf32, #tpu.memory_space<vmem>> -> memref<128x64xf32, #tpu.memory_space<vmem>>
    %dma_start3A_66 = arith.constant 0 : i32
    %dma_start3A_67 = tpu.memref_slice %arg8[%dma_start3A_60, %dma_start3A_66] : memref<152x128xi32, #tpu.memory_space<vmem>> -> memref<1x128xi32, #tpu.memory_space<vmem>>
    %dma_start3A_68 = tpu.memref_squeeze %dma_start3A_67 : memref<1x128xi32, #tpu.memory_space<vmem>> -> memref<128xi32, #tpu.memory_space<vmem>>
    %dma_start3A_69 = arith.constant 0 : i32
    %dma_start3A_70 = arith.constant 0 : i32
    %dma_start3A_71 = tpu.memref_slice %arg2[%dma_start3A_69, %dma_start3A_70] : memref<10000x64xf32, #tpu.memory_space<hbm>> -> memref<10000x64xf32, #tpu.memory_space<hbm>>
    tpu.enqueue_indirect_dma source(%dma_start3A_71 : memref<10000x64xf32, #tpu.memory_space<hbm>>) target(%dma_start3A_65 : memref<128x64xf32, #tpu.memory_space<vmem>>) offsets(%dma_start3A_68 : memref<128xi32, #tpu.memory_space<vmem>>) semaphore(%arg13 : memref<!tpu.dma_semaphore, #tpu.memory_space<semaphore_mem>>)
    %dma_start3A_72 = arith.constant 2 : i32
    %dma_start3A_73 = arith.constant 2 : i32
    %dma_start3A_74 = arith.constant 0 : i32
    %dma_start3A_75 = arith.constant 0 : i32
    %dma_start3A_76 = tpu.memref_slice %arg10[%dma_start3A_73, %dma_start3A_74, %dma_start3A_75] : memref<4x128x64xf32, #tpu.memory_space<vmem>> -> memref<1x128x64xf32, #tpu.memory_space<vmem>>
    %dma_start3A_77 = tpu.memref_squeeze %dma_start3A_76 : memref<1x128x64xf32, #tpu.memory_space<vmem>> -> memref<128x64xf32, #tpu.memory_space<vmem>>
    %dma_start3A_78 = arith.constant 0 : i32
    %dma_start3A_79 = tpu.memref_slice %arg8[%dma_start3A_72, %dma_start3A_78] : memref<152x128xi32, #tpu.memory_space<vmem>> -> memref<1x128xi32, #tpu.memory_space<vmem>>
    %dma_start3A_80 = tpu.memref_squeeze %dma_start3A_79 : memref<1x128xi32, #tpu.memory_space<vmem>> -> memref<128xi32, #tpu.memory_space<vmem>>
    %dma_start3A_81 = arith.constant 0 : i32
    %dma_start3A_82 = arith.constant 0 : i32
    %dma_start3A_83 = tpu.memref_slice %arg2[%dma_start3A_81, %dma_start3A_82] : memref<10000x64xf32, #tpu.memory_space<hbm>> -> memref<10000x64xf32, #tpu.memory_space<hbm>>
    tpu.enqueue_indirect_dma source(%dma_start3A_83 : memref<10000x64xf32, #tpu.memory_space<hbm>>) target(%dma_start3A_77 : memref<128x64xf32, #tpu.memory_space<vmem>>) offsets(%dma_start3A_80 : memref<128xi32, #tpu.memory_space<vmem>>) semaphore(%arg14 : memref<!tpu.dma_semaphore, #tpu.memory_space<semaphore_mem>>)
    %dma_start3A_84 = arith.constant 3 : i32
    %dma_start3A_85 = arith.constant 3 : i32
    %dma_start3A_86 = arith.constant 0 : i32
    %dma_start3A_87 = arith.constant 0 : i32
    %dma_start3A_88 = tpu.memref_slice %arg10[%dma_start3A_85, %dma_start3A_86, %dma_start3A_87] : memref<4x128x64xf32, #tpu.memory_space<vmem>> -> memref<1x128x64xf32, #tpu.memory_space<vmem>>
    %dma_start3A_89 = tpu.memref_squeeze %dma_start3A_88 : memref<1x128x64xf32, #tpu.memory_space<vmem>> -> memref<128x64xf32, #tpu.memory_space<vmem>>
    %dma_start3A_90 = arith.constant 0 : i32
    %dma_start3A_91 = tpu.memref_slice %arg8[%dma_start3A_84, %dma_start3A_90] : memref<152x128xi32, #tpu.memory_space<vmem>> -> memref<1x128xi32, #tpu.memory_space<vmem>>
    %dma_start3A_92 = tpu.memref_squeeze %dma_start3A_91 : memref<1x128xi32, #tpu.memory_space<vmem>> -> memref<128xi32, #tpu.memory_space<vmem>>
    %dma_start3A_93 = arith.constant 0 : i32
    %dma_start3A_94 = arith.constant 0 : i32
    %dma_start3A_95 = tpu.memref_slice %arg2[%dma_start3A_93, %dma_start3A_94] : memref<10000x64xf32, #tpu.memory_space<hbm>> -> memref<10000x64xf32, #tpu.memory_space<hbm>>
    tpu.enqueue_indirect_dma source(%dma_start3A_95 : memref<10000x64xf32, #tpu.memory_space<hbm>>) target(%dma_start3A_89 : memref<128x64xf32, #tpu.memory_space<vmem>>) offsets(%dma_start3A_92 : memref<128xi32, #tpu.memory_space<vmem>>) semaphore(%arg15 : memref<!tpu.dma_semaphore, #tpu.memory_space<semaphore_mem>>)
    %jit3A_96 = arith.constant 4 : i32
    %div3A = arith.divsi %select_n3A, %jit3A_96 : i32
    %sign3A = arith.constant 0 : i32
    %sign3A_97 = arith.cmpi sgt, %select_n3A, %sign3A : i32
    %sign3A_98 = arith.extui %sign3A_97 : i1 to i32
    %sign3A_99 = arith.constant 0 : i32
    %sign3A_100 = arith.cmpi slt, %select_n3A, %sign3A_99 : i32
    %sign3A_101 = arith.extui %sign3A_100 : i1 to i32
    %sign3A_102 = arith.subi %sign3A_98, %sign3A_101 : i32
    %sign3A_103 = arith.constant 0 : i32
    %sign3A_104 = arith.cmpi sgt, %jit3A_96, %sign3A_103 : i32
    %sign3A_105 = arith.extui %sign3A_104 : i1 to i32
    %sign3A_106 = arith.constant 0 : i32
    %sign3A_107 = arith.cmpi slt, %jit3A_96, %sign3A_106 : i32
    %sign3A_108 = arith.extui %sign3A_107 : i1 to i32
    %sign3A_109 = arith.subi %sign3A_105, %sign3A_108 : i32
    %ne3A = arith.cmpi ne, %sign3A_102, %sign3A_109 : i32
    %rem3A = arith.remsi %select_n3A, %jit3A_96 : i32
    %ne3A_110 = arith.constant 0 : i32
    %ne3A_111 = arith.cmpi ne, %rem3A, %ne3A_110 : i32
    %and3A = arith.andi %ne3A, %ne3A_111 : i1
    %sub3A = arith.constant 1 : i32
    %sub3A_112 = arith.subi %div3A, %sub3A : i32
    %select_n3A_113 = arith.select %and3A, %sub3A_112, %div3A : i32
    %while3A = arith.constant 0 : i32
    %while3A_114 = arith.constant 0 : i32
    %while3A_115 = arith.subi %select_n3A_113, %while3A_114 : i32
    %while3A_116 = arith.addi %while3A_114, %while3A_115 : i32
    %while3A_117 = arith.constant 1 : i32
    %while3A_118 = arith.divsi %while3A_115, %while3A_117 : i32
    %while3A_119 = arith.muli %while3A_118, %while3A_117 : i32
    %while3A_120 = arith.addi %while3A_114, %while3A_119 : i32
    %while3A_121 = arith.constant 1 : i32
    scf.for %while3A_177 = %while3A_114 to %while3A_120 step %while3A_121  : i32 {
      %mul3A_178 = arith.constant 4 : i32
      %mul3A_179 = arith.muli %while3A_177, %mul3A_178 : i32
      %add3A_180 = arith.constant 0 : i32
      %add3A_181 = arith.addi %mul3A_179, %add3A_180 : i32
      %dma_wait3A_182 = arith.constant 0 : i32
      %dma_wait3A_183 = arith.constant 0 : i32
      %dma_wait3A_184 = arith.constant 0 : i32
      %dma_wait3A_185 = tpu.memref_slice %arg10[%dma_wait3A_182, %dma_wait3A_183, %dma_wait3A_184] : memref<4x128x64xf32, #tpu.memory_space<vmem>> -> memref<1x128x64xf32, #tpu.memory_space<vmem>>
      %dma_wait3A_186 = tpu.memref_squeeze %dma_wait3A_185 : memref<1x128x64xf32, #tpu.memory_space<vmem>> -> memref<128x64xf32, #tpu.memory_space<vmem>>
      %dma_wait3A_187 = arith.constant 0 : i32
      %dma_wait3A_188 = tpu.memref_slice %arg8[%add3A_181, %dma_wait3A_187] : memref<152x128xi32, #tpu.memory_space<vmem>> -> memref<1x128xi32, #tpu.memory_space<vmem>>
      %dma_wait3A_189 = tpu.memref_squeeze %dma_wait3A_188 : memref<1x128xi32, #tpu.memory_space<vmem>> -> memref<128xi32, #tpu.memory_space<vmem>>
      %dma_wait3A_190 = arith.constant 0 : i32
      %dma_wait3A_191 = arith.constant 0 : i32
      %dma_wait3A_192 = tpu.memref_slice %arg2[%dma_wait3A_190, %dma_wait3A_191] : memref<10000x64xf32, #tpu.memory_space<hbm>> -> memref<10000x64xf32, #tpu.memory_space<hbm>>
      tpu.wait_indirect_dma semaphore(%arg12 : memref<!tpu.dma_semaphore, #tpu.memory_space<semaphore_mem>>) src(%dma_wait3A_192 : memref<10000x64xf32, #tpu.memory_space<hbm>>) dst(%dma_wait3A_186 : memref<128x64xf32, #tpu.memory_space<vmem>>)
      %dma_start3A_193 = arith.constant 0 : i32
      %dma_start3A_194 = arith.constant 0 : i32
      %dma_start3A_195 = arith.constant 0 : i32
      %dma_start3A_196 = tpu.memref_slice %arg10[%dma_start3A_193, %dma_start3A_194, %dma_start3A_195] : memref<4x128x64xf32, #tpu.memory_space<vmem>> -> memref<1x128x64xf32, #tpu.memory_space<vmem>>
      %dma_start3A_197 = tpu.memref_squeeze %dma_start3A_196 : memref<1x128x64xf32, #tpu.memory_space<vmem>> -> memref<128x64xf32, #tpu.memory_space<vmem>>
      %dma_start3A_198 = arith.constant 0 : i32
      %dma_start3A_199 = tpu.memref_slice %arg9[%add3A_181, %dma_start3A_198] : memref<152x128xi32, #tpu.memory_space<vmem>> -> memref<1x128xi32, #tpu.memory_space<vmem>>
      %dma_start3A_200 = tpu.memref_squeeze %dma_start3A_199 : memref<1x128xi32, #tpu.memory_space<vmem>> -> memref<128xi32, #tpu.memory_space<vmem>>
      %dma_start3A_201 = arith.constant 0 : i32
      %dma_start3A_202 = arith.constant 0 : i32
      %dma_start3A_203 = tpu.memref_slice %arg11[%dma_start3A_201, %dma_start3A_202] : memref<10112x64xf32, #tpu.memory_space<vmem_shared>> -> memref<10112x64xf32, #tpu.memory_space<vmem_shared>>
      tpu.enqueue_indirect_dma source(%dma_start3A_197 : memref<128x64xf32, #tpu.memory_space<vmem>>) target(%dma_start3A_203 : memref<10112x64xf32, #tpu.memory_space<vmem_shared>>) offsets(%dma_start3A_200 : memref<128xi32, #tpu.memory_space<vmem>>) semaphore(%arg16 : memref<!tpu.dma_semaphore, #tpu.memory_space<semaphore_mem>>) {add = true}
      %dma_start3A_204 = arith.constant 0 : i32
      %dma_start3A_205 = tpu.memref_slice %arg9[%add3A_181, %dma_start3A_204] : memref<152x128xi32, #tpu.memory_space<vmem>> -> memref<1x128xi32, #tpu.memory_space<vmem>>
      %dma_start3A_206 = tpu.memref_squeeze %dma_start3A_205 : memref<1x128xi32, #tpu.memory_space<vmem>> -> memref<128xi32, #tpu.memory_space<vmem>>
      %dma_start3A_207 = arith.constant 0 : i32
      %dma_start3A_208 = arith.constant 0 : i32
      %dma_start3A_209 = tpu.memref_slice %arg22[%dma_start3A_207, %dma_start3A_208] : memref<10112x16xf32, #tpu.memory_space<vmem_shared>> -> memref<10112x16xf32, #tpu.memory_space<vmem_shared>>
      tpu.enqueue_indirect_dma source(%arg20 : memref<128x16xf32, #tpu.memory_space<vmem>>) target(%dma_start3A_209 : memref<10112x16xf32, #tpu.memory_space<vmem_shared>>) offsets(%dma_start3A_206 : memref<128xi32, #tpu.memory_space<vmem>>) semaphore(%arg23 : memref<!tpu.dma_semaphore, #tpu.memory_space<semaphore_mem>>) {add = true}
      %ge3A = arith.constant 8 : i32
      %ge3A_210 = arith.cmpi sge, %add3A_181, %ge3A : i32
      %convert_element_type3A_211 = arith.extui %ge3A_210 : i1 to i32
      %cond3A_212 = arith.constant 0 : i32
      %cond3A_213 = arith.cmpi ne, %convert_element_type3A_211, %cond3A_212 : i32
      scf.if %cond3A_213 {
        %dma_wait3A_368 = arith.constant 0 : i32
        %dma_wait3A_369 = arith.constant 0 : i32
        %dma_wait3A_370 = tpu.memref_slice %arg9[%dma_wait3A_368, %dma_wait3A_369] : memref<152x128xi32, #tpu.memory_space<vmem>> -> memref<1x128xi32, #tpu.memory_space<vmem>>
        %dma_wait3A_371 = tpu.memref_squeeze %dma_wait3A_370 : memref<1x128xi32, #tpu.memory_space<vmem>> -> memref<128xi32, #tpu.memory_space<vmem>>
        %dma_wait3A_372 = arith.constant 0 : i32
        %dma_wait3A_373 = arith.constant 0 : i32
        %dma_wait3A_374 = tpu.memref_slice %arg22[%dma_wait3A_372, %dma_wait3A_373] : memref<10112x16xf32, #tpu.memory_space<vmem_shared>> -> memref<10112x16xf32, #tpu.memory_space<vmem_shared>>
        tpu.wait_indirect_dma semaphore(%arg23 : memref<!tpu.dma_semaphore, #tpu.memory_space<semaphore_mem>>) src(%arg20 : memref<128x16xf32, #tpu.memory_space<vmem>>) dst(%dma_wait3A_374 : memref<10112x16xf32, #tpu.memory_space<vmem_shared>>)
      } else {
      }
      %sub3A_214 = arith.constant 2 : i32
      %sub3A_215 = arith.subi %add3A_181, %sub3A_214 : i32
      %add3A_216 = arith.constant 4 : i32
      %add3A_217 = arith.addi %sub3A_215, %add3A_216 : i32
      %ge3A_218 = arith.constant 0 : i32
      %ge3A_219 = arith.cmpi sge, %sub3A_215, %ge3A_218 : i32
      %lt3A = arith.cmpi slt, %add3A_217, %select_n3A : i32
      %and3A_220 = arith.andi %ge3A_219, %lt3A : i1
      %convert_element_type3A_221 = arith.extui %and3A_220 : i1 to i32
      %cond3A_222 = arith.constant 0 : i32
      %cond3A_223 = arith.cmpi ne, %convert_element_type3A_221, %cond3A_222 : i32
      scf.if %cond3A_223 {
        %dma_wait3A_368 = arith.constant 2 : i32
        %dma_wait3A_369 = arith.constant 0 : i32
        %dma_wait3A_370 = arith.constant 0 : i32
        %dma_wait3A_371 = tpu.memref_slice %arg10[%dma_wait3A_368, %dma_wait3A_369, %dma_wait3A_370] : memref<4x128x64xf32, #tpu.memory_space<vmem>> -> memref<1x128x64xf32, #tpu.memory_space<vmem>>
        %dma_wait3A_372 = tpu.memref_squeeze %dma_wait3A_371 : memref<1x128x64xf32, #tpu.memory_space<vmem>> -> memref<128x64xf32, #tpu.memory_space<vmem>>
        %dma_wait3A_373 = arith.constant 0 : i32
        %dma_wait3A_374 = tpu.memref_slice %arg9[%sub3A_215, %dma_wait3A_373] : memref<152x128xi32, #tpu.memory_space<vmem>> -> memref<1x128xi32, #tpu.memory_space<vmem>>
        %dma_wait3A_375 = tpu.memref_squeeze %dma_wait3A_374 : memref<1x128xi32, #tpu.memory_space<vmem>> -> memref<128xi32, #tpu.memory_space<vmem>>
        %dma_wait3A_376 = arith.constant 0 : i32
        %dma_wait3A_377 = arith.constant 0 : i32
        %dma_wait3A_378 = tpu.memref_slice %arg11[%dma_wait3A_376, %dma_wait3A_377] : memref<10112x64xf32, #tpu.memory_space<vmem_shared>> -> memref<10112x64xf32, #tpu.memory_space<vmem_shared>>
        tpu.wait_indirect_dma semaphore(%arg18 : memref<!tpu.dma_semaphore, #tpu.memory_space<semaphore_mem>>) src(%dma_wait3A_372 : memref<128x64xf32, #tpu.memory_space<vmem>>) dst(%dma_wait3A_378 : memref<10112x64xf32, #tpu.memory_space<vmem_shared>>)
        %dma_start3A_379 = arith.constant 2 : i32
        %dma_start3A_380 = arith.constant 0 : i32
        %dma_start3A_381 = arith.constant 0 : i32
        %dma_start3A_382 = tpu.memref_slice %arg10[%dma_start3A_379, %dma_start3A_380, %dma_start3A_381] : memref<4x128x64xf32, #tpu.memory_space<vmem>> -> memref<1x128x64xf32, #tpu.memory_space<vmem>>
        %dma_start3A_383 = tpu.memref_squeeze %dma_start3A_382 : memref<1x128x64xf32, #tpu.memory_space<vmem>> -> memref<128x64xf32, #tpu.memory_space<vmem>>
        %dma_start3A_384 = arith.constant 0 : i32
        %dma_start3A_385 = tpu.memref_slice %arg8[%add3A_217, %dma_start3A_384] : memref<152x128xi32, #tpu.memory_space<vmem>> -> memref<1x128xi32, #tpu.memory_space<vmem>>
        %dma_start3A_386 = tpu.memref_squeeze %dma_start3A_385 : memref<1x128xi32, #tpu.memory_space<vmem>> -> memref<128xi32, #tpu.memory_space<vmem>>
        %dma_start3A_387 = arith.constant 0 : i32
        %dma_start3A_388 = arith.constant 0 : i32
        %dma_start3A_389 = tpu.memref_slice %arg2[%dma_start3A_387, %dma_start3A_388] : memref<10000x64xf32, #tpu.memory_space<hbm>> -> memref<10000x64xf32, #tpu.memory_space<hbm>>
        tpu.enqueue_indirect_dma source(%dma_start3A_389 : memref<10000x64xf32, #tpu.memory_space<hbm>>) target(%dma_start3A_383 : memref<128x64xf32, #tpu.memory_space<vmem>>) offsets(%dma_start3A_386 : memref<128xi32, #tpu.memory_space<vmem>>) semaphore(%arg14 : memref<!tpu.dma_semaphore, #tpu.memory_space<semaphore_mem>>)
      } else {
      }
      %mul3A_224 = arith.constant 4 : i32
      %mul3A_225 = arith.muli %while3A_177, %mul3A_224 : i32
      %add3A_226 = arith.constant 1 : i32
      %add3A_227 = arith.addi %mul3A_225, %add3A_226 : i32
      %dma_wait3A_228 = arith.constant 1 : i32
      %dma_wait3A_229 = arith.constant 0 : i32
      %dma_wait3A_230 = arith.constant 0 : i32
      %dma_wait3A_231 = tpu.memref_slice %arg10[%dma_wait3A_228, %dma_wait3A_229, %dma_wait3A_230] : memref<4x128x64xf32, #tpu.memory_space<vmem>> -> memref<1x128x64xf32, #tpu.memory_space<vmem>>
      %dma_wait3A_232 = tpu.memref_squeeze %dma_wait3A_231 : memref<1x128x64xf32, #tpu.memory_space<vmem>> -> memref<128x64xf32, #tpu.memory_space<vmem>>
      %dma_wait3A_233 = arith.constant 0 : i32
      %dma_wait3A_234 = tpu.memref_slice %arg8[%add3A_227, %dma_wait3A_233] : memref<152x128xi32, #tpu.memory_space<vmem>> -> memref<1x128xi32, #tpu.memory_space<vmem>>
      %dma_wait3A_235 = tpu.memref_squeeze %dma_wait3A_234 : memref<1x128xi32, #tpu.memory_space<vmem>> -> memref<128xi32, #tpu.memory_space<vmem>>
      %dma_wait3A_236 = arith.constant 0 : i32
      %dma_wait3A_237 = arith.constant 0 : i32
      %dma_wait3A_238 = tpu.memref_slice %arg2[%dma_wait3A_236, %dma_wait3A_237] : memref<10000x64xf32, #tpu.memory_space<hbm>> -> memref<10000x64xf32, #tpu.memory_space<hbm>>
      tpu.wait_indirect_dma semaphore(%arg13 : memref<!tpu.dma_semaphore, #tpu.memory_space<semaphore_mem>>) src(%dma_wait3A_238 : memref<10000x64xf32, #tpu.memory_space<hbm>>) dst(%dma_wait3A_232 : memref<128x64xf32, #tpu.memory_space<vmem>>)
      %dma_start3A_239 = arith.constant 1 : i32
      %dma_start3A_240 = arith.constant 0 : i32
      %dma_start3A_241 = arith.constant 0 : i32
      %dma_start3A_242 = tpu.memref_slice %arg10[%dma_start3A_239, %dma_start3A_240, %dma_start3A_241] : memref<4x128x64xf32, #tpu.memory_space<vmem>> -> memref<1x128x64xf32, #tpu.memory_space<vmem>>
      %dma_start3A_243 = tpu.memref_squeeze %dma_start3A_242 : memref<1x128x64xf32, #tpu.memory_space<vmem>> -> memref<128x64xf32, #tpu.memory_space<vmem>>
      %dma_start3A_244 = arith.constant 0 : i32
      %dma_start3A_245 = tpu.memref_slice %arg9[%add3A_227, %dma_start3A_244] : memref<152x128xi32, #tpu.memory_space<vmem>> -> memref<1x128xi32, #tpu.memory_space<vmem>>
      %dma_start3A_246 = tpu.memref_squeeze %dma_start3A_245 : memref<1x128xi32, #tpu.memory_space<vmem>> -> memref<128xi32, #tpu.memory_space<vmem>>
      %dma_start3A_247 = arith.constant 0 : i32
      %dma_start3A_248 = arith.constant 0 : i32
      %dma_start3A_249 = tpu.memref_slice %arg11[%dma_start3A_247, %dma_start3A_248] : memref<10112x64xf32, #tpu.memory_space<vmem_shared>> -> memref<10112x64xf32, #tpu.memory_space<vmem_shared>>
      tpu.enqueue_indirect_dma source(%dma_start3A_243 : memref<128x64xf32, #tpu.memory_space<vmem>>) target(%dma_start3A_249 : memref<10112x64xf32, #tpu.memory_space<vmem_shared>>) offsets(%dma_start3A_246 : memref<128xi32, #tpu.memory_space<vmem>>) semaphore(%arg17 : memref<!tpu.dma_semaphore, #tpu.memory_space<semaphore_mem>>) {add = true}
      %dma_start3A_250 = arith.constant 0 : i32
      %dma_start3A_251 = tpu.memref_slice %arg9[%add3A_227, %dma_start3A_250] : memref<152x128xi32, #tpu.memory_space<vmem>> -> memref<1x128xi32, #tpu.memory_space<vmem>>
      %dma_start3A_252 = tpu.memref_squeeze %dma_start3A_251 : memref<1x128xi32, #tpu.memory_space<vmem>> -> memref<128xi32, #tpu.memory_space<vmem>>
      %dma_start3A_253 = arith.constant 0 : i32
      %dma_start3A_254 = arith.constant 0 : i32
      %dma_start3A_255 = tpu.memref_slice %arg22[%dma_start3A_253, %dma_start3A_254] : memref<10112x16xf32, #tpu.memory_space<vmem_shared>> -> memref<10112x16xf32, #tpu.memory_space<vmem_shared>>
      tpu.enqueue_indirect_dma source(%arg20 : memref<128x16xf32, #tpu.memory_space<vmem>>) target(%dma_start3A_255 : memref<10112x16xf32, #tpu.memory_space<vmem_shared>>) offsets(%dma_start3A_252 : memref<128xi32, #tpu.memory_space<vmem>>) semaphore(%arg23 : memref<!tpu.dma_semaphore, #tpu.memory_space<semaphore_mem>>) {add = true}
      %ge3A_256 = arith.constant 8 : i32
      %ge3A_257 = arith.cmpi sge, %add3A_227, %ge3A_256 : i32
      %convert_element_type3A_258 = arith.extui %ge3A_257 : i1 to i32
      %cond3A_259 = arith.constant 0 : i32
      %cond3A_260 = arith.cmpi ne, %convert_element_type3A_258, %cond3A_259 : i32
      scf.if %cond3A_260 {
        %dma_wait3A_368 = arith.constant 0 : i32
        %dma_wait3A_369 = arith.constant 0 : i32
        %dma_wait3A_370 = tpu.memref_slice %arg9[%dma_wait3A_368, %dma_wait3A_369] : memref<152x128xi32, #tpu.memory_space<vmem>> -> memref<1x128xi32, #tpu.memory_space<vmem>>
        %dma_wait3A_371 = tpu.memref_squeeze %dma_wait3A_370 : memref<1x128xi32, #tpu.memory_space<vmem>> -> memref<128xi32, #tpu.memory_space<vmem>>
        %dma_wait3A_372 = arith.constant 0 : i32
        %dma_wait3A_373 = arith.constant 0 : i32
        %dma_wait3A_374 = tpu.memref_slice %arg22[%dma_wait3A_372, %dma_wait3A_373] : memref<10112x16xf32, #tpu.memory_space<vmem_shared>> -> memref<10112x16xf32, #tpu.memory_space<vmem_shared>>
        tpu.wait_indirect_dma semaphore(%arg23 : memref<!tpu.dma_semaphore, #tpu.memory_space<semaphore_mem>>) src(%arg20 : memref<128x16xf32, #tpu.memory_space<vmem>>) dst(%dma_wait3A_374 : memref<10112x16xf32, #tpu.memory_space<vmem_shared>>)
      } else {
      }
      %sub3A_261 = arith.constant 2 : i32
      %sub3A_262 = arith.subi %add3A_227, %sub3A_261 : i32
      %add3A_263 = arith.constant 4 : i32
      %add3A_264 = arith.addi %sub3A_262, %add3A_263 : i32
      %ge3A_265 = arith.constant 0 : i32
      %ge3A_266 = arith.cmpi sge, %sub3A_262, %ge3A_265 : i32
      %lt3A_267 = arith.cmpi slt, %add3A_264, %select_n3A : i32
      %and3A_268 = arith.andi %ge3A_266, %lt3A_267 : i1
      %convert_element_type3A_269 = arith.extui %and3A_268 : i1 to i32
      %cond3A_270 = arith.constant 0 : i32
      %cond3A_271 = arith.cmpi ne, %convert_element_type3A_269, %cond3A_270 : i32
      scf.if %cond3A_271 {
        %dma_wait3A_368 = arith.constant 3 : i32
        %dma_wait3A_369 = arith.constant 0 : i32
        %dma_wait3A_370 = arith.constant 0 : i32
        %dma_wait3A_371 = tpu.memref_slice %arg10[%dma_wait3A_368, %dma_wait3A_369, %dma_wait3A_370] : memref<4x128x64xf32, #tpu.memory_space<vmem>> -> memref<1x128x64xf32, #tpu.memory_space<vmem>>
        %dma_wait3A_372 = tpu.memref_squeeze %dma_wait3A_371 : memref<1x128x64xf32, #tpu.memory_space<vmem>> -> memref<128x64xf32, #tpu.memory_space<vmem>>
        %dma_wait3A_373 = arith.constant 0 : i32
        %dma_wait3A_374 = tpu.memref_slice %arg9[%sub3A_262, %dma_wait3A_373] : memref<152x128xi32, #tpu.memory_space<vmem>> -> memref<1x128xi32, #tpu.memory_space<vmem>>
        %dma_wait3A_375 = tpu.memref_squeeze %dma_wait3A_374 : memref<1x128xi32, #tpu.memory_space<vmem>> -> memref<128xi32, #tpu.memory_space<vmem>>
        %dma_wait3A_376 = arith.constant 0 : i32
        %dma_wait3A_377 = arith.constant 0 : i32
        %dma_wait3A_378 = tpu.memref_slice %arg11[%dma_wait3A_376, %dma_wait3A_377] : memref<10112x64xf32, #tpu.memory_space<vmem_shared>> -> memref<10112x64xf32, #tpu.memory_space<vmem_shared>>
        tpu.wait_indirect_dma semaphore(%arg19 : memref<!tpu.dma_semaphore, #tpu.memory_space<semaphore_mem>>) src(%dma_wait3A_372 : memref<128x64xf32, #tpu.memory_space<vmem>>) dst(%dma_wait3A_378 : memref<10112x64xf32, #tpu.memory_space<vmem_shared>>)
        %dma_start3A_379 = arith.constant 3 : i32
        %dma_start3A_380 = arith.constant 0 : i32
        %dma_start3A_381 = arith.constant 0 : i32
        %dma_start3A_382 = tpu.memref_slice %arg10[%dma_start3A_379, %dma_start3A_380, %dma_start3A_381] : memref<4x128x64xf32, #tpu.memory_space<vmem>> -> memref<1x128x64xf32, #tpu.memory_space<vmem>>
        %dma_start3A_383 = tpu.memref_squeeze %dma_start3A_382 : memref<1x128x64xf32, #tpu.memory_space<vmem>> -> memref<128x64xf32, #tpu.memory_space<vmem>>
        %dma_start3A_384 = arith.constant 0 : i32
        %dma_start3A_385 = tpu.memref_slice %arg8[%add3A_264, %dma_start3A_384] : memref<152x128xi32, #tpu.memory_space<vmem>> -> memref<1x128xi32, #tpu.memory_space<vmem>>
        %dma_start3A_386 = tpu.memref_squeeze %dma_start3A_385 : memref<1x128xi32, #tpu.memory_space<vmem>> -> memref<128xi32, #tpu.memory_space<vmem>>
        %dma_start3A_387 = arith.constant 0 : i32
        %dma_start3A_388 = arith.constant 0 : i32
        %dma_start3A_389 = tpu.memref_slice %arg2[%dma_start3A_387, %dma_start3A_388] : memref<10000x64xf32, #tpu.memory_space<hbm>> -> memref<10000x64xf32, #tpu.memory_space<hbm>>
        tpu.enqueue_indirect_dma source(%dma_start3A_389 : memref<10000x64xf32, #tpu.memory_space<hbm>>) target(%dma_start3A_383 : memref<128x64xf32, #tpu.memory_space<vmem>>) offsets(%dma_start3A_386 : memref<128xi32, #tpu.memory_space<vmem>>) semaphore(%arg15 : memref<!tpu.dma_semaphore, #tpu.memory_space<semaphore_mem>>)
      } else {
      }
      %mul3A_272 = arith.constant 4 : i32
      %mul3A_273 = arith.muli %while3A_177, %mul3A_272 : i32
      %add3A_274 = arith.constant 2 : i32
      %add3A_275 = arith.addi %mul3A_273, %add3A_274 : i32
      %dma_wait3A_276 = arith.constant 2 : i32
      %dma_wait3A_277 = arith.constant 0 : i32
      %dma_wait3A_278 = arith.constant 0 : i32
      %dma_wait3A_279 = tpu.memref_slice %arg10[%dma_wait3A_276, %dma_wait3A_277, %dma_wait3A_278] : memref<4x128x64xf32, #tpu.memory_space<vmem>> -> memref<1x128x64xf32, #tpu.memory_space<vmem>>
      %dma_wait3A_280 = tpu.memref_squeeze %dma_wait3A_279 : memref<1x128x64xf32, #tpu.memory_space<vmem>> -> memref<128x64xf32, #tpu.memory_space<vmem>>
      %dma_wait3A_281 = arith.constant 0 : i32
      %dma_wait3A_282 = tpu.memref_slice %arg8[%add3A_275, %dma_wait3A_281] : memref<152x128xi32, #tpu.memory_space<vmem>> -> memref<1x128xi32, #tpu.memory_space<vmem>>
      %dma_wait3A_283 = tpu.memref_squeeze %dma_wait3A_282 : memref<1x128xi32, #tpu.memory_space<vmem>> -> memref<128xi32, #tpu.memory_space<vmem>>
      %dma_wait3A_284 = arith.constant 0 : i32
      %dma_wait3A_285 = arith.constant 0 : i32
      %dma_wait3A_286 = tpu.memref_slice %arg2[%dma_wait3A_284, %dma_wait3A_285] : memref<10000x64xf32, #tpu.memory_space<hbm>> -> memref<10000x64xf32, #tpu.memory_space<hbm>>
      tpu.wait_indirect_dma semaphore(%arg14 : memref<!tpu.dma_semaphore, #tpu.memory_space<semaphore_mem>>) src(%dma_wait3A_286 : memref<10000x64xf32, #tpu.memory_space<hbm>>) dst(%dma_wait3A_280 : memref<128x64xf32, #tpu.memory_space<vmem>>)
      %dma_start3A_287 = arith.constant 2 : i32
      %dma_start3A_288 = arith.constant 0 : i32
      %dma_start3A_289 = arith.constant 0 : i32
      %dma_start3A_290 = tpu.memref_slice %arg10[%dma_start3A_287, %dma_start3A_288, %dma_start3A_289] : memref<4x128x64xf32, #tpu.memory_space<vmem>> -> memref<1x128x64xf32, #tpu.memory_space<vmem>>
      %dma_start3A_291 = tpu.memref_squeeze %dma_start3A_290 : memref<1x128x64xf32, #tpu.memory_space<vmem>> -> memref<128x64xf32, #tpu.memory_space<vmem>>
      %dma_start3A_292 = arith.constant 0 : i32
      %dma_start3A_293 = tpu.memref_slice %arg9[%add3A_275, %dma_start3A_292] : memref<152x128xi32, #tpu.memory_space<vmem>> -> memref<1x128xi32, #tpu.memory_space<vmem>>
      %dma_start3A_294 = tpu.memref_squeeze %dma_start3A_293 : memref<1x128xi32, #tpu.memory_space<vmem>> -> memref<128xi32, #tpu.memory_space<vmem>>
      %dma_start3A_295 = arith.constant 0 : i32
      %dma_start3A_296 = arith.constant 0 : i32
      %dma_start3A_297 = tpu.memref_slice %arg11[%dma_start3A_295, %dma_start3A_296] : memref<10112x64xf32, #tpu.memory_space<vmem_shared>> -> memref<10112x64xf32, #tpu.memory_space<vmem_shared>>
      tpu.enqueue_indirect_dma source(%dma_start3A_291 : memref<128x64xf32, #tpu.memory_space<vmem>>) target(%dma_start3A_297 : memref<10112x64xf32, #tpu.memory_space<vmem_shared>>) offsets(%dma_start3A_294 : memref<128xi32, #tpu.memory_space<vmem>>) semaphore(%arg18 : memref<!tpu.dma_semaphore, #tpu.memory_space<semaphore_mem>>) {add = true}
      %dma_start3A_298 = arith.constant 0 : i32
      %dma_start3A_299 = tpu.memref_slice %arg9[%add3A_275, %dma_start3A_298] : memref<152x128xi32, #tpu.memory_space<vmem>> -> memref<1x128xi32, #tpu.memory_space<vmem>>
      %dma_start3A_300 = tpu.memref_squeeze %dma_start3A_299 : memref<1x128xi32, #tpu.memory_space<vmem>> -> memref<128xi32, #tpu.memory_space<vmem>>
      %dma_start3A_301 = arith.constant 0 : i32
      %dma_start3A_302 = arith.constant 0 : i32
      %dma_start3A_303 = tpu.memref_slice %arg22[%dma_start3A_301, %dma_start3A_302] : memref<10112x16xf32, #tpu.memory_space<vmem_shared>> -> memref<10112x16xf32, #tpu.memory_space<vmem_shared>>
      tpu.enqueue_indirect_dma source(%arg20 : memref<128x16xf32, #tpu.memory_space<vmem>>) target(%dma_start3A_303 : memref<10112x16xf32, #tpu.memory_space<vmem_shared>>) offsets(%dma_start3A_300 : memref<128xi32, #tpu.memory_space<vmem>>) semaphore(%arg23 : memref<!tpu.dma_semaphore, #tpu.memory_space<semaphore_mem>>) {add = true}
      %ge3A_304 = arith.constant 8 : i32
      %ge3A_305 = arith.cmpi sge, %add3A_275, %ge3A_304 : i32
      %convert_element_type3A_306 = arith.extui %ge3A_305 : i1 to i32
      %cond3A_307 = arith.constant 0 : i32
      %cond3A_308 = arith.cmpi ne, %convert_element_type3A_306, %cond3A_307 : i32
      scf.if %cond3A_308 {
        %dma_wait3A_368 = arith.constant 0 : i32
        %dma_wait3A_369 = arith.constant 0 : i32
        %dma_wait3A_370 = tpu.memref_slice %arg9[%dma_wait3A_368, %dma_wait3A_369] : memref<152x128xi32, #tpu.memory_space<vmem>> -> memref<1x128xi32, #tpu.memory_space<vmem>>
        %dma_wait3A_371 = tpu.memref_squeeze %dma_wait3A_370 : memref<1x128xi32, #tpu.memory_space<vmem>> -> memref<128xi32, #tpu.memory_space<vmem>>
        %dma_wait3A_372 = arith.constant 0 : i32
        %dma_wait3A_373 = arith.constant 0 : i32
        %dma_wait3A_374 = tpu.memref_slice %arg22[%dma_wait3A_372, %dma_wait3A_373] : memref<10112x16xf32, #tpu.memory_space<vmem_shared>> -> memref<10112x16xf32, #tpu.memory_space<vmem_shared>>
        tpu.wait_indirect_dma semaphore(%arg23 : memref<!tpu.dma_semaphore, #tpu.memory_space<semaphore_mem>>) src(%arg20 : memref<128x16xf32, #tpu.memory_space<vmem>>) dst(%dma_wait3A_374 : memref<10112x16xf32, #tpu.memory_space<vmem_shared>>)
      } else {
      }
      %sub3A_309 = arith.constant 2 : i32
      %sub3A_310 = arith.subi %add3A_275, %sub3A_309 : i32
      %add3A_311 = arith.constant 4 : i32
      %add3A_312 = arith.addi %sub3A_310, %add3A_311 : i32
      %ge3A_313 = arith.constant 0 : i32
      %ge3A_314 = arith.cmpi sge, %sub3A_310, %ge3A_313 : i32
      %lt3A_315 = arith.cmpi slt, %add3A_312, %select_n3A : i32
      %and3A_316 = arith.andi %ge3A_314, %lt3A_315 : i1
      %convert_element_type3A_317 = arith.extui %and3A_316 : i1 to i32
      %cond3A_318 = arith.constant 0 : i32
      %cond3A_319 = arith.cmpi ne, %convert_element_type3A_317, %cond3A_318 : i32
      scf.if %cond3A_319 {
        %dma_wait3A_368 = arith.constant 0 : i32
        %dma_wait3A_369 = arith.constant 0 : i32
        %dma_wait3A_370 = arith.constant 0 : i32
        %dma_wait3A_371 = tpu.memref_slice %arg10[%dma_wait3A_368, %dma_wait3A_369, %dma_wait3A_370] : memref<4x128x64xf32, #tpu.memory_space<vmem>> -> memref<1x128x64xf32, #tpu.memory_space<vmem>>
        %dma_wait3A_372 = tpu.memref_squeeze %dma_wait3A_371 : memref<1x128x64xf32, #tpu.memory_space<vmem>> -> memref<128x64xf32, #tpu.memory_space<vmem>>
        %dma_wait3A_373 = arith.constant 0 : i32
        %dma_wait3A_374 = tpu.memref_slice %arg9[%sub3A_310, %dma_wait3A_373] : memref<152x128xi32, #tpu.memory_space<vmem>> -> memref<1x128xi32, #tpu.memory_space<vmem>>
        %dma_wait3A_375 = tpu.memref_squeeze %dma_wait3A_374 : memref<1x128xi32, #tpu.memory_space<vmem>> -> memref<128xi32, #tpu.memory_space<vmem>>
        %dma_wait3A_376 = arith.constant 0 : i32
        %dma_wait3A_377 = arith.constant 0 : i32
        %dma_wait3A_378 = tpu.memref_slice %arg11[%dma_wait3A_376, %dma_wait3A_377] : memref<10112x64xf32, #tpu.memory_space<vmem_shared>> -> memref<10112x64xf32, #tpu.memory_space<vmem_shared>>
        tpu.wait_indirect_dma semaphore(%arg16 : memref<!tpu.dma_semaphore, #tpu.memory_space<semaphore_mem>>) src(%dma_wait3A_372 : memref<128x64xf32, #tpu.memory_space<vmem>>) dst(%dma_wait3A_378 : memref<10112x64xf32, #tpu.memory_space<vmem_shared>>)
        %dma_start3A_379 = arith.constant 0 : i32
        %dma_start3A_380 = arith.constant 0 : i32
        %dma_start3A_381 = arith.constant 0 : i32
        %dma_start3A_382 = tpu.memref_slice %arg10[%dma_start3A_379, %dma_start3A_380, %dma_start3A_381] : memref<4x128x64xf32, #tpu.memory_space<vmem>> -> memref<1x128x64xf32, #tpu.memory_space<vmem>>
        %dma_start3A_383 = tpu.memref_squeeze %dma_start3A_382 : memref<1x128x64xf32, #tpu.memory_space<vmem>> -> memref<128x64xf32, #tpu.memory_space<vmem>>
        %dma_start3A_384 = arith.constant 0 : i32
        %dma_start3A_385 = tpu.memref_slice %arg8[%add3A_312, %dma_start3A_384] : memref<152x128xi32, #tpu.memory_space<vmem>> -> memref<1x128xi32, #tpu.memory_space<vmem>>
        %dma_start3A_386 = tpu.memref_squeeze %dma_start3A_385 : memref<1x128xi32, #tpu.memory_space<vmem>> -> memref<128xi32, #tpu.memory_space<vmem>>
        %dma_start3A_387 = arith.constant 0 : i32
        %dma_start3A_388 = arith.constant 0 : i32
        %dma_start3A_389 = tpu.memref_slice %arg2[%dma_start3A_387, %dma_start3A_388] : memref<10000x64xf32, #tpu.memory_space<hbm>> -> memref<10000x64xf32, #tpu.memory_space<hbm>>
        tpu.enqueue_indirect_dma source(%dma_start3A_389 : memref<10000x64xf32, #tpu.memory_space<hbm>>) target(%dma_start3A_383 : memref<128x64xf32, #tpu.memory_space<vmem>>) offsets(%dma_start3A_386 : memref<128xi32, #tpu.memory_space<vmem>>) semaphore(%arg12 : memref<!tpu.dma_semaphore, #tpu.memory_space<semaphore_mem>>)
      } else {
      }
      %mul3A_320 = arith.constant 4 : i32
      %mul3A_321 = arith.muli %while3A_177, %mul3A_320 : i32
      %add3A_322 = arith.constant 3 : i32
      %add3A_323 = arith.addi %mul3A_321, %add3A_322 : i32
      %dma_wait3A_324 = arith.constant 3 : i32
      %dma_wait3A_325 = arith.constant 0 : i32
      %dma_wait3A_326 = arith.constant 0 : i32
      %dma_wait3A_327 = tpu.memref_slice %arg10[%dma_wait3A_324, %dma_wait3A_325, %dma_wait3A_326] : memref<4x128x64xf32, #tpu.memory_space<vmem>> -> memref<1x128x64xf32, #tpu.memory_space<vmem>>
      %dma_wait3A_328 = tpu.memref_squeeze %dma_wait3A_327 : memref<1x128x64xf32, #tpu.memory_space<vmem>> -> memref<128x64xf32, #tpu.memory_space<vmem>>
      %dma_wait3A_329 = arith.constant 0 : i32
      %dma_wait3A_330 = tpu.memref_slice %arg8[%add3A_323, %dma_wait3A_329] : memref<152x128xi32, #tpu.memory_space<vmem>> -> memref<1x128xi32, #tpu.memory_space<vmem>>
      %dma_wait3A_331 = tpu.memref_squeeze %dma_wait3A_330 : memref<1x128xi32, #tpu.memory_space<vmem>> -> memref<128xi32, #tpu.memory_space<vmem>>
      %dma_wait3A_332 = arith.constant 0 : i32
      %dma_wait3A_333 = arith.constant 0 : i32
      %dma_wait3A_334 = tpu.memref_slice %arg2[%dma_wait3A_332, %dma_wait3A_333] : memref<10000x64xf32, #tpu.memory_space<hbm>> -> memref<10000x64xf32, #tpu.memory_space<hbm>>
      tpu.wait_indirect_dma semaphore(%arg15 : memref<!tpu.dma_semaphore, #tpu.memory_space<semaphore_mem>>) src(%dma_wait3A_334 : memref<10000x64xf32, #tpu.memory_space<hbm>>) dst(%dma_wait3A_328 : memref<128x64xf32, #tpu.memory_space<vmem>>)
      %dma_start3A_335 = arith.constant 3 : i32
      %dma_start3A_336 = arith.constant 0 : i32
      %dma_start3A_337 = arith.constant 0 : i32
      %dma_start3A_338 = tpu.memref_slice %arg10[%dma_start3A_335, %dma_start3A_336, %dma_start3A_337] : memref<4x128x64xf32, #tpu.memory_space<vmem>> -> memref<1x128x64xf32, #tpu.memory_space<vmem>>
      %dma_start3A_339 = tpu.memref_squeeze %dma_start3A_338 : memref<1x128x64xf32, #tpu.memory_space<vmem>> -> memref<128x64xf32, #tpu.memory_space<vmem>>
      %dma_start3A_340 = arith.constant 0 : i32
      %dma_start3A_341 = tpu.memref_slice %arg9[%add3A_323, %dma_start3A_340] : memref<152x128xi32, #tpu.memory_space<vmem>> -> memref<1x128xi32, #tpu.memory_space<vmem>>
      %dma_start3A_342 = tpu.memref_squeeze %dma_start3A_341 : memref<1x128xi32, #tpu.memory_space<vmem>> -> memref<128xi32, #tpu.memory_space<vmem>>
      %dma_start3A_343 = arith.constant 0 : i32
      %dma_start3A_344 = arith.constant 0 : i32
      %dma_start3A_345 = tpu.memref_slice %arg11[%dma_start3A_343, %dma_start3A_344] : memref<10112x64xf32, #tpu.memory_space<vmem_shared>> -> memref<10112x64xf32, #tpu.memory_space<vmem_shared>>
      tpu.enqueue_indirect_dma source(%dma_start3A_339 : memref<128x64xf32, #tpu.memory_space<vmem>>) target(%dma_start3A_345 : memref<10112x64xf32, #tpu.memory_space<vmem_shared>>) offsets(%dma_start3A_342 : memref<128xi32, #tpu.memory_space<vmem>>) semaphore(%arg19 : memref<!tpu.dma_semaphore, #tpu.memory_space<semaphore_mem>>) {add = true}
      %dma_start3A_346 = arith.constant 0 : i32
      %dma_start3A_347 = tpu.memref_slice %arg9[%add3A_323, %dma_start3A_346] : memref<152x128xi32, #tpu.memory_space<vmem>> -> memref<1x128xi32, #tpu.memory_space<vmem>>
      %dma_start3A_348 = tpu.memref_squeeze %dma_start3A_347 : memref<1x128xi32, #tpu.memory_space<vmem>> -> memref<128xi32, #tpu.memory_space<vmem>>
      %dma_start3A_349 = arith.constant 0 : i32
      %dma_start3A_350 = arith.constant 0 : i32
      %dma_start3A_351 = tpu.memref_slice %arg22[%dma_start3A_349, %dma_start3A_350] : memref<10112x16xf32, #tpu.memory_space<vmem_shared>> -> memref<10112x16xf32, #tpu.memory_space<vmem_shared>>
      tpu.enqueue_indirect_dma source(%arg20 : memref<128x16xf32, #tpu.memory_space<vmem>>) target(%dma_start3A_351 : memref<10112x16xf32, #tpu.memory_space<vmem_shared>>) offsets(%dma_start3A_348 : memref<128xi32, #tpu.memory_space<vmem>>) semaphore(%arg23 : memref<!tpu.dma_semaphore, #tpu.memory_space<semaphore_mem>>) {add = true}
      %ge3A_352 = arith.constant 8 : i32
      %ge3A_353 = arith.cmpi sge, %add3A_323, %ge3A_352 : i32
      %convert_element_type3A_354 = arith.extui %ge3A_353 : i1 to i32
      %cond3A_355 = arith.constant 0 : i32
      %cond3A_356 = arith.cmpi ne, %convert_element_type3A_354, %cond3A_355 : i32
      scf.if %cond3A_356 {
        %dma_wait3A_368 = arith.constant 0 : i32
        %dma_wait3A_369 = arith.constant 0 : i32
        %dma_wait3A_370 = tpu.memref_slice %arg9[%dma_wait3A_368, %dma_wait3A_369] : memref<152x128xi32, #tpu.memory_space<vmem>> -> memref<1x128xi32, #tpu.memory_space<vmem>>
        %dma_wait3A_371 = tpu.memref_squeeze %dma_wait3A_370 : memref<1x128xi32, #tpu.memory_space<vmem>> -> memref<128xi32, #tpu.memory_space<vmem>>
        %dma_wait3A_372 = arith.constant 0 : i32
        %dma_wait3A_373 = arith.constant 0 : i32
        %dma_wait3A_374 = tpu.memref_slice %arg22[%dma_wait3A_372, %dma_wait3A_373] : memref<10112x16xf32, #tpu.memory_space<vmem_shared>> -> memref<10112x16xf32, #tpu.memory_space<vmem_shared>>
        tpu.wait_indirect_dma semaphore(%arg23 : memref<!tpu.dma_semaphore, #tpu.memory_space<semaphore_mem>>) src(%arg20 : memref<128x16xf32, #tpu.memory_space<vmem>>) dst(%dma_wait3A_374 : memref<10112x16xf32, #tpu.memory_space<vmem_shared>>)
      } else {
      }
      %sub3A_357 = arith.constant 2 : i32
      %sub3A_358 = arith.subi %add3A_323, %sub3A_357 : i32
      %add3A_359 = arith.constant 4 : i32
      %add3A_360 = arith.addi %sub3A_358, %add3A_359 : i32
      %ge3A_361 = arith.constant 0 : i32
      %ge3A_362 = arith.cmpi sge, %sub3A_358, %ge3A_361 : i32
      %lt3A_363 = arith.cmpi slt, %add3A_360, %select_n3A : i32
      %and3A_364 = arith.andi %ge3A_362, %lt3A_363 : i1
      %convert_element_type3A_365 = arith.extui %and3A_364 : i1 to i32
      %cond3A_366 = arith.constant 0 : i32
      %cond3A_367 = arith.cmpi ne, %convert_element_type3A_365, %cond3A_366 : i32
      scf.if %cond3A_367 {
        %dma_wait3A_368 = arith.constant 1 : i32
        %dma_wait3A_369 = arith.constant 0 : i32
        %dma_wait3A_370 = arith.constant 0 : i32
        %dma_wait3A_371 = tpu.memref_slice %arg10[%dma_wait3A_368, %dma_wait3A_369, %dma_wait3A_370] : memref<4x128x64xf32, #tpu.memory_space<vmem>> -> memref<1x128x64xf32, #tpu.memory_space<vmem>>
        %dma_wait3A_372 = tpu.memref_squeeze %dma_wait3A_371 : memref<1x128x64xf32, #tpu.memory_space<vmem>> -> memref<128x64xf32, #tpu.memory_space<vmem>>
        %dma_wait3A_373 = arith.constant 0 : i32
        %dma_wait3A_374 = tpu.memref_slice %arg9[%sub3A_358, %dma_wait3A_373] : memref<152x128xi32, #tpu.memory_space<vmem>> -> memref<1x128xi32, #tpu.memory_space<vmem>>
        %dma_wait3A_375 = tpu.memref_squeeze %dma_wait3A_374 : memref<1x128xi32, #tpu.memory_space<vmem>> -> memref<128xi32, #tpu.memory_space<vmem>>
        %dma_wait3A_376 = arith.constant 0 : i32
        %dma_wait3A_377 = arith.constant 0 : i32
        %dma_wait3A_378 = tpu.memref_slice %arg11[%dma_wait3A_376, %dma_wait3A_377] : memref<10112x64xf32, #tpu.memory_space<vmem_shared>> -> memref<10112x64xf32, #tpu.memory_space<vmem_shared>>
        tpu.wait_indirect_dma semaphore(%arg17 : memref<!tpu.dma_semaphore, #tpu.memory_space<semaphore_mem>>) src(%dma_wait3A_372 : memref<128x64xf32, #tpu.memory_space<vmem>>) dst(%dma_wait3A_378 : memref<10112x64xf32, #tpu.memory_space<vmem_shared>>)
        %dma_start3A_379 = arith.constant 1 : i32
        %dma_start3A_380 = arith.constant 0 : i32
        %dma_start3A_381 = arith.constant 0 : i32
        %dma_start3A_382 = tpu.memref_slice %arg10[%dma_start3A_379, %dma_start3A_380, %dma_start3A_381] : memref<4x128x64xf32, #tpu.memory_space<vmem>> -> memref<1x128x64xf32, #tpu.memory_space<vmem>>
        %dma_start3A_383 = tpu.memref_squeeze %dma_start3A_382 : memref<1x128x64xf32, #tpu.memory_space<vmem>> -> memref<128x64xf32, #tpu.memory_space<vmem>>
        %dma_start3A_384 = arith.constant 0 : i32
        %dma_start3A_385 = tpu.memref_slice %arg8[%add3A_360, %dma_start3A_384] : memref<152x128xi32, #tpu.memory_space<vmem>> -> memref<1x128xi32, #tpu.memory_space<vmem>>
        %dma_start3A_386 = tpu.memref_squeeze %dma_start3A_385 : memref<1x128xi32, #tpu.memory_space<vmem>> -> memref<128xi32, #tpu.memory_space<vmem>>
        %dma_start3A_387 = arith.constant 0 : i32
        %dma_start3A_388 = arith.constant 0 : i32
        %dma_start3A_389 = tpu.memref_slice %arg2[%dma_start3A_387, %dma_start3A_388] : memref<10000x64xf32, #tpu.memory_space<hbm>> -> memref<10000x64xf32, #tpu.memory_space<hbm>>
        tpu.enqueue_indirect_dma source(%dma_start3A_389 : memref<10000x64xf32, #tpu.memory_space<hbm>>) target(%dma_start3A_383 : memref<128x64xf32, #tpu.memory_space<vmem>>) offsets(%dma_start3A_386 : memref<128xi32, #tpu.memory_space<vmem>>) semaphore(%arg13 : memref<!tpu.dma_semaphore, #tpu.memory_space<semaphore_mem>>)
      } else {
      }
    }
    %while3A_122 = arith.constant 1 : i32
    scf.for %while3A_177 = %while3A_120 to %while3A_116 step %while3A_122  : i32 {
      %mul3A_178 = arith.constant 4 : i32
      %mul3A_179 = arith.muli %while3A_177, %mul3A_178 : i32
      %add3A_180 = arith.constant 0 : i32
      %add3A_181 = arith.addi %mul3A_179, %add3A_180 : i32
      %dma_wait3A_182 = arith.constant 0 : i32
      %dma_wait3A_183 = arith.constant 0 : i32
      %dma_wait3A_184 = arith.constant 0 : i32
      %dma_wait3A_185 = tpu.memref_slice %arg10[%dma_wait3A_182, %dma_wait3A_183, %dma_wait3A_184] : memref<4x128x64xf32, #tpu.memory_space<vmem>> -> memref<1x128x64xf32, #tpu.memory_space<vmem>>
      %dma_wait3A_186 = tpu.memref_squeeze %dma_wait3A_185 : memref<1x128x64xf32, #tpu.memory_space<vmem>> -> memref<128x64xf32, #tpu.memory_space<vmem>>
      %dma_wait3A_187 = arith.constant 0 : i32
      %dma_wait3A_188 = tpu.memref_slice %arg8[%add3A_181, %dma_wait3A_187] : memref<152x128xi32, #tpu.memory_space<vmem>> -> memref<1x128xi32, #tpu.memory_space<vmem>>
      %dma_wait3A_189 = tpu.memref_squeeze %dma_wait3A_188 : memref<1x128xi32, #tpu.memory_space<vmem>> -> memref<128xi32, #tpu.memory_space<vmem>>
      %dma_wait3A_190 = arith.constant 0 : i32
      %dma_wait3A_191 = arith.constant 0 : i32
      %dma_wait3A_192 = tpu.memref_slice %arg2[%dma_wait3A_190, %dma_wait3A_191] : memref<10000x64xf32, #tpu.memory_space<hbm>> -> memref<10000x64xf32, #tpu.memory_space<hbm>>
      tpu.wait_indirect_dma semaphore(%arg12 : memref<!tpu.dma_semaphore, #tpu.memory_space<semaphore_mem>>) src(%dma_wait3A_192 : memref<10000x64xf32, #tpu.memory_space<hbm>>) dst(%dma_wait3A_186 : memref<128x64xf32, #tpu.memory_space<vmem>>)
      %dma_start3A_193 = arith.constant 0 : i32
      %dma_start3A_194 = arith.constant 0 : i32
      %dma_start3A_195 = arith.constant 0 : i32
      %dma_start3A_196 = tpu.memref_slice %arg10[%dma_start3A_193, %dma_start3A_194, %dma_start3A_195] : memref<4x128x64xf32, #tpu.memory_space<vmem>> -> memref<1x128x64xf32, #tpu.memory_space<vmem>>
      %dma_start3A_197 = tpu.memref_squeeze %dma_start3A_196 : memref<1x128x64xf32, #tpu.memory_space<vmem>> -> memref<128x64xf32, #tpu.memory_space<vmem>>
      %dma_start3A_198 = arith.constant 0 : i32
      %dma_start3A_199 = tpu.memref_slice %arg9[%add3A_181, %dma_start3A_198] : memref<152x128xi32, #tpu.memory_space<vmem>> -> memref<1x128xi32, #tpu.memory_space<vmem>>
      %dma_start3A_200 = tpu.memref_squeeze %dma_start3A_199 : memref<1x128xi32, #tpu.memory_space<vmem>> -> memref<128xi32, #tpu.memory_space<vmem>>
      %dma_start3A_201 = arith.constant 0 : i32
      %dma_start3A_202 = arith.constant 0 : i32
      %dma_start3A_203 = tpu.memref_slice %arg11[%dma_start3A_201, %dma_start3A_202] : memref<10112x64xf32, #tpu.memory_space<vmem_shared>> -> memref<10112x64xf32, #tpu.memory_space<vmem_shared>>
      tpu.enqueue_indirect_dma source(%dma_start3A_197 : memref<128x64xf32, #tpu.memory_space<vmem>>) target(%dma_start3A_203 : memref<10112x64xf32, #tpu.memory_space<vmem_shared>>) offsets(%dma_start3A_200 : memref<128xi32, #tpu.memory_space<vmem>>) semaphore(%arg16 : memref<!tpu.dma_semaphore, #tpu.memory_space<semaphore_mem>>) {add = true}
      %dma_start3A_204 = arith.constant 0 : i32
      %dma_start3A_205 = tpu.memref_slice %arg9[%add3A_181, %dma_start3A_204] : memref<152x128xi32, #tpu.memory_space<vmem>> -> memref<1x128xi32, #tpu.memory_space<vmem>>
      %dma_start3A_206 = tpu.memref_squeeze %dma_start3A_205 : memref<1x128xi32, #tpu.memory_space<vmem>> -> memref<128xi32, #tpu.memory_space<vmem>>
      %dma_start3A_207 = arith.constant 0 : i32
      %dma_start3A_208 = arith.constant 0 : i32
      %dma_start3A_209 = tpu.memref_slice %arg22[%dma_start3A_207, %dma_start3A_208] : memref<10112x16xf32, #tpu.memory_space<vmem_shared>> -> memref<10112x16xf32, #tpu.memory_space<vmem_shared>>
      tpu.enqueue_indirect_dma source(%arg20 : memref<128x16xf32, #tpu.memory_space<vmem>>) target(%dma_start3A_209 : memref<10112x16xf32, #tpu.memory_space<vmem_shared>>) offsets(%dma_start3A_206 : memref<128xi32, #tpu.memory_space<vmem>>) semaphore(%arg23 : memref<!tpu.dma_semaphore, #tpu.memory_space<semaphore_mem>>) {add = true}
      %ge3A = arith.constant 8 : i32
      %ge3A_210 = arith.cmpi sge, %add3A_181, %ge3A : i32
      %convert_element_type3A_211 = arith.extui %ge3A_210 : i1 to i32
      %cond3A_212 = arith.constant 0 : i32
      %cond3A_213 = arith.cmpi ne, %convert_element_type3A_211, %cond3A_212 : i32
      scf.if %cond3A_213 {
        %dma_wait3A_368 = arith.constant 0 : i32
        %dma_wait3A_369 = arith.constant 0 : i32
        %dma_wait3A_370 = tpu.memref_slice %arg9[%dma_wait3A_368, %dma_wait3A_369] : memref<152x128xi32, #tpu.memory_space<vmem>> -> memref<1x128xi32, #tpu.memory_space<vmem>>
        %dma_wait3A_371 = tpu.memref_squeeze %dma_wait3A_370 : memref<1x128xi32, #tpu.memory_space<vmem>> -> memref<128xi32, #tpu.memory_space<vmem>>
        %dma_wait3A_372 = arith.constant 0 : i32
        %dma_wait3A_373 = arith.constant 0 : i32
        %dma_wait3A_374 = tpu.memref_slice %arg22[%dma_wait3A_372, %dma_wait3A_373] : memref<10112x16xf32, #tpu.memory_space<vmem_shared>> -> memref<10112x16xf32, #tpu.memory_space<vmem_shared>>
        tpu.wait_indirect_dma semaphore(%arg23 : memref<!tpu.dma_semaphore, #tpu.memory_space<semaphore_mem>>) src(%arg20 : memref<128x16xf32, #tpu.memory_space<vmem>>) dst(%dma_wait3A_374 : memref<10112x16xf32, #tpu.memory_space<vmem_shared>>)
      } else {
      }
      %sub3A_214 = arith.constant 2 : i32
      %sub3A_215 = arith.subi %add3A_181, %sub3A_214 : i32
      %add3A_216 = arith.constant 4 : i32
      %add3A_217 = arith.addi %sub3A_215, %add3A_216 : i32
      %ge3A_218 = arith.constant 0 : i32
      %ge3A_219 = arith.cmpi sge, %sub3A_215, %ge3A_218 : i32
      %lt3A = arith.cmpi slt, %add3A_217, %select_n3A : i32
      %and3A_220 = arith.andi %ge3A_219, %lt3A : i1
      %convert_element_type3A_221 = arith.extui %and3A_220 : i1 to i32
      %cond3A_222 = arith.constant 0 : i32
      %cond3A_223 = arith.cmpi ne, %convert_element_type3A_221, %cond3A_222 : i32
      scf.if %cond3A_223 {
        %dma_wait3A_368 = arith.constant 2 : i32
        %dma_wait3A_369 = arith.constant 0 : i32
        %dma_wait3A_370 = arith.constant 0 : i32
        %dma_wait3A_371 = tpu.memref_slice %arg10[%dma_wait3A_368, %dma_wait3A_369, %dma_wait3A_370] : memref<4x128x64xf32, #tpu.memory_space<vmem>> -> memref<1x128x64xf32, #tpu.memory_space<vmem>>
        %dma_wait3A_372 = tpu.memref_squeeze %dma_wait3A_371 : memref<1x128x64xf32, #tpu.memory_space<vmem>> -> memref<128x64xf32, #tpu.memory_space<vmem>>
        %dma_wait3A_373 = arith.constant 0 : i32
        %dma_wait3A_374 = tpu.memref_slice %arg9[%sub3A_215, %dma_wait3A_373] : memref<152x128xi32, #tpu.memory_space<vmem>> -> memref<1x128xi32, #tpu.memory_space<vmem>>
        %dma_wait3A_375 = tpu.memref_squeeze %dma_wait3A_374 : memref<1x128xi32, #tpu.memory_space<vmem>> -> memref<128xi32, #tpu.memory_space<vmem>>
        %dma_wait3A_376 = arith.constant 0 : i32
        %dma_wait3A_377 = arith.constant 0 : i32
        %dma_wait3A_378 = tpu.memref_slice %arg11[%dma_wait3A_376, %dma_wait3A_377] : memref<10112x64xf32, #tpu.memory_space<vmem_shared>> -> memref<10112x64xf32, #tpu.memory_space<vmem_shared>>
        tpu.wait_indirect_dma semaphore(%arg18 : memref<!tpu.dma_semaphore, #tpu.memory_space<semaphore_mem>>) src(%dma_wait3A_372 : memref<128x64xf32, #tpu.memory_space<vmem>>) dst(%dma_wait3A_378 : memref<10112x64xf32, #tpu.memory_space<vmem_shared>>)
        %dma_start3A_379 = arith.constant 2 : i32
        %dma_start3A_380 = arith.constant 0 : i32
        %dma_start3A_381 = arith.constant 0 : i32
        %dma_start3A_382 = tpu.memref_slice %arg10[%dma_start3A_379, %dma_start3A_380, %dma_start3A_381] : memref<4x128x64xf32, #tpu.memory_space<vmem>> -> memref<1x128x64xf32, #tpu.memory_space<vmem>>
        %dma_start3A_383 = tpu.memref_squeeze %dma_start3A_382 : memref<1x128x64xf32, #tpu.memory_space<vmem>> -> memref<128x64xf32, #tpu.memory_space<vmem>>
        %dma_start3A_384 = arith.constant 0 : i32
        %dma_start3A_385 = tpu.memref_slice %arg8[%add3A_217, %dma_start3A_384] : memref<152x128xi32, #tpu.memory_space<vmem>> -> memref<1x128xi32, #tpu.memory_space<vmem>>
        %dma_start3A_386 = tpu.memref_squeeze %dma_start3A_385 : memref<1x128xi32, #tpu.memory_space<vmem>> -> memref<128xi32, #tpu.memory_space<vmem>>
        %dma_start3A_387 = arith.constant 0 : i32
        %dma_start3A_388 = arith.constant 0 : i32
        %dma_start3A_389 = tpu.memref_slice %arg2[%dma_start3A_387, %dma_start3A_388] : memref<10000x64xf32, #tpu.memory_space<hbm>> -> memref<10000x64xf32, #tpu.memory_space<hbm>>
        tpu.enqueue_indirect_dma source(%dma_start3A_389 : memref<10000x64xf32, #tpu.memory_space<hbm>>) target(%dma_start3A_383 : memref<128x64xf32, #tpu.memory_space<vmem>>) offsets(%dma_start3A_386 : memref<128xi32, #tpu.memory_space<vmem>>) semaphore(%arg14 : memref<!tpu.dma_semaphore, #tpu.memory_space<semaphore_mem>>)
      } else {
      }
      %mul3A_224 = arith.constant 4 : i32
      %mul3A_225 = arith.muli %while3A_177, %mul3A_224 : i32
      %add3A_226 = arith.constant 1 : i32
      %add3A_227 = arith.addi %mul3A_225, %add3A_226 : i32
      %dma_wait3A_228 = arith.constant 1 : i32
      %dma_wait3A_229 = arith.constant 0 : i32
      %dma_wait3A_230 = arith.constant 0 : i32
      %dma_wait3A_231 = tpu.memref_slice %arg10[%dma_wait3A_228, %dma_wait3A_229, %dma_wait3A_230] : memref<4x128x64xf32, #tpu.memory_space<vmem>> -> memref<1x128x64xf32, #tpu.memory_space<vmem>>
      %dma_wait3A_232 = tpu.memref_squeeze %dma_wait3A_231 : memref<1x128x64xf32, #tpu.memory_space<vmem>> -> memref<128x64xf32, #tpu.memory_space<vmem>>
      %dma_wait3A_233 = arith.constant 0 : i32
      %dma_wait3A_234 = tpu.memref_slice %arg8[%add3A_227, %dma_wait3A_233] : memref<152x128xi32, #tpu.memory_space<vmem>> -> memref<1x128xi32, #tpu.memory_space<vmem>>
      %dma_wait3A_235 = tpu.memref_squeeze %dma_wait3A_234 : memref<1x128xi32, #tpu.memory_space<vmem>> -> memref<128xi32, #tpu.memory_space<vmem>>
      %dma_wait3A_236 = arith.constant 0 : i32
      %dma_wait3A_237 = arith.constant 0 : i32
      %dma_wait3A_238 = tpu.memref_slice %arg2[%dma_wait3A_236, %dma_wait3A_237] : memref<10000x64xf32, #tpu.memory_space<hbm>> -> memref<10000x64xf32, #tpu.memory_space<hbm>>
      tpu.wait_indirect_dma semaphore(%arg13 : memref<!tpu.dma_semaphore, #tpu.memory_space<semaphore_mem>>) src(%dma_wait3A_238 : memref<10000x64xf32, #tpu.memory_space<hbm>>) dst(%dma_wait3A_232 : memref<128x64xf32, #tpu.memory_space<vmem>>)
      %dma_start3A_239 = arith.constant 1 : i32
      %dma_start3A_240 = arith.constant 0 : i32
      %dma_start3A_241 = arith.constant 0 : i32
      %dma_start3A_242 = tpu.memref_slice %arg10[%dma_start3A_239, %dma_start3A_240, %dma_start3A_241] : memref<4x128x64xf32, #tpu.memory_space<vmem>> -> memref<1x128x64xf32, #tpu.memory_space<vmem>>
      %dma_start3A_243 = tpu.memref_squeeze %dma_start3A_242 : memref<1x128x64xf32, #tpu.memory_space<vmem>> -> memref<128x64xf32, #tpu.memory_space<vmem>>
      %dma_start3A_244 = arith.constant 0 : i32
      %dma_start3A_245 = tpu.memref_slice %arg9[%add3A_227, %dma_start3A_244] : memref<152x128xi32, #tpu.memory_space<vmem>> -> memref<1x128xi32, #tpu.memory_space<vmem>>
      %dma_start3A_246 = tpu.memref_squeeze %dma_start3A_245 : memref<1x128xi32, #tpu.memory_space<vmem>> -> memref<128xi32, #tpu.memory_space<vmem>>
      %dma_start3A_247 = arith.constant 0 : i32
      %dma_start3A_248 = arith.constant 0 : i32
      %dma_start3A_249 = tpu.memref_slice %arg11[%dma_start3A_247, %dma_start3A_248] : memref<10112x64xf32, #tpu.memory_space<vmem_shared>> -> memref<10112x64xf32, #tpu.memory_space<vmem_shared>>
      tpu.enqueue_indirect_dma source(%dma_start3A_243 : memref<128x64xf32, #tpu.memory_space<vmem>>) target(%dma_start3A_249 : memref<10112x64xf32, #tpu.memory_space<vmem_shared>>) offsets(%dma_start3A_246 : memref<128xi32, #tpu.memory_space<vmem>>) semaphore(%arg17 : memref<!tpu.dma_semaphore, #tpu.memory_space<semaphore_mem>>) {add = true}
      %dma_start3A_250 = arith.constant 0 : i32
      %dma_start3A_251 = tpu.memref_slice %arg9[%add3A_227, %dma_start3A_250] : memref<152x128xi32, #tpu.memory_space<vmem>> -> memref<1x128xi32, #tpu.memory_space<vmem>>
      %dma_start3A_252 = tpu.memref_squeeze %dma_start3A_251 : memref<1x128xi32, #tpu.memory_space<vmem>> -> memref<128xi32, #tpu.memory_space<vmem>>
      %dma_start3A_253 = arith.constant 0 : i32
      %dma_start3A_254 = arith.constant 0 : i32
      %dma_start3A_255 = tpu.memref_slice %arg22[%dma_start3A_253, %dma_start3A_254] : memref<10112x16xf32, #tpu.memory_space<vmem_shared>> -> memref<10112x16xf32, #tpu.memory_space<vmem_shared>>
      tpu.enqueue_indirect_dma source(%arg20 : memref<128x16xf32, #tpu.memory_space<vmem>>) target(%dma_start3A_255 : memref<10112x16xf32, #tpu.memory_space<vmem_shared>>) offsets(%dma_start3A_252 : memref<128xi32, #tpu.memory_space<vmem>>) semaphore(%arg23 : memref<!tpu.dma_semaphore, #tpu.memory_space<semaphore_mem>>) {add = true}
      %ge3A_256 = arith.constant 8 : i32
      %ge3A_257 = arith.cmpi sge, %add3A_227, %ge3A_256 : i32
      %convert_element_type3A_258 = arith.extui %ge3A_257 : i1 to i32
      %cond3A_259 = arith.constant 0 : i32
      %cond3A_260 = arith.cmpi ne, %convert_element_type3A_258, %cond3A_259 : i32
      scf.if %cond3A_260 {
        %dma_wait3A_368 = arith.constant 0 : i32
        %dma_wait3A_369 = arith.constant 0 : i32
        %dma_wait3A_370 = tpu.memref_slice %arg9[%dma_wait3A_368, %dma_wait3A_369] : memref<152x128xi32, #tpu.memory_space<vmem>> -> memref<1x128xi32, #tpu.memory_space<vmem>>
        %dma_wait3A_371 = tpu.memref_squeeze %dma_wait3A_370 : memref<1x128xi32, #tpu.memory_space<vmem>> -> memref<128xi32, #tpu.memory_space<vmem>>
        %dma_wait3A_372 = arith.constant 0 : i32
        %dma_wait3A_373 = arith.constant 0 : i32
        %dma_wait3A_374 = tpu.memref_slice %arg22[%dma_wait3A_372, %dma_wait3A_373] : memref<10112x16xf32, #tpu.memory_space<vmem_shared>> -> memref<10112x16xf32, #tpu.memory_space<vmem_shared>>
        tpu.wait_indirect_dma semaphore(%arg23 : memref<!tpu.dma_semaphore, #tpu.memory_space<semaphore_mem>>) src(%arg20 : memref<128x16xf32, #tpu.memory_space<vmem>>) dst(%dma_wait3A_374 : memref<10112x16xf32, #tpu.memory_space<vmem_shared>>)
      } else {
      }
      %sub3A_261 = arith.constant 2 : i32
      %sub3A_262 = arith.subi %add3A_227, %sub3A_261 : i32
      %add3A_263 = arith.constant 4 : i32
      %add3A_264 = arith.addi %sub3A_262, %add3A_263 : i32
      %ge3A_265 = arith.constant 0 : i32
      %ge3A_266 = arith.cmpi sge, %sub3A_262, %ge3A_265 : i32
      %lt3A_267 = arith.cmpi slt, %add3A_264, %select_n3A : i32
      %and3A_268 = arith.andi %ge3A_266, %lt3A_267 : i1
      %convert_element_type3A_269 = arith.extui %and3A_268 : i1 to i32
      %cond3A_270 = arith.constant 0 : i32
      %cond3A_271 = arith.cmpi ne, %convert_element_type3A_269, %cond3A_270 : i32
      scf.if %cond3A_271 {
        %dma_wait3A_368 = arith.constant 3 : i32
        %dma_wait3A_369 = arith.constant 0 : i32
        %dma_wait3A_370 = arith.constant 0 : i32
        %dma_wait3A_371 = tpu.memref_slice %arg10[%dma_wait3A_368, %dma_wait3A_369, %dma_wait3A_370] : memref<4x128x64xf32, #tpu.memory_space<vmem>> -> memref<1x128x64xf32, #tpu.memory_space<vmem>>
        %dma_wait3A_372 = tpu.memref_squeeze %dma_wait3A_371 : memref<1x128x64xf32, #tpu.memory_space<vmem>> -> memref<128x64xf32, #tpu.memory_space<vmem>>
        %dma_wait3A_373 = arith.constant 0 : i32
        %dma_wait3A_374 = tpu.memref_slice %arg9[%sub3A_262, %dma_wait3A_373] : memref<152x128xi32, #tpu.memory_space<vmem>> -> memref<1x128xi32, #tpu.memory_space<vmem>>
        %dma_wait3A_375 = tpu.memref_squeeze %dma_wait3A_374 : memref<1x128xi32, #tpu.memory_space<vmem>> -> memref<128xi32, #tpu.memory_space<vmem>>
        %dma_wait3A_376 = arith.constant 0 : i32
        %dma_wait3A_377 = arith.constant 0 : i32
        %dma_wait3A_378 = tpu.memref_slice %arg11[%dma_wait3A_376, %dma_wait3A_377] : memref<10112x64xf32, #tpu.memory_space<vmem_shared>> -> memref<10112x64xf32, #tpu.memory_space<vmem_shared>>
        tpu.wait_indirect_dma semaphore(%arg19 : memref<!tpu.dma_semaphore, #tpu.memory_space<semaphore_mem>>) src(%dma_wait3A_372 : memref<128x64xf32, #tpu.memory_space<vmem>>) dst(%dma_wait3A_378 : memref<10112x64xf32, #tpu.memory_space<vmem_shared>>)
        %dma_start3A_379 = arith.constant 3 : i32
        %dma_start3A_380 = arith.constant 0 : i32
        %dma_start3A_381 = arith.constant 0 : i32
        %dma_start3A_382 = tpu.memref_slice %arg10[%dma_start3A_379, %dma_start3A_380, %dma_start3A_381] : memref<4x128x64xf32, #tpu.memory_space<vmem>> -> memref<1x128x64xf32, #tpu.memory_space<vmem>>
        %dma_start3A_383 = tpu.memref_squeeze %dma_start3A_382 : memref<1x128x64xf32, #tpu.memory_space<vmem>> -> memref<128x64xf32, #tpu.memory_space<vmem>>
        %dma_start3A_384 = arith.constant 0 : i32
        %dma_start3A_385 = tpu.memref_slice %arg8[%add3A_264, %dma_start3A_384] : memref<152x128xi32, #tpu.memory_space<vmem>> -> memref<1x128xi32, #tpu.memory_space<vmem>>
        %dma_start3A_386 = tpu.memref_squeeze %dma_start3A_385 : memref<1x128xi32, #tpu.memory_space<vmem>> -> memref<128xi32, #tpu.memory_space<vmem>>
        %dma_start3A_387 = arith.constant 0 : i32
        %dma_start3A_388 = arith.constant 0 : i32
        %dma_start3A_389 = tpu.memref_slice %arg2[%dma_start3A_387, %dma_start3A_388] : memref<10000x64xf32, #tpu.memory_space<hbm>> -> memref<10000x64xf32, #tpu.memory_space<hbm>>
        tpu.enqueue_indirect_dma source(%dma_start3A_389 : memref<10000x64xf32, #tpu.memory_space<hbm>>) target(%dma_start3A_383 : memref<128x64xf32, #tpu.memory_space<vmem>>) offsets(%dma_start3A_386 : memref<128xi32, #tpu.memory_space<vmem>>) semaphore(%arg15 : memref<!tpu.dma_semaphore, #tpu.memory_space<semaphore_mem>>)
      } else {
      }
      %mul3A_272 = arith.constant 4 : i32
      %mul3A_273 = arith.muli %while3A_177, %mul3A_272 : i32
      %add3A_274 = arith.constant 2 : i32
      %add3A_275 = arith.addi %mul3A_273, %add3A_274 : i32
      %dma_wait3A_276 = arith.constant 2 : i32
      %dma_wait3A_277 = arith.constant 0 : i32
      %dma_wait3A_278 = arith.constant 0 : i32
      %dma_wait3A_279 = tpu.memref_slice %arg10[%dma_wait3A_276, %dma_wait3A_277, %dma_wait3A_278] : memref<4x128x64xf32, #tpu.memory_space<vmem>> -> memref<1x128x64xf32, #tpu.memory_space<vmem>>
      %dma_wait3A_280 = tpu.memref_squeeze %dma_wait3A_279 : memref<1x128x64xf32, #tpu.memory_space<vmem>> -> memref<128x64xf32, #tpu.memory_space<vmem>>
      %dma_wait3A_281 = arith.constant 0 : i32
      %dma_wait3A_282 = tpu.memref_slice %arg8[%add3A_275, %dma_wait3A_281] : memref<152x128xi32, #tpu.memory_space<vmem>> -> memref<1x128xi32, #tpu.memory_space<vmem>>
      %dma_wait3A_283 = tpu.memref_squeeze %dma_wait3A_282 : memref<1x128xi32, #tpu.memory_space<vmem>> -> memref<128xi32, #tpu.memory_space<vmem>>
      %dma_wait3A_284 = arith.constant 0 : i32
      %dma_wait3A_285 = arith.constant 0 : i32
      %dma_wait3A_286 = tpu.memref_slice %arg2[%dma_wait3A_284, %dma_wait3A_285] : memref<10000x64xf32, #tpu.memory_space<hbm>> -> memref<10000x64xf32, #tpu.memory_space<hbm>>
      tpu.wait_indirect_dma semaphore(%arg14 : memref<!tpu.dma_semaphore, #tpu.memory_space<semaphore_mem>>) src(%dma_wait3A_286 : memref<10000x64xf32, #tpu.memory_space<hbm>>) dst(%dma_wait3A_280 : memref<128x64xf32, #tpu.memory_space<vmem>>)
      %dma_start3A_287 = arith.constant 2 : i32
      %dma_start3A_288 = arith.constant 0 : i32
      %dma_start3A_289 = arith.constant 0 : i32
      %dma_start3A_290 = tpu.memref_slice %arg10[%dma_start3A_287, %dma_start3A_288, %dma_start3A_289] : memref<4x128x64xf32, #tpu.memory_space<vmem>> -> memref<1x128x64xf32, #tpu.memory_space<vmem>>
      %dma_start3A_291 = tpu.memref_squeeze %dma_start3A_290 : memref<1x128x64xf32, #tpu.memory_space<vmem>> -> memref<128x64xf32, #tpu.memory_space<vmem>>
      %dma_start3A_292 = arith.constant 0 : i32
      %dma_start3A_293 = tpu.memref_slice %arg9[%add3A_275, %dma_start3A_292] : memref<152x128xi32, #tpu.memory_space<vmem>> -> memref<1x128xi32, #tpu.memory_space<vmem>>
      %dma_start3A_294 = tpu.memref_squeeze %dma_start3A_293 : memref<1x128xi32, #tpu.memory_space<vmem>> -> memref<128xi32, #tpu.memory_space<vmem>>
      %dma_start3A_295 = arith.constant 0 : i32
      %dma_start3A_296 = arith.constant 0 : i32
      %dma_start3A_297 = tpu.memref_slice %arg11[%dma_start3A_295, %dma_start3A_296] : memref<10112x64xf32, #tpu.memory_space<vmem_shared>> -> memref<10112x64xf32, #tpu.memory_space<vmem_shared>>
      tpu.enqueue_indirect_dma source(%dma_start3A_291 : memref<128x64xf32, #tpu.memory_space<vmem>>) target(%dma_start3A_297 : memref<10112x64xf32, #tpu.memory_space<vmem_shared>>) offsets(%dma_start3A_294 : memref<128xi32, #tpu.memory_space<vmem>>) semaphore(%arg18 : memref<!tpu.dma_semaphore, #tpu.memory_space<semaphore_mem>>) {add = true}
      %dma_start3A_298 = arith.constant 0 : i32
      %dma_start3A_299 = tpu.memref_slice %arg9[%add3A_275, %dma_start3A_298] : memref<152x128xi32, #tpu.memory_space<vmem>> -> memref<1x128xi32, #tpu.memory_space<vmem>>
      %dma_start3A_300 = tpu.memref_squeeze %dma_start3A_299 : memref<1x128xi32, #tpu.memory_space<vmem>> -> memref<128xi32, #tpu.memory_space<vmem>>
      %dma_start3A_301 = arith.constant 0 : i32
      %dma_start3A_302 = arith.constant 0 : i32
      %dma_start3A_303 = tpu.memref_slice %arg22[%dma_start3A_301, %dma_start3A_302] : memref<10112x16xf32, #tpu.memory_space<vmem_shared>> -> memref<10112x16xf32, #tpu.memory_space<vmem_shared>>
      tpu.enqueue_indirect_dma source(%arg20 : memref<128x16xf32, #tpu.memory_space<vmem>>) target(%dma_start3A_303 : memref<10112x16xf32, #tpu.memory_space<vmem_shared>>) offsets(%dma_start3A_300 : memref<128xi32, #tpu.memory_space<vmem>>) semaphore(%arg23 : memref<!tpu.dma_semaphore, #tpu.memory_space<semaphore_mem>>) {add = true}
      %ge3A_304 = arith.constant 8 : i32
      %ge3A_305 = arith.cmpi sge, %add3A_275, %ge3A_304 : i32
      %convert_element_type3A_306 = arith.extui %ge3A_305 : i1 to i32
      %cond3A_307 = arith.constant 0 : i32
      %cond3A_308 = arith.cmpi ne, %convert_element_type3A_306, %cond3A_307 : i32
      scf.if %cond3A_308 {
        %dma_wait3A_368 = arith.constant 0 : i32
        %dma_wait3A_369 = arith.constant 0 : i32
        %dma_wait3A_370 = tpu.memref_slice %arg9[%dma_wait3A_368, %dma_wait3A_369] : memref<152x128xi32, #tpu.memory_space<vmem>> -> memref<1x128xi32, #tpu.memory_space<vmem>>
        %dma_wait3A_371 = tpu.memref_squeeze %dma_wait3A_370 : memref<1x128xi32, #tpu.memory_space<vmem>> -> memref<128xi32, #tpu.memory_space<vmem>>
        %dma_wait3A_372 = arith.constant 0 : i32
        %dma_wait3A_373 = arith.constant 0 : i32
        %dma_wait3A_374 = tpu.memref_slice %arg22[%dma_wait3A_372, %dma_wait3A_373] : memref<10112x16xf32, #tpu.memory_space<vmem_shared>> -> memref<10112x16xf32, #tpu.memory_space<vmem_shared>>
        tpu.wait_indirect_dma semaphore(%arg23 : memref<!tpu.dma_semaphore, #tpu.memory_space<semaphore_mem>>) src(%arg20 : memref<128x16xf32, #tpu.memory_space<vmem>>) dst(%dma_wait3A_374 : memref<10112x16xf32, #tpu.memory_space<vmem_shared>>)
      } else {
      }
      %sub3A_309 = arith.constant 2 : i32
      %sub3A_310 = arith.subi %add3A_275, %sub3A_309 : i32
      %add3A_311 = arith.constant 4 : i32
      %add3A_312 = arith.addi %sub3A_310, %add3A_311 : i32
      %ge3A_313 = arith.constant 0 : i32
      %ge3A_314 = arith.cmpi sge, %sub3A_310, %ge3A_313 : i32
      %lt3A_315 = arith.cmpi slt, %add3A_312, %select_n3A : i32
      %and3A_316 = arith.andi %ge3A_314, %lt3A_315 : i1
      %convert_element_type3A_317 = arith.extui %and3A_316 : i1 to i32
      %cond3A_318 = arith.constant 0 : i32
      %cond3A_319 = arith.cmpi ne, %convert_element_type3A_317, %cond3A_318 : i32
      scf.if %cond3A_319 {
        %dma_wait3A_368 = arith.constant 0 : i32
        %dma_wait3A_369 = arith.constant 0 : i32
        %dma_wait3A_370 = arith.constant 0 : i32
        %dma_wait3A_371 = tpu.memref_slice %arg10[%dma_wait3A_368, %dma_wait3A_369, %dma_wait3A_370] : memref<4x128x64xf32, #tpu.memory_space<vmem>> -> memref<1x128x64xf32, #tpu.memory_space<vmem>>
        %dma_wait3A_372 = tpu.memref_squeeze %dma_wait3A_371 : memref<1x128x64xf32, #tpu.memory_space<vmem>> -> memref<128x64xf32, #tpu.memory_space<vmem>>
        %dma_wait3A_373 = arith.constant 0 : i32
        %dma_wait3A_374 = tpu.memref_slice %arg9[%sub3A_310, %dma_wait3A_373] : memref<152x128xi32, #tpu.memory_space<vmem>> -> memref<1x128xi32, #tpu.memory_space<vmem>>
        %dma_wait3A_375 = tpu.memref_squeeze %dma_wait3A_374 : memref<1x128xi32, #tpu.memory_space<vmem>> -> memref<128xi32, #tpu.memory_space<vmem>>
        %dma_wait3A_376 = arith.constant 0 : i32
        %dma_wait3A_377 = arith.constant 0 : i32
        %dma_wait3A_378 = tpu.memref_slice %arg11[%dma_wait3A_376, %dma_wait3A_377] : memref<10112x64xf32, #tpu.memory_space<vmem_shared>> -> memref<10112x64xf32, #tpu.memory_space<vmem_shared>>
        tpu.wait_indirect_dma semaphore(%arg16 : memref<!tpu.dma_semaphore, #tpu.memory_space<semaphore_mem>>) src(%dma_wait3A_372 : memref<128x64xf32, #tpu.memory_space<vmem>>) dst(%dma_wait3A_378 : memref<10112x64xf32, #tpu.memory_space<vmem_shared>>)
        %dma_start3A_379 = arith.constant 0 : i32
        %dma_start3A_380 = arith.constant 0 : i32
        %dma_start3A_381 = arith.constant 0 : i32
        %dma_start3A_382 = tpu.memref_slice %arg10[%dma_start3A_379, %dma_start3A_380, %dma_start3A_381] : memref<4x128x64xf32, #tpu.memory_space<vmem>> -> memref<1x128x64xf32, #tpu.memory_space<vmem>>
        %dma_start3A_383 = tpu.memref_squeeze %dma_start3A_382 : memref<1x128x64xf32, #tpu.memory_space<vmem>> -> memref<128x64xf32, #tpu.memory_space<vmem>>
        %dma_start3A_384 = arith.constant 0 : i32
        %dma_start3A_385 = tpu.memref_slice %arg8[%add3A_312, %dma_start3A_384] : memref<152x128xi32, #tpu.memory_space<vmem>> -> memref<1x128xi32, #tpu.memory_space<vmem>>
        %dma_start3A_386 = tpu.memref_squeeze %dma_start3A_385 : memref<1x128xi32, #tpu.memory_space<vmem>> -> memref<128xi32, #tpu.memory_space<vmem>>
        %dma_start3A_387 = arith.constant 0 : i32
        %dma_start3A_388 = arith.constant 0 : i32
        %dma_start3A_389 = tpu.memref_slice %arg2[%dma_start3A_387, %dma_start3A_388] : memref<10000x64xf32, #tpu.memory_space<hbm>> -> memref<10000x64xf32, #tpu.memory_space<hbm>>
        tpu.enqueue_indirect_dma source(%dma_start3A_389 : memref<10000x64xf32, #tpu.memory_space<hbm>>) target(%dma_start3A_383 : memref<128x64xf32, #tpu.memory_space<vmem>>) offsets(%dma_start3A_386 : memref<128xi32, #tpu.memory_space<vmem>>) semaphore(%arg12 : memref<!tpu.dma_semaphore, #tpu.memory_space<semaphore_mem>>)
      } else {
      }
      %mul3A_320 = arith.constant 4 : i32
      %mul3A_321 = arith.muli %while3A_177, %mul3A_320 : i32
      %add3A_322 = arith.constant 3 : i32
      %add3A_323 = arith.addi %mul3A_321, %add3A_322 : i32
      %dma_wait3A_324 = arith.constant 3 : i32
      %dma_wait3A_325 = arith.constant 0 : i32
      %dma_wait3A_326 = arith.constant 0 : i32
      %dma_wait3A_327 = tpu.memref_slice %arg10[%dma_wait3A_324, %dma_wait3A_325, %dma_wait3A_326] : memref<4x128x64xf32, #tpu.memory_space<vmem>> -> memref<1x128x64xf32, #tpu.memory_space<vmem>>
      %dma_wait3A_328 = tpu.memref_squeeze %dma_wait3A_327 : memref<1x128x64xf32, #tpu.memory_space<vmem>> -> memref<128x64xf32, #tpu.memory_space<vmem>>
      %dma_wait3A_329 = arith.constant 0 : i32
      %dma_wait3A_330 = tpu.memref_slice %arg8[%add3A_323, %dma_wait3A_329] : memref<152x128xi32, #tpu.memory_space<vmem>> -> memref<1x128xi32, #tpu.memory_space<vmem>>
      %dma_wait3A_331 = tpu.memref_squeeze %dma_wait3A_330 : memref<1x128xi32, #tpu.memory_space<vmem>> -> memref<128xi32, #tpu.memory_space<vmem>>
      %dma_wait3A_332 = arith.constant 0 : i32
      %dma_wait3A_333 = arith.constant 0 : i32
      %dma_wait3A_334 = tpu.memref_slice %arg2[%dma_wait3A_332, %dma_wait3A_333] : memref<10000x64xf32, #tpu.memory_space<hbm>> -> memref<10000x64xf32, #tpu.memory_space<hbm>>
      tpu.wait_indirect_dma semaphore(%arg15 : memref<!tpu.dma_semaphore, #tpu.memory_space<semaphore_mem>>) src(%dma_wait3A_334 : memref<10000x64xf32, #tpu.memory_space<hbm>>) dst(%dma_wait3A_328 : memref<128x64xf32, #tpu.memory_space<vmem>>)
      %dma_start3A_335 = arith.constant 3 : i32
      %dma_start3A_336 = arith.constant 0 : i32
      %dma_start3A_337 = arith.constant 0 : i32
      %dma_start3A_338 = tpu.memref_slice %arg10[%dma_start3A_335, %dma_start3A_336, %dma_start3A_337] : memref<4x128x64xf32, #tpu.memory_space<vmem>> -> memref<1x128x64xf32, #tpu.memory_space<vmem>>
      %dma_start3A_339 = tpu.memref_squeeze %dma_start3A_338 : memref<1x128x64xf32, #tpu.memory_space<vmem>> -> memref<128x64xf32, #tpu.memory_space<vmem>>
      %dma_start3A_340 = arith.constant 0 : i32
      %dma_start3A_341 = tpu.memref_slice %arg9[%add3A_323, %dma_start3A_340] : memref<152x128xi32, #tpu.memory_space<vmem>> -> memref<1x128xi32, #tpu.memory_space<vmem>>
      %dma_start3A_342 = tpu.memref_squeeze %dma_start3A_341 : memref<1x128xi32, #tpu.memory_space<vmem>> -> memref<128xi32, #tpu.memory_space<vmem>>
      %dma_start3A_343 = arith.constant 0 : i32
      %dma_start3A_344 = arith.constant 0 : i32
      %dma_start3A_345 = tpu.memref_slice %arg11[%dma_start3A_343, %dma_start3A_344] : memref<10112x64xf32, #tpu.memory_space<vmem_shared>> -> memref<10112x64xf32, #tpu.memory_space<vmem_shared>>
      tpu.enqueue_indirect_dma source(%dma_start3A_339 : memref<128x64xf32, #tpu.memory_space<vmem>>) target(%dma_start3A_345 : memref<10112x64xf32, #tpu.memory_space<vmem_shared>>) offsets(%dma_start3A_342 : memref<128xi32, #tpu.memory_space<vmem>>) semaphore(%arg19 : memref<!tpu.dma_semaphore, #tpu.memory_space<semaphore_mem>>) {add = true}
      %dma_start3A_346 = arith.constant 0 : i32
      %dma_start3A_347 = tpu.memref_slice %arg9[%add3A_323, %dma_start3A_346] : memref<152x128xi32, #tpu.memory_space<vmem>> -> memref<1x128xi32, #tpu.memory_space<vmem>>
      %dma_start3A_348 = tpu.memref_squeeze %dma_start3A_347 : memref<1x128xi32, #tpu.memory_space<vmem>> -> memref<128xi32, #tpu.memory_space<vmem>>
      %dma_start3A_349 = arith.constant 0 : i32
      %dma_start3A_350 = arith.constant 0 : i32
      %dma_start3A_351 = tpu.memref_slice %arg22[%dma_start3A_349, %dma_start3A_350] : memref<10112x16xf32, #tpu.memory_space<vmem_shared>> -> memref<10112x16xf32, #tpu.memory_space<vmem_shared>>
      tpu.enqueue_indirect_dma source(%arg20 : memref<128x16xf32, #tpu.memory_space<vmem>>) target(%dma_start3A_351 : memref<10112x16xf32, #tpu.memory_space<vmem_shared>>) offsets(%dma_start3A_348 : memref<128xi32, #tpu.memory_space<vmem>>) semaphore(%arg23 : memref<!tpu.dma_semaphore, #tpu.memory_space<semaphore_mem>>) {add = true}
      %ge3A_352 = arith.constant 8 : i32
      %ge3A_353 = arith.cmpi sge, %add3A_323, %ge3A_352 : i32
      %convert_element_type3A_354 = arith.extui %ge3A_353 : i1 to i32
      %cond3A_355 = arith.constant 0 : i32
      %cond3A_356 = arith.cmpi ne, %convert_element_type3A_354, %cond3A_355 : i32
      scf.if %cond3A_356 {
        %dma_wait3A_368 = arith.constant 0 : i32
        %dma_wait3A_369 = arith.constant 0 : i32
        %dma_wait3A_370 = tpu.memref_slice %arg9[%dma_wait3A_368, %dma_wait3A_369] : memref<152x128xi32, #tpu.memory_space<vmem>> -> memref<1x128xi32, #tpu.memory_space<vmem>>
        %dma_wait3A_371 = tpu.memref_squeeze %dma_wait3A_370 : memref<1x128xi32, #tpu.memory_space<vmem>> -> memref<128xi32, #tpu.memory_space<vmem>>
        %dma_wait3A_372 = arith.constant 0 : i32
        %dma_wait3A_373 = arith.constant 0 : i32
        %dma_wait3A_374 = tpu.memref_slice %arg22[%dma_wait3A_372, %dma_wait3A_373] : memref<10112x16xf32, #tpu.memory_space<vmem_shared>> -> memref<10112x16xf32, #tpu.memory_space<vmem_shared>>
        tpu.wait_indirect_dma semaphore(%arg23 : memref<!tpu.dma_semaphore, #tpu.memory_space<semaphore_mem>>) src(%arg20 : memref<128x16xf32, #tpu.memory_space<vmem>>) dst(%dma_wait3A_374 : memref<10112x16xf32, #tpu.memory_space<vmem_shared>>)
      } else {
      }
      %sub3A_357 = arith.constant 2 : i32
      %sub3A_358 = arith.subi %add3A_323, %sub3A_357 : i32
      %add3A_359 = arith.constant 4 : i32
      %add3A_360 = arith.addi %sub3A_358, %add3A_359 : i32
      %ge3A_361 = arith.constant 0 : i32
      %ge3A_362 = arith.cmpi sge, %sub3A_358, %ge3A_361 : i32
      %lt3A_363 = arith.cmpi slt, %add3A_360, %select_n3A : i32
      %and3A_364 = arith.andi %ge3A_362, %lt3A_363 : i1
      %convert_element_type3A_365 = arith.extui %and3A_364 : i1 to i32
      %cond3A_366 = arith.constant 0 : i32
      %cond3A_367 = arith.cmpi ne, %convert_element_type3A_365, %cond3A_366 : i32
      scf.if %cond3A_367 {
        %dma_wait3A_368 = arith.constant 1 : i32
        %dma_wait3A_369 = arith.constant 0 : i32
        %dma_wait3A_370 = arith.constant 0 : i32
        %dma_wait3A_371 = tpu.memref_slice %arg10[%dma_wait3A_368, %dma_wait3A_369, %dma_wait3A_370] : memref<4x128x64xf32, #tpu.memory_space<vmem>> -> memref<1x128x64xf32, #tpu.memory_space<vmem>>
        %dma_wait3A_372 = tpu.memref_squeeze %dma_wait3A_371 : memref<1x128x64xf32, #tpu.memory_space<vmem>> -> memref<128x64xf32, #tpu.memory_space<vmem>>
        %dma_wait3A_373 = arith.constant 0 : i32
        %dma_wait3A_374 = tpu.memref_slice %arg9[%sub3A_358, %dma_wait3A_373] : memref<152x128xi32, #tpu.memory_space<vmem>> -> memref<1x128xi32, #tpu.memory_space<vmem>>
        %dma_wait3A_375 = tpu.memref_squeeze %dma_wait3A_374 : memref<1x128xi32, #tpu.memory_space<vmem>> -> memref<128xi32, #tpu.memory_space<vmem>>
        %dma_wait3A_376 = arith.constant 0 : i32
        %dma_wait3A_377 = arith.constant 0 : i32
        %dma_wait3A_378 = tpu.memref_slice %arg11[%dma_wait3A_376, %dma_wait3A_377] : memref<10112x64xf32, #tpu.memory_space<vmem_shared>> -> memref<10112x64xf32, #tpu.memory_space<vmem_shared>>
        tpu.wait_indirect_dma semaphore(%arg17 : memref<!tpu.dma_semaphore, #tpu.memory_space<semaphore_mem>>) src(%dma_wait3A_372 : memref<128x64xf32, #tpu.memory_space<vmem>>) dst(%dma_wait3A_378 : memref<10112x64xf32, #tpu.memory_space<vmem_shared>>)
        %dma_start3A_379 = arith.constant 1 : i32
        %dma_start3A_380 = arith.constant 0 : i32
        %dma_start3A_381 = arith.constant 0 : i32
        %dma_start3A_382 = tpu.memref_slice %arg10[%dma_start3A_379, %dma_start3A_380, %dma_start3A_381] : memref<4x128x64xf32, #tpu.memory_space<vmem>> -> memref<1x128x64xf32, #tpu.memory_space<vmem>>
        %dma_start3A_383 = tpu.memref_squeeze %dma_start3A_382 : memref<1x128x64xf32, #tpu.memory_space<vmem>> -> memref<128x64xf32, #tpu.memory_space<vmem>>
        %dma_start3A_384 = arith.constant 0 : i32
        %dma_start3A_385 = tpu.memref_slice %arg8[%add3A_360, %dma_start3A_384] : memref<152x128xi32, #tpu.memory_space<vmem>> -> memref<1x128xi32, #tpu.memory_space<vmem>>
        %dma_start3A_386 = tpu.memref_squeeze %dma_start3A_385 : memref<1x128xi32, #tpu.memory_space<vmem>> -> memref<128xi32, #tpu.memory_space<vmem>>
        %dma_start3A_387 = arith.constant 0 : i32
        %dma_start3A_388 = arith.constant 0 : i32
        %dma_start3A_389 = tpu.memref_slice %arg2[%dma_start3A_387, %dma_start3A_388] : memref<10000x64xf32, #tpu.memory_space<hbm>> -> memref<10000x64xf32, #tpu.memory_space<hbm>>
        tpu.enqueue_indirect_dma source(%dma_start3A_389 : memref<10000x64xf32, #tpu.memory_space<hbm>>) target(%dma_start3A_383 : memref<128x64xf32, #tpu.memory_space<vmem>>) offsets(%dma_start3A_386 : memref<128xi32, #tpu.memory_space<vmem>>) semaphore(%arg13 : memref<!tpu.dma_semaphore, #tpu.memory_space<semaphore_mem>>)
      } else {
      }
    }
    %dma_wait3A = arith.constant 0 : i32
    %dma_wait3A_123 = arith.constant 0 : i32
    %dma_wait3A_124 = arith.constant 0 : i32
    %dma_wait3A_125 = arith.constant 0 : i32
    %dma_wait3A_126 = tpu.memref_slice %arg10[%dma_wait3A, %dma_wait3A_124, %dma_wait3A_125] : memref<4x128x64xf32, #tpu.memory_space<vmem>> -> memref<1x128x64xf32, #tpu.memory_space<vmem>>
    %dma_wait3A_127 = tpu.memref_squeeze %dma_wait3A_126 : memref<1x128x64xf32, #tpu.memory_space<vmem>> -> memref<128x64xf32, #tpu.memory_space<vmem>>
    %dma_wait3A_128 = arith.constant 0 : i32
    %dma_wait3A_129 = tpu.memref_slice %arg9[%dma_wait3A_123, %dma_wait3A_128] : memref<152x128xi32, #tpu.memory_space<vmem>> -> memref<1x128xi32, #tpu.memory_space<vmem>>
    %dma_wait3A_130 = tpu.memref_squeeze %dma_wait3A_129 : memref<1x128xi32, #tpu.memory_space<vmem>> -> memref<128xi32, #tpu.memory_space<vmem>>
    %dma_wait3A_131 = arith.constant 0 : i32
    %dma_wait3A_132 = arith.constant 0 : i32
    %dma_wait3A_133 = tpu.memref_slice %arg11[%dma_wait3A_131, %dma_wait3A_132] : memref<10112x64xf32, #tpu.memory_space<vmem_shared>> -> memref<10112x64xf32, #tpu.memory_space<vmem_shared>>
    tpu.wait_indirect_dma semaphore(%arg16 : memref<!tpu.dma_semaphore, #tpu.memory_space<semaphore_mem>>) src(%dma_wait3A_127 : memref<128x64xf32, #tpu.memory_space<vmem>>) dst(%dma_wait3A_133 : memref<10112x64xf32, #tpu.memory_space<vmem_shared>>)
    %dma_wait3A_134 = arith.constant 1 : i32
    %dma_wait3A_135 = arith.constant 0 : i32
    %dma_wait3A_136 = arith.constant 0 : i32
    %dma_wait3A_137 = arith.constant 0 : i32
    %dma_wait3A_138 = tpu.memref_slice %arg10[%dma_wait3A_134, %dma_wait3A_136, %dma_wait3A_137] : memref<4x128x64xf32, #tpu.memory_space<vmem>> -> memref<1x128x64xf32, #tpu.memory_space<vmem>>
    %dma_wait3A_139 = tpu.memref_squeeze %dma_wait3A_138 : memref<1x128x64xf32, #tpu.memory_space<vmem>> -> memref<128x64xf32, #tpu.memory_space<vmem>>
    %dma_wait3A_140 = arith.constant 0 : i32
    %dma_wait3A_141 = tpu.memref_slice %arg9[%dma_wait3A_135, %dma_wait3A_140] : memref<152x128xi32, #tpu.memory_space<vmem>> -> memref<1x128xi32, #tpu.memory_space<vmem>>
    %dma_wait3A_142 = tpu.memref_squeeze %dma_wait3A_141 : memref<1x128xi32, #tpu.memory_space<vmem>> -> memref<128xi32, #tpu.memory_space<vmem>>
    %dma_wait3A_143 = arith.constant 0 : i32
    %dma_wait3A_144 = arith.constant 0 : i32
    %dma_wait3A_145 = tpu.memref_slice %arg11[%dma_wait3A_143, %dma_wait3A_144] : memref<10112x64xf32, #tpu.memory_space<vmem_shared>> -> memref<10112x64xf32, #tpu.memory_space<vmem_shared>>
    tpu.wait_indirect_dma semaphore(%arg17 : memref<!tpu.dma_semaphore, #tpu.memory_space<semaphore_mem>>) src(%dma_wait3A_139 : memref<128x64xf32, #tpu.memory_space<vmem>>) dst(%dma_wait3A_145 : memref<10112x64xf32, #tpu.memory_space<vmem_shared>>)
    %dma_wait3A_146 = arith.constant 2 : i32
    %dma_wait3A_147 = arith.constant 0 : i32
    %dma_wait3A_148 = arith.constant 0 : i32
    %dma_wait3A_149 = arith.constant 0 : i32
    %dma_wait3A_150 = tpu.memref_slice %arg10[%dma_wait3A_146, %dma_wait3A_148, %dma_wait3A_149] : memref<4x128x64xf32, #tpu.memory_space<vmem>> -> memref<1x128x64xf32, #tpu.memory_space<vmem>>
    %dma_wait3A_151 = tpu.memref_squeeze %dma_wait3A_150 : memref<1x128x64xf32, #tpu.memory_space<vmem>> -> memref<128x64xf32, #tpu.memory_space<vmem>>
    %dma_wait3A_152 = arith.constant 0 : i32
    %dma_wait3A_153 = tpu.memref_slice %arg9[%dma_wait3A_147, %dma_wait3A_152] : memref<152x128xi32, #tpu.memory_space<vmem>> -> memref<1x128xi32, #tpu.memory_space<vmem>>
    %dma_wait3A_154 = tpu.memref_squeeze %dma_wait3A_153 : memref<1x128xi32, #tpu.memory_space<vmem>> -> memref<128xi32, #tpu.memory_space<vmem>>
    %dma_wait3A_155 = arith.constant 0 : i32
    %dma_wait3A_156 = arith.constant 0 : i32
    %dma_wait3A_157 = tpu.memref_slice %arg11[%dma_wait3A_155, %dma_wait3A_156] : memref<10112x64xf32, #tpu.memory_space<vmem_shared>> -> memref<10112x64xf32, #tpu.memory_space<vmem_shared>>
    tpu.wait_indirect_dma semaphore(%arg18 : memref<!tpu.dma_semaphore, #tpu.memory_space<semaphore_mem>>) src(%dma_wait3A_151 : memref<128x64xf32, #tpu.memory_space<vmem>>) dst(%dma_wait3A_157 : memref<10112x64xf32, #tpu.memory_space<vmem_shared>>)
    %dma_wait3A_158 = arith.constant 3 : i32
    %dma_wait3A_159 = arith.constant 0 : i32
    %dma_wait3A_160 = arith.constant 0 : i32
    %dma_wait3A_161 = arith.constant 0 : i32
    %dma_wait3A_162 = tpu.memref_slice %arg10[%dma_wait3A_158, %dma_wait3A_160, %dma_wait3A_161] : memref<4x128x64xf32, #tpu.memory_space<vmem>> -> memref<1x128x64xf32, #tpu.memory_space<vmem>>
    %dma_wait3A_163 = tpu.memref_squeeze %dma_wait3A_162 : memref<1x128x64xf32, #tpu.memory_space<vmem>> -> memref<128x64xf32, #tpu.memory_space<vmem>>
    %dma_wait3A_164 = arith.constant 0 : i32
    %dma_wait3A_165 = tpu.memref_slice %arg9[%dma_wait3A_159, %dma_wait3A_164] : memref<152x128xi32, #tpu.memory_space<vmem>> -> memref<1x128xi32, #tpu.memory_space<vmem>>
    %dma_wait3A_166 = tpu.memref_squeeze %dma_wait3A_165 : memref<1x128xi32, #tpu.memory_space<vmem>> -> memref<128xi32, #tpu.memory_space<vmem>>
    %dma_wait3A_167 = arith.constant 0 : i32
    %dma_wait3A_168 = arith.constant 0 : i32
    %dma_wait3A_169 = tpu.memref_slice %arg11[%dma_wait3A_167, %dma_wait3A_168] : memref<10112x64xf32, #tpu.memory_space<vmem_shared>> -> memref<10112x64xf32, #tpu.memory_space<vmem_shared>>
    tpu.wait_indirect_dma semaphore(%arg19 : memref<!tpu.dma_semaphore, #tpu.memory_space<semaphore_mem>>) src(%dma_wait3A_163 : memref<128x64xf32, #tpu.memory_space<vmem>>) dst(%dma_wait3A_169 : memref<10112x64xf32, #tpu.memory_space<vmem_shared>>)
    %scan3A_170 = arith.constant 0 : i32
    %scan3A_171 = arith.constant 0 : i32
    %scan3A_172 = arith.constant 8 : i32
    %scan3A_173 = arith.addi %scan3A_171, %scan3A_172 : i32
    %scan3A_174 = arith.constant 1 : i32
    scf.for %scan3A_177 = %scan3A_171 to %scan3A_173 step %scan3A_174  : i32 {
      %dma_wait3A_178 = arith.constant 0 : i32
      %dma_wait3A_179 = arith.constant 0 : i32
      %dma_wait3A_180 = tpu.memref_slice %arg9[%dma_wait3A_178, %dma_wait3A_179] : memref<152x128xi32, #tpu.memory_space<vmem>> -> memref<1x128xi32, #tpu.memory_space<vmem>>
      %dma_wait3A_181 = tpu.memref_squeeze %dma_wait3A_180 : memref<1x128xi32, #tpu.memory_space<vmem>> -> memref<128xi32, #tpu.memory_space<vmem>>
      %dma_wait3A_182 = arith.constant 0 : i32
      %dma_wait3A_183 = arith.constant 0 : i32
      %dma_wait3A_184 = tpu.memref_slice %arg22[%dma_wait3A_182, %dma_wait3A_183] : memref<10112x16xf32, #tpu.memory_space<vmem_shared>> -> memref<10112x16xf32, #tpu.memory_space<vmem_shared>>
      tpu.wait_indirect_dma semaphore(%arg23 : memref<!tpu.dma_semaphore, #tpu.memory_space<semaphore_mem>>) src(%arg20 : memref<128x16xf32, #tpu.memory_space<vmem>>) dst(%dma_wait3A_184 : memref<10112x16xf32, #tpu.memory_space<vmem_shared>>)
    }
    %scan3A_175 = arith.constant 8 : i32
    %barrier3A_176 = arith.constant 0 : index
    tpu.barrier barrier_id(%barrier3A_176)
    "tpu.region"() ({
      %run_scoped3A_177 = tpu.sem_alloc : memref<!tpu.dma_semaphore, #tpu.memory_space<semaphore_mem>>
      %dma_start3A_178 = arith.constant 0 : i32
      %dma_start3A_179 = tpu.memref_slice %arg6[%arg0, %mul3A_0, %dma_start3A_178] : memref<2x10112x64xf32, #tpu.memory_space<hbm>> -> memref<1x632x64xf32, #tpu.memory_space<hbm>>
      %dma_start3A_180 = tpu.memref_squeeze %dma_start3A_179 : memref<1x632x64xf32, #tpu.memory_space<hbm>> -> memref<632x64xf32, #tpu.memory_space<hbm>>
      %dma_start3A_181 = arith.constant 0 : i32
      %dma_start3A_182 = tpu.memref_slice %arg11[%mul3A_0, %dma_start3A_181] : memref<10112x64xf32, #tpu.memory_space<vmem_shared>> -> memref<632x64xf32, #tpu.memory_space<vmem_shared>>
      tpu.enqueue_dma source(%dma_start3A_182 : memref<632x64xf32, #tpu.memory_space<vmem_shared>>) target(%dma_start3A_180 : memref<632x64xf32, #tpu.memory_space<hbm>>) target_semaphore(%run_scoped3A_177 : memref<!tpu.dma_semaphore, #tpu.memory_space<semaphore_mem>>)
      %dma_wait3A_183 = arith.constant 0 : i32
      %dma_wait3A_184 = tpu.memref_slice %arg6[%arg0, %mul3A_0, %dma_wait3A_183] : memref<2x10112x64xf32, #tpu.memory_space<hbm>> -> memref<1x632x64xf32, #tpu.memory_space<hbm>>
      %dma_wait3A_185 = tpu.memref_squeeze %dma_wait3A_184 : memref<1x632x64xf32, #tpu.memory_space<hbm>> -> memref<632x64xf32, #tpu.memory_space<hbm>>
      %dma_wait3A_186 = arith.constant 0 : i32
      %dma_wait3A_187 = tpu.memref_slice %arg11[%mul3A_0, %dma_wait3A_186] : memref<10112x64xf32, #tpu.memory_space<vmem_shared>> -> memref<632x64xf32, #tpu.memory_space<vmem_shared>>
      tpu.wait_dma2 semaphore(%run_scoped3A_177 : memref<!tpu.dma_semaphore, #tpu.memory_space<semaphore_mem>>) src(%dma_wait3A_187 : memref<632x64xf32, #tpu.memory_space<vmem_shared>>) dst(%dma_wait3A_185 : memref<632x64xf32, #tpu.memory_space<hbm>>)
      tpu.yield
    }) : () -> ()
    "tpu.region"() ({
      %run_scoped3A_177 = tpu.sem_alloc : memref<!tpu.dma_semaphore, #tpu.memory_space<semaphore_mem>>
      %dma_start3A_178 = arith.constant 0 : i32
      %dma_start3A_179 = tpu.memref_slice %arg7[%arg0, %mul3A_0, %dma_start3A_178] : memref<2x10112x16xf32, #tpu.memory_space<hbm>> -> memref<1x632x16xf32, #tpu.memory_space<hbm>>
      %dma_start3A_180 = tpu.memref_squeeze %dma_start3A_179 : memref<1x632x16xf32, #tpu.memory_space<hbm>> -> memref<632x16xf32, #tpu.memory_space<hbm>>
      %dma_start3A_181 = arith.constant 0 : i32
      %dma_start3A_182 = tpu.memref_slice %arg22[%mul3A_0, %dma_start3A_181] : memref<10112x16xf32, #tpu.memory_space<vmem_shared>> -> memref<632x16xf32, #tpu.memory_space<vmem_shared>>
      tpu.enqueue_dma source(%dma_start3A_182 : memref<632x16xf32, #tpu.memory_space<vmem_shared>>) target(%dma_start3A_180 : memref<632x16xf32, #tpu.memory_space<hbm>>) target_semaphore(%run_scoped3A_177 : memref<!tpu.dma_semaphore, #tpu.memory_space<semaphore_mem>>)
      %dma_wait3A_183 = arith.constant 0 : i32
      %dma_wait3A_184 = tpu.memref_slice %arg7[%arg0, %mul3A_0, %dma_wait3A_183] : memref<2x10112x16xf32, #tpu.memory_space<hbm>> -> memref<1x632x16xf32, #tpu.memory_space<hbm>>
      %dma_wait3A_185 = tpu.memref_squeeze %dma_wait3A_184 : memref<1x632x16xf32, #tpu.memory_space<hbm>> -> memref<632x16xf32, #tpu.memory_space<hbm>>
      %dma_wait3A_186 = arith.constant 0 : i32
      %dma_wait3A_187 = tpu.memref_slice %arg22[%mul3A_0, %dma_wait3A_186] : memref<10112x16xf32, #tpu.memory_space<vmem_shared>> -> memref<632x16xf32, #tpu.memory_space<vmem_shared>>
      tpu.wait_dma2 semaphore(%run_scoped3A_177 : memref<!tpu.dma_semaphore, #tpu.memory_space<semaphore_mem>>) src(%dma_wait3A_187 : memref<632x16xf32, #tpu.memory_space<vmem_shared>>) dst(%dma_wait3A_185 : memref<632x16xf32, #tpu.memory_space<hbm>>)
      tpu.yield
    }) : () -> ()
    return
  }
}

#map = affine_map<(d0, d1) -> (0, 0)>
#map1 = affine_map<(d0, d1) -> (0, 0, 0)>
module attributes {stable_mosaic.version = 14 : i64} {
  func.func @body(%arg0: i32, %arg1: i32, %arg2: memref<10000x64xf32, #tpu.memory_space<hbm>>, %arg3: memref<2560x128xi32, #tpu.memory_space<hbm>>, %arg4: memref<2560x128xi32, #tpu.memory_space<hbm>>, %arg5: memref<2x10112x64xf32, #tpu.memory_space<hbm>>, %arg6: memref<152x128xi32, #tpu.memory_space<vmem>>, %arg7: memref<152x128xi32, #tpu.memory_space<vmem>>, %arg8: memref<4x128x64xf32, #tpu.memory_space<vmem>>, %arg9: memref<10112x64xf32, #tpu.memory_space<vmem_shared>>, %arg10: memref<!tpu.dma_semaphore, #tpu.memory_space<semaphore_mem>>, %arg11: memref<!tpu.dma_semaphore, #tpu.memory_space<semaphore_mem>>, %arg12: memref<!tpu.dma_semaphore, #tpu.memory_space<semaphore_mem>>, %arg13: memref<!tpu.dma_semaphore, #tpu.memory_space<semaphore_mem>>, %arg14: memref<!tpu.dma_semaphore, #tpu.memory_space<semaphore_mem>>, %arg15: memref<!tpu.dma_semaphore, #tpu.memory_space<semaphore_mem>>, %arg16: memref<!tpu.dma_semaphore, #tpu.memory_space<semaphore_mem>>, %arg17: memref<!tpu.dma_semaphore, #tpu.memory_space<semaphore_mem>>) attributes {dimension_semantics = [#tpu.dimension_semantics<core_parallel>, #tpu.dimension_semantics<subcore_parallel>], iteration_bounds = array<i64: 2, 16>, scalar_prefetch = 0 : i64, scratch_operands = 12 : i64, tpu.core_type = #tpu.core_type<sc_vector_subcore>, window_params = [{transform_indices = #map}, {transform_indices = #map}, {transform_indices = #map}, {transform_indices = #map1}]} {
    %mul3A = arith.constant 632 : i32
    %mul3A_0 = arith.muli %arg1, %mul3A : i32
    %eq3A = arith.constant 0 : i32
    %eq3A_1 = arith.cmpi eq, %arg0, %eq3A : i32
    %jit3A = arith.constant 152 : i32
    %jit3A_2 = arith.constant 8 : i32
    %select_n3A = arith.select %eq3A_1, %jit3A, %jit3A_2 : i32
    %broadcast_in_dim3A = arith.constant 0.000000e+00 : f32
    %broadcast_in_dim3A_3 = vector.broadcast %broadcast_in_dim3A : f32 to vector<16xf32>
    %scan3A = arith.constant 0 : i32
    %scan3A_4 = arith.constant 0 : i32
    %scan3A_5 = arith.constant 0 : i32
    %scan3A_6 = arith.constant 128 : i32
    %scan3A_7 = arith.addi %scan3A_5, %scan3A_6 : i32
    %scan3A_8 = arith.constant 1 : i32
    scf.for %scan3A_153 = %scan3A_5 to %scan3A_7 step %scan3A_8  : i32 {
      %swap3A = arith.constant 0 : i32
      %swap3A_154 = arith.constant 0 : i32
      %swap3A_155 = tpu.memref_slice %arg8[%scan3A_4, %swap3A, %swap3A_154] : memref<4x128x64xf32, #tpu.memory_space<vmem>> -> memref<1x128x64xf32, #tpu.memory_space<vmem>>
      %swap3A_156 = tpu.memref_squeeze %swap3A_155 : memref<1x128x64xf32, #tpu.memory_space<vmem>> -> memref<128x64xf32, #tpu.memory_space<vmem>>
      %swap3A_157 = arith.index_cast %scan3A_153 : i32 to index
      %swap3A_158 = arith.constant 0 : index
      %swap3A_159 = tpu.vector_load %swap3A_156[%swap3A_157, %swap3A_158] {strides = array<i32>} : memref<128x64xf32, #tpu.memory_space<vmem>>, vector<1x16xf32>,
      %swap3A_160 = vector.shape_cast %swap3A_159 : vector<1x16xf32> to vector<16xf32>
      %swap3A_161 = vector.shape_cast %broadcast_in_dim3A_3 : vector<16xf32> to vector<1x16xf32>
      tpu.vector_store %swap3A_156[%swap3A_157, %swap3A_158], %swap3A_161 {strides = array<i32>} : memref<128x64xf32, #tpu.memory_space<vmem>>, vector<1x16xf32>,
      %swap3A_162 = arith.constant 0 : i32
      %swap3A_163 = arith.constant 0 : i32
      %swap3A_164 = tpu.memref_slice %arg8[%scan3A_4, %swap3A_162, %swap3A_163] : memref<4x128x64xf32, #tpu.memory_space<vmem>> -> memref<1x128x64xf32, #tpu.memory_space<vmem>>
      %swap3A_165 = tpu.memref_squeeze %swap3A_164 : memref<1x128x64xf32, #tpu.memory_space<vmem>> -> memref<128x64xf32, #tpu.memory_space<vmem>>
      %swap3A_166 = arith.index_cast %scan3A_153 : i32 to index
      %swap3A_167 = arith.constant 16 : index
      %swap3A_168 = tpu.vector_load %swap3A_165[%swap3A_166, %swap3A_167] {strides = array<i32>} : memref<128x64xf32, #tpu.memory_space<vmem>>, vector<1x16xf32>,
      %swap3A_169 = vector.shape_cast %swap3A_168 : vector<1x16xf32> to vector<16xf32>
      %swap3A_170 = vector.shape_cast %broadcast_in_dim3A_3 : vector<16xf32> to vector<1x16xf32>
      tpu.vector_store %swap3A_165[%swap3A_166, %swap3A_167], %swap3A_170 {strides = array<i32>} : memref<128x64xf32, #tpu.memory_space<vmem>>, vector<1x16xf32>,
      %swap3A_171 = arith.constant 0 : i32
      %swap3A_172 = arith.constant 0 : i32
      %swap3A_173 = tpu.memref_slice %arg8[%scan3A_4, %swap3A_171, %swap3A_172] : memref<4x128x64xf32, #tpu.memory_space<vmem>> -> memref<1x128x64xf32, #tpu.memory_space<vmem>>
      %swap3A_174 = tpu.memref_squeeze %swap3A_173 : memref<1x128x64xf32, #tpu.memory_space<vmem>> -> memref<128x64xf32, #tpu.memory_space<vmem>>
      %swap3A_175 = arith.index_cast %scan3A_153 : i32 to index
      %swap3A_176 = arith.constant 32 : index
      %swap3A_177 = tpu.vector_load %swap3A_174[%swap3A_175, %swap3A_176] {strides = array<i32>} : memref<128x64xf32, #tpu.memory_space<vmem>>, vector<1x16xf32>,
      %swap3A_178 = vector.shape_cast %swap3A_177 : vector<1x16xf32> to vector<16xf32>
      %swap3A_179 = vector.shape_cast %broadcast_in_dim3A_3 : vector<16xf32> to vector<1x16xf32>
      tpu.vector_store %swap3A_174[%swap3A_175, %swap3A_176], %swap3A_179 {strides = array<i32>} : memref<128x64xf32, #tpu.memory_space<vmem>>, vector<1x16xf32>,
      %swap3A_180 = arith.constant 0 : i32
      %swap3A_181 = arith.constant 0 : i32
      %swap3A_182 = tpu.memref_slice %arg8[%scan3A_4, %swap3A_180, %swap3A_181] : memref<4x128x64xf32, #tpu.memory_space<vmem>> -> memref<1x128x64xf32, #tpu.memory_space<vmem>>
      %swap3A_183 = tpu.memref_squeeze %swap3A_182 : memref<1x128x64xf32, #tpu.memory_space<vmem>> -> memref<128x64xf32, #tpu.memory_space<vmem>>
      %swap3A_184 = arith.index_cast %scan3A_153 : i32 to index
      %swap3A_185 = arith.constant 48 : index
      %swap3A_186 = tpu.vector_load %swap3A_183[%swap3A_184, %swap3A_185] {strides = array<i32>} : memref<128x64xf32, #tpu.memory_space<vmem>>, vector<1x16xf32>,
      %swap3A_187 = vector.shape_cast %swap3A_186 : vector<1x16xf32> to vector<16xf32>
      %swap3A_188 = vector.shape_cast %broadcast_in_dim3A_3 : vector<16xf32> to vector<1x16xf32>
      tpu.vector_store %swap3A_183[%swap3A_184, %swap3A_185], %swap3A_188 {strides = array<i32>} : memref<128x64xf32, #tpu.memory_space<vmem>>, vector<1x16xf32>,
    }
    %scan3A_9 = arith.constant 128 : i32
    %add3A = arith.constant 0 : i32
    %add3A_10 = arith.addi %mul3A_0, %add3A : i32
    %run_scoped3A = arith.constant 0 : i32
    "tpu.region"() ({
      %run_scoped3A_153 = tpu.sem_alloc : memref<!tpu.dma_semaphore, #tpu.memory_space<semaphore_mem>>
      %dma_start3A_154 = arith.constant 0 : i32
      %dma_start3A_155 = arith.constant 0 : i32
      %dma_start3A_156 = tpu.memref_slice %arg8[%run_scoped3A, %dma_start3A_154, %dma_start3A_155] : memref<4x128x64xf32, #tpu.memory_space<vmem>> -> memref<1x128x64xf32, #tpu.memory_space<vmem>>
      %dma_start3A_157 = tpu.memref_squeeze %dma_start3A_156 : memref<1x128x64xf32, #tpu.memory_space<vmem>> -> memref<128x64xf32, #tpu.memory_space<vmem>>
      %dma_start3A_158 = arith.constant 0 : i32
      %dma_start3A_159 = tpu.memref_slice %arg9[%add3A_10, %dma_start3A_158] : memref<10112x64xf32, #tpu.memory_space<vmem_shared>> -> memref<128x64xf32, #tpu.memory_space<vmem_shared>>
      %dma_start3A_160 = arith.constant 0 : i32
      %dma_start3A_161 = tpu.memref_slice %arg9[%add3A_10, %dma_start3A_160] : memref<10112x64xf32, #tpu.memory_space<vmem_shared>> -> memref<128x64xf32, #tpu.memory_space<vmem_shared>>
      %dma_start3A_162 = arith.constant 0 : i32
      %dma_start3A_163 = arith.constant 0 : i32
      %dma_start3A_164 = tpu.memref_slice %arg8[%run_scoped3A, %dma_start3A_162, %dma_start3A_163] : memref<4x128x64xf32, #tpu.memory_space<vmem>> -> memref<1x128x64xf32, #tpu.memory_space<vmem>>
      %dma_start3A_165 = tpu.memref_squeeze %dma_start3A_164 : memref<1x128x64xf32, #tpu.memory_space<vmem>> -> memref<128x64xf32, #tpu.memory_space<vmem>>
      tpu.enqueue_dma source(%dma_start3A_165 : memref<128x64xf32, #tpu.memory_space<vmem>>) target(%dma_start3A_161 : memref<128x64xf32, #tpu.memory_space<vmem_shared>>) target_semaphore(%run_scoped3A_153 : memref<!tpu.dma_semaphore, #tpu.memory_space<semaphore_mem>>)
      %dma_wait3A_166 = arith.constant 0 : i32
      %dma_wait3A_167 = arith.constant 0 : i32
      %dma_wait3A_168 = tpu.memref_slice %arg8[%run_scoped3A, %dma_wait3A_166, %dma_wait3A_167] : memref<4x128x64xf32, #tpu.memory_space<vmem>> -> memref<1x128x64xf32, #tpu.memory_space<vmem>>
      %dma_wait3A_169 = tpu.memref_squeeze %dma_wait3A_168 : memref<1x128x64xf32, #tpu.memory_space<vmem>> -> memref<128x64xf32, #tpu.memory_space<vmem>>
      %dma_wait3A_170 = arith.constant 0 : i32
      %dma_wait3A_171 = tpu.memref_slice %arg9[%add3A_10, %dma_wait3A_170] : memref<10112x64xf32, #tpu.memory_space<vmem_shared>> -> memref<128x64xf32, #tpu.memory_space<vmem_shared>>
      %dma_wait3A_172 = arith.constant 0 : i32
      %dma_wait3A_173 = tpu.memref_slice %arg9[%add3A_10, %dma_wait3A_172] : memref<10112x64xf32, #tpu.memory_space<vmem_shared>> -> memref<128x64xf32, #tpu.memory_space<vmem_shared>>
      %dma_wait3A_174 = arith.constant 0 : i32
      %dma_wait3A_175 = arith.constant 0 : i32
      %dma_wait3A_176 = tpu.memref_slice %arg8[%run_scoped3A, %dma_wait3A_174, %dma_wait3A_175] : memref<4x128x64xf32, #tpu.memory_space<vmem>> -> memref<1x128x64xf32, #tpu.memory_space<vmem>>
      %dma_wait3A_177 = tpu.memref_squeeze %dma_wait3A_176 : memref<1x128x64xf32, #tpu.memory_space<vmem>> -> memref<128x64xf32, #tpu.memory_space<vmem>>
      tpu.wait_dma2 semaphore(%run_scoped3A_153 : memref<!tpu.dma_semaphore, #tpu.memory_space<semaphore_mem>>) src(%dma_wait3A_177 : memref<128x64xf32, #tpu.memory_space<vmem>>) dst(%dma_wait3A_173 : memref<128x64xf32, #tpu.memory_space<vmem_shared>>)
      tpu.yield
    }) : () -> ()
    %add3A_11 = arith.constant 128 : i32
    %add3A_12 = arith.addi %mul3A_0, %add3A_11 : i32
    %run_scoped3A_13 = arith.constant 0 : i32
    "tpu.region"() ({
      %run_scoped3A_153 = tpu.sem_alloc : memref<!tpu.dma_semaphore, #tpu.memory_space<semaphore_mem>>
      %dma_start3A_154 = arith.constant 0 : i32
      %dma_start3A_155 = arith.constant 0 : i32
      %dma_start3A_156 = tpu.memref_slice %arg8[%run_scoped3A_13, %dma_start3A_154, %dma_start3A_155] : memref<4x128x64xf32, #tpu.memory_space<vmem>> -> memref<1x128x64xf32, #tpu.memory_space<vmem>>
      %dma_start3A_157 = tpu.memref_squeeze %dma_start3A_156 : memref<1x128x64xf32, #tpu.memory_space<vmem>> -> memref<128x64xf32, #tpu.memory_space<vmem>>
      %dma_start3A_158 = arith.constant 0 : i32
      %dma_start3A_159 = tpu.memref_slice %arg9[%add3A_12, %dma_start3A_158] : memref<10112x64xf32, #tpu.memory_space<vmem_shared>> -> memref<128x64xf32, #tpu.memory_space<vmem_shared>>
      %dma_start3A_160 = arith.constant 0 : i32
      %dma_start3A_161 = tpu.memref_slice %arg9[%add3A_12, %dma_start3A_160] : memref<10112x64xf32, #tpu.memory_space<vmem_shared>> -> memref<128x64xf32, #tpu.memory_space<vmem_shared>>
      %dma_start3A_162 = arith.constant 0 : i32
      %dma_start3A_163 = arith.constant 0 : i32
      %dma_start3A_164 = tpu.memref_slice %arg8[%run_scoped3A_13, %dma_start3A_162, %dma_start3A_163] : memref<4x128x64xf32, #tpu.memory_space<vmem>> -> memref<1x128x64xf32, #tpu.memory_space<vmem>>
      %dma_start3A_165 = tpu.memref_squeeze %dma_start3A_164 : memref<1x128x64xf32, #tpu.memory_space<vmem>> -> memref<128x64xf32, #tpu.memory_space<vmem>>
      tpu.enqueue_dma source(%dma_start3A_165 : memref<128x64xf32, #tpu.memory_space<vmem>>) target(%dma_start3A_161 : memref<128x64xf32, #tpu.memory_space<vmem_shared>>) target_semaphore(%run_scoped3A_153 : memref<!tpu.dma_semaphore, #tpu.memory_space<semaphore_mem>>)
      %dma_wait3A_166 = arith.constant 0 : i32
      %dma_wait3A_167 = arith.constant 0 : i32
      %dma_wait3A_168 = tpu.memref_slice %arg8[%run_scoped3A_13, %dma_wait3A_166, %dma_wait3A_167] : memref<4x128x64xf32, #tpu.memory_space<vmem>> -> memref<1x128x64xf32, #tpu.memory_space<vmem>>
      %dma_wait3A_169 = tpu.memref_squeeze %dma_wait3A_168 : memref<1x128x64xf32, #tpu.memory_space<vmem>> -> memref<128x64xf32, #tpu.memory_space<vmem>>
      %dma_wait3A_170 = arith.constant 0 : i32
      %dma_wait3A_171 = tpu.memref_slice %arg9[%add3A_12, %dma_wait3A_170] : memref<10112x64xf32, #tpu.memory_space<vmem_shared>> -> memref<128x64xf32, #tpu.memory_space<vmem_shared>>
      %dma_wait3A_172 = arith.constant 0 : i32
      %dma_wait3A_173 = tpu.memref_slice %arg9[%add3A_12, %dma_wait3A_172] : memref<10112x64xf32, #tpu.memory_space<vmem_shared>> -> memref<128x64xf32, #tpu.memory_space<vmem_shared>>
      %dma_wait3A_174 = arith.constant 0 : i32
      %dma_wait3A_175 = arith.constant 0 : i32
      %dma_wait3A_176 = tpu.memref_slice %arg8[%run_scoped3A_13, %dma_wait3A_174, %dma_wait3A_175] : memref<4x128x64xf32, #tpu.memory_space<vmem>> -> memref<1x128x64xf32, #tpu.memory_space<vmem>>
      %dma_wait3A_177 = tpu.memref_squeeze %dma_wait3A_176 : memref<1x128x64xf32, #tpu.memory_space<vmem>> -> memref<128x64xf32, #tpu.memory_space<vmem>>
      tpu.wait_dma2 semaphore(%run_scoped3A_153 : memref<!tpu.dma_semaphore, #tpu.memory_space<semaphore_mem>>) src(%dma_wait3A_177 : memref<128x64xf32, #tpu.memory_space<vmem>>) dst(%dma_wait3A_173 : memref<128x64xf32, #tpu.memory_space<vmem_shared>>)
      tpu.yield
    }) : () -> ()
    %add3A_14 = arith.constant 256 : i32
    %add3A_15 = arith.addi %mul3A_0, %add3A_14 : i32
    %run_scoped3A_16 = arith.constant 0 : i32
    "tpu.region"() ({
      %run_scoped3A_153 = tpu.sem_alloc : memref<!tpu.dma_semaphore, #tpu.memory_space<semaphore_mem>>
      %dma_start3A_154 = arith.constant 0 : i32
      %dma_start3A_155 = arith.constant 0 : i32
      %dma_start3A_156 = tpu.memref_slice %arg8[%run_scoped3A_16, %dma_start3A_154, %dma_start3A_155] : memref<4x128x64xf32, #tpu.memory_space<vmem>> -> memref<1x128x64xf32, #tpu.memory_space<vmem>>
      %dma_start3A_157 = tpu.memref_squeeze %dma_start3A_156 : memref<1x128x64xf32, #tpu.memory_space<vmem>> -> memref<128x64xf32, #tpu.memory_space<vmem>>
      %dma_start3A_158 = arith.constant 0 : i32
      %dma_start3A_159 = tpu.memref_slice %arg9[%add3A_15, %dma_start3A_158] : memref<10112x64xf32, #tpu.memory_space<vmem_shared>> -> memref<128x64xf32, #tpu.memory_space<vmem_shared>>
      %dma_start3A_160 = arith.constant 0 : i32
      %dma_start3A_161 = tpu.memref_slice %arg9[%add3A_15, %dma_start3A_160] : memref<10112x64xf32, #tpu.memory_space<vmem_shared>> -> memref<128x64xf32, #tpu.memory_space<vmem_shared>>
      %dma_start3A_162 = arith.constant 0 : i32
      %dma_start3A_163 = arith.constant 0 : i32
      %dma_start3A_164 = tpu.memref_slice %arg8[%run_scoped3A_16, %dma_start3A_162, %dma_start3A_163] : memref<4x128x64xf32, #tpu.memory_space<vmem>> -> memref<1x128x64xf32, #tpu.memory_space<vmem>>
      %dma_start3A_165 = tpu.memref_squeeze %dma_start3A_164 : memref<1x128x64xf32, #tpu.memory_space<vmem>> -> memref<128x64xf32, #tpu.memory_space<vmem>>
      tpu.enqueue_dma source(%dma_start3A_165 : memref<128x64xf32, #tpu.memory_space<vmem>>) target(%dma_start3A_161 : memref<128x64xf32, #tpu.memory_space<vmem_shared>>) target_semaphore(%run_scoped3A_153 : memref<!tpu.dma_semaphore, #tpu.memory_space<semaphore_mem>>)
      %dma_wait3A_166 = arith.constant 0 : i32
      %dma_wait3A_167 = arith.constant 0 : i32
      %dma_wait3A_168 = tpu.memref_slice %arg8[%run_scoped3A_16, %dma_wait3A_166, %dma_wait3A_167] : memref<4x128x64xf32, #tpu.memory_space<vmem>> -> memref<1x128x64xf32, #tpu.memory_space<vmem>>
      %dma_wait3A_169 = tpu.memref_squeeze %dma_wait3A_168 : memref<1x128x64xf32, #tpu.memory_space<vmem>> -> memref<128x64xf32, #tpu.memory_space<vmem>>
      %dma_wait3A_170 = arith.constant 0 : i32
      %dma_wait3A_171 = tpu.memref_slice %arg9[%add3A_15, %dma_wait3A_170] : memref<10112x64xf32, #tpu.memory_space<vmem_shared>> -> memref<128x64xf32, #tpu.memory_space<vmem_shared>>
      %dma_wait3A_172 = arith.constant 0 : i32
      %dma_wait3A_173 = tpu.memref_slice %arg9[%add3A_15, %dma_wait3A_172] : memref<10112x64xf32, #tpu.memory_space<vmem_shared>> -> memref<128x64xf32, #tpu.memory_space<vmem_shared>>
      %dma_wait3A_174 = arith.constant 0 : i32
      %dma_wait3A_175 = arith.constant 0 : i32
      %dma_wait3A_176 = tpu.memref_slice %arg8[%run_scoped3A_16, %dma_wait3A_174, %dma_wait3A_175] : memref<4x128x64xf32, #tpu.memory_space<vmem>> -> memref<1x128x64xf32, #tpu.memory_space<vmem>>
      %dma_wait3A_177 = tpu.memref_squeeze %dma_wait3A_176 : memref<1x128x64xf32, #tpu.memory_space<vmem>> -> memref<128x64xf32, #tpu.memory_space<vmem>>
      tpu.wait_dma2 semaphore(%run_scoped3A_153 : memref<!tpu.dma_semaphore, #tpu.memory_space<semaphore_mem>>) src(%dma_wait3A_177 : memref<128x64xf32, #tpu.memory_space<vmem>>) dst(%dma_wait3A_173 : memref<128x64xf32, #tpu.memory_space<vmem_shared>>)
      tpu.yield
    }) : () -> ()
    %add3A_17 = arith.constant 384 : i32
    %add3A_18 = arith.addi %mul3A_0, %add3A_17 : i32
    %run_scoped3A_19 = arith.constant 0 : i32
    "tpu.region"() ({
      %run_scoped3A_153 = tpu.sem_alloc : memref<!tpu.dma_semaphore, #tpu.memory_space<semaphore_mem>>
      %dma_start3A_154 = arith.constant 0 : i32
      %dma_start3A_155 = arith.constant 0 : i32
      %dma_start3A_156 = tpu.memref_slice %arg8[%run_scoped3A_19, %dma_start3A_154, %dma_start3A_155] : memref<4x128x64xf32, #tpu.memory_space<vmem>> -> memref<1x128x64xf32, #tpu.memory_space<vmem>>
      %dma_start3A_157 = tpu.memref_squeeze %dma_start3A_156 : memref<1x128x64xf32, #tpu.memory_space<vmem>> -> memref<128x64xf32, #tpu.memory_space<vmem>>
      %dma_start3A_158 = arith.constant 0 : i32
      %dma_start3A_159 = tpu.memref_slice %arg9[%add3A_18, %dma_start3A_158] : memref<10112x64xf32, #tpu.memory_space<vmem_shared>> -> memref<128x64xf32, #tpu.memory_space<vmem_shared>>
      %dma_start3A_160 = arith.constant 0 : i32
      %dma_start3A_161 = tpu.memref_slice %arg9[%add3A_18, %dma_start3A_160] : memref<10112x64xf32, #tpu.memory_space<vmem_shared>> -> memref<128x64xf32, #tpu.memory_space<vmem_shared>>
      %dma_start3A_162 = arith.constant 0 : i32
      %dma_start3A_163 = arith.constant 0 : i32
      %dma_start3A_164 = tpu.memref_slice %arg8[%run_scoped3A_19, %dma_start3A_162, %dma_start3A_163] : memref<4x128x64xf32, #tpu.memory_space<vmem>> -> memref<1x128x64xf32, #tpu.memory_space<vmem>>
      %dma_start3A_165 = tpu.memref_squeeze %dma_start3A_164 : memref<1x128x64xf32, #tpu.memory_space<vmem>> -> memref<128x64xf32, #tpu.memory_space<vmem>>
      tpu.enqueue_dma source(%dma_start3A_165 : memref<128x64xf32, #tpu.memory_space<vmem>>) target(%dma_start3A_161 : memref<128x64xf32, #tpu.memory_space<vmem_shared>>) target_semaphore(%run_scoped3A_153 : memref<!tpu.dma_semaphore, #tpu.memory_space<semaphore_mem>>)
      %dma_wait3A_166 = arith.constant 0 : i32
      %dma_wait3A_167 = arith.constant 0 : i32
      %dma_wait3A_168 = tpu.memref_slice %arg8[%run_scoped3A_19, %dma_wait3A_166, %dma_wait3A_167] : memref<4x128x64xf32, #tpu.memory_space<vmem>> -> memref<1x128x64xf32, #tpu.memory_space<vmem>>
      %dma_wait3A_169 = tpu.memref_squeeze %dma_wait3A_168 : memref<1x128x64xf32, #tpu.memory_space<vmem>> -> memref<128x64xf32, #tpu.memory_space<vmem>>
      %dma_wait3A_170 = arith.constant 0 : i32
      %dma_wait3A_171 = tpu.memref_slice %arg9[%add3A_18, %dma_wait3A_170] : memref<10112x64xf32, #tpu.memory_space<vmem_shared>> -> memref<128x64xf32, #tpu.memory_space<vmem_shared>>
      %dma_wait3A_172 = arith.constant 0 : i32
      %dma_wait3A_173 = tpu.memref_slice %arg9[%add3A_18, %dma_wait3A_172] : memref<10112x64xf32, #tpu.memory_space<vmem_shared>> -> memref<128x64xf32, #tpu.memory_space<vmem_shared>>
      %dma_wait3A_174 = arith.constant 0 : i32
      %dma_wait3A_175 = arith.constant 0 : i32
      %dma_wait3A_176 = tpu.memref_slice %arg8[%run_scoped3A_19, %dma_wait3A_174, %dma_wait3A_175] : memref<4x128x64xf32, #tpu.memory_space<vmem>> -> memref<1x128x64xf32, #tpu.memory_space<vmem>>
      %dma_wait3A_177 = tpu.memref_squeeze %dma_wait3A_176 : memref<1x128x64xf32, #tpu.memory_space<vmem>> -> memref<128x64xf32, #tpu.memory_space<vmem>>
      tpu.wait_dma2 semaphore(%run_scoped3A_153 : memref<!tpu.dma_semaphore, #tpu.memory_space<semaphore_mem>>) src(%dma_wait3A_177 : memref<128x64xf32, #tpu.memory_space<vmem>>) dst(%dma_wait3A_173 : memref<128x64xf32, #tpu.memory_space<vmem_shared>>)
      tpu.yield
    }) : () -> ()
    %add3A_20 = arith.constant 512 : i32
    %add3A_21 = arith.addi %mul3A_0, %add3A_20 : i32
    %run_scoped3A_22 = arith.constant 0 : i32
    "tpu.region"() ({
      %run_scoped3A_153 = tpu.sem_alloc : memref<!tpu.dma_semaphore, #tpu.memory_space<semaphore_mem>>
      %dma_start3A_154 = arith.constant 0 : i32
      %dma_start3A_155 = arith.constant 0 : i32
      %dma_start3A_156 = tpu.memref_slice %arg8[%run_scoped3A_22, %dma_start3A_154, %dma_start3A_155] : memref<4x128x64xf32, #tpu.memory_space<vmem>> -> memref<1x128x64xf32, #tpu.memory_space<vmem>>
      %dma_start3A_157 = tpu.memref_squeeze %dma_start3A_156 : memref<1x128x64xf32, #tpu.memory_space<vmem>> -> memref<128x64xf32, #tpu.memory_space<vmem>>
      %dma_start3A_158 = arith.constant 0 : i32
      %dma_start3A_159 = arith.constant 0 : i32
      %dma_start3A_160 = tpu.memref_slice %dma_start3A_157[%dma_start3A_158, %dma_start3A_159] : memref<128x64xf32, #tpu.memory_space<vmem>> -> memref<120x64xf32, #tpu.memory_space<vmem>>
      %dma_start3A_161 = arith.constant 0 : i32
      %dma_start3A_162 = tpu.memref_slice %arg9[%add3A_21, %dma_start3A_161] : memref<10112x64xf32, #tpu.memory_space<vmem_shared>> -> memref<120x64xf32, #tpu.memory_space<vmem_shared>>
      %dma_start3A_163 = arith.constant 0 : i32
      %dma_start3A_164 = tpu.memref_slice %arg9[%add3A_21, %dma_start3A_163] : memref<10112x64xf32, #tpu.memory_space<vmem_shared>> -> memref<120x64xf32, #tpu.memory_space<vmem_shared>>
      %dma_start3A_165 = arith.constant 0 : i32
      %dma_start3A_166 = arith.constant 0 : i32
      %dma_start3A_167 = tpu.memref_slice %arg8[%run_scoped3A_22, %dma_start3A_165, %dma_start3A_166] : memref<4x128x64xf32, #tpu.memory_space<vmem>> -> memref<1x128x64xf32, #tpu.memory_space<vmem>>
      %dma_start3A_168 = tpu.memref_squeeze %dma_start3A_167 : memref<1x128x64xf32, #tpu.memory_space<vmem>> -> memref<128x64xf32, #tpu.memory_space<vmem>>
      %dma_start3A_169 = arith.constant 0 : i32
      %dma_start3A_170 = arith.constant 0 : i32
      %dma_start3A_171 = tpu.memref_slice %dma_start3A_168[%dma_start3A_169, %dma_start3A_170] : memref<128x64xf32, #tpu.memory_space<vmem>> -> memref<120x64xf32, #tpu.memory_space<vmem>>
      tpu.enqueue_dma source(%dma_start3A_171 : memref<120x64xf32, #tpu.memory_space<vmem>>) target(%dma_start3A_164 : memref<120x64xf32, #tpu.memory_space<vmem_shared>>) target_semaphore(%run_scoped3A_153 : memref<!tpu.dma_semaphore, #tpu.memory_space<semaphore_mem>>)
      %dma_wait3A_172 = arith.constant 0 : i32
      %dma_wait3A_173 = arith.constant 0 : i32
      %dma_wait3A_174 = tpu.memref_slice %arg8[%run_scoped3A_22, %dma_wait3A_172, %dma_wait3A_173] : memref<4x128x64xf32, #tpu.memory_space<vmem>> -> memref<1x128x64xf32, #tpu.memory_space<vmem>>
      %dma_wait3A_175 = tpu.memref_squeeze %dma_wait3A_174 : memref<1x128x64xf32, #tpu.memory_space<vmem>> -> memref<128x64xf32, #tpu.memory_space<vmem>>
      %dma_wait3A_176 = arith.constant 0 : i32
      %dma_wait3A_177 = arith.constant 0 : i32
      %dma_wait3A_178 = tpu.memref_slice %dma_wait3A_175[%dma_wait3A_176, %dma_wait3A_177] : memref<128x64xf32, #tpu.memory_space<vmem>> -> memref<120x64xf32, #tpu.memory_space<vmem>>
      %dma_wait3A_179 = arith.constant 0 : i32
      %dma_wait3A_180 = tpu.memref_slice %arg9[%add3A_21, %dma_wait3A_179] : memref<10112x64xf32, #tpu.memory_space<vmem_shared>> -> memref<120x64xf32, #tpu.memory_space<vmem_shared>>
      %dma_wait3A_181 = arith.constant 0 : i32
      %dma_wait3A_182 = tpu.memref_slice %arg9[%add3A_21, %dma_wait3A_181] : memref<10112x64xf32, #tpu.memory_space<vmem_shared>> -> memref<120x64xf32, #tpu.memory_space<vmem_shared>>
      %dma_wait3A_183 = arith.constant 0 : i32
      %dma_wait3A_184 = arith.constant 0 : i32
      %dma_wait3A_185 = tpu.memref_slice %arg8[%run_scoped3A_22, %dma_wait3A_183, %dma_wait3A_184] : memref<4x128x64xf32, #tpu.memory_space<vmem>> -> memref<1x128x64xf32, #tpu.memory_space<vmem>>
      %dma_wait3A_186 = tpu.memref_squeeze %dma_wait3A_185 : memref<1x128x64xf32, #tpu.memory_space<vmem>> -> memref<128x64xf32, #tpu.memory_space<vmem>>
      %dma_wait3A_187 = arith.constant 0 : i32
      %dma_wait3A_188 = arith.constant 0 : i32
      %dma_wait3A_189 = tpu.memref_slice %dma_wait3A_186[%dma_wait3A_187, %dma_wait3A_188] : memref<128x64xf32, #tpu.memory_space<vmem>> -> memref<120x64xf32, #tpu.memory_space<vmem>>
      tpu.wait_dma2 semaphore(%run_scoped3A_153 : memref<!tpu.dma_semaphore, #tpu.memory_space<semaphore_mem>>) src(%dma_wait3A_189 : memref<120x64xf32, #tpu.memory_space<vmem>>) dst(%dma_wait3A_182 : memref<120x64xf32, #tpu.memory_space<vmem_shared>>)
      tpu.yield
    }) : () -> ()
    %eq3A_23 = arith.constant 0 : i32
    %eq3A_24 = arith.cmpi eq, %arg0, %eq3A_23 : i32
    %convert_element_type3A = arith.extui %eq3A_24 : i1 to i32
    %cond3A = arith.constant 0 : i32
    %cond3A_25 = arith.cmpi ne, %convert_element_type3A, %cond3A : i32
    scf.if %cond3A_25 {
      %mul3A_153 = arith.constant 152 : i32
      %mul3A_154 = arith.muli %arg1, %mul3A_153 : i32
      "tpu.region"() ({
        %run_scoped3A_157 = tpu.sem_alloc : memref<!tpu.dma_semaphore, #tpu.memory_space<semaphore_mem>>
        %dma_start3A_158 = arith.constant 0 : i32
        %dma_start3A_159 = tpu.memref_slice %arg3[%mul3A_154, %dma_start3A_158] : memref<2560x128xi32, #tpu.memory_space<hbm>> -> memref<152x128xi32, #tpu.memory_space<hbm>>
        %dma_start3A_160 = arith.constant 0 : i32
        %dma_start3A_161 = tpu.memref_slice %arg3[%mul3A_154, %dma_start3A_160] : memref<2560x128xi32, #tpu.memory_space<hbm>> -> memref<152x128xi32, #tpu.memory_space<hbm>>
        tpu.enqueue_dma source(%dma_start3A_161 : memref<152x128xi32, #tpu.memory_space<hbm>>) target(%arg6 : memref<152x128xi32, #tpu.memory_space<vmem>>) target_semaphore(%run_scoped3A_157 : memref<!tpu.dma_semaphore, #tpu.memory_space<semaphore_mem>>)
        %dma_wait3A_162 = arith.constant 0 : i32
        %dma_wait3A_163 = tpu.memref_slice %arg3[%mul3A_154, %dma_wait3A_162] : memref<2560x128xi32, #tpu.memory_space<hbm>> -> memref<152x128xi32, #tpu.memory_space<hbm>>
        %dma_wait3A_164 = arith.constant 0 : i32
        %dma_wait3A_165 = tpu.memref_slice %arg3[%mul3A_154, %dma_wait3A_164] : memref<2560x128xi32, #tpu.memory_space<hbm>> -> memref<152x128xi32, #tpu.memory_space<hbm>>
        tpu.wait_dma2 semaphore(%run_scoped3A_157 : memref<!tpu.dma_semaphore, #tpu.memory_space<semaphore_mem>>) src(%dma_wait3A_165 : memref<152x128xi32, #tpu.memory_space<hbm>>) dst(%arg6 : memref<152x128xi32, #tpu.memory_space<vmem>>)
        tpu.yield
      }) : () -> ()
      %mul3A_155 = arith.constant 152 : i32
      %mul3A_156 = arith.muli %arg1, %mul3A_155 : i32
      "tpu.region"() ({
        %run_scoped3A_157 = tpu.sem_alloc : memref<!tpu.dma_semaphore, #tpu.memory_space<semaphore_mem>>
        %dma_start3A_158 = arith.constant 0 : i32
        %dma_start3A_159 = tpu.memref_slice %arg4[%mul3A_156, %dma_start3A_158] : memref<2560x128xi32, #tpu.memory_space<hbm>> -> memref<152x128xi32, #tpu.memory_space<hbm>>
        %dma_start3A_160 = arith.constant 0 : i32
        %dma_start3A_161 = tpu.memref_slice %arg4[%mul3A_156, %dma_start3A_160] : memref<2560x128xi32, #tpu.memory_space<hbm>> -> memref<152x128xi32, #tpu.memory_space<hbm>>
        tpu.enqueue_dma source(%dma_start3A_161 : memref<152x128xi32, #tpu.memory_space<hbm>>) target(%arg7 : memref<152x128xi32, #tpu.memory_space<vmem>>) target_semaphore(%run_scoped3A_157 : memref<!tpu.dma_semaphore, #tpu.memory_space<semaphore_mem>>)
        %dma_wait3A_162 = arith.constant 0 : i32
        %dma_wait3A_163 = tpu.memref_slice %arg4[%mul3A_156, %dma_wait3A_162] : memref<2560x128xi32, #tpu.memory_space<hbm>> -> memref<152x128xi32, #tpu.memory_space<hbm>>
        %dma_wait3A_164 = arith.constant 0 : i32
        %dma_wait3A_165 = tpu.memref_slice %arg4[%mul3A_156, %dma_wait3A_164] : memref<2560x128xi32, #tpu.memory_space<hbm>> -> memref<152x128xi32, #tpu.memory_space<hbm>>
        tpu.wait_dma2 semaphore(%run_scoped3A_157 : memref<!tpu.dma_semaphore, #tpu.memory_space<semaphore_mem>>) src(%dma_wait3A_165 : memref<152x128xi32, #tpu.memory_space<hbm>>) dst(%arg7 : memref<152x128xi32, #tpu.memory_space<vmem>>)
        tpu.yield
      }) : () -> ()
    } else {
    }
    %eq3A_26 = arith.constant 1 : i32
    %eq3A_27 = arith.cmpi eq, %arg0, %eq3A_26 : i32
    %convert_element_type3A_28 = arith.extui %eq3A_27 : i1 to i32
    %cond3A_29 = arith.constant 0 : i32
    %cond3A_30 = arith.cmpi ne, %convert_element_type3A_28, %cond3A_29 : i32
    scf.if %cond3A_30 {
      %mul3A_153 = arith.constant 8 : i32
      %mul3A_154 = arith.muli %arg1, %mul3A_153 : i32
      %add3A_155 = arith.constant 2432 : i32
      %add3A_156 = arith.addi %add3A_155, %mul3A_154 : i32
      "tpu.region"() ({
        %run_scoped3A_157 = tpu.sem_alloc : memref<!tpu.dma_semaphore, #tpu.memory_space<semaphore_mem>>
        %dma_start3A_158 = arith.constant 0 : i32
        %dma_start3A_159 = arith.constant 0 : i32
        %dma_start3A_160 = tpu.memref_slice %arg6[%dma_start3A_158, %dma_start3A_159] : memref<152x128xi32, #tpu.memory_space<vmem>> -> memref<8x128xi32, #tpu.memory_space<vmem>>
        %dma_start3A_161 = arith.constant 0 : i32
        %dma_start3A_162 = tpu.memref_slice %arg3[%add3A_156, %dma_start3A_161] : memref<2560x128xi32, #tpu.memory_space<hbm>> -> memref<8x128xi32, #tpu.memory_space<hbm>>
        %dma_start3A_163 = arith.constant 0 : i32
        %dma_start3A_164 = arith.constant 0 : i32
        %dma_start3A_165 = tpu.memref_slice %arg6[%dma_start3A_163, %dma_start3A_164] : memref<152x128xi32, #tpu.memory_space<vmem>> -> memref<8x128xi32, #tpu.memory_space<vmem>>
        %dma_start3A_166 = arith.constant 0 : i32
        %dma_start3A_167 = tpu.memref_slice %arg3[%add3A_156, %dma_start3A_166] : memref<2560x128xi32, #tpu.memory_space<hbm>> -> memref<8x128xi32, #tpu.memory_space<hbm>>
        tpu.enqueue_dma source(%dma_start3A_167 : memref<8x128xi32, #tpu.memory_space<hbm>>) target(%dma_start3A_165 : memref<8x128xi32, #tpu.memory_space<vmem>>) target_semaphore(%run_scoped3A_157 : memref<!tpu.dma_semaphore, #tpu.memory_space<semaphore_mem>>)
        %dma_wait3A_168 = arith.constant 0 : i32
        %dma_wait3A_169 = arith.constant 0 : i32
        %dma_wait3A_170 = tpu.memref_slice %arg6[%dma_wait3A_168, %dma_wait3A_169] : memref<152x128xi32, #tpu.memory_space<vmem>> -> memref<8x128xi32, #tpu.memory_space<vmem>>
        %dma_wait3A_171 = arith.constant 0 : i32
        %dma_wait3A_172 = tpu.memref_slice %arg3[%add3A_156, %dma_wait3A_171] : memref<2560x128xi32, #tpu.memory_space<hbm>> -> memref<8x128xi32, #tpu.memory_space<hbm>>
        %dma_wait3A_173 = arith.constant 0 : i32
        %dma_wait3A_174 = arith.constant 0 : i32
        %dma_wait3A_175 = tpu.memref_slice %arg6[%dma_wait3A_173, %dma_wait3A_174] : memref<152x128xi32, #tpu.memory_space<vmem>> -> memref<8x128xi32, #tpu.memory_space<vmem>>
        %dma_wait3A_176 = arith.constant 0 : i32
        %dma_wait3A_177 = tpu.memref_slice %arg3[%add3A_156, %dma_wait3A_176] : memref<2560x128xi32, #tpu.memory_space<hbm>> -> memref<8x128xi32, #tpu.memory_space<hbm>>
        tpu.wait_dma2 semaphore(%run_scoped3A_157 : memref<!tpu.dma_semaphore, #tpu.memory_space<semaphore_mem>>) src(%dma_wait3A_177 : memref<8x128xi32, #tpu.memory_space<hbm>>) dst(%dma_wait3A_175 : memref<8x128xi32, #tpu.memory_space<vmem>>)
        tpu.yield
      }) : () -> ()
      "tpu.region"() ({
        %run_scoped3A_157 = tpu.sem_alloc : memref<!tpu.dma_semaphore, #tpu.memory_space<semaphore_mem>>
        %dma_start3A_158 = arith.constant 0 : i32
        %dma_start3A_159 = arith.constant 0 : i32
        %dma_start3A_160 = tpu.memref_slice %arg7[%dma_start3A_158, %dma_start3A_159] : memref<152x128xi32, #tpu.memory_space<vmem>> -> memref<8x128xi32, #tpu.memory_space<vmem>>
        %dma_start3A_161 = arith.constant 0 : i32
        %dma_start3A_162 = tpu.memref_slice %arg4[%add3A_156, %dma_start3A_161] : memref<2560x128xi32, #tpu.memory_space<hbm>> -> memref<8x128xi32, #tpu.memory_space<hbm>>
        %dma_start3A_163 = arith.constant 0 : i32
        %dma_start3A_164 = arith.constant 0 : i32
        %dma_start3A_165 = tpu.memref_slice %arg7[%dma_start3A_163, %dma_start3A_164] : memref<152x128xi32, #tpu.memory_space<vmem>> -> memref<8x128xi32, #tpu.memory_space<vmem>>
        %dma_start3A_166 = arith.constant 0 : i32
        %dma_start3A_167 = tpu.memref_slice %arg4[%add3A_156, %dma_start3A_166] : memref<2560x128xi32, #tpu.memory_space<hbm>> -> memref<8x128xi32, #tpu.memory_space<hbm>>
        tpu.enqueue_dma source(%dma_start3A_167 : memref<8x128xi32, #tpu.memory_space<hbm>>) target(%dma_start3A_165 : memref<8x128xi32, #tpu.memory_space<vmem>>) target_semaphore(%run_scoped3A_157 : memref<!tpu.dma_semaphore, #tpu.memory_space<semaphore_mem>>)
        %dma_wait3A_168 = arith.constant 0 : i32
        %dma_wait3A_169 = arith.constant 0 : i32
        %dma_wait3A_170 = tpu.memref_slice %arg7[%dma_wait3A_168, %dma_wait3A_169] : memref<152x128xi32, #tpu.memory_space<vmem>> -> memref<8x128xi32, #tpu.memory_space<vmem>>
        %dma_wait3A_171 = arith.constant 0 : i32
        %dma_wait3A_172 = tpu.memref_slice %arg4[%add3A_156, %dma_wait3A_171] : memref<2560x128xi32, #tpu.memory_space<hbm>> -> memref<8x128xi32, #tpu.memory_space<hbm>>
        %dma_wait3A_173 = arith.constant 0 : i32
        %dma_wait3A_174 = arith.constant 0 : i32
        %dma_wait3A_175 = tpu.memref_slice %arg7[%dma_wait3A_173, %dma_wait3A_174] : memref<152x128xi32, #tpu.memory_space<vmem>> -> memref<8x128xi32, #tpu.memory_space<vmem>>
        %dma_wait3A_176 = arith.constant 0 : i32
        %dma_wait3A_177 = tpu.memref_slice %arg4[%add3A_156, %dma_wait3A_176] : memref<2560x128xi32, #tpu.memory_space<hbm>> -> memref<8x128xi32, #tpu.memory_space<hbm>>
        tpu.wait_dma2 semaphore(%run_scoped3A_157 : memref<!tpu.dma_semaphore, #tpu.memory_space<semaphore_mem>>) src(%dma_wait3A_177 : memref<8x128xi32, #tpu.memory_space<hbm>>) dst(%dma_wait3A_175 : memref<8x128xi32, #tpu.memory_space<vmem>>)
        tpu.yield
      }) : () -> ()
    } else {
    }
    %barrier3A = arith.constant 0 : index
    tpu.barrier barrier_id(%barrier3A)
    %dma_start3A = arith.constant 0 : i32
    %dma_start3A_31 = arith.constant 0 : i32
    %dma_start3A_32 = arith.constant 0 : i32
    %dma_start3A_33 = arith.constant 0 : i32
    %dma_start3A_34 = tpu.memref_slice %arg8[%dma_start3A_31, %dma_start3A_32, %dma_start3A_33] : memref<4x128x64xf32, #tpu.memory_space<vmem>> -> memref<1x128x64xf32, #tpu.memory_space<vmem>>
    %dma_start3A_35 = tpu.memref_squeeze %dma_start3A_34 : memref<1x128x64xf32, #tpu.memory_space<vmem>> -> memref<128x64xf32, #tpu.memory_space<vmem>>
    %dma_start3A_36 = arith.constant 0 : i32
    %dma_start3A_37 = tpu.memref_slice %arg6[%dma_start3A, %dma_start3A_36] : memref<152x128xi32, #tpu.memory_space<vmem>> -> memref<1x128xi32, #tpu.memory_space<vmem>>
    %dma_start3A_38 = tpu.memref_squeeze %dma_start3A_37 : memref<1x128xi32, #tpu.memory_space<vmem>> -> memref<128xi32, #tpu.memory_space<vmem>>
    %dma_start3A_39 = arith.constant 0 : i32
    %dma_start3A_40 = arith.constant 0 : i32
    %dma_start3A_41 = tpu.memref_slice %arg2[%dma_start3A_39, %dma_start3A_40] : memref<10000x64xf32, #tpu.memory_space<hbm>> -> memref<10000x64xf32, #tpu.memory_space<hbm>>
    tpu.enqueue_indirect_dma source(%dma_start3A_41 : memref<10000x64xf32, #tpu.memory_space<hbm>>) target(%dma_start3A_35 : memref<128x64xf32, #tpu.memory_space<vmem>>) offsets(%dma_start3A_38 : memref<128xi32, #tpu.memory_space<vmem>>) semaphore(%arg10 : memref<!tpu.dma_semaphore, #tpu.memory_space<semaphore_mem>>)
    %dma_start3A_42 = arith.constant 1 : i32
    %dma_start3A_43 = arith.constant 1 : i32
    %dma_start3A_44 = arith.constant 0 : i32
    %dma_start3A_45 = arith.constant 0 : i32
    %dma_start3A_46 = tpu.memref_slice %arg8[%dma_start3A_43, %dma_start3A_44, %dma_start3A_45] : memref<4x128x64xf32, #tpu.memory_space<vmem>> -> memref<1x128x64xf32, #tpu.memory_space<vmem>>
    %dma_start3A_47 = tpu.memref_squeeze %dma_start3A_46 : memref<1x128x64xf32, #tpu.memory_space<vmem>> -> memref<128x64xf32, #tpu.memory_space<vmem>>
    %dma_start3A_48 = arith.constant 0 : i32
    %dma_start3A_49 = tpu.memref_slice %arg6[%dma_start3A_42, %dma_start3A_48] : memref<152x128xi32, #tpu.memory_space<vmem>> -> memref<1x128xi32, #tpu.memory_space<vmem>>
    %dma_start3A_50 = tpu.memref_squeeze %dma_start3A_49 : memref<1x128xi32, #tpu.memory_space<vmem>> -> memref<128xi32, #tpu.memory_space<vmem>>
    %dma_start3A_51 = arith.constant 0 : i32
    %dma_start3A_52 = arith.constant 0 : i32
    %dma_start3A_53 = tpu.memref_slice %arg2[%dma_start3A_51, %dma_start3A_52] : memref<10000x64xf32, #tpu.memory_space<hbm>> -> memref<10000x64xf32, #tpu.memory_space<hbm>>
    tpu.enqueue_indirect_dma source(%dma_start3A_53 : memref<10000x64xf32, #tpu.memory_space<hbm>>) target(%dma_start3A_47 : memref<128x64xf32, #tpu.memory_space<vmem>>) offsets(%dma_start3A_50 : memref<128xi32, #tpu.memory_space<vmem>>) semaphore(%arg11 : memref<!tpu.dma_semaphore, #tpu.memory_space<semaphore_mem>>)
    %dma_start3A_54 = arith.constant 2 : i32
    %dma_start3A_55 = arith.constant 2 : i32
    %dma_start3A_56 = arith.constant 0 : i32
    %dma_start3A_57 = arith.constant 0 : i32
    %dma_start3A_58 = tpu.memref_slice %arg8[%dma_start3A_55, %dma_start3A_56, %dma_start3A_57] : memref<4x128x64xf32, #tpu.memory_space<vmem>> -> memref<1x128x64xf32, #tpu.memory_space<vmem>>
    %dma_start3A_59 = tpu.memref_squeeze %dma_start3A_58 : memref<1x128x64xf32, #tpu.memory_space<vmem>> -> memref<128x64xf32, #tpu.memory_space<vmem>>
    %dma_start3A_60 = arith.constant 0 : i32
    %dma_start3A_61 = tpu.memref_slice %arg6[%dma_start3A_54, %dma_start3A_60] : memref<152x128xi32, #tpu.memory_space<vmem>> -> memref<1x128xi32, #tpu.memory_space<vmem>>
    %dma_start3A_62 = tpu.memref_squeeze %dma_start3A_61 : memref<1x128xi32, #tpu.memory_space<vmem>> -> memref<128xi32, #tpu.memory_space<vmem>>
    %dma_start3A_63 = arith.constant 0 : i32
    %dma_start3A_64 = arith.constant 0 : i32
    %dma_start3A_65 = tpu.memref_slice %arg2[%dma_start3A_63, %dma_start3A_64] : memref<10000x64xf32, #tpu.memory_space<hbm>> -> memref<10000x64xf32, #tpu.memory_space<hbm>>
    tpu.enqueue_indirect_dma source(%dma_start3A_65 : memref<10000x64xf32, #tpu.memory_space<hbm>>) target(%dma_start3A_59 : memref<128x64xf32, #tpu.memory_space<vmem>>) offsets(%dma_start3A_62 : memref<128xi32, #tpu.memory_space<vmem>>) semaphore(%arg12 : memref<!tpu.dma_semaphore, #tpu.memory_space<semaphore_mem>>)
    %dma_start3A_66 = arith.constant 3 : i32
    %dma_start3A_67 = arith.constant 3 : i32
    %dma_start3A_68 = arith.constant 0 : i32
    %dma_start3A_69 = arith.constant 0 : i32
    %dma_start3A_70 = tpu.memref_slice %arg8[%dma_start3A_67, %dma_start3A_68, %dma_start3A_69] : memref<4x128x64xf32, #tpu.memory_space<vmem>> -> memref<1x128x64xf32, #tpu.memory_space<vmem>>
    %dma_start3A_71 = tpu.memref_squeeze %dma_start3A_70 : memref<1x128x64xf32, #tpu.memory_space<vmem>> -> memref<128x64xf32, #tpu.memory_space<vmem>>
    %dma_start3A_72 = arith.constant 0 : i32
    %dma_start3A_73 = tpu.memref_slice %arg6[%dma_start3A_66, %dma_start3A_72] : memref<152x128xi32, #tpu.memory_space<vmem>> -> memref<1x128xi32, #tpu.memory_space<vmem>>
    %dma_start3A_74 = tpu.memref_squeeze %dma_start3A_73 : memref<1x128xi32, #tpu.memory_space<vmem>> -> memref<128xi32, #tpu.memory_space<vmem>>
    %dma_start3A_75 = arith.constant 0 : i32
    %dma_start3A_76 = arith.constant 0 : i32
    %dma_start3A_77 = tpu.memref_slice %arg2[%dma_start3A_75, %dma_start3A_76] : memref<10000x64xf32, #tpu.memory_space<hbm>> -> memref<10000x64xf32, #tpu.memory_space<hbm>>
    tpu.enqueue_indirect_dma source(%dma_start3A_77 : memref<10000x64xf32, #tpu.memory_space<hbm>>) target(%dma_start3A_71 : memref<128x64xf32, #tpu.memory_space<vmem>>) offsets(%dma_start3A_74 : memref<128xi32, #tpu.memory_space<vmem>>) semaphore(%arg13 : memref<!tpu.dma_semaphore, #tpu.memory_space<semaphore_mem>>)
    %jit3A_78 = arith.constant 4 : i32
    %div3A = arith.divsi %select_n3A, %jit3A_78 : i32
    %sign3A = arith.constant 0 : i32
    %sign3A_79 = arith.cmpi sgt, %select_n3A, %sign3A : i32
    %sign3A_80 = arith.extui %sign3A_79 : i1 to i32
    %sign3A_81 = arith.constant 0 : i32
    %sign3A_82 = arith.cmpi slt, %select_n3A, %sign3A_81 : i32
    %sign3A_83 = arith.extui %sign3A_82 : i1 to i32
    %sign3A_84 = arith.subi %sign3A_80, %sign3A_83 : i32
    %sign3A_85 = arith.constant 0 : i32
    %sign3A_86 = arith.cmpi sgt, %jit3A_78, %sign3A_85 : i32
    %sign3A_87 = arith.extui %sign3A_86 : i1 to i32
    %sign3A_88 = arith.constant 0 : i32
    %sign3A_89 = arith.cmpi slt, %jit3A_78, %sign3A_88 : i32
    %sign3A_90 = arith.extui %sign3A_89 : i1 to i32
    %sign3A_91 = arith.subi %sign3A_87, %sign3A_90 : i32
    %ne3A = arith.cmpi ne, %sign3A_84, %sign3A_91 : i32
    %rem3A = arith.remsi %select_n3A, %jit3A_78 : i32
    %ne3A_92 = arith.constant 0 : i32
    %ne3A_93 = arith.cmpi ne, %rem3A, %ne3A_92 : i32
    %and3A = arith.andi %ne3A, %ne3A_93 : i1
    %sub3A = arith.constant 1 : i32
    %sub3A_94 = arith.subi %div3A, %sub3A : i32
    %select_n3A_95 = arith.select %and3A, %sub3A_94, %div3A : i32
    %while3A = arith.constant 0 : i32
    %while3A_96 = arith.constant 0 : i32
    %while3A_97 = arith.subi %select_n3A_95, %while3A_96 : i32
    %while3A_98 = arith.addi %while3A_96, %while3A_97 : i32
    %while3A_99 = arith.constant 1 : i32
    %while3A_100 = arith.divsi %while3A_97, %while3A_99 : i32
    %while3A_101 = arith.muli %while3A_100, %while3A_99 : i32
    %while3A_102 = arith.addi %while3A_96, %while3A_101 : i32
    %while3A_103 = arith.constant 1 : i32
    scf.for %while3A_153 = %while3A_96 to %while3A_102 step %while3A_103  : i32 {
      %mul3A_154 = arith.constant 4 : i32
      %mul3A_155 = arith.muli %while3A_153, %mul3A_154 : i32
      %add3A_156 = arith.constant 0 : i32
      %add3A_157 = arith.addi %mul3A_155, %add3A_156 : i32
      %dma_wait3A_158 = arith.constant 0 : i32
      %dma_wait3A_159 = arith.constant 0 : i32
      %dma_wait3A_160 = arith.constant 0 : i32
      %dma_wait3A_161 = tpu.memref_slice %arg8[%dma_wait3A_158, %dma_wait3A_159, %dma_wait3A_160] : memref<4x128x64xf32, #tpu.memory_space<vmem>> -> memref<1x128x64xf32, #tpu.memory_space<vmem>>
      %dma_wait3A_162 = tpu.memref_squeeze %dma_wait3A_161 : memref<1x128x64xf32, #tpu.memory_space<vmem>> -> memref<128x64xf32, #tpu.memory_space<vmem>>
      %dma_wait3A_163 = arith.constant 0 : i32
      %dma_wait3A_164 = tpu.memref_slice %arg6[%add3A_157, %dma_wait3A_163] : memref<152x128xi32, #tpu.memory_space<vmem>> -> memref<1x128xi32, #tpu.memory_space<vmem>>
      %dma_wait3A_165 = tpu.memref_squeeze %dma_wait3A_164 : memref<1x128xi32, #tpu.memory_space<vmem>> -> memref<128xi32, #tpu.memory_space<vmem>>
      %dma_wait3A_166 = arith.constant 0 : i32
      %dma_wait3A_167 = arith.constant 0 : i32
      %dma_wait3A_168 = tpu.memref_slice %arg2[%dma_wait3A_166, %dma_wait3A_167] : memref<10000x64xf32, #tpu.memory_space<hbm>> -> memref<10000x64xf32, #tpu.memory_space<hbm>>
      tpu.wait_indirect_dma semaphore(%arg10 : memref<!tpu.dma_semaphore, #tpu.memory_space<semaphore_mem>>) src(%dma_wait3A_168 : memref<10000x64xf32, #tpu.memory_space<hbm>>) dst(%dma_wait3A_162 : memref<128x64xf32, #tpu.memory_space<vmem>>)
      %dma_start3A_169 = arith.constant 0 : i32
      %dma_start3A_170 = arith.constant 0 : i32
      %dma_start3A_171 = arith.constant 0 : i32
      %dma_start3A_172 = tpu.memref_slice %arg8[%dma_start3A_169, %dma_start3A_170, %dma_start3A_171] : memref<4x128x64xf32, #tpu.memory_space<vmem>> -> memref<1x128x64xf32, #tpu.memory_space<vmem>>
      %dma_start3A_173 = tpu.memref_squeeze %dma_start3A_172 : memref<1x128x64xf32, #tpu.memory_space<vmem>> -> memref<128x64xf32, #tpu.memory_space<vmem>>
      %dma_start3A_174 = arith.constant 0 : i32
      %dma_start3A_175 = tpu.memref_slice %arg7[%add3A_157, %dma_start3A_174] : memref<152x128xi32, #tpu.memory_space<vmem>> -> memref<1x128xi32, #tpu.memory_space<vmem>>
      %dma_start3A_176 = tpu.memref_squeeze %dma_start3A_175 : memref<1x128xi32, #tpu.memory_space<vmem>> -> memref<128xi32, #tpu.memory_space<vmem>>
      %dma_start3A_177 = arith.constant 0 : i32
      %dma_start3A_178 = arith.constant 0 : i32
      %dma_start3A_179 = tpu.memref_slice %arg9[%dma_start3A_177, %dma_start3A_178] : memref<10112x64xf32, #tpu.memory_space<vmem_shared>> -> memref<10112x64xf32, #tpu.memory_space<vmem_shared>>
      tpu.enqueue_indirect_dma source(%dma_start3A_173 : memref<128x64xf32, #tpu.memory_space<vmem>>) target(%dma_start3A_179 : memref<10112x64xf32, #tpu.memory_space<vmem_shared>>) offsets(%dma_start3A_176 : memref<128xi32, #tpu.memory_space<vmem>>) semaphore(%arg14 : memref<!tpu.dma_semaphore, #tpu.memory_space<semaphore_mem>>) {add = true}
      %sub3A_180 = arith.constant 2 : i32
      %sub3A_181 = arith.subi %add3A_157, %sub3A_180 : i32
      %add3A_182 = arith.constant 4 : i32
      %add3A_183 = arith.addi %sub3A_181, %add3A_182 : i32
      %ge3A = arith.constant 0 : i32
      %ge3A_184 = arith.cmpi sge, %sub3A_181, %ge3A : i32
      %lt3A = arith.cmpi slt, %add3A_183, %select_n3A : i32
      %and3A_185 = arith.andi %ge3A_184, %lt3A : i1
      %convert_element_type3A_186 = arith.extui %and3A_185 : i1 to i32
      %cond3A_187 = arith.constant 0 : i32
      %cond3A_188 = arith.cmpi ne, %convert_element_type3A_186, %cond3A_187 : i32
      scf.if %cond3A_188 {
        %dma_wait3A_300 = arith.constant 2 : i32
        %dma_wait3A_301 = arith.constant 0 : i32
        %dma_wait3A_302 = arith.constant 0 : i32
        %dma_wait3A_303 = tpu.memref_slice %arg8[%dma_wait3A_300, %dma_wait3A_301, %dma_wait3A_302] : memref<4x128x64xf32, #tpu.memory_space<vmem>> -> memref<1x128x64xf32, #tpu.memory_space<vmem>>
        %dma_wait3A_304 = tpu.memref_squeeze %dma_wait3A_303 : memref<1x128x64xf32, #tpu.memory_space<vmem>> -> memref<128x64xf32, #tpu.memory_space<vmem>>
        %dma_wait3A_305 = arith.constant 0 : i32
        %dma_wait3A_306 = tpu.memref_slice %arg7[%sub3A_181, %dma_wait3A_305] : memref<152x128xi32, #tpu.memory_space<vmem>> -> memref<1x128xi32, #tpu.memory_space<vmem>>
        %dma_wait3A_307 = tpu.memref_squeeze %dma_wait3A_306 : memref<1x128xi32, #tpu.memory_space<vmem>> -> memref<128xi32, #tpu.memory_space<vmem>>
        %dma_wait3A_308 = arith.constant 0 : i32
        %dma_wait3A_309 = arith.constant 0 : i32
        %dma_wait3A_310 = tpu.memref_slice %arg9[%dma_wait3A_308, %dma_wait3A_309] : memref<10112x64xf32, #tpu.memory_space<vmem_shared>> -> memref<10112x64xf32, #tpu.memory_space<vmem_shared>>
        tpu.wait_indirect_dma semaphore(%arg16 : memref<!tpu.dma_semaphore, #tpu.memory_space<semaphore_mem>>) src(%dma_wait3A_304 : memref<128x64xf32, #tpu.memory_space<vmem>>) dst(%dma_wait3A_310 : memref<10112x64xf32, #tpu.memory_space<vmem_shared>>)
        %dma_start3A_311 = arith.constant 2 : i32
        %dma_start3A_312 = arith.constant 0 : i32
        %dma_start3A_313 = arith.constant 0 : i32
        %dma_start3A_314 = tpu.memref_slice %arg8[%dma_start3A_311, %dma_start3A_312, %dma_start3A_313] : memref<4x128x64xf32, #tpu.memory_space<vmem>> -> memref<1x128x64xf32, #tpu.memory_space<vmem>>
        %dma_start3A_315 = tpu.memref_squeeze %dma_start3A_314 : memref<1x128x64xf32, #tpu.memory_space<vmem>> -> memref<128x64xf32, #tpu.memory_space<vmem>>
        %dma_start3A_316 = arith.constant 0 : i32
        %dma_start3A_317 = tpu.memref_slice %arg6[%add3A_183, %dma_start3A_316] : memref<152x128xi32, #tpu.memory_space<vmem>> -> memref<1x128xi32, #tpu.memory_space<vmem>>
        %dma_start3A_318 = tpu.memref_squeeze %dma_start3A_317 : memref<1x128xi32, #tpu.memory_space<vmem>> -> memref<128xi32, #tpu.memory_space<vmem>>
        %dma_start3A_319 = arith.constant 0 : i32
        %dma_start3A_320 = arith.constant 0 : i32
        %dma_start3A_321 = tpu.memref_slice %arg2[%dma_start3A_319, %dma_start3A_320] : memref<10000x64xf32, #tpu.memory_space<hbm>> -> memref<10000x64xf32, #tpu.memory_space<hbm>>
        tpu.enqueue_indirect_dma source(%dma_start3A_321 : memref<10000x64xf32, #tpu.memory_space<hbm>>) target(%dma_start3A_315 : memref<128x64xf32, #tpu.memory_space<vmem>>) offsets(%dma_start3A_318 : memref<128xi32, #tpu.memory_space<vmem>>) semaphore(%arg12 : memref<!tpu.dma_semaphore, #tpu.memory_space<semaphore_mem>>)
      } else {
      }
      %mul3A_189 = arith.constant 4 : i32
      %mul3A_190 = arith.muli %while3A_153, %mul3A_189 : i32
      %add3A_191 = arith.constant 1 : i32
      %add3A_192 = arith.addi %mul3A_190, %add3A_191 : i32
      %dma_wait3A_193 = arith.constant 1 : i32
      %dma_wait3A_194 = arith.constant 0 : i32
      %dma_wait3A_195 = arith.constant 0 : i32
      %dma_wait3A_196 = tpu.memref_slice %arg8[%dma_wait3A_193, %dma_wait3A_194, %dma_wait3A_195] : memref<4x128x64xf32, #tpu.memory_space<vmem>> -> memref<1x128x64xf32, #tpu.memory_space<vmem>>
      %dma_wait3A_197 = tpu.memref_squeeze %dma_wait3A_196 : memref<1x128x64xf32, #tpu.memory_space<vmem>> -> memref<128x64xf32, #tpu.memory_space<vmem>>
      %dma_wait3A_198 = arith.constant 0 : i32
      %dma_wait3A_199 = tpu.memref_slice %arg6[%add3A_192, %dma_wait3A_198] : memref<152x128xi32, #tpu.memory_space<vmem>> -> memref<1x128xi32, #tpu.memory_space<vmem>>
      %dma_wait3A_200 = tpu.memref_squeeze %dma_wait3A_199 : memref<1x128xi32, #tpu.memory_space<vmem>> -> memref<128xi32, #tpu.memory_space<vmem>>
      %dma_wait3A_201 = arith.constant 0 : i32
      %dma_wait3A_202 = arith.constant 0 : i32
      %dma_wait3A_203 = tpu.memref_slice %arg2[%dma_wait3A_201, %dma_wait3A_202] : memref<10000x64xf32, #tpu.memory_space<hbm>> -> memref<10000x64xf32, #tpu.memory_space<hbm>>
      tpu.wait_indirect_dma semaphore(%arg11 : memref<!tpu.dma_semaphore, #tpu.memory_space<semaphore_mem>>) src(%dma_wait3A_203 : memref<10000x64xf32, #tpu.memory_space<hbm>>) dst(%dma_wait3A_197 : memref<128x64xf32, #tpu.memory_space<vmem>>)
      %dma_start3A_204 = arith.constant 1 : i32
      %dma_start3A_205 = arith.constant 0 : i32
      %dma_start3A_206 = arith.constant 0 : i32
      %dma_start3A_207 = tpu.memref_slice %arg8[%dma_start3A_204, %dma_start3A_205, %dma_start3A_206] : memref<4x128x64xf32, #tpu.memory_space<vmem>> -> memref<1x128x64xf32, #tpu.memory_space<vmem>>
      %dma_start3A_208 = tpu.memref_squeeze %dma_start3A_207 : memref<1x128x64xf32, #tpu.memory_space<vmem>> -> memref<128x64xf32, #tpu.memory_space<vmem>>
      %dma_start3A_209 = arith.constant 0 : i32
      %dma_start3A_210 = tpu.memref_slice %arg7[%add3A_192, %dma_start3A_209] : memref<152x128xi32, #tpu.memory_space<vmem>> -> memref<1x128xi32, #tpu.memory_space<vmem>>
      %dma_start3A_211 = tpu.memref_squeeze %dma_start3A_210 : memref<1x128xi32, #tpu.memory_space<vmem>> -> memref<128xi32, #tpu.memory_space<vmem>>
      %dma_start3A_212 = arith.constant 0 : i32
      %dma_start3A_213 = arith.constant 0 : i32
      %dma_start3A_214 = tpu.memref_slice %arg9[%dma_start3A_212, %dma_start3A_213] : memref<10112x64xf32, #tpu.memory_space<vmem_shared>> -> memref<10112x64xf32, #tpu.memory_space<vmem_shared>>
      tpu.enqueue_indirect_dma source(%dma_start3A_208 : memref<128x64xf32, #tpu.memory_space<vmem>>) target(%dma_start3A_214 : memref<10112x64xf32, #tpu.memory_space<vmem_shared>>) offsets(%dma_start3A_211 : memref<128xi32, #tpu.memory_space<vmem>>) semaphore(%arg15 : memref<!tpu.dma_semaphore, #tpu.memory_space<semaphore_mem>>) {add = true}
      %sub3A_215 = arith.constant 2 : i32
      %sub3A_216 = arith.subi %add3A_192, %sub3A_215 : i32
      %add3A_217 = arith.constant 4 : i32
      %add3A_218 = arith.addi %sub3A_216, %add3A_217 : i32
      %ge3A_219 = arith.constant 0 : i32
      %ge3A_220 = arith.cmpi sge, %sub3A_216, %ge3A_219 : i32
      %lt3A_221 = arith.cmpi slt, %add3A_218, %select_n3A : i32
      %and3A_222 = arith.andi %ge3A_220, %lt3A_221 : i1
      %convert_element_type3A_223 = arith.extui %and3A_222 : i1 to i32
      %cond3A_224 = arith.constant 0 : i32
      %cond3A_225 = arith.cmpi ne, %convert_element_type3A_223, %cond3A_224 : i32
      scf.if %cond3A_225 {
        %dma_wait3A_300 = arith.constant 3 : i32
        %dma_wait3A_301 = arith.constant 0 : i32
        %dma_wait3A_302 = arith.constant 0 : i32
        %dma_wait3A_303 = tpu.memref_slice %arg8[%dma_wait3A_300, %dma_wait3A_301, %dma_wait3A_302] : memref<4x128x64xf32, #tpu.memory_space<vmem>> -> memref<1x128x64xf32, #tpu.memory_space<vmem>>
        %dma_wait3A_304 = tpu.memref_squeeze %dma_wait3A_303 : memref<1x128x64xf32, #tpu.memory_space<vmem>> -> memref<128x64xf32, #tpu.memory_space<vmem>>
        %dma_wait3A_305 = arith.constant 0 : i32
        %dma_wait3A_306 = tpu.memref_slice %arg7[%sub3A_216, %dma_wait3A_305] : memref<152x128xi32, #tpu.memory_space<vmem>> -> memref<1x128xi32, #tpu.memory_space<vmem>>
        %dma_wait3A_307 = tpu.memref_squeeze %dma_wait3A_306 : memref<1x128xi32, #tpu.memory_space<vmem>> -> memref<128xi32, #tpu.memory_space<vmem>>
        %dma_wait3A_308 = arith.constant 0 : i32
        %dma_wait3A_309 = arith.constant 0 : i32
        %dma_wait3A_310 = tpu.memref_slice %arg9[%dma_wait3A_308, %dma_wait3A_309] : memref<10112x64xf32, #tpu.memory_space<vmem_shared>> -> memref<10112x64xf32, #tpu.memory_space<vmem_shared>>
        tpu.wait_indirect_dma semaphore(%arg17 : memref<!tpu.dma_semaphore, #tpu.memory_space<semaphore_mem>>) src(%dma_wait3A_304 : memref<128x64xf32, #tpu.memory_space<vmem>>) dst(%dma_wait3A_310 : memref<10112x64xf32, #tpu.memory_space<vmem_shared>>)
        %dma_start3A_311 = arith.constant 3 : i32
        %dma_start3A_312 = arith.constant 0 : i32
        %dma_start3A_313 = arith.constant 0 : i32
        %dma_start3A_314 = tpu.memref_slice %arg8[%dma_start3A_311, %dma_start3A_312, %dma_start3A_313] : memref<4x128x64xf32, #tpu.memory_space<vmem>> -> memref<1x128x64xf32, #tpu.memory_space<vmem>>
        %dma_start3A_315 = tpu.memref_squeeze %dma_start3A_314 : memref<1x128x64xf32, #tpu.memory_space<vmem>> -> memref<128x64xf32, #tpu.memory_space<vmem>>
        %dma_start3A_316 = arith.constant 0 : i32
        %dma_start3A_317 = tpu.memref_slice %arg6[%add3A_218, %dma_start3A_316] : memref<152x128xi32, #tpu.memory_space<vmem>> -> memref<1x128xi32, #tpu.memory_space<vmem>>
        %dma_start3A_318 = tpu.memref_squeeze %dma_start3A_317 : memref<1x128xi32, #tpu.memory_space<vmem>> -> memref<128xi32, #tpu.memory_space<vmem>>
        %dma_start3A_319 = arith.constant 0 : i32
        %dma_start3A_320 = arith.constant 0 : i32
        %dma_start3A_321 = tpu.memref_slice %arg2[%dma_start3A_319, %dma_start3A_320] : memref<10000x64xf32, #tpu.memory_space<hbm>> -> memref<10000x64xf32, #tpu.memory_space<hbm>>
        tpu.enqueue_indirect_dma source(%dma_start3A_321 : memref<10000x64xf32, #tpu.memory_space<hbm>>) target(%dma_start3A_315 : memref<128x64xf32, #tpu.memory_space<vmem>>) offsets(%dma_start3A_318 : memref<128xi32, #tpu.memory_space<vmem>>) semaphore(%arg13 : memref<!tpu.dma_semaphore, #tpu.memory_space<semaphore_mem>>)
      } else {
      }
      %mul3A_226 = arith.constant 4 : i32
      %mul3A_227 = arith.muli %while3A_153, %mul3A_226 : i32
      %add3A_228 = arith.constant 2 : i32
      %add3A_229 = arith.addi %mul3A_227, %add3A_228 : i32
      %dma_wait3A_230 = arith.constant 2 : i32
      %dma_wait3A_231 = arith.constant 0 : i32
      %dma_wait3A_232 = arith.constant 0 : i32
      %dma_wait3A_233 = tpu.memref_slice %arg8[%dma_wait3A_230, %dma_wait3A_231, %dma_wait3A_232] : memref<4x128x64xf32, #tpu.memory_space<vmem>> -> memref<1x128x64xf32, #tpu.memory_space<vmem>>
      %dma_wait3A_234 = tpu.memref_squeeze %dma_wait3A_233 : memref<1x128x64xf32, #tpu.memory_space<vmem>> -> memref<128x64xf32, #tpu.memory_space<vmem>>
      %dma_wait3A_235 = arith.constant 0 : i32
      %dma_wait3A_236 = tpu.memref_slice %arg6[%add3A_229, %dma_wait3A_235] : memref<152x128xi32, #tpu.memory_space<vmem>> -> memref<1x128xi32, #tpu.memory_space<vmem>>
      %dma_wait3A_237 = tpu.memref_squeeze %dma_wait3A_236 : memref<1x128xi32, #tpu.memory_space<vmem>> -> memref<128xi32, #tpu.memory_space<vmem>>
      %dma_wait3A_238 = arith.constant 0 : i32
      %dma_wait3A_239 = arith.constant 0 : i32
      %dma_wait3A_240 = tpu.memref_slice %arg2[%dma_wait3A_238, %dma_wait3A_239] : memref<10000x64xf32, #tpu.memory_space<hbm>> -> memref<10000x64xf32, #tpu.memory_space<hbm>>
      tpu.wait_indirect_dma semaphore(%arg12 : memref<!tpu.dma_semaphore, #tpu.memory_space<semaphore_mem>>) src(%dma_wait3A_240 : memref<10000x64xf32, #tpu.memory_space<hbm>>) dst(%dma_wait3A_234 : memref<128x64xf32, #tpu.memory_space<vmem>>)
      %dma_start3A_241 = arith.constant 2 : i32
      %dma_start3A_242 = arith.constant 0 : i32
      %dma_start3A_243 = arith.constant 0 : i32
      %dma_start3A_244 = tpu.memref_slice %arg8[%dma_start3A_241, %dma_start3A_242, %dma_start3A_243] : memref<4x128x64xf32, #tpu.memory_space<vmem>> -> memref<1x128x64xf32, #tpu.memory_space<vmem>>
      %dma_start3A_245 = tpu.memref_squeeze %dma_start3A_244 : memref<1x128x64xf32, #tpu.memory_space<vmem>> -> memref<128x64xf32, #tpu.memory_space<vmem>>
      %dma_start3A_246 = arith.constant 0 : i32
      %dma_start3A_247 = tpu.memref_slice %arg7[%add3A_229, %dma_start3A_246] : memref<152x128xi32, #tpu.memory_space<vmem>> -> memref<1x128xi32, #tpu.memory_space<vmem>>
      %dma_start3A_248 = tpu.memref_squeeze %dma_start3A_247 : memref<1x128xi32, #tpu.memory_space<vmem>> -> memref<128xi32, #tpu.memory_space<vmem>>
      %dma_start3A_249 = arith.constant 0 : i32
      %dma_start3A_250 = arith.constant 0 : i32
      %dma_start3A_251 = tpu.memref_slice %arg9[%dma_start3A_249, %dma_start3A_250] : memref<10112x64xf32, #tpu.memory_space<vmem_shared>> -> memref<10112x64xf32, #tpu.memory_space<vmem_shared>>
      tpu.enqueue_indirect_dma source(%dma_start3A_245 : memref<128x64xf32, #tpu.memory_space<vmem>>) target(%dma_start3A_251 : memref<10112x64xf32, #tpu.memory_space<vmem_shared>>) offsets(%dma_start3A_248 : memref<128xi32, #tpu.memory_space<vmem>>) semaphore(%arg16 : memref<!tpu.dma_semaphore, #tpu.memory_space<semaphore_mem>>) {add = true}
      %sub3A_252 = arith.constant 2 : i32
      %sub3A_253 = arith.subi %add3A_229, %sub3A_252 : i32
      %add3A_254 = arith.constant 4 : i32
      %add3A_255 = arith.addi %sub3A_253, %add3A_254 : i32
      %ge3A_256 = arith.constant 0 : i32
      %ge3A_257 = arith.cmpi sge, %sub3A_253, %ge3A_256 : i32
      %lt3A_258 = arith.cmpi slt, %add3A_255, %select_n3A : i32
      %and3A_259 = arith.andi %ge3A_257, %lt3A_258 : i1
      %convert_element_type3A_260 = arith.extui %and3A_259 : i1 to i32
      %cond3A_261 = arith.constant 0 : i32
      %cond3A_262 = arith.cmpi ne, %convert_element_type3A_260, %cond3A_261 : i32
      scf.if %cond3A_262 {
        %dma_wait3A_300 = arith.constant 0 : i32
        %dma_wait3A_301 = arith.constant 0 : i32
        %dma_wait3A_302 = arith.constant 0 : i32
        %dma_wait3A_303 = tpu.memref_slice %arg8[%dma_wait3A_300, %dma_wait3A_301, %dma_wait3A_302] : memref<4x128x64xf32, #tpu.memory_space<vmem>> -> memref<1x128x64xf32, #tpu.memory_space<vmem>>
        %dma_wait3A_304 = tpu.memref_squeeze %dma_wait3A_303 : memref<1x128x64xf32, #tpu.memory_space<vmem>> -> memref<128x64xf32, #tpu.memory_space<vmem>>
        %dma_wait3A_305 = arith.constant 0 : i32
        %dma_wait3A_306 = tpu.memref_slice %arg7[%sub3A_253, %dma_wait3A_305] : memref<152x128xi32, #tpu.memory_space<vmem>> -> memref<1x128xi32, #tpu.memory_space<vmem>>
        %dma_wait3A_307 = tpu.memref_squeeze %dma_wait3A_306 : memref<1x128xi32, #tpu.memory_space<vmem>> -> memref<128xi32, #tpu.memory_space<vmem>>
        %dma_wait3A_308 = arith.constant 0 : i32
        %dma_wait3A_309 = arith.constant 0 : i32
        %dma_wait3A_310 = tpu.memref_slice %arg9[%dma_wait3A_308, %dma_wait3A_309] : memref<10112x64xf32, #tpu.memory_space<vmem_shared>> -> memref<10112x64xf32, #tpu.memory_space<vmem_shared>>
        tpu.wait_indirect_dma semaphore(%arg14 : memref<!tpu.dma_semaphore, #tpu.memory_space<semaphore_mem>>) src(%dma_wait3A_304 : memref<128x64xf32, #tpu.memory_space<vmem>>) dst(%dma_wait3A_310 : memref<10112x64xf32, #tpu.memory_space<vmem_shared>>)
        %dma_start3A_311 = arith.constant 0 : i32
        %dma_start3A_312 = arith.constant 0 : i32
        %dma_start3A_313 = arith.constant 0 : i32
        %dma_start3A_314 = tpu.memref_slice %arg8[%dma_start3A_311, %dma_start3A_312, %dma_start3A_313] : memref<4x128x64xf32, #tpu.memory_space<vmem>> -> memref<1x128x64xf32, #tpu.memory_space<vmem>>
        %dma_start3A_315 = tpu.memref_squeeze %dma_start3A_314 : memref<1x128x64xf32, #tpu.memory_space<vmem>> -> memref<128x64xf32, #tpu.memory_space<vmem>>
        %dma_start3A_316 = arith.constant 0 : i32
        %dma_start3A_317 = tpu.memref_slice %arg6[%add3A_255, %dma_start3A_316] : memref<152x128xi32, #tpu.memory_space<vmem>> -> memref<1x128xi32, #tpu.memory_space<vmem>>
        %dma_start3A_318 = tpu.memref_squeeze %dma_start3A_317 : memref<1x128xi32, #tpu.memory_space<vmem>> -> memref<128xi32, #tpu.memory_space<vmem>>
        %dma_start3A_319 = arith.constant 0 : i32
        %dma_start3A_320 = arith.constant 0 : i32
        %dma_start3A_321 = tpu.memref_slice %arg2[%dma_start3A_319, %dma_start3A_320] : memref<10000x64xf32, #tpu.memory_space<hbm>> -> memref<10000x64xf32, #tpu.memory_space<hbm>>
        tpu.enqueue_indirect_dma source(%dma_start3A_321 : memref<10000x64xf32, #tpu.memory_space<hbm>>) target(%dma_start3A_315 : memref<128x64xf32, #tpu.memory_space<vmem>>) offsets(%dma_start3A_318 : memref<128xi32, #tpu.memory_space<vmem>>) semaphore(%arg10 : memref<!tpu.dma_semaphore, #tpu.memory_space<semaphore_mem>>)
      } else {
      }
      %mul3A_263 = arith.constant 4 : i32
      %mul3A_264 = arith.muli %while3A_153, %mul3A_263 : i32
      %add3A_265 = arith.constant 3 : i32
      %add3A_266 = arith.addi %mul3A_264, %add3A_265 : i32
      %dma_wait3A_267 = arith.constant 3 : i32
      %dma_wait3A_268 = arith.constant 0 : i32
      %dma_wait3A_269 = arith.constant 0 : i32
      %dma_wait3A_270 = tpu.memref_slice %arg8[%dma_wait3A_267, %dma_wait3A_268, %dma_wait3A_269] : memref<4x128x64xf32, #tpu.memory_space<vmem>> -> memref<1x128x64xf32, #tpu.memory_space<vmem>>
      %dma_wait3A_271 = tpu.memref_squeeze %dma_wait3A_270 : memref<1x128x64xf32, #tpu.memory_space<vmem>> -> memref<128x64xf32, #tpu.memory_space<vmem>>
      %dma_wait3A_272 = arith.constant 0 : i32
      %dma_wait3A_273 = tpu.memref_slice %arg6[%add3A_266, %dma_wait3A_272] : memref<152x128xi32, #tpu.memory_space<vmem>> -> memref<1x128xi32, #tpu.memory_space<vmem>>
      %dma_wait3A_274 = tpu.memref_squeeze %dma_wait3A_273 : memref<1x128xi32, #tpu.memory_space<vmem>> -> memref<128xi32, #tpu.memory_space<vmem>>
      %dma_wait3A_275 = arith.constant 0 : i32
      %dma_wait3A_276 = arith.constant 0 : i32
      %dma_wait3A_277 = tpu.memref_slice %arg2[%dma_wait3A_275, %dma_wait3A_276] : memref<10000x64xf32, #tpu.memory_space<hbm>> -> memref<10000x64xf32, #tpu.memory_space<hbm>>
      tpu.wait_indirect_dma semaphore(%arg13 : memref<!tpu.dma_semaphore, #tpu.memory_space<semaphore_mem>>) src(%dma_wait3A_277 : memref<10000x64xf32, #tpu.memory_space<hbm>>) dst(%dma_wait3A_271 : memref<128x64xf32, #tpu.memory_space<vmem>>)
      %dma_start3A_278 = arith.constant 3 : i32
      %dma_start3A_279 = arith.constant 0 : i32
      %dma_start3A_280 = arith.constant 0 : i32
      %dma_start3A_281 = tpu.memref_slice %arg8[%dma_start3A_278, %dma_start3A_279, %dma_start3A_280] : memref<4x128x64xf32, #tpu.memory_space<vmem>> -> memref<1x128x64xf32, #tpu.memory_space<vmem>>
      %dma_start3A_282 = tpu.memref_squeeze %dma_start3A_281 : memref<1x128x64xf32, #tpu.memory_space<vmem>> -> memref<128x64xf32, #tpu.memory_space<vmem>>
      %dma_start3A_283 = arith.constant 0 : i32
      %dma_start3A_284 = tpu.memref_slice %arg7[%add3A_266, %dma_start3A_283] : memref<152x128xi32, #tpu.memory_space<vmem>> -> memref<1x128xi32, #tpu.memory_space<vmem>>
      %dma_start3A_285 = tpu.memref_squeeze %dma_start3A_284 : memref<1x128xi32, #tpu.memory_space<vmem>> -> memref<128xi32, #tpu.memory_space<vmem>>
      %dma_start3A_286 = arith.constant 0 : i32
      %dma_start3A_287 = arith.constant 0 : i32
      %dma_start3A_288 = tpu.memref_slice %arg9[%dma_start3A_286, %dma_start3A_287] : memref<10112x64xf32, #tpu.memory_space<vmem_shared>> -> memref<10112x64xf32, #tpu.memory_space<vmem_shared>>
      tpu.enqueue_indirect_dma source(%dma_start3A_282 : memref<128x64xf32, #tpu.memory_space<vmem>>) target(%dma_start3A_288 : memref<10112x64xf32, #tpu.memory_space<vmem_shared>>) offsets(%dma_start3A_285 : memref<128xi32, #tpu.memory_space<vmem>>) semaphore(%arg17 : memref<!tpu.dma_semaphore, #tpu.memory_space<semaphore_mem>>) {add = true}
      %sub3A_289 = arith.constant 2 : i32
      %sub3A_290 = arith.subi %add3A_266, %sub3A_289 : i32
      %add3A_291 = arith.constant 4 : i32
      %add3A_292 = arith.addi %sub3A_290, %add3A_291 : i32
      %ge3A_293 = arith.constant 0 : i32
      %ge3A_294 = arith.cmpi sge, %sub3A_290, %ge3A_293 : i32
      %lt3A_295 = arith.cmpi slt, %add3A_292, %select_n3A : i32
      %and3A_296 = arith.andi %ge3A_294, %lt3A_295 : i1
      %convert_element_type3A_297 = arith.extui %and3A_296 : i1 to i32
      %cond3A_298 = arith.constant 0 : i32
      %cond3A_299 = arith.cmpi ne, %convert_element_type3A_297, %cond3A_298 : i32
      scf.if %cond3A_299 {
        %dma_wait3A_300 = arith.constant 1 : i32
        %dma_wait3A_301 = arith.constant 0 : i32
        %dma_wait3A_302 = arith.constant 0 : i32
        %dma_wait3A_303 = tpu.memref_slice %arg8[%dma_wait3A_300, %dma_wait3A_301, %dma_wait3A_302] : memref<4x128x64xf32, #tpu.memory_space<vmem>> -> memref<1x128x64xf32, #tpu.memory_space<vmem>>
        %dma_wait3A_304 = tpu.memref_squeeze %dma_wait3A_303 : memref<1x128x64xf32, #tpu.memory_space<vmem>> -> memref<128x64xf32, #tpu.memory_space<vmem>>
        %dma_wait3A_305 = arith.constant 0 : i32
        %dma_wait3A_306 = tpu.memref_slice %arg7[%sub3A_290, %dma_wait3A_305] : memref<152x128xi32, #tpu.memory_space<vmem>> -> memref<1x128xi32, #tpu.memory_space<vmem>>
        %dma_wait3A_307 = tpu.memref_squeeze %dma_wait3A_306 : memref<1x128xi32, #tpu.memory_space<vmem>> -> memref<128xi32, #tpu.memory_space<vmem>>
        %dma_wait3A_308 = arith.constant 0 : i32
        %dma_wait3A_309 = arith.constant 0 : i32
        %dma_wait3A_310 = tpu.memref_slice %arg9[%dma_wait3A_308, %dma_wait3A_309] : memref<10112x64xf32, #tpu.memory_space<vmem_shared>> -> memref<10112x64xf32, #tpu.memory_space<vmem_shared>>
        tpu.wait_indirect_dma semaphore(%arg15 : memref<!tpu.dma_semaphore, #tpu.memory_space<semaphore_mem>>) src(%dma_wait3A_304 : memref<128x64xf32, #tpu.memory_space<vmem>>) dst(%dma_wait3A_310 : memref<10112x64xf32, #tpu.memory_space<vmem_shared>>)
        %dma_start3A_311 = arith.constant 1 : i32
        %dma_start3A_312 = arith.constant 0 : i32
        %dma_start3A_313 = arith.constant 0 : i32
        %dma_start3A_314 = tpu.memref_slice %arg8[%dma_start3A_311, %dma_start3A_312, %dma_start3A_313] : memref<4x128x64xf32, #tpu.memory_space<vmem>> -> memref<1x128x64xf32, #tpu.memory_space<vmem>>
        %dma_start3A_315 = tpu.memref_squeeze %dma_start3A_314 : memref<1x128x64xf32, #tpu.memory_space<vmem>> -> memref<128x64xf32, #tpu.memory_space<vmem>>
        %dma_start3A_316 = arith.constant 0 : i32
        %dma_start3A_317 = tpu.memref_slice %arg6[%add3A_292, %dma_start3A_316] : memref<152x128xi32, #tpu.memory_space<vmem>> -> memref<1x128xi32, #tpu.memory_space<vmem>>
        %dma_start3A_318 = tpu.memref_squeeze %dma_start3A_317 : memref<1x128xi32, #tpu.memory_space<vmem>> -> memref<128xi32, #tpu.memory_space<vmem>>
        %dma_start3A_319 = arith.constant 0 : i32
        %dma_start3A_320 = arith.constant 0 : i32
        %dma_start3A_321 = tpu.memref_slice %arg2[%dma_start3A_319, %dma_start3A_320] : memref<10000x64xf32, #tpu.memory_space<hbm>> -> memref<10000x64xf32, #tpu.memory_space<hbm>>
        tpu.enqueue_indirect_dma source(%dma_start3A_321 : memref<10000x64xf32, #tpu.memory_space<hbm>>) target(%dma_start3A_315 : memref<128x64xf32, #tpu.memory_space<vmem>>) offsets(%dma_start3A_318 : memref<128xi32, #tpu.memory_space<vmem>>) semaphore(%arg11 : memref<!tpu.dma_semaphore, #tpu.memory_space<semaphore_mem>>)
      } else {
      }
    }
    %while3A_104 = arith.constant 1 : i32
    scf.for %while3A_153 = %while3A_102 to %while3A_98 step %while3A_104  : i32 {
      %mul3A_154 = arith.constant 4 : i32
      %mul3A_155 = arith.muli %while3A_153, %mul3A_154 : i32
      %add3A_156 = arith.constant 0 : i32
      %add3A_157 = arith.addi %mul3A_155, %add3A_156 : i32
      %dma_wait3A_158 = arith.constant 0 : i32
      %dma_wait3A_159 = arith.constant 0 : i32
      %dma_wait3A_160 = arith.constant 0 : i32
      %dma_wait3A_161 = tpu.memref_slice %arg8[%dma_wait3A_158, %dma_wait3A_159, %dma_wait3A_160] : memref<4x128x64xf32, #tpu.memory_space<vmem>> -> memref<1x128x64xf32, #tpu.memory_space<vmem>>
      %dma_wait3A_162 = tpu.memref_squeeze %dma_wait3A_161 : memref<1x128x64xf32, #tpu.memory_space<vmem>> -> memref<128x64xf32, #tpu.memory_space<vmem>>
      %dma_wait3A_163 = arith.constant 0 : i32
      %dma_wait3A_164 = tpu.memref_slice %arg6[%add3A_157, %dma_wait3A_163] : memref<152x128xi32, #tpu.memory_space<vmem>> -> memref<1x128xi32, #tpu.memory_space<vmem>>
      %dma_wait3A_165 = tpu.memref_squeeze %dma_wait3A_164 : memref<1x128xi32, #tpu.memory_space<vmem>> -> memref<128xi32, #tpu.memory_space<vmem>>
      %dma_wait3A_166 = arith.constant 0 : i32
      %dma_wait3A_167 = arith.constant 0 : i32
      %dma_wait3A_168 = tpu.memref_slice %arg2[%dma_wait3A_166, %dma_wait3A_167] : memref<10000x64xf32, #tpu.memory_space<hbm>> -> memref<10000x64xf32, #tpu.memory_space<hbm>>
      tpu.wait_indirect_dma semaphore(%arg10 : memref<!tpu.dma_semaphore, #tpu.memory_space<semaphore_mem>>) src(%dma_wait3A_168 : memref<10000x64xf32, #tpu.memory_space<hbm>>) dst(%dma_wait3A_162 : memref<128x64xf32, #tpu.memory_space<vmem>>)
      %dma_start3A_169 = arith.constant 0 : i32
      %dma_start3A_170 = arith.constant 0 : i32
      %dma_start3A_171 = arith.constant 0 : i32
      %dma_start3A_172 = tpu.memref_slice %arg8[%dma_start3A_169, %dma_start3A_170, %dma_start3A_171] : memref<4x128x64xf32, #tpu.memory_space<vmem>> -> memref<1x128x64xf32, #tpu.memory_space<vmem>>
      %dma_start3A_173 = tpu.memref_squeeze %dma_start3A_172 : memref<1x128x64xf32, #tpu.memory_space<vmem>> -> memref<128x64xf32, #tpu.memory_space<vmem>>
      %dma_start3A_174 = arith.constant 0 : i32
      %dma_start3A_175 = tpu.memref_slice %arg7[%add3A_157, %dma_start3A_174] : memref<152x128xi32, #tpu.memory_space<vmem>> -> memref<1x128xi32, #tpu.memory_space<vmem>>
      %dma_start3A_176 = tpu.memref_squeeze %dma_start3A_175 : memref<1x128xi32, #tpu.memory_space<vmem>> -> memref<128xi32, #tpu.memory_space<vmem>>
      %dma_start3A_177 = arith.constant 0 : i32
      %dma_start3A_178 = arith.constant 0 : i32
      %dma_start3A_179 = tpu.memref_slice %arg9[%dma_start3A_177, %dma_start3A_178] : memref<10112x64xf32, #tpu.memory_space<vmem_shared>> -> memref<10112x64xf32, #tpu.memory_space<vmem_shared>>
      tpu.enqueue_indirect_dma source(%dma_start3A_173 : memref<128x64xf32, #tpu.memory_space<vmem>>) target(%dma_start3A_179 : memref<10112x64xf32, #tpu.memory_space<vmem_shared>>) offsets(%dma_start3A_176 : memref<128xi32, #tpu.memory_space<vmem>>) semaphore(%arg14 : memref<!tpu.dma_semaphore, #tpu.memory_space<semaphore_mem>>) {add = true}
      %sub3A_180 = arith.constant 2 : i32
      %sub3A_181 = arith.subi %add3A_157, %sub3A_180 : i32
      %add3A_182 = arith.constant 4 : i32
      %add3A_183 = arith.addi %sub3A_181, %add3A_182 : i32
      %ge3A = arith.constant 0 : i32
      %ge3A_184 = arith.cmpi sge, %sub3A_181, %ge3A : i32
      %lt3A = arith.cmpi slt, %add3A_183, %select_n3A : i32
      %and3A_185 = arith.andi %ge3A_184, %lt3A : i1
      %convert_element_type3A_186 = arith.extui %and3A_185 : i1 to i32
      %cond3A_187 = arith.constant 0 : i32
      %cond3A_188 = arith.cmpi ne, %convert_element_type3A_186, %cond3A_187 : i32
      scf.if %cond3A_188 {
        %dma_wait3A_300 = arith.constant 2 : i32
        %dma_wait3A_301 = arith.constant 0 : i32
        %dma_wait3A_302 = arith.constant 0 : i32
        %dma_wait3A_303 = tpu.memref_slice %arg8[%dma_wait3A_300, %dma_wait3A_301, %dma_wait3A_302] : memref<4x128x64xf32, #tpu.memory_space<vmem>> -> memref<1x128x64xf32, #tpu.memory_space<vmem>>
        %dma_wait3A_304 = tpu.memref_squeeze %dma_wait3A_303 : memref<1x128x64xf32, #tpu.memory_space<vmem>> -> memref<128x64xf32, #tpu.memory_space<vmem>>
        %dma_wait3A_305 = arith.constant 0 : i32
        %dma_wait3A_306 = tpu.memref_slice %arg7[%sub3A_181, %dma_wait3A_305] : memref<152x128xi32, #tpu.memory_space<vmem>> -> memref<1x128xi32, #tpu.memory_space<vmem>>
        %dma_wait3A_307 = tpu.memref_squeeze %dma_wait3A_306 : memref<1x128xi32, #tpu.memory_space<vmem>> -> memref<128xi32, #tpu.memory_space<vmem>>
        %dma_wait3A_308 = arith.constant 0 : i32
        %dma_wait3A_309 = arith.constant 0 : i32
        %dma_wait3A_310 = tpu.memref_slice %arg9[%dma_wait3A_308, %dma_wait3A_309] : memref<10112x64xf32, #tpu.memory_space<vmem_shared>> -> memref<10112x64xf32, #tpu.memory_space<vmem_shared>>
        tpu.wait_indirect_dma semaphore(%arg16 : memref<!tpu.dma_semaphore, #tpu.memory_space<semaphore_mem>>) src(%dma_wait3A_304 : memref<128x64xf32, #tpu.memory_space<vmem>>) dst(%dma_wait3A_310 : memref<10112x64xf32, #tpu.memory_space<vmem_shared>>)
        %dma_start3A_311 = arith.constant 2 : i32
        %dma_start3A_312 = arith.constant 0 : i32
        %dma_start3A_313 = arith.constant 0 : i32
        %dma_start3A_314 = tpu.memref_slice %arg8[%dma_start3A_311, %dma_start3A_312, %dma_start3A_313] : memref<4x128x64xf32, #tpu.memory_space<vmem>> -> memref<1x128x64xf32, #tpu.memory_space<vmem>>
        %dma_start3A_315 = tpu.memref_squeeze %dma_start3A_314 : memref<1x128x64xf32, #tpu.memory_space<vmem>> -> memref<128x64xf32, #tpu.memory_space<vmem>>
        %dma_start3A_316 = arith.constant 0 : i32
        %dma_start3A_317 = tpu.memref_slice %arg6[%add3A_183, %dma_start3A_316] : memref<152x128xi32, #tpu.memory_space<vmem>> -> memref<1x128xi32, #tpu.memory_space<vmem>>
        %dma_start3A_318 = tpu.memref_squeeze %dma_start3A_317 : memref<1x128xi32, #tpu.memory_space<vmem>> -> memref<128xi32, #tpu.memory_space<vmem>>
        %dma_start3A_319 = arith.constant 0 : i32
        %dma_start3A_320 = arith.constant 0 : i32
        %dma_start3A_321 = tpu.memref_slice %arg2[%dma_start3A_319, %dma_start3A_320] : memref<10000x64xf32, #tpu.memory_space<hbm>> -> memref<10000x64xf32, #tpu.memory_space<hbm>>
        tpu.enqueue_indirect_dma source(%dma_start3A_321 : memref<10000x64xf32, #tpu.memory_space<hbm>>) target(%dma_start3A_315 : memref<128x64xf32, #tpu.memory_space<vmem>>) offsets(%dma_start3A_318 : memref<128xi32, #tpu.memory_space<vmem>>) semaphore(%arg12 : memref<!tpu.dma_semaphore, #tpu.memory_space<semaphore_mem>>)
      } else {
      }
      %mul3A_189 = arith.constant 4 : i32
      %mul3A_190 = arith.muli %while3A_153, %mul3A_189 : i32
      %add3A_191 = arith.constant 1 : i32
      %add3A_192 = arith.addi %mul3A_190, %add3A_191 : i32
      %dma_wait3A_193 = arith.constant 1 : i32
      %dma_wait3A_194 = arith.constant 0 : i32
      %dma_wait3A_195 = arith.constant 0 : i32
      %dma_wait3A_196 = tpu.memref_slice %arg8[%dma_wait3A_193, %dma_wait3A_194, %dma_wait3A_195] : memref<4x128x64xf32, #tpu.memory_space<vmem>> -> memref<1x128x64xf32, #tpu.memory_space<vmem>>
      %dma_wait3A_197 = tpu.memref_squeeze %dma_wait3A_196 : memref<1x128x64xf32, #tpu.memory_space<vmem>> -> memref<128x64xf32, #tpu.memory_space<vmem>>
      %dma_wait3A_198 = arith.constant 0 : i32
      %dma_wait3A_199 = tpu.memref_slice %arg6[%add3A_192, %dma_wait3A_198] : memref<152x128xi32, #tpu.memory_space<vmem>> -> memref<1x128xi32, #tpu.memory_space<vmem>>
      %dma_wait3A_200 = tpu.memref_squeeze %dma_wait3A_199 : memref<1x128xi32, #tpu.memory_space<vmem>> -> memref<128xi32, #tpu.memory_space<vmem>>
      %dma_wait3A_201 = arith.constant 0 : i32
      %dma_wait3A_202 = arith.constant 0 : i32
      %dma_wait3A_203 = tpu.memref_slice %arg2[%dma_wait3A_201, %dma_wait3A_202] : memref<10000x64xf32, #tpu.memory_space<hbm>> -> memref<10000x64xf32, #tpu.memory_space<hbm>>
      tpu.wait_indirect_dma semaphore(%arg11 : memref<!tpu.dma_semaphore, #tpu.memory_space<semaphore_mem>>) src(%dma_wait3A_203 : memref<10000x64xf32, #tpu.memory_space<hbm>>) dst(%dma_wait3A_197 : memref<128x64xf32, #tpu.memory_space<vmem>>)
      %dma_start3A_204 = arith.constant 1 : i32
      %dma_start3A_205 = arith.constant 0 : i32
      %dma_start3A_206 = arith.constant 0 : i32
      %dma_start3A_207 = tpu.memref_slice %arg8[%dma_start3A_204, %dma_start3A_205, %dma_start3A_206] : memref<4x128x64xf32, #tpu.memory_space<vmem>> -> memref<1x128x64xf32, #tpu.memory_space<vmem>>
      %dma_start3A_208 = tpu.memref_squeeze %dma_start3A_207 : memref<1x128x64xf32, #tpu.memory_space<vmem>> -> memref<128x64xf32, #tpu.memory_space<vmem>>
      %dma_start3A_209 = arith.constant 0 : i32
      %dma_start3A_210 = tpu.memref_slice %arg7[%add3A_192, %dma_start3A_209] : memref<152x128xi32, #tpu.memory_space<vmem>> -> memref<1x128xi32, #tpu.memory_space<vmem>>
      %dma_start3A_211 = tpu.memref_squeeze %dma_start3A_210 : memref<1x128xi32, #tpu.memory_space<vmem>> -> memref<128xi32, #tpu.memory_space<vmem>>
      %dma_start3A_212 = arith.constant 0 : i32
      %dma_start3A_213 = arith.constant 0 : i32
      %dma_start3A_214 = tpu.memref_slice %arg9[%dma_start3A_212, %dma_start3A_213] : memref<10112x64xf32, #tpu.memory_space<vmem_shared>> -> memref<10112x64xf32, #tpu.memory_space<vmem_shared>>
      tpu.enqueue_indirect_dma source(%dma_start3A_208 : memref<128x64xf32, #tpu.memory_space<vmem>>) target(%dma_start3A_214 : memref<10112x64xf32, #tpu.memory_space<vmem_shared>>) offsets(%dma_start3A_211 : memref<128xi32, #tpu.memory_space<vmem>>) semaphore(%arg15 : memref<!tpu.dma_semaphore, #tpu.memory_space<semaphore_mem>>) {add = true}
      %sub3A_215 = arith.constant 2 : i32
      %sub3A_216 = arith.subi %add3A_192, %sub3A_215 : i32
      %add3A_217 = arith.constant 4 : i32
      %add3A_218 = arith.addi %sub3A_216, %add3A_217 : i32
      %ge3A_219 = arith.constant 0 : i32
      %ge3A_220 = arith.cmpi sge, %sub3A_216, %ge3A_219 : i32
      %lt3A_221 = arith.cmpi slt, %add3A_218, %select_n3A : i32
      %and3A_222 = arith.andi %ge3A_220, %lt3A_221 : i1
      %convert_element_type3A_223 = arith.extui %and3A_222 : i1 to i32
      %cond3A_224 = arith.constant 0 : i32
      %cond3A_225 = arith.cmpi ne, %convert_element_type3A_223, %cond3A_224 : i32
      scf.if %cond3A_225 {
        %dma_wait3A_300 = arith.constant 3 : i32
        %dma_wait3A_301 = arith.constant 0 : i32
        %dma_wait3A_302 = arith.constant 0 : i32
        %dma_wait3A_303 = tpu.memref_slice %arg8[%dma_wait3A_300, %dma_wait3A_301, %dma_wait3A_302] : memref<4x128x64xf32, #tpu.memory_space<vmem>> -> memref<1x128x64xf32, #tpu.memory_space<vmem>>
        %dma_wait3A_304 = tpu.memref_squeeze %dma_wait3A_303 : memref<1x128x64xf32, #tpu.memory_space<vmem>> -> memref<128x64xf32, #tpu.memory_space<vmem>>
        %dma_wait3A_305 = arith.constant 0 : i32
        %dma_wait3A_306 = tpu.memref_slice %arg7[%sub3A_216, %dma_wait3A_305] : memref<152x128xi32, #tpu.memory_space<vmem>> -> memref<1x128xi32, #tpu.memory_space<vmem>>
        %dma_wait3A_307 = tpu.memref_squeeze %dma_wait3A_306 : memref<1x128xi32, #tpu.memory_space<vmem>> -> memref<128xi32, #tpu.memory_space<vmem>>
        %dma_wait3A_308 = arith.constant 0 : i32
        %dma_wait3A_309 = arith.constant 0 : i32
        %dma_wait3A_310 = tpu.memref_slice %arg9[%dma_wait3A_308, %dma_wait3A_309] : memref<10112x64xf32, #tpu.memory_space<vmem_shared>> -> memref<10112x64xf32, #tpu.memory_space<vmem_shared>>
        tpu.wait_indirect_dma semaphore(%arg17 : memref<!tpu.dma_semaphore, #tpu.memory_space<semaphore_mem>>) src(%dma_wait3A_304 : memref<128x64xf32, #tpu.memory_space<vmem>>) dst(%dma_wait3A_310 : memref<10112x64xf32, #tpu.memory_space<vmem_shared>>)
        %dma_start3A_311 = arith.constant 3 : i32
        %dma_start3A_312 = arith.constant 0 : i32
        %dma_start3A_313 = arith.constant 0 : i32
        %dma_start3A_314 = tpu.memref_slice %arg8[%dma_start3A_311, %dma_start3A_312, %dma_start3A_313] : memref<4x128x64xf32, #tpu.memory_space<vmem>> -> memref<1x128x64xf32, #tpu.memory_space<vmem>>
        %dma_start3A_315 = tpu.memref_squeeze %dma_start3A_314 : memref<1x128x64xf32, #tpu.memory_space<vmem>> -> memref<128x64xf32, #tpu.memory_space<vmem>>
        %dma_start3A_316 = arith.constant 0 : i32
        %dma_start3A_317 = tpu.memref_slice %arg6[%add3A_218, %dma_start3A_316] : memref<152x128xi32, #tpu.memory_space<vmem>> -> memref<1x128xi32, #tpu.memory_space<vmem>>
        %dma_start3A_318 = tpu.memref_squeeze %dma_start3A_317 : memref<1x128xi32, #tpu.memory_space<vmem>> -> memref<128xi32, #tpu.memory_space<vmem>>
        %dma_start3A_319 = arith.constant 0 : i32
        %dma_start3A_320 = arith.constant 0 : i32
        %dma_start3A_321 = tpu.memref_slice %arg2[%dma_start3A_319, %dma_start3A_320] : memref<10000x64xf32, #tpu.memory_space<hbm>> -> memref<10000x64xf32, #tpu.memory_space<hbm>>
        tpu.enqueue_indirect_dma source(%dma_start3A_321 : memref<10000x64xf32, #tpu.memory_space<hbm>>) target(%dma_start3A_315 : memref<128x64xf32, #tpu.memory_space<vmem>>) offsets(%dma_start3A_318 : memref<128xi32, #tpu.memory_space<vmem>>) semaphore(%arg13 : memref<!tpu.dma_semaphore, #tpu.memory_space<semaphore_mem>>)
      } else {
      }
      %mul3A_226 = arith.constant 4 : i32
      %mul3A_227 = arith.muli %while3A_153, %mul3A_226 : i32
      %add3A_228 = arith.constant 2 : i32
      %add3A_229 = arith.addi %mul3A_227, %add3A_228 : i32
      %dma_wait3A_230 = arith.constant 2 : i32
      %dma_wait3A_231 = arith.constant 0 : i32
      %dma_wait3A_232 = arith.constant 0 : i32
      %dma_wait3A_233 = tpu.memref_slice %arg8[%dma_wait3A_230, %dma_wait3A_231, %dma_wait3A_232] : memref<4x128x64xf32, #tpu.memory_space<vmem>> -> memref<1x128x64xf32, #tpu.memory_space<vmem>>
      %dma_wait3A_234 = tpu.memref_squeeze %dma_wait3A_233 : memref<1x128x64xf32, #tpu.memory_space<vmem>> -> memref<128x64xf32, #tpu.memory_space<vmem>>
      %dma_wait3A_235 = arith.constant 0 : i32
      %dma_wait3A_236 = tpu.memref_slice %arg6[%add3A_229, %dma_wait3A_235] : memref<152x128xi32, #tpu.memory_space<vmem>> -> memref<1x128xi32, #tpu.memory_space<vmem>>
      %dma_wait3A_237 = tpu.memref_squeeze %dma_wait3A_236 : memref<1x128xi32, #tpu.memory_space<vmem>> -> memref<128xi32, #tpu.memory_space<vmem>>
      %dma_wait3A_238 = arith.constant 0 : i32
      %dma_wait3A_239 = arith.constant 0 : i32
      %dma_wait3A_240 = tpu.memref_slice %arg2[%dma_wait3A_238, %dma_wait3A_239] : memref<10000x64xf32, #tpu.memory_space<hbm>> -> memref<10000x64xf32, #tpu.memory_space<hbm>>
      tpu.wait_indirect_dma semaphore(%arg12 : memref<!tpu.dma_semaphore, #tpu.memory_space<semaphore_mem>>) src(%dma_wait3A_240 : memref<10000x64xf32, #tpu.memory_space<hbm>>) dst(%dma_wait3A_234 : memref<128x64xf32, #tpu.memory_space<vmem>>)
      %dma_start3A_241 = arith.constant 2 : i32
      %dma_start3A_242 = arith.constant 0 : i32
      %dma_start3A_243 = arith.constant 0 : i32
      %dma_start3A_244 = tpu.memref_slice %arg8[%dma_start3A_241, %dma_start3A_242, %dma_start3A_243] : memref<4x128x64xf32, #tpu.memory_space<vmem>> -> memref<1x128x64xf32, #tpu.memory_space<vmem>>
      %dma_start3A_245 = tpu.memref_squeeze %dma_start3A_244 : memref<1x128x64xf32, #tpu.memory_space<vmem>> -> memref<128x64xf32, #tpu.memory_space<vmem>>
      %dma_start3A_246 = arith.constant 0 : i32
      %dma_start3A_247 = tpu.memref_slice %arg7[%add3A_229, %dma_start3A_246] : memref<152x128xi32, #tpu.memory_space<vmem>> -> memref<1x128xi32, #tpu.memory_space<vmem>>
      %dma_start3A_248 = tpu.memref_squeeze %dma_start3A_247 : memref<1x128xi32, #tpu.memory_space<vmem>> -> memref<128xi32, #tpu.memory_space<vmem>>
      %dma_start3A_249 = arith.constant 0 : i32
      %dma_start3A_250 = arith.constant 0 : i32
      %dma_start3A_251 = tpu.memref_slice %arg9[%dma_start3A_249, %dma_start3A_250] : memref<10112x64xf32, #tpu.memory_space<vmem_shared>> -> memref<10112x64xf32, #tpu.memory_space<vmem_shared>>
      tpu.enqueue_indirect_dma source(%dma_start3A_245 : memref<128x64xf32, #tpu.memory_space<vmem>>) target(%dma_start3A_251 : memref<10112x64xf32, #tpu.memory_space<vmem_shared>>) offsets(%dma_start3A_248 : memref<128xi32, #tpu.memory_space<vmem>>) semaphore(%arg16 : memref<!tpu.dma_semaphore, #tpu.memory_space<semaphore_mem>>) {add = true}
      %sub3A_252 = arith.constant 2 : i32
      %sub3A_253 = arith.subi %add3A_229, %sub3A_252 : i32
      %add3A_254 = arith.constant 4 : i32
      %add3A_255 = arith.addi %sub3A_253, %add3A_254 : i32
      %ge3A_256 = arith.constant 0 : i32
      %ge3A_257 = arith.cmpi sge, %sub3A_253, %ge3A_256 : i32
      %lt3A_258 = arith.cmpi slt, %add3A_255, %select_n3A : i32
      %and3A_259 = arith.andi %ge3A_257, %lt3A_258 : i1
      %convert_element_type3A_260 = arith.extui %and3A_259 : i1 to i32
      %cond3A_261 = arith.constant 0 : i32
      %cond3A_262 = arith.cmpi ne, %convert_element_type3A_260, %cond3A_261 : i32
      scf.if %cond3A_262 {
        %dma_wait3A_300 = arith.constant 0 : i32
        %dma_wait3A_301 = arith.constant 0 : i32
        %dma_wait3A_302 = arith.constant 0 : i32
        %dma_wait3A_303 = tpu.memref_slice %arg8[%dma_wait3A_300, %dma_wait3A_301, %dma_wait3A_302] : memref<4x128x64xf32, #tpu.memory_space<vmem>> -> memref<1x128x64xf32, #tpu.memory_space<vmem>>
        %dma_wait3A_304 = tpu.memref_squeeze %dma_wait3A_303 : memref<1x128x64xf32, #tpu.memory_space<vmem>> -> memref<128x64xf32, #tpu.memory_space<vmem>>
        %dma_wait3A_305 = arith.constant 0 : i32
        %dma_wait3A_306 = tpu.memref_slice %arg7[%sub3A_253, %dma_wait3A_305] : memref<152x128xi32, #tpu.memory_space<vmem>> -> memref<1x128xi32, #tpu.memory_space<vmem>>
        %dma_wait3A_307 = tpu.memref_squeeze %dma_wait3A_306 : memref<1x128xi32, #tpu.memory_space<vmem>> -> memref<128xi32, #tpu.memory_space<vmem>>
        %dma_wait3A_308 = arith.constant 0 : i32
        %dma_wait3A_309 = arith.constant 0 : i32
        %dma_wait3A_310 = tpu.memref_slice %arg9[%dma_wait3A_308, %dma_wait3A_309] : memref<10112x64xf32, #tpu.memory_space<vmem_shared>> -> memref<10112x64xf32, #tpu.memory_space<vmem_shared>>
        tpu.wait_indirect_dma semaphore(%arg14 : memref<!tpu.dma_semaphore, #tpu.memory_space<semaphore_mem>>) src(%dma_wait3A_304 : memref<128x64xf32, #tpu.memory_space<vmem>>) dst(%dma_wait3A_310 : memref<10112x64xf32, #tpu.memory_space<vmem_shared>>)
        %dma_start3A_311 = arith.constant 0 : i32
        %dma_start3A_312 = arith.constant 0 : i32
        %dma_start3A_313 = arith.constant 0 : i32
        %dma_start3A_314 = tpu.memref_slice %arg8[%dma_start3A_311, %dma_start3A_312, %dma_start3A_313] : memref<4x128x64xf32, #tpu.memory_space<vmem>> -> memref<1x128x64xf32, #tpu.memory_space<vmem>>
        %dma_start3A_315 = tpu.memref_squeeze %dma_start3A_314 : memref<1x128x64xf32, #tpu.memory_space<vmem>> -> memref<128x64xf32, #tpu.memory_space<vmem>>
        %dma_start3A_316 = arith.constant 0 : i32
        %dma_start3A_317 = tpu.memref_slice %arg6[%add3A_255, %dma_start3A_316] : memref<152x128xi32, #tpu.memory_space<vmem>> -> memref<1x128xi32, #tpu.memory_space<vmem>>
        %dma_start3A_318 = tpu.memref_squeeze %dma_start3A_317 : memref<1x128xi32, #tpu.memory_space<vmem>> -> memref<128xi32, #tpu.memory_space<vmem>>
        %dma_start3A_319 = arith.constant 0 : i32
        %dma_start3A_320 = arith.constant 0 : i32
        %dma_start3A_321 = tpu.memref_slice %arg2[%dma_start3A_319, %dma_start3A_320] : memref<10000x64xf32, #tpu.memory_space<hbm>> -> memref<10000x64xf32, #tpu.memory_space<hbm>>
        tpu.enqueue_indirect_dma source(%dma_start3A_321 : memref<10000x64xf32, #tpu.memory_space<hbm>>) target(%dma_start3A_315 : memref<128x64xf32, #tpu.memory_space<vmem>>) offsets(%dma_start3A_318 : memref<128xi32, #tpu.memory_space<vmem>>) semaphore(%arg10 : memref<!tpu.dma_semaphore, #tpu.memory_space<semaphore_mem>>)
      } else {
      }
      %mul3A_263 = arith.constant 4 : i32
      %mul3A_264 = arith.muli %while3A_153, %mul3A_263 : i32
      %add3A_265 = arith.constant 3 : i32
      %add3A_266 = arith.addi %mul3A_264, %add3A_265 : i32
      %dma_wait3A_267 = arith.constant 3 : i32
      %dma_wait3A_268 = arith.constant 0 : i32
      %dma_wait3A_269 = arith.constant 0 : i32
      %dma_wait3A_270 = tpu.memref_slice %arg8[%dma_wait3A_267, %dma_wait3A_268, %dma_wait3A_269] : memref<4x128x64xf32, #tpu.memory_space<vmem>> -> memref<1x128x64xf32, #tpu.memory_space<vmem>>
      %dma_wait3A_271 = tpu.memref_squeeze %dma_wait3A_270 : memref<1x128x64xf32, #tpu.memory_space<vmem>> -> memref<128x64xf32, #tpu.memory_space<vmem>>
      %dma_wait3A_272 = arith.constant 0 : i32
      %dma_wait3A_273 = tpu.memref_slice %arg6[%add3A_266, %dma_wait3A_272] : memref<152x128xi32, #tpu.memory_space<vmem>> -> memref<1x128xi32, #tpu.memory_space<vmem>>
      %dma_wait3A_274 = tpu.memref_squeeze %dma_wait3A_273 : memref<1x128xi32, #tpu.memory_space<vmem>> -> memref<128xi32, #tpu.memory_space<vmem>>
      %dma_wait3A_275 = arith.constant 0 : i32
      %dma_wait3A_276 = arith.constant 0 : i32
      %dma_wait3A_277 = tpu.memref_slice %arg2[%dma_wait3A_275, %dma_wait3A_276] : memref<10000x64xf32, #tpu.memory_space<hbm>> -> memref<10000x64xf32, #tpu.memory_space<hbm>>
      tpu.wait_indirect_dma semaphore(%arg13 : memref<!tpu.dma_semaphore, #tpu.memory_space<semaphore_mem>>) src(%dma_wait3A_277 : memref<10000x64xf32, #tpu.memory_space<hbm>>) dst(%dma_wait3A_271 : memref<128x64xf32, #tpu.memory_space<vmem>>)
      %dma_start3A_278 = arith.constant 3 : i32
      %dma_start3A_279 = arith.constant 0 : i32
      %dma_start3A_280 = arith.constant 0 : i32
      %dma_start3A_281 = tpu.memref_slice %arg8[%dma_start3A_278, %dma_start3A_279, %dma_start3A_280] : memref<4x128x64xf32, #tpu.memory_space<vmem>> -> memref<1x128x64xf32, #tpu.memory_space<vmem>>
      %dma_start3A_282 = tpu.memref_squeeze %dma_start3A_281 : memref<1x128x64xf32, #tpu.memory_space<vmem>> -> memref<128x64xf32, #tpu.memory_space<vmem>>
      %dma_start3A_283 = arith.constant 0 : i32
      %dma_start3A_284 = tpu.memref_slice %arg7[%add3A_266, %dma_start3A_283] : memref<152x128xi32, #tpu.memory_space<vmem>> -> memref<1x128xi32, #tpu.memory_space<vmem>>
      %dma_start3A_285 = tpu.memref_squeeze %dma_start3A_284 : memref<1x128xi32, #tpu.memory_space<vmem>> -> memref<128xi32, #tpu.memory_space<vmem>>
      %dma_start3A_286 = arith.constant 0 : i32
      %dma_start3A_287 = arith.constant 0 : i32
      %dma_start3A_288 = tpu.memref_slice %arg9[%dma_start3A_286, %dma_start3A_287] : memref<10112x64xf32, #tpu.memory_space<vmem_shared>> -> memref<10112x64xf32, #tpu.memory_space<vmem_shared>>
      tpu.enqueue_indirect_dma source(%dma_start3A_282 : memref<128x64xf32, #tpu.memory_space<vmem>>) target(%dma_start3A_288 : memref<10112x64xf32, #tpu.memory_space<vmem_shared>>) offsets(%dma_start3A_285 : memref<128xi32, #tpu.memory_space<vmem>>) semaphore(%arg17 : memref<!tpu.dma_semaphore, #tpu.memory_space<semaphore_mem>>) {add = true}
      %sub3A_289 = arith.constant 2 : i32
      %sub3A_290 = arith.subi %add3A_266, %sub3A_289 : i32
      %add3A_291 = arith.constant 4 : i32
      %add3A_292 = arith.addi %sub3A_290, %add3A_291 : i32
      %ge3A_293 = arith.constant 0 : i32
      %ge3A_294 = arith.cmpi sge, %sub3A_290, %ge3A_293 : i32
      %lt3A_295 = arith.cmpi slt, %add3A_292, %select_n3A : i32
      %and3A_296 = arith.andi %ge3A_294, %lt3A_295 : i1
      %convert_element_type3A_297 = arith.extui %and3A_296 : i1 to i32
      %cond3A_298 = arith.constant 0 : i32
      %cond3A_299 = arith.cmpi ne, %convert_element_type3A_297, %cond3A_298 : i32
      scf.if %cond3A_299 {
        %dma_wait3A_300 = arith.constant 1 : i32
        %dma_wait3A_301 = arith.constant 0 : i32
        %dma_wait3A_302 = arith.constant 0 : i32
        %dma_wait3A_303 = tpu.memref_slice %arg8[%dma_wait3A_300, %dma_wait3A_301, %dma_wait3A_302] : memref<4x128x64xf32, #tpu.memory_space<vmem>> -> memref<1x128x64xf32, #tpu.memory_space<vmem>>
        %dma_wait3A_304 = tpu.memref_squeeze %dma_wait3A_303 : memref<1x128x64xf32, #tpu.memory_space<vmem>> -> memref<128x64xf32, #tpu.memory_space<vmem>>
        %dma_wait3A_305 = arith.constant 0 : i32
        %dma_wait3A_306 = tpu.memref_slice %arg7[%sub3A_290, %dma_wait3A_305] : memref<152x128xi32, #tpu.memory_space<vmem>> -> memref<1x128xi32, #tpu.memory_space<vmem>>
        %dma_wait3A_307 = tpu.memref_squeeze %dma_wait3A_306 : memref<1x128xi32, #tpu.memory_space<vmem>> -> memref<128xi32, #tpu.memory_space<vmem>>
        %dma_wait3A_308 = arith.constant 0 : i32
        %dma_wait3A_309 = arith.constant 0 : i32
        %dma_wait3A_310 = tpu.memref_slice %arg9[%dma_wait3A_308, %dma_wait3A_309] : memref<10112x64xf32, #tpu.memory_space<vmem_shared>> -> memref<10112x64xf32, #tpu.memory_space<vmem_shared>>
        tpu.wait_indirect_dma semaphore(%arg15 : memref<!tpu.dma_semaphore, #tpu.memory_space<semaphore_mem>>) src(%dma_wait3A_304 : memref<128x64xf32, #tpu.memory_space<vmem>>) dst(%dma_wait3A_310 : memref<10112x64xf32, #tpu.memory_space<vmem_shared>>)
        %dma_start3A_311 = arith.constant 1 : i32
        %dma_start3A_312 = arith.constant 0 : i32
        %dma_start3A_313 = arith.constant 0 : i32
        %dma_start3A_314 = tpu.memref_slice %arg8[%dma_start3A_311, %dma_start3A_312, %dma_start3A_313] : memref<4x128x64xf32, #tpu.memory_space<vmem>> -> memref<1x128x64xf32, #tpu.memory_space<vmem>>
        %dma_start3A_315 = tpu.memref_squeeze %dma_start3A_314 : memref<1x128x64xf32, #tpu.memory_space<vmem>> -> memref<128x64xf32, #tpu.memory_space<vmem>>
        %dma_start3A_316 = arith.constant 0 : i32
        %dma_start3A_317 = tpu.memref_slice %arg6[%add3A_292, %dma_start3A_316] : memref<152x128xi32, #tpu.memory_space<vmem>> -> memref<1x128xi32, #tpu.memory_space<vmem>>
        %dma_start3A_318 = tpu.memref_squeeze %dma_start3A_317 : memref<1x128xi32, #tpu.memory_space<vmem>> -> memref<128xi32, #tpu.memory_space<vmem>>
        %dma_start3A_319 = arith.constant 0 : i32
        %dma_start3A_320 = arith.constant 0 : i32
        %dma_start3A_321 = tpu.memref_slice %arg2[%dma_start3A_319, %dma_start3A_320] : memref<10000x64xf32, #tpu.memory_space<hbm>> -> memref<10000x64xf32, #tpu.memory_space<hbm>>
        tpu.enqueue_indirect_dma source(%dma_start3A_321 : memref<10000x64xf32, #tpu.memory_space<hbm>>) target(%dma_start3A_315 : memref<128x64xf32, #tpu.memory_space<vmem>>) offsets(%dma_start3A_318 : memref<128xi32, #tpu.memory_space<vmem>>) semaphore(%arg11 : memref<!tpu.dma_semaphore, #tpu.memory_space<semaphore_mem>>)
      } else {
      }
    }
    %dma_wait3A = arith.constant 0 : i32
    %dma_wait3A_105 = arith.constant 0 : i32
    %dma_wait3A_106 = arith.constant 0 : i32
    %dma_wait3A_107 = arith.constant 0 : i32
    %dma_wait3A_108 = tpu.memref_slice %arg8[%dma_wait3A, %dma_wait3A_106, %dma_wait3A_107] : memref<4x128x64xf32, #tpu.memory_space<vmem>> -> memref<1x128x64xf32, #tpu.memory_space<vmem>>
    %dma_wait3A_109 = tpu.memref_squeeze %dma_wait3A_108 : memref<1x128x64xf32, #tpu.memory_space<vmem>> -> memref<128x64xf32, #tpu.memory_space<vmem>>
    %dma_wait3A_110 = arith.constant 0 : i32
    %dma_wait3A_111 = tpu.memref_slice %arg7[%dma_wait3A_105, %dma_wait3A_110] : memref<152x128xi32, #tpu.memory_space<vmem>> -> memref<1x128xi32, #tpu.memory_space<vmem>>
    %dma_wait3A_112 = tpu.memref_squeeze %dma_wait3A_111 : memref<1x128xi32, #tpu.memory_space<vmem>> -> memref<128xi32, #tpu.memory_space<vmem>>
    %dma_wait3A_113 = arith.constant 0 : i32
    %dma_wait3A_114 = arith.constant 0 : i32
    %dma_wait3A_115 = tpu.memref_slice %arg9[%dma_wait3A_113, %dma_wait3A_114] : memref<10112x64xf32, #tpu.memory_space<vmem_shared>> -> memref<10112x64xf32, #tpu.memory_space<vmem_shared>>
    tpu.wait_indirect_dma semaphore(%arg14 : memref<!tpu.dma_semaphore, #tpu.memory_space<semaphore_mem>>) src(%dma_wait3A_109 : memref<128x64xf32, #tpu.memory_space<vmem>>) dst(%dma_wait3A_115 : memref<10112x64xf32, #tpu.memory_space<vmem_shared>>)
    %dma_wait3A_116 = arith.constant 1 : i32
    %dma_wait3A_117 = arith.constant 0 : i32
    %dma_wait3A_118 = arith.constant 0 : i32
    %dma_wait3A_119 = arith.constant 0 : i32
    %dma_wait3A_120 = tpu.memref_slice %arg8[%dma_wait3A_116, %dma_wait3A_118, %dma_wait3A_119] : memref<4x128x64xf32, #tpu.memory_space<vmem>> -> memref<1x128x64xf32, #tpu.memory_space<vmem>>
    %dma_wait3A_121 = tpu.memref_squeeze %dma_wait3A_120 : memref<1x128x64xf32, #tpu.memory_space<vmem>> -> memref<128x64xf32, #tpu.memory_space<vmem>>
    %dma_wait3A_122 = arith.constant 0 : i32
    %dma_wait3A_123 = tpu.memref_slice %arg7[%dma_wait3A_117, %dma_wait3A_122] : memref<152x128xi32, #tpu.memory_space<vmem>> -> memref<1x128xi32, #tpu.memory_space<vmem>>
    %dma_wait3A_124 = tpu.memref_squeeze %dma_wait3A_123 : memref<1x128xi32, #tpu.memory_space<vmem>> -> memref<128xi32, #tpu.memory_space<vmem>>
    %dma_wait3A_125 = arith.constant 0 : i32
    %dma_wait3A_126 = arith.constant 0 : i32
    %dma_wait3A_127 = tpu.memref_slice %arg9[%dma_wait3A_125, %dma_wait3A_126] : memref<10112x64xf32, #tpu.memory_space<vmem_shared>> -> memref<10112x64xf32, #tpu.memory_space<vmem_shared>>
    tpu.wait_indirect_dma semaphore(%arg15 : memref<!tpu.dma_semaphore, #tpu.memory_space<semaphore_mem>>) src(%dma_wait3A_121 : memref<128x64xf32, #tpu.memory_space<vmem>>) dst(%dma_wait3A_127 : memref<10112x64xf32, #tpu.memory_space<vmem_shared>>)
    %dma_wait3A_128 = arith.constant 2 : i32
    %dma_wait3A_129 = arith.constant 0 : i32
    %dma_wait3A_130 = arith.constant 0 : i32
    %dma_wait3A_131 = arith.constant 0 : i32
    %dma_wait3A_132 = tpu.memref_slice %arg8[%dma_wait3A_128, %dma_wait3A_130, %dma_wait3A_131] : memref<4x128x64xf32, #tpu.memory_space<vmem>> -> memref<1x128x64xf32, #tpu.memory_space<vmem>>
    %dma_wait3A_133 = tpu.memref_squeeze %dma_wait3A_132 : memref<1x128x64xf32, #tpu.memory_space<vmem>> -> memref<128x64xf32, #tpu.memory_space<vmem>>
    %dma_wait3A_134 = arith.constant 0 : i32
    %dma_wait3A_135 = tpu.memref_slice %arg7[%dma_wait3A_129, %dma_wait3A_134] : memref<152x128xi32, #tpu.memory_space<vmem>> -> memref<1x128xi32, #tpu.memory_space<vmem>>
    %dma_wait3A_136 = tpu.memref_squeeze %dma_wait3A_135 : memref<1x128xi32, #tpu.memory_space<vmem>> -> memref<128xi32, #tpu.memory_space<vmem>>
    %dma_wait3A_137 = arith.constant 0 : i32
    %dma_wait3A_138 = arith.constant 0 : i32
    %dma_wait3A_139 = tpu.memref_slice %arg9[%dma_wait3A_137, %dma_wait3A_138] : memref<10112x64xf32, #tpu.memory_space<vmem_shared>> -> memref<10112x64xf32, #tpu.memory_space<vmem_shared>>
    tpu.wait_indirect_dma semaphore(%arg16 : memref<!tpu.dma_semaphore, #tpu.memory_space<semaphore_mem>>) src(%dma_wait3A_133 : memref<128x64xf32, #tpu.memory_space<vmem>>) dst(%dma_wait3A_139 : memref<10112x64xf32, #tpu.memory_space<vmem_shared>>)
    %dma_wait3A_140 = arith.constant 3 : i32
    %dma_wait3A_141 = arith.constant 0 : i32
    %dma_wait3A_142 = arith.constant 0 : i32
    %dma_wait3A_143 = arith.constant 0 : i32
    %dma_wait3A_144 = tpu.memref_slice %arg8[%dma_wait3A_140, %dma_wait3A_142, %dma_wait3A_143] : memref<4x128x64xf32, #tpu.memory_space<vmem>> -> memref<1x128x64xf32, #tpu.memory_space<vmem>>
    %dma_wait3A_145 = tpu.memref_squeeze %dma_wait3A_144 : memref<1x128x64xf32, #tpu.memory_space<vmem>> -> memref<128x64xf32, #tpu.memory_space<vmem>>
    %dma_wait3A_146 = arith.constant 0 : i32
    %dma_wait3A_147 = tpu.memref_slice %arg7[%dma_wait3A_141, %dma_wait3A_146] : memref<152x128xi32, #tpu.memory_space<vmem>> -> memref<1x128xi32, #tpu.memory_space<vmem>>
    %dma_wait3A_148 = tpu.memref_squeeze %dma_wait3A_147 : memref<1x128xi32, #tpu.memory_space<vmem>> -> memref<128xi32, #tpu.memory_space<vmem>>
    %dma_wait3A_149 = arith.constant 0 : i32
    %dma_wait3A_150 = arith.constant 0 : i32
    %dma_wait3A_151 = tpu.memref_slice %arg9[%dma_wait3A_149, %dma_wait3A_150] : memref<10112x64xf32, #tpu.memory_space<vmem_shared>> -> memref<10112x64xf32, #tpu.memory_space<vmem_shared>>
    tpu.wait_indirect_dma semaphore(%arg17 : memref<!tpu.dma_semaphore, #tpu.memory_space<semaphore_mem>>) src(%dma_wait3A_145 : memref<128x64xf32, #tpu.memory_space<vmem>>) dst(%dma_wait3A_151 : memref<10112x64xf32, #tpu.memory_space<vmem_shared>>)
    %barrier3A_152 = arith.constant 0 : index
    tpu.barrier barrier_id(%barrier3A_152)
    "tpu.region"() ({
      %run_scoped3A_153 = tpu.sem_alloc : memref<!tpu.dma_semaphore, #tpu.memory_space<semaphore_mem>>
      %dma_start3A_154 = arith.constant 0 : i32
      %dma_start3A_155 = tpu.memref_slice %arg5[%arg0, %mul3A_0, %dma_start3A_154] : memref<2x10112x64xf32, #tpu.memory_space<hbm>> -> memref<1x632x64xf32, #tpu.memory_space<hbm>>
      %dma_start3A_156 = tpu.memref_squeeze %dma_start3A_155 : memref<1x632x64xf32, #tpu.memory_space<hbm>> -> memref<632x64xf32, #tpu.memory_space<hbm>>
      %dma_start3A_157 = arith.constant 0 : i32
      %dma_start3A_158 = tpu.memref_slice %arg9[%mul3A_0, %dma_start3A_157] : memref<10112x64xf32, #tpu.memory_space<vmem_shared>> -> memref<632x64xf32, #tpu.memory_space<vmem_shared>>
      tpu.enqueue_dma source(%dma_start3A_158 : memref<632x64xf32, #tpu.memory_space<vmem_shared>>) target(%dma_start3A_156 : memref<632x64xf32, #tpu.memory_space<hbm>>) target_semaphore(%run_scoped3A_153 : memref<!tpu.dma_semaphore, #tpu.memory_space<semaphore_mem>>)
      %dma_wait3A_159 = arith.constant 0 : i32
      %dma_wait3A_160 = tpu.memref_slice %arg5[%arg0, %mul3A_0, %dma_wait3A_159] : memref<2x10112x64xf32, #tpu.memory_space<hbm>> -> memref<1x632x64xf32, #tpu.memory_space<hbm>>
      %dma_wait3A_161 = tpu.memref_squeeze %dma_wait3A_160 : memref<1x632x64xf32, #tpu.memory_space<hbm>> -> memref<632x64xf32, #tpu.memory_space<hbm>>
      %dma_wait3A_162 = arith.constant 0 : i32
      %dma_wait3A_163 = tpu.memref_slice %arg9[%mul3A_0, %dma_wait3A_162] : memref<10112x64xf32, #tpu.memory_space<vmem_shared>> -> memref<632x64xf32, #tpu.memory_space<vmem_shared>>
      tpu.wait_dma2 semaphore(%run_scoped3A_153 : memref<!tpu.dma_semaphore, #tpu.memory_space<semaphore_mem>>) src(%dma_wait3A_163 : memref<632x64xf32, #tpu.memory_space<vmem_shared>>) dst(%dma_wait3A_161 : memref<632x64xf32, #tpu.memory_space<hbm>>)
      tpu.yield
    }) : () -> ()
    return
  }
}

module attributes {stable_mosaic.version = 14 : i64} {
  func.func @body(%arg0: memref<10000x128xf32, #tpu.memory_space<vmem>>, %arg1: memref<128x64xf32, #tpu.memory_space<vmem>>, %arg2: memref<128x64xf32, #tpu.memory_space<vmem>>, %arg3: memref<1x64xf32, #tpu.memory_space<vmem>>, %arg4: memref<10000x64xf32, #tpu.memory_space<vmem>>, %arg5: memref<10000x64xf32, #tpu.memory_space<vmem>>) attributes {dimension_semantics = [], scalar_prefetch = 0 : i64, scratch_operands = 0 : i64, tpu.core_type = #tpu.core_type<tc>} {
    %get3A = arith.constant 0 : index
    %get3A_0 = arith.constant 0 : index
    %get3A_1 = vector.load %arg0[%get3A, %get3A_0] : memref<10000x128xf32, #tpu.memory_space<vmem>>, vector<10000x128xf32>
    %get3A_2 = arith.constant 0 : index
    %get3A_3 = arith.constant 0 : index
    %get3A_4 = vector.load %arg1[%get3A_2, %get3A_3] : memref<128x64xf32, #tpu.memory_space<vmem>>, vector<128x64xf32>
    %dot_general3A = arith.constant dense<0.000000e+00> : vector<10000x64xf32>
    %dot_general3A_5 = tpu.matmul %get3A_1, %get3A_4, %dot_general3A {dimension_numbers = #tpu.dot_dimension_numbers<[1], [0], [0], [1], [0, 0, 1, 1], [], []>, transpose_lhs_hint = false} : vector<10000x128xf32>, vector<128x64xf32>, vector<10000x64xf32> -> vector<10000x64xf32>
    %swap3A = arith.constant 0 : index
    %swap3A_6 = arith.constant 0 : index
    %swap3A_7 = vector.load %arg4[%swap3A, %swap3A_6] : memref<10000x64xf32, #tpu.memory_space<vmem>>, vector<10000x64xf32>
    tpu.vector_store %arg4[%swap3A, %swap3A_6], %dot_general3A_5 {strides = array<i32>} : memref<10000x64xf32, #tpu.memory_space<vmem>>, vector<10000x64xf32>,
    %get3A_8 = arith.constant 0 : index
    %get3A_9 = arith.constant 0 : index
    %get3A_10 = vector.load %arg2[%get3A_8, %get3A_9] : memref<128x64xf32, #tpu.memory_space<vmem>>, vector<128x64xf32>
    %dot_general3A_11 = arith.constant dense<0.000000e+00> : vector<10000x64xf32>
    %dot_general3A_12 = tpu.matmul %get3A_1, %get3A_10, %dot_general3A_11 {dimension_numbers = #tpu.dot_dimension_numbers<[1], [0], [0], [1], [0, 0, 1, 1], [], []>, transpose_lhs_hint = false} : vector<10000x128xf32>, vector<128x64xf32>, vector<10000x64xf32> -> vector<10000x64xf32>
    %get3A_13 = arith.constant 0 : index
    %get3A_14 = arith.constant 0 : index
    %get3A_15 = vector.load %arg3[%get3A_13, %get3A_14] : memref<1x64xf32, #tpu.memory_space<vmem>>, vector<1x64xf32>
    %add3A = vector.broadcast %get3A_15 : vector<1x64xf32> to vector<10000x64xf32>
    %add3A_16 = arith.addf %dot_general3A_12, %add3A : vector<10000x64xf32>
    %swap3A_17 = arith.constant 0 : index
    %swap3A_18 = arith.constant 0 : index
    %swap3A_19 = vector.load %arg5[%swap3A_17, %swap3A_18] : memref<10000x64xf32, #tpu.memory_space<vmem>>, vector<10000x64xf32>
    tpu.vector_store %arg5[%swap3A_17, %swap3A_18], %add3A_16 {strides = array<i32>} : memref<10000x64xf32, #tpu.memory_space<vmem>>, vector<10000x64xf32>,
    return
  }
}

module attributes {stable_mosaic.version = 14 : i64} {
  func.func @body(%arg0: memref<2x10112x64xf32, #tpu.memory_space<vmem>>, %arg1: memref<2x10112x16xf32, #tpu.memory_space<vmem>>, %arg2: memref<10000x64xf32, #tpu.memory_space<vmem>>, %arg3: memref<1x64xf32, #tpu.memory_space<vmem>>, %arg4: memref<1x64xf32, #tpu.memory_space<vmem>>, %arg5: memref<1x64xf32, #tpu.memory_space<vmem>>, %arg6: memref<1x64xf32, #tpu.memory_space<vmem>>, %arg7: memref<10000x64xf32, #tpu.memory_space<vmem>>) attributes {dimension_semantics = [], scalar_prefetch = 0 : i64, scratch_operands = 0 : i64, tpu.core_type = #tpu.core_type<tc>} {
    %get3A = arith.constant 0 : index
    %get3A_0 = arith.constant 0 : index
    %get3A_1 = arith.constant 0 : index
    %get3A_2 = vector.load %arg0[%get3A, %get3A_0, %get3A_1] : memref<2x10112x64xf32, #tpu.memory_space<vmem>>, vector<1x10000x64xf32>
    %get3A_3 = vector.shape_cast %get3A_2 : vector<1x10000x64xf32> to vector<10000x64xf32>
    %get3A_4 = arith.constant 1 : index
    %get3A_5 = arith.constant 0 : index
    %get3A_6 = arith.constant 0 : index
    %get3A_7 = vector.load %arg0[%get3A_4, %get3A_5, %get3A_6] : memref<2x10112x64xf32, #tpu.memory_space<vmem>>, vector<1x10000x64xf32>
    %get3A_8 = vector.shape_cast %get3A_7 : vector<1x10000x64xf32> to vector<10000x64xf32>
    %add3A = arith.addf %get3A_3, %get3A_8 : vector<10000x64xf32>
    %get3A_9 = arith.constant 0 : index
    %get3A_10 = arith.constant 0 : index
    %get3A_11 = arith.constant 0 : index
    %get3A_12 = vector.load %arg1[%get3A_9, %get3A_10, %get3A_11] : memref<2x10112x16xf32, #tpu.memory_space<vmem>>, vector<1x10000x1xf32>
    %get3A_13 = vector.shape_cast %get3A_12 : vector<1x10000x1xf32> to vector<10000x1xf32>
    %get3A_14 = arith.constant 1 : index
    %get3A_15 = arith.constant 0 : index
    %get3A_16 = arith.constant 0 : index
    %get3A_17 = vector.load %arg1[%get3A_14, %get3A_15, %get3A_16] : memref<2x10112x16xf32, #tpu.memory_space<vmem>>, vector<1x10000x1xf32>
    %get3A_18 = vector.shape_cast %get3A_17 : vector<1x10000x1xf32> to vector<10000x1xf32>
    %add3A_19 = arith.addf %get3A_13, %get3A_18 : vector<10000x1xf32>
    %max3A = arith.constant 1.000000e+00 : f32
    %max3A_20 = vector.broadcast %max3A : f32 to vector<10000x1xf32>
    %max3A_21 = arith.maximumf %add3A_19, %max3A_20 : vector<10000x1xf32>
    %div3A = arith.constant 1.000000e+00 : f32
    %div3A_22 = vector.broadcast %div3A : f32 to vector<10000x1xf32>
    %div3A_23 = arith.divf %div3A_22, %max3A_21 : vector<10000x1xf32>
    %mul3A = vector.broadcast %div3A_23 : vector<10000x1xf32> to vector<10000x64xf32>
    %mul3A_24 = arith.mulf %add3A, %mul3A : vector<10000x64xf32>
    %get3A_25 = arith.constant 0 : index
    %get3A_26 = arith.constant 0 : index
    %get3A_27 = vector.load %arg2[%get3A_25, %get3A_26] : memref<10000x64xf32, #tpu.memory_space<vmem>>, vector<10000x64xf32>
    %add3A_28 = arith.addf %mul3A_24, %get3A_27 : vector<10000x64xf32>
    %get3A_29 = arith.constant 0 : index
    %get3A_30 = arith.constant 0 : index
    %get3A_31 = vector.load %arg3[%get3A_29, %get3A_30] : memref<1x64xf32, #tpu.memory_space<vmem>>, vector<1x64xf32>
    %get3A_32 = arith.constant 0 : index
    %get3A_33 = arith.constant 0 : index
    %get3A_34 = vector.load %arg6[%get3A_32, %get3A_33] : memref<1x64xf32, #tpu.memory_space<vmem>>, vector<1x64xf32>
    %add3A_35 = arith.constant 9.99999974E-6 : f32
    %add3A_36 = vector.broadcast %add3A_35 : f32 to vector<1x64xf32>
    %add3A_37 = arith.addf %get3A_34, %add3A_36 : vector<1x64xf32>
    %rsqrt3A = math.rsqrt %add3A_37 : vector<1x64xf32>
    %mul3A_38 = arith.mulf %get3A_31, %rsqrt3A : vector<1x64xf32>
    %get3A_39 = arith.constant 0 : index
    %get3A_40 = arith.constant 0 : index
    %get3A_41 = vector.load %arg5[%get3A_39, %get3A_40] : memref<1x64xf32, #tpu.memory_space<vmem>>, vector<1x64xf32>
    %sub3A = vector.broadcast %get3A_41 : vector<1x64xf32> to vector<10000x64xf32>
    %sub3A_42 = arith.subf %add3A_28, %sub3A : vector<10000x64xf32>
    %mul3A_43 = vector.broadcast %mul3A_38 : vector<1x64xf32> to vector<10000x64xf32>
    %mul3A_44 = arith.mulf %sub3A_42, %mul3A_43 : vector<10000x64xf32>
    %get3A_45 = arith.constant 0 : index
    %get3A_46 = arith.constant 0 : index
    %get3A_47 = vector.load %arg4[%get3A_45, %get3A_46] : memref<1x64xf32, #tpu.memory_space<vmem>>, vector<1x64xf32>
    %add3A_48 = vector.broadcast %get3A_47 : vector<1x64xf32> to vector<10000x64xf32>
    %add3A_49 = arith.addf %mul3A_44, %add3A_48 : vector<10000x64xf32>
    %max3A_50 = arith.constant 0.000000e+00 : f32
    %max3A_51 = vector.broadcast %max3A_50 : f32 to vector<10000x64xf32>
    %max3A_52 = arith.maximumf %add3A_49, %max3A_51 : vector<10000x64xf32>
    %swap3A = arith.constant 0 : index
    %swap3A_53 = arith.constant 0 : index
    %swap3A_54 = vector.load %arg7[%swap3A, %swap3A_53] : memref<10000x64xf32, #tpu.memory_space<vmem>>, vector<10000x64xf32>
    tpu.vector_store %arg7[%swap3A, %swap3A_53], %max3A_52 {strides = array<i32>} : memref<10000x64xf32, #tpu.memory_space<vmem>>, vector<10000x64xf32>,
    return
  }
}

module attributes {stable_mosaic.version = 14 : i64} {
  func.func @body(%arg0: memref<10000x64xf32, #tpu.memory_space<vmem>>, %arg1: memref<64x64xf32, #tpu.memory_space<vmem>>, %arg2: memref<64x64xf32, #tpu.memory_space<vmem>>, %arg3: memref<1x64xf32, #tpu.memory_space<vmem>>, %arg4: memref<10000x64xf32, #tpu.memory_space<vmem>>, %arg5: memref<10000x64xf32, #tpu.memory_space<vmem>>) attributes {dimension_semantics = [], scalar_prefetch = 0 : i64, scratch_operands = 0 : i64, tpu.core_type = #tpu.core_type<tc>} {
    %get3A = arith.constant 0 : index
    %get3A_0 = arith.constant 0 : index
    %get3A_1 = vector.load %arg0[%get3A, %get3A_0] : memref<10000x64xf32, #tpu.memory_space<vmem>>, vector<10000x64xf32>
    %get3A_2 = arith.constant 0 : index
    %get3A_3 = arith.constant 0 : index
    %get3A_4 = vector.load %arg1[%get3A_2, %get3A_3] : memref<64x64xf32, #tpu.memory_space<vmem>>, vector<64x64xf32>
    %dot_general3A = arith.constant dense<0.000000e+00> : vector<10000x64xf32>
    %dot_general3A_5 = tpu.matmul %get3A_1, %get3A_4, %dot_general3A {dimension_numbers = #tpu.dot_dimension_numbers<[1], [0], [0], [1], [0, 0, 1, 1], [], []>, transpose_lhs_hint = false} : vector<10000x64xf32>, vector<64x64xf32>, vector<10000x64xf32> -> vector<10000x64xf32>
    %swap3A = arith.constant 0 : index
    %swap3A_6 = arith.constant 0 : index
    %swap3A_7 = vector.load %arg4[%swap3A, %swap3A_6] : memref<10000x64xf32, #tpu.memory_space<vmem>>, vector<10000x64xf32>
    tpu.vector_store %arg4[%swap3A, %swap3A_6], %dot_general3A_5 {strides = array<i32>} : memref<10000x64xf32, #tpu.memory_space<vmem>>, vector<10000x64xf32>,
    %get3A_8 = arith.constant 0 : index
    %get3A_9 = arith.constant 0 : index
    %get3A_10 = vector.load %arg2[%get3A_8, %get3A_9] : memref<64x64xf32, #tpu.memory_space<vmem>>, vector<64x64xf32>
    %dot_general3A_11 = arith.constant dense<0.000000e+00> : vector<10000x64xf32>
    %dot_general3A_12 = tpu.matmul %get3A_1, %get3A_10, %dot_general3A_11 {dimension_numbers = #tpu.dot_dimension_numbers<[1], [0], [0], [1], [0, 0, 1, 1], [], []>, transpose_lhs_hint = false} : vector<10000x64xf32>, vector<64x64xf32>, vector<10000x64xf32> -> vector<10000x64xf32>
    %get3A_13 = arith.constant 0 : index
    %get3A_14 = arith.constant 0 : index
    %get3A_15 = vector.load %arg3[%get3A_13, %get3A_14] : memref<1x64xf32, #tpu.memory_space<vmem>>, vector<1x64xf32>
    %add3A = vector.broadcast %get3A_15 : vector<1x64xf32> to vector<10000x64xf32>
    %add3A_16 = arith.addf %dot_general3A_12, %add3A : vector<10000x64xf32>
    %swap3A_17 = arith.constant 0 : index
    %swap3A_18 = arith.constant 0 : index
    %swap3A_19 = vector.load %arg5[%swap3A_17, %swap3A_18] : memref<10000x64xf32, #tpu.memory_space<vmem>>, vector<10000x64xf32>
    tpu.vector_store %arg5[%swap3A_17, %swap3A_18], %add3A_16 {strides = array<i32>} : memref<10000x64xf32, #tpu.memory_space<vmem>>, vector<10000x64xf32>,
    return
  }
}

module attributes {stable_mosaic.version = 14 : i64} {
  func.func @body(%arg0: memref<2x10112x64xf32, #tpu.memory_space<vmem>>, %arg1: memref<2x10112x16xf32, #tpu.memory_space<vmem>>, %arg2: memref<10000x64xf32, #tpu.memory_space<vmem>>, %arg3: memref<64x128xf32, #tpu.memory_space<vmem>>, %arg4: memref<64x128xf32, #tpu.memory_space<vmem>>, %arg5: memref<1x128xf32, #tpu.memory_space<vmem>>, %arg6: memref<10000x128xf32, #tpu.memory_space<vmem>>) attributes {dimension_semantics = [], scalar_prefetch = 0 : i64, scratch_operands = 0 : i64, tpu.core_type = #tpu.core_type<tc>} {
    %get3A = arith.constant 0 : index
    %get3A_0 = arith.constant 0 : index
    %get3A_1 = arith.constant 0 : index
    %get3A_2 = vector.load %arg0[%get3A, %get3A_0, %get3A_1] : memref<2x10112x64xf32, #tpu.memory_space<vmem>>, vector<1x10000x64xf32>
    %get3A_3 = vector.shape_cast %get3A_2 : vector<1x10000x64xf32> to vector<10000x64xf32>
    %get3A_4 = arith.constant 1 : index
    %get3A_5 = arith.constant 0 : index
    %get3A_6 = arith.constant 0 : index
    %get3A_7 = vector.load %arg0[%get3A_4, %get3A_5, %get3A_6] : memref<2x10112x64xf32, #tpu.memory_space<vmem>>, vector<1x10000x64xf32>
    %get3A_8 = vector.shape_cast %get3A_7 : vector<1x10000x64xf32> to vector<10000x64xf32>
    %add3A = arith.addf %get3A_3, %get3A_8 : vector<10000x64xf32>
    %get3A_9 = arith.constant 0 : index
    %get3A_10 = arith.constant 0 : index
    %get3A_11 = arith.constant 0 : index
    %get3A_12 = vector.load %arg1[%get3A_9, %get3A_10, %get3A_11] : memref<2x10112x16xf32, #tpu.memory_space<vmem>>, vector<1x10000x1xf32>
    %get3A_13 = vector.shape_cast %get3A_12 : vector<1x10000x1xf32> to vector<10000x1xf32>
    %get3A_14 = arith.constant 1 : index
    %get3A_15 = arith.constant 0 : index
    %get3A_16 = arith.constant 0 : index
    %get3A_17 = vector.load %arg1[%get3A_14, %get3A_15, %get3A_16] : memref<2x10112x16xf32, #tpu.memory_space<vmem>>, vector<1x10000x1xf32>
    %get3A_18 = vector.shape_cast %get3A_17 : vector<1x10000x1xf32> to vector<10000x1xf32>
    %add3A_19 = arith.addf %get3A_13, %get3A_18 : vector<10000x1xf32>
    %max3A = arith.constant 1.000000e+00 : f32
    %max3A_20 = vector.broadcast %max3A : f32 to vector<10000x1xf32>
    %max3A_21 = arith.maximumf %add3A_19, %max3A_20 : vector<10000x1xf32>
    %div3A = arith.constant 1.000000e+00 : f32
    %div3A_22 = vector.broadcast %div3A : f32 to vector<10000x1xf32>
    %div3A_23 = arith.divf %div3A_22, %max3A_21 : vector<10000x1xf32>
    %mul3A = vector.broadcast %div3A_23 : vector<10000x1xf32> to vector<10000x64xf32>
    %mul3A_24 = arith.mulf %add3A, %mul3A : vector<10000x64xf32>
    %get3A_25 = arith.constant 0 : index
    %get3A_26 = arith.constant 0 : index
    %get3A_27 = vector.load %arg3[%get3A_25, %get3A_26] : memref<64x128xf32, #tpu.memory_space<vmem>>, vector<64x128xf32>
    %dot_general3A = arith.constant dense<0.000000e+00> : vector<10000x128xf32>
    %dot_general3A_28 = tpu.matmul %mul3A_24, %get3A_27, %dot_general3A {dimension_numbers = #tpu.dot_dimension_numbers<[1], [0], [0], [1], [0, 0, 1, 1], [], []>, transpose_lhs_hint = false} : vector<10000x64xf32>, vector<64x128xf32>, vector<10000x128xf32> -> vector<10000x128xf32>
    %get3A_29 = arith.constant 0 : index
    %get3A_30 = arith.constant 0 : index
    %get3A_31 = vector.load %arg2[%get3A_29, %get3A_30] : memref<10000x64xf32, #tpu.memory_space<vmem>>, vector<10000x64xf32>
    %get3A_32 = arith.constant 0 : index
    %get3A_33 = arith.constant 0 : index
    %get3A_34 = vector.load %arg4[%get3A_32, %get3A_33] : memref<64x128xf32, #tpu.memory_space<vmem>>, vector<64x128xf32>
    %dot_general3A_35 = arith.constant dense<0.000000e+00> : vector<10000x128xf32>
    %dot_general3A_36 = tpu.matmul %get3A_31, %get3A_34, %dot_general3A_35 {dimension_numbers = #tpu.dot_dimension_numbers<[1], [0], [0], [1], [0, 0, 1, 1], [], []>, transpose_lhs_hint = false} : vector<10000x64xf32>, vector<64x128xf32>, vector<10000x128xf32> -> vector<10000x128xf32>
    %add3A_37 = arith.addf %dot_general3A_28, %dot_general3A_36 : vector<10000x128xf32>
    %get3A_38 = arith.constant 0 : index
    %get3A_39 = arith.constant 0 : index
    %get3A_40 = vector.load %arg5[%get3A_38, %get3A_39] : memref<1x128xf32, #tpu.memory_space<vmem>>, vector<1x128xf32>
    %add3A_41 = vector.broadcast %get3A_40 : vector<1x128xf32> to vector<10000x128xf32>
    %add3A_42 = arith.addf %add3A_37, %add3A_41 : vector<10000x128xf32>
    %swap3A = arith.constant 0 : index
    %swap3A_43 = arith.constant 0 : index
    %swap3A_44 = vector.load %arg6[%swap3A, %swap3A_43] : memref<10000x128xf32, #tpu.memory_space<vmem>>, vector<10000x128xf32>
    tpu.vector_store %arg6[%swap3A, %swap3A_43], %add3A_42 {strides = array<i32>} : memref<10000x128xf32, #tpu.memory_space<vmem>>, vector<10000x128xf32>,
    return
  }
}

</mosaic_0001>

<sc_bundles>
// kernel: kernel.10.cloned.1.call-start
scs
__scs_entry_jumppad:
0x0: {  	(pc) =	sbr.rel $0x88, $3  }
0x1: {  	(tag) =	ssettag $0x0;
	lr =	simm.s32 $0x1  }
0x2: {  	[smem:$0x3F8E] =	sst lr;
	_ =	strace $0xD0000000  }
0x3: {  	_ = 	snop  }
0x4: {  	_ = 	snop  }
0x5: {  	_ = 	snop  }
0x6: {  	_ = 	snop  }
0x7: {  	_ = 	snop  }
__scs_overlays_trampoline_lowered:
0x8: {  	[smem:$0x3F9D] =	sst s0  }
0x9: {  	[smem:$0x3F9E] =	sst s1  }
0xa: {  	[smem:$0x3F9F] =	sst s2  }
0xb: {  	[smem:$0x3FA0] =	sst s3  }
0xc: {  	[smem:$0x3FA1] =	sst s4  }
0xd: {  	[smem:$0x3FA2] =	sst s5  }
0xe: {  	[smem:$0x3FA3] =	sst s6  }
0xf: {  	[smem:$0x3FA4] =	sst s7  }
0x10: {  	[smem:$0x3FA5] =	sst s8  }
0x11: {  	[smem:$0x3FA6] =	sst s9;
	s0 =	simm.s32 @!p0 $0x0  }
0x12: {  	s1 =	sld [smem:$0x3F8C];
	s0 =	simm.s32 @p0 $0x1  }
0x13: {  	[smem:$0x3FA7] =	sst s0;
	s0 =	simm.s32 @!p1 $0x0  }
0x14: {  	s2 =	sld [smem:$0x3F8B];
	s0 =	simm.s32 @p1 $0x1  }
0x15: {  	[smem:$0x3FA8] =	sst s0;
	s0 =	simm.s32 @!p2 $0x0  }
0x16: {  	s3 =	sld [smem:$0x3FDB];
	s0 =	simm.s32 @p2 $0x1  }
0x17: {  	s4 =	simm.s32 $0x1BF5;
	[smem:$0x3FAA] =	sst s0  }
0x18: {  	s0 =	sld [smem:$0x3F8D];
	_ =	swait.ge [sflag:s4], $0x0  }
0x19: {  	s7 =	sld [smem:$0x3F8E]  }
0x1a: {  	s8 =	sadd.s32 $0xFFFFE003, lr  }
0x1b: {  	s9 =	sadd.s32 $0xFFFFFEF7, lr;
	s5 =	simm.s32 $0xFFFFFFFF;
	p2 =	slt.u32 s8, $0xFFFFF086  }
0x1c: {  	p1 =	slt.u32 s9, $0xF7A;
	s5 =	simm.s32 @!p2 $0x0  }
0x1d: {  	s5 =	simm.s32 @p1 $0x1;
	p0 =	seq.s32 s7, s2  }
0x1e: {  	s7 =	smul.u32 @!p0 $0xF7A, s2;
	p2 =	seq.s32 @!p0 s5, $0x0  }
0x1f: {  	s9 =	smul.u32 $0xF7A, s1;
	s8 =	simm.s32 @!p0 $0x1BF5;
	p2 =	por !p2, p0  }
0x20: {  	[sflag:s8] =	ssyncset.s32 @!p0 $0xFFFFF086;
	s6 =	sadd.s32 @!p0 s3, s7;
	s7 =	simm.s32 @!p0 $0x108  }
0x21: {  	s3 =	sadd.s32 s3, s9;
	s6 =	sadd.s32 @!p0 $0x88, s6;
	s7 =	simm.s32 @p2 $0x1082  }
0x22: {  	[simem:s7], [sflag:s8] =	dma.local @!p0 [hbm:s6], $0xF7A  }
0x23: {  	s9 =	sor.u32 $0xD0000000, s2;
	s6 =	simm.s32 $0x108;
	_ =	swait.ge @!p0 [sflag:s8], $0x0  }
0x24: {  	s3 =	sadd.s32 $0x88, s3;
	s6 =	simm.s32 @!p1 $0x1082;
	[sflag:s4] =	ssyncset.s32 $0xFFFFF086  }
0x25: {  	[simem:s6], [sflag:s4] =	dma.local [hbm:s3], $0xF7A  }
0x26: {  	[smem:$0x3F8E] =	sst s1;
	(tag) =	ssettag s2;
	_ =	strace s9  }
0x27: {  	s1 =	sld [smem:$0x3F9E]  }
0x28: {  	s2 =	sld [smem:$0x3F9F]  }
0x29: {  	s4 =	sld [smem:$0x3FA1]  }
0x2a: {  	p0 =	seq.s32 s5, $0x0;
	s5 =	sld [smem:$0x3FA2]  }
0x2b: {  	s6 =	sld [smem:$0x3FA3]  }
0x2c: {  	s7 =	sld [smem:$0x3FA4]  }
0x2d: {  	s3 =	simm.s32 $0x108;
	s8 =	sld [smem:$0x3FA5]  }
0x2e: {  	s3 =	simm.s32 @!p0 $0x1082;
	s9 =	sld [smem:$0x3FA6]  }
0x2f: {  	lr =	sadd.s32 s0, s3;
	s0 =	sld [smem:$0x3F9D]  }
0x30: {  	s3 =	sld [smem:$0x3FA0]  }
0x31: {  	[smem:$0x3FA9] =	sst s10  }
0x32: {  	s10 =	sld [smem:$0x3FA7];
	_ =	sdelay $0x3  }
0x33: {  	p0 =	seq.s32 s10, $0x1;
	s10 =	sld [smem:$0x3FA9];
	_ =	sdelay $0x3  }
0x34: {  	[smem:$0x3FA9] =	sst s10  }
0x35: {  	s10 =	sld [smem:$0x3FA8];
	_ =	sdelay $0x3  }
0x36: {  	p1 =	seq.s32 s10, $0x1;
	s10 =	sld [smem:$0x3FA9];
	_ =	sdelay $0x3  }
0x37: {  	[smem:$0x3FA9] =	sst s10  }
0x38: {  	s10 =	sld [smem:$0x3FAA]  }
0x39: {  	_ = 	snop;
	(pc) =	sbr.ind lr, $3  }
0x3a: {  	_ = 	snop  }
0x3b: {  	_ = 	snop  }
0x3c: {  	p2 =	seq.s32 s10, $0x1;
	s10 =	sld [smem:$0x3FA9]  }
0x3d: {  	_ =	shalt  }
0x3e: {  	_ =	shalt  }
0x3f: {  	_ =	shalt  }
0x40: {  	_ =	shalt  }
0x41: {  	_ =	shalt  }
0x42: {  	_ =	shalt  }
0x43: {  	_ =	shalt  }
0x44: {  	_ =	shalt  }
0x45: {  	_ =	shalt  }
0x46: {  	_ =	shalt  }
0x47: {  	_ =	shalt  }
0x48: {  	_ =	shalt  }
0x49: {  	_ =	shalt  }
0x4a: {  	_ =	shalt  }
0x4b: {  	_ =	shalt  }
0x4c: {  	_ =	shalt  }
0x4d: {  	_ =	shalt  }
0x4e: {  	_ =	shalt  }
0x4f: {  	_ =	shalt  }
0x50: {  	_ =	shalt  }
0x51: {  	_ =	shalt  }
0x52: {  	_ =	shalt  }
0x53: {  	_ =	shalt  }
0x54: {  	_ =	shalt  }
0x55: {  	_ =	shalt  }
0x56: {  	_ =	shalt  }
0x57: {  	_ =	shalt  }
0x58: {  	_ =	shalt  }
0x59: {  	_ =	shalt  }
0x5a: {  	_ =	shalt  }
0x5b: {  	_ =	shalt  }
0x5c: {  	_ =	shalt  }
0x5d: {  	_ =	shalt  }
0x5e: {  	_ =	shalt  }
0x5f: {  	_ =	shalt  }
0x60: {  	_ =	shalt  }
0x61: {  	_ =	shalt  }
0x62: {  	_ =	shalt  }
0x63: {  	_ =	shalt  }
0x64: {  	_ =	shalt  }
0x65: {  	_ =	shalt  }
0x66: {  	_ =	shalt  }
0x67: {  	_ =	shalt  }
0x68: {  	_ =	shalt  }
0x69: {  	_ =	shalt  }
0x6a: {  	_ =	shalt  }
0x6b: {  	_ =	shalt  }
0x6c: {  	_ =	shalt  }
0x6d: {  	_ =	shalt  }
0x6e: {  	_ =	shalt  }
0x6f: {  	_ =	shalt  }
0x70: {  	_ =	shalt  }
0x71: {  	_ =	shalt  }
0x72: {  	_ =	shalt  }
0x73: {  	_ =	shalt  }
0x74: {  	_ =	shalt  }
0x75: {  	_ =	shalt  }
0x76: {  	_ =	shalt  }
0x77: {  	_ =	shalt  }
0x78: {  	_ =	shalt  }
0x79: {  	_ =	shalt  }
0x7a: {  	_ =	shalt  }
0x7b: {  	_ =	shalt  }
0x7c: {  	_ =	shalt  }
0x7d: {  	_ =	shalt  }
0x7e: {  	_ =	shalt  }
0x7f: {  	_ =	shalt  }
0x80: {  	_ =	shalt  }
0x81: {  	_ =	shalt  }
0x82: {  	_ =	shalt  }
0x83: {  	_ =	shalt  }
0x84: {  	_ =	shalt  }
0x85: {  	_ =	shalt  }
0x86: {  	_ =	shalt  }
0x87: {  	_ =	shalt  }
.Lfunc_end0:
.L_simem_size_0:
called_computation_lowered:
.L_overlay_start_0:
0x88: {  	s2 =	sld [smem:$0x3FD9]  }
0x89: {  	s3 =	sld [smem:$0x3FFE];
	_ =	sdelay $0x1  }
0x8a: {  	s1 =	srdreg.scid  }
0x8b: {  	s0 =	sand.u32 $0x1, s1  }
0x8c: {  	s17 =	sshll.u32 s0, $0xA;
	s2 =	sadd.s32 s3, s2  }
0x8d: {  	s2 =	sadd.s32 s2, s17  }
0x8e: {  	[smem:$0x3FB5] =	sst s2  }
0x8f: {  	_ = 	snop  }
0x90: {  	s2 =	sld [smem:$0x3FD0];
	(tm) =	ssettm $0x1  }
0x91: {  	s18 =	sld [smem:$0x3FFB];
	_ =	sdelay $0x3  }
0x92: {  	_ =	strace s18  }
0x93: {  	s3 =	sld [smem:$0x3FFC];
	_ =	sdelay $0x3  }
0x94: {  	_ =	strace s3  }
0x95: {  	s3 =	sld [smem:$0x3FFD];
	_ =	sdelay $0x3  }
0x96: {  	_ =	strace s3  }
0x97: {  	_ =	strace $0x8FFFFFFF  }
0x98: {  	s19 =	sld [smem:$0x3FDB];
	_ =	sdelay $0x1  }
0x99: {  	s4 =	simm.s32 $_scs_section_size  }
0x9a: {  	s5 =	simm.s32 $_size__tile_overlayer_lowered;
	s6 =	simm.s32 $_tile_overlayer_lowered  }
0x9b: {  	s22 =	simm.s32 $0x1BFF;
	s21 =	sshll.u32 s6, $0x1;
	s3 =	sadd.s32 s4, s19  }
0x9c: {  	s7 =	simm.s32 $0x0;
	s20 =	sshll.u32 s5, $0x1;
	s5 =	sadd.s32 s21, s3  }
0x9d: {  	[timem:s7], [sflag:s22] =	dma.local [hbm:s5], s20  }
0x9e: {  	_ =	swait.ge [sflag:s22], s20  }
0x9f: {  	s4 =	ssub.s32 $0x0, s20;
	[sflag:s22] =	ssyncset.done $0x0  }
0xa0: {  	[sflag:s22] =	ssyncadd.s32 s4;
	_ =	sdelay $0x1  }
0xa1: {  	s23 =	simm.s32 $0x1B8B  }
0xa2: {  	_ =	swait.ge [sflag:s23], $0x1  }
0xa3: {  	[sflag:s23] =	ssyncset.done $0x0  }
0xa4: {  	s25 =	simm.s32 $0x1B8E;
	s24 =	sld [smem:$0x3FFE];
	[sflag:s23] =	ssyncadd.s32 $0xFFFFFFFF  }
0xa5: {  	s26 =	simm.s32 $execute0_lowered;
	[smem:$0x3FD2] =	sst s25  }
0xa6: {  	s5 =	sshll.u32 s26, $0x1;
	_ =	strace $0x80000046;
	[dreg:$0x1] =	wrdreg $0xFFFFFFFF  }
0xa7: {  	s28 =	simm.s32 $_size_execute0_lowered;
	s3 =	sadd.s32 s3, s5;
	[dreg:$0x0] =	wrdreg $0x0  }
0xa8: {  	s5 =	sshll.u32 s28, $0x1;
	[dreg:$0x2] =	wrdreg s3  }
0xa9: {  	[dreg:$0x3] =	wrdreg s5  }
0xaa: {  	[dreg:$0x4] =	wrdreg $0xC0  }
0xab: {  	_ =	task [dreg:s7], $0x5FFFF  }
0xac: {  	[dreg:$0x1] =	wrdreg $0xFFFFFFFF  }
0xad: {  	[dreg:$0x0] =	wrdreg $0x60  }
0xae: {  	[dreg:$0x2] =	wrdreg s2  }
0xaf: {  	[dreg:$0x3] =	wrdreg s24  }
0xb0: {  	[dreg:$0x4] =	wrdreg $0x118000  }
0xb1: {  	[dreg:$0x5] =	wrdreg $0x1C6000  }
0xb2: {  	[dreg:$0x6] =	wrdreg $0x9  }
0xb3: {  	_ =	task.clear_ibuf [dreg:s7], $0x7FFFF;
	_ =	strace $0x90000046  }
0xb4: {  	s29 =	simm.s32 $0x9;
	_ =	strace $0x80000048  }
0xb5: {  	_ =	swait.ge [sflag:s29], $0x1  }
0xb6: {  	[sflag:s29] =	ssyncadd.s32 $0xFFFFFFFF  }
0xb7: {  	_ =	strace $0x90000048  }
0xb8: {  	_ =	sfence  }
0xb9: {  	s30 =	sld [smem:$0x0];
	_ =	sdelay $0x2  }
0xba: {  	s31 =	sshll.u32 s1, $0xD;
	s1 =	sshrl.u32 s1, $0x2  }
0xbb: {  	s3 =	sand.u32 $0x4000, s31;
	s1 =	sadd.s32 s1, s30  }
0xbc: {  	s0 =	sor.u32 s3, s0;
	s1 =	sshll.u32 s1, $0x11  }
0xbd: {  	s0 =	sor.u32 s1, s0  }
0xbe: {  	s0 =	sadd.s32 $0x8F2B, s0  }
0xbf: {  	[sflag:s0] =	ssyncadd.remote.s32 $0x1  }
0xc0: {  	_ =	sfence.sel $0xFFFF  }
0xc1: {  	[dreg:$0x0] =	wrdreg $0xFFFFFFFF;
	(pc) =	sbr.abs _section_cstart, $3  }
0xc2: {  	[dreg:$0x1] =	wrdreg $0xFFFFFFFF  }
0xc3: {  	_ =	task.clear_ibuf [dreg:s7], $0x2FFFF;
	_ =	strace $0x9FFFFFFF  }
0xc4: {  	(tm) =	ssettm $0x7FFFFFFF  }
0xc5: {  	_ =	shalt  }
tec
execute0_lowered:
.L_overlay_start_1:
0x0: {  	(tag) =	ssettag $0x1  }
0x1: {  	s1 =	rddreg [dreg:$0x0]  }
0x2: {  	s0 =	rddreg [dreg:$0x1];
	s2 =	srdreg.scid  }
0x3: {  	s18 =	stileid.u32;
	s3 =	rddreg [dreg:$0x2]  }
0x4: {  	s4 =	rddreg [dreg:$0x3];
	s7 =	simm.s32 $0x0;
	s5 =	smul.u32 $0x9E00, s18  }
0x5: {  	s28 =	simm.s32 $0x1BE00;
	s29 =	simm.s32 $0x1B600;
	s9 =	smul.u32 $0x2780, s18  }
0x6: {  	s30 =	simm.s32 $0x80;
	s31 =	simm.s32 $0xB800;
	s12 =	smul.u32 $0x278, s18  }
0x7: {  	s2 =	sand.u32 $0x1, s2;
	[smem:$0x7FF] =	sst s7;
	s24 =	smul.u32 $0x980, s18  }
0x8: {  	s10 =	sadd.s32 $0xCE00, s0;
	s11 =	sadd.s32 $0x2E00, s0;
	s6 =	smul.u32 $0x9E000, s2  }
0x9: {  	s8 =	sadd.s32 $0x16E00, s0;
	s17 =	smul.u32 $0x27800, s2;
	_ =	strace $0x80000047  }
0xa: {  	[dreg:$0x6] =	wrdreg s8;
	s19 =	ssub.s32 $0x2, s2;
	p0 =	seq.s32 s2, $0x0  }
0xb: {  	s13 =	sshrl.u32 s19, $0x1;
	s14 =	sadd.s32 $0x80, s12;
	s8 =	sadd.s32 s5, s3  }
0xc: {  	s15 =	sadd.s32 $0x100, s12;
	s16 =	sadd.s32 $0x180, s12;
	s12 =	sadd.s32 $0x200, s12  }
0xd: {  	s26 =	sadd.s32 s10, s24;
	s6 =	sadd.s32 s5, s6;
	s7 =	sadd.s32 s9, s17  }
0xe: {  	s13 =	ssub.s32 s19, s13;
	s20 =	sshll.u32 s14, $0x6;
	s21 =	sshll.u32 s15, $0x6  }
0xf: {  	s22 =	sshll.u32 s16, $0x6;
	s17 =	sshll.u32 s18, $0x7;
	[dreg:$0xc] =	wrdreg s26  }
0x10: {  	s18 =	sshll.u32 s14, $0x4;
	s14 =	simm.s32 $0x8;
	s6 =	sshrl.u32 s6, $0x3  }
0x11: {  	s7 =	sshrl.u32 s7, $0x3;
	s5 =	sadd.s32 s20, s3;
	s23 =	sor.u32 $0x9800, s17  }
0x12: {  	s17 =	sshll.u32 s12, $0x6;
	s19 =	sadd.s32 s18, s4;
	s20 =	sshll.u32 s15, $0x4  }
0x13: {  	s26 =	smax.u32 s13, $0x1;
	s13 =	simm.s32 $0x7;
	s15 =	simm.s32 $0x9  }
0x14: {  	s6 =	sadd.s32 s6, s0;
	s0 =	sadd.s32 s7, s0;
	[dreg:$0x7] =	wrdreg s5  }
0x15: {  	s7 =	simm.s32 $0x98;
	s5 =	sadd.s32 s21, s3;
	[dreg:$0xf] =	wrdreg s19  }
0x16: {  	s25 =	sadd.s32 s10, s23;
	s10 =	sadd.s32 s11, s24;
	[dreg:$0x15] =	wrdreg s26  }
0x17: {  	s21 =	sshll.u32 s16, $0x4;
	s26 =	simm.s32 $0xA;
	[dreg:$0x8] =	wrdreg s5  }
0x18: {  	s16 =	simm.s32 $0x0;
	s7 =	simm.s32 @!p0 $0x8;
	[dreg:$0xa] =	wrdreg s25  }
0x19: {  	s5 =	sadd.s32 s22, s3;
	[dreg:$0xd] =	wrdreg s10;
	s22 =	sshll.u32 s12, $0x4  }
0x1a: {  	s25 =	sadd.s32 $0x17000, s6;
	s0 =	sadd.s32 $0x3E800, s0;
	[dreg:$0x9] =	wrdreg s5  }
0x1b: {  	p0 =	sne.s32 s2, $0x0;
	s2 =	simm.s32 $0xF800;
	[dreg:$0x13] =	wrdreg s25  }
0x1c: {  	s6 =	simm.s32 $0x2;
	s5 =	sadd.s32 s11, s23;
	[dreg:$0x14] =	wrdreg s0  }
0x1d: {  	s10 =	simm.s32 $0x4;
	s11 =	sshll.u32 s7, $0x9;
	[dreg:$0xb] =	wrdreg s5  }
0x1e: {  	s12 =	simm.s32 $0x6;
	s23 =	sadd.s32 s21, s4;
	[dreg:$0x5] =	wrdreg s11  }
0x1f: {  	s24 =	sadd.s32 s22, s4;
	s25 =	simm.s32 $0x9800;
	[dreg:$0x11] =	wrdreg s23  }
0x20: {  	s0 =	simm.s32 $0x1;
	s5 =	sadd.s32 s17, s3;
	[dreg:$0x12] =	wrdreg s24  }
0x21: {  	s17 =	sadd.s32 s9, s4;
	[dreg:$0xe] =	wrdreg s5;
	s5 =	sadd.s32 s20, s4  }
0x22: {  	v0 =	vimm.f32 $0.0e+00;
	s9 =	simm.s32 $0x3;
	[dreg:$0x10] =	wrdreg s5;
	s5 =	simm.s32 $0xD800  }
.LBB2_1:
0x23: {  	s19 =	simm.s32 $0x100;
	s18 =	simm.s32 $0x0  }
.LBB2_2:
0x24: {  	p1 =	sne.s32 s19, $0x7F00;
	[tilespmem:s18+$0x9830] =	vst v0;
	s20 =	smov.u32 s19;
	s19 =	sadd.s32 $0x100, s19  }
.Ltmp0:
0x25: {  	[tilespmem:s18+$0x9820] =	vst v0;
	(pc) =	sbr.rel @p1 .LBB2_2-.Ltmp0, $3  }
0x26: {  	[tilespmem:s18+$0x9800] =	vst v0  }
0x27: {  	[tilespmem:s18+$0x9810] =	vst v0;
	_ =	sdelay $0x1  }
0x28: {  	s18 =	sshra.s32 s20, $0x2  }
0x29: {  	[tilespmem:s18+$0x9830] =	vst v0  }
0x2a: {  	[tilespmem:s18+$0x9820] =	vst v0  }
0x2b: {  	[tilespmem:s18+$0x9800] =	vst v0  }
0x2c: {  	[tilespmem:s18+$0x9810] =	vst v0  }
0x2d: {  	[spmem:s8] =	stream.linear.scatter [tilespmem:s25], [sflag:$0xA], $0x2000, $0x38;
	[tilespmem:$0x1ED80] =	vst v63  }
0x2e: {  	_ =	swait.ge [sflag:s26], $0x2000  }
0x2f: {  	[sflag:s26] =	ssyncset.done $0x0  }
0x30: {  	s11 =	rddreg [dreg:$0x7];
	[sflag:s26] =	ssyncadd.s32 $0xFFFFE000  }
0x31: {  	[spmem:s11] =	stream.linear.scatter [tilespmem:s25], [sflag:$0xA], $0x2000, $0x38;
	[tilespmem:$0x1ED80] =	vst v63  }
0x32: {  	_ =	swait.ge [sflag:s26], $0x2000  }
0x33: {  	[sflag:s26] =	ssyncset.done $0x0  }
0x34: {  	s22 =	rddreg [dreg:$0x8];
	[sflag:s26] =	ssyncadd.s32 $0xFFFFE000  }
0x35: {  	[spmem:s22] =	stream.linear.scatter [tilespmem:s25], [sflag:$0xA], $0x2000, $0x38;
	[tilespmem:$0x1ED80] =	vst v63  }
0x36: {  	_ =	swait.ge [sflag:s26], $0x2000  }
0x37: {  	[sflag:s26] =	ssyncset.done $0x0  }
0x38: {  	s23 =	rddreg [dreg:$0x9];
	[sflag:s26] =	ssyncadd.s32 $0xFFFFE000  }
0x39: {  	[spmem:s23] =	stream.linear.scatter [tilespmem:s25], [sflag:$0xA], $0x2000, $0x38;
	[tilespmem:$0x1ED80] =	vst v63  }
0x3a: {  	_ =	swait.ge [sflag:s26], $0x2000  }
0x3b: {  	[sflag:s26] =	ssyncset.done $0x0  }
0x3c: {  	s24 =	rddreg [dreg:$0xe];
	[sflag:s26] =	ssyncadd.s32 $0xFFFFE000  }
0x3d: {  	[spmem:s24] =	stream.linear.scatter [tilespmem:s25], [sflag:$0xA], $0x1E00, $0x38;
	[tilespmem:$0x1ED80] =	vst v63  }
0x3e: {  	_ =	swait.ge [sflag:s26], $0x1E00  }
0x3f: {  	[sflag:s26] =	ssyncset.done $0x0  }
0x40: {  	s18 =	simm.s32 $0x40;
	s19 =	simm.s32 $0x0;
	[sflag:s26] =	ssyncadd.s32 $0xFFFFE200  }
.LBB2_4:
0x41: {  	p1 =	sne.s32 s18, $0x1FC0;
	[tilespmem:s19+$0x1BE00] =	vst v0;
	s19 =	smov.u32 s18;
	s18 =	sadd.s32 $0x40, s18  }
.Ltmp1:
0x42: {  	(pc) =	sbr.rel @p1 .LBB2_4-.Ltmp1, $2  }
0x43: {  	_ =	sdelay $0x2  }
0x44: {  	s19 =	sshra.s32 s19, $0x2  }
0x45: {  	[tilespmem:s19+$0x1BE00] =	vst v0  }
0x46: {  	[spmem:s17] =	stream.linear.scatter [tilespmem:s28], [sflag:$0xA], $0x800, $0x38;
	[tilespmem:$0x1ED80] =	vst v63  }
0x47: {  	_ =	swait.ge [sflag:s26], $0x800  }
0x48: {  	[sflag:s26] =	ssyncset.done $0x0  }
0x49: {  	s11 =	rddreg [dreg:$0xf];
	[sflag:s26] =	ssyncadd.s32 $0xFFFFF800  }
0x4a: {  	[spmem:s11] =	stream.linear.scatter [tilespmem:s28], [sflag:$0xA], $0x800, $0x38;
	[tilespmem:$0x1ED80] =	vst v63  }
0x4b: {  	_ =	swait.ge [sflag:s26], $0x800  }
0x4c: {  	[sflag:s26] =	ssyncset.done $0x0  }
0x4d: {  	s19 =	rddreg [dreg:$0x10];
	[sflag:s26] =	ssyncadd.s32 $0xFFFFF800  }
0x4e: {  	[spmem:s19] =	stream.linear.scatter [tilespmem:s28], [sflag:$0xA], $0x800, $0x38;
	[tilespmem:$0x1ED80] =	vst v63  }
0x4f: {  	_ =	swait.ge [sflag:s26], $0x800  }
0x50: {  	[sflag:s26] =	ssyncset.done $0x0  }
0x51: {  	s20 =	rddreg [dreg:$0x11];
	[sflag:s26] =	ssyncadd.s32 $0xFFFFF800  }
0x52: {  	[spmem:s20] =	stream.linear.scatter [tilespmem:s28], [sflag:$0xA], $0x800, $0x38;
	[tilespmem:$0x1ED80] =	vst v63  }
0x53: {  	_ =	swait.ge [sflag:s26], $0x800  }
0x54: {  	[sflag:s26] =	ssyncset.done $0x0  }
0x55: {  	s21 =	rddreg [dreg:$0x12];
	[sflag:s26] =	ssyncadd.s32 $0xFFFFF800  }
0x56: {  	[spmem:s21] =	stream.linear.scatter [tilespmem:s28], [sflag:$0xA], $0x780, $0x38;
	[tilespmem:$0x1ED80] =	vst v63  }
0x57: {  	_ =	swait.ge [sflag:s26], $0x780  }
0x58: {  	[sflag:s26] =	ssyncset.done $0x0  }
0x59: {  	s22 =	simm.s32 $0x0;
	s18 =	rddreg [dreg:$0x6];
	[sflag:s26] =	ssyncadd.s32 $0xFFFFF880  }
0x5a: {  	[tilespmem:s29], [sflag:$0xA] =	stream.linear.gather [hbm4b:s18+s22], $0x800, $0x38;
	[tilespmem:$0x1ED80] =	vst v63  }
0x5b: {  	_ =	swait.ge [sflag:s26], $0x800  }
0x5c: {  	s19 =	simm.s32 @p0 $0xA;
	[sflag:s26] =	ssyncset.done $0x0  }
0x5d: {  	s18 =	simm.s32 @p0 $0x0;
	s11 =	rddreg [dreg:$0xa];
	[sflag:s26] =	ssyncadd.s32 $0xFFFFF800  }
0x5e: {  	[tilespmem:s18], [sflag:$0xA] =	stream.linear.gather @p0 [hbm4b:s11+s18], $0x400, $0x38;
	[tilespmem:$0x1ED80] =	vst v63  }
0x5f: {  	_ =	swait.ge @p0 [sflag:s19], $0x400  }
0x60: {  	[sflag:s19] =	ssyncset.done @p0 $0x0  }
0x61: {  	s20 =	simm.s32 @p0 $0x4C00;
	s11 =	rddreg [dreg:$0xb];
	[sflag:s19] =	ssyncadd.s32 @p0 $0xFFFFFC00  }
0x62: {  	[tilespmem:s20], [sflag:$0xA] =	stream.linear.gather @p0 [hbm4b:s11+s18], $0x400, $0x38;
	[tilespmem:$0x1ED80] =	vst v63  }
0x63: {  	_ =	swait.ge @p0 [sflag:s19], $0x400  }
0x64: {  	s18 =	simm.s32 @!p0 $0x0;
	[sflag:s19] =	ssyncset.done @p0 $0x0  }
0x65: {  	s11 =	rddreg [dreg:$0xc];
	[sflag:s19] =	ssyncadd.s32 @p0 $0xFFFFFC00;
	s19 =	simm.s32 @!p0 $0xA  }
0x66: {  	[tilespmem:s18], [sflag:$0xA] =	stream.linear.gather @!p0 [hbm4b:s11+s18], $0x4C00, $0x38;
	[tilespmem:$0x1ED80] =	vst v63  }
0x67: {  	_ =	swait.ge @!p0 [sflag:s19], $0x4C00  }
0x68: {  	[sflag:s19] =	ssyncset.done @!p0 $0x0  }
0x69: {  	s20 =	simm.s32 @!p0 $0x4C00;
	s11 =	rddreg [dreg:$0xd];
	[sflag:s19] =	ssyncadd.s32 @!p0 $0xFFFFB400  }
0x6a: {  	[tilespmem:s20], [sflag:$0xA] =	stream.linear.gather @!p0 [hbm4b:s11+s18], $0x4C00, $0x38;
	[tilespmem:$0x1ED80] =	vst v63  }
0x6b: {  	_ =	swait.ge @!p0 [sflag:s19], $0x4C00  }
0x6c: {  	[sflag:s19] =	ssyncset.done @!p0 $0x0  }
0x6d: {  	[sflag:s19] =	ssyncadd.s32 @!p0 $0xFFFFB400  }
0x6e: {  	s19 =	simm.s32 $0x0;
	[bflag:$0x0] =	sbarrier.arrive $0xFFFF  }
0x6f: {  	[tilespmem:s25], [sflag:$0x1] =	stream.indirect.gather [hbm4b:s1+s30], $0x40, s19, s30, $0xb8;
	[tilespmem:$0x1ED80] =	vst v63  }
0x70: {  	_ = 	snop  }
0x71: {  	[tilespmem:s31], [sflag:$0x2] =	stream.indirect.gather [hbm4b:s1+s30], $0x40, s30, s30, $0xb8;
	[tilespmem:$0x1ED80] =	vst v63  }
0x72: {  	s23 =	simm.s32 $0x100  }
0x73: {  	[tilespmem:s5], [sflag:$0x3] =	stream.indirect.gather [hbm4b:s1+s30], $0x40, s23, s30, $0xb8;
	[tilespmem:$0x1ED80] =	vst v63  }
0x74: {  	s24 =	simm.s32 $0x180;
	s18 =	simm.s32 $0x0  }
0x75: {  	[tilespmem:s2], [sflag:$0x4] =	stream.indirect.gather [hbm4b:s1+s30], $0x40, s24, s30, $0xb8;
	[tilespmem:$0x1ED80] =	vst v63  }
.LBB2_6:
0x76: {  	_ =	swait.ge [sflag:s0], $0x2000  }
0x77: {  	s21 =	sshra.s32 s18, $0x2;
	[sflag:s0] =	ssyncset.done $0x0  }
0x78: {  	s20 =	sadd.s32 $0x4C00, s21;
	[sflag:s0] =	ssyncadd.s32 $0xFFFFE000  }
0x79: {  	[spmem:s3] =	stream.indirect.scatter.add.f32 [tilespmem:s25], [sflag:$0x5], $0x40, s20, s30, $0xb8;
	[tilespmem:$0x1ED80] =	vst v63  }
0x7a: {  	p1 =	slt.u32 s19, $0x8  }
0x7b: {  	[spmem:s4] =	stream.indirect.scatter.add.f32 [tilespmem:s29], [sflag:$0x9], $0x10, s20, s30, $0xb8;
	[tilespmem:$0x1ED80] =	vst v63  }
0x7c: {  	s22 =	sadd.s32 $0x2, s19;
	p2 =	slt.s32 s19, $0x4;
	s20 =	simm.s32 @!p1 $0x9  }
0x7d: {  	p3 =	sge.u32 @!p2 s22, s7;
	_ =	swait.ge @!p1 [sflag:s20], $0x800  }
0x7e: {  	p3 =	por p3, p2;
	[sflag:s20] =	ssyncset.done @!p1 $0x0  }
0x7f: {  	s22 =	simm.s32 @!p3 $0x7;
	[sflag:s20] =	ssyncadd.s32 @!p1 $0xFFFFF800  }
0x80: {  	_ =	swait.ge @!p3 [sflag:s22], $0x2000  }
0x81: {  	[sflag:s22] =	ssyncset.done @!p3 $0x0  }
0x82: {  	[sflag:s22] =	ssyncadd.s32 @!p3 $0xFFFFE000;
	s22 =	sshra.s32 @!p3 s18, $0x2  }
0x83: {  	s23 =	simm.s32 @!p3 $0x80;
	s24 =	simm.s32 @!p3 $0xD800;
	s22 =	sadd.s32 @!p3 $0x100, s22  }
0x84: {  	[tilespmem:s24], [sflag:$0x3] =	stream.indirect.gather @!p3 [hbm4b:s1+s23], $0x40, s22, s23, $0xb8;
	[tilespmem:$0x1ED80] =	vst v63  }
0x85: {  	_ =	swait.ge [sflag:s6], $0x2000  }
0x86: {  	[sflag:s6] =	ssyncset.done $0x0  }
0x87: {  	s24 =	sadd.s32 $0x4C80, s21;
	p3 =	slt.u32 s19, $0x7;
	[sflag:s6] =	ssyncadd.s32 $0xFFFFE000  }
0x88: {  	[spmem:s3] =	stream.indirect.scatter.add.f32 [tilespmem:s31], [sflag:$0x6], $0x40, s24, s30, $0xb8;
	[tilespmem:$0x1ED80] =	vst v63  }
0x89: {  	s23 =	sadd.s32 $0x3, s19;
	s22 =	simm.s32 @!p3 $0x9  }
0x8a: {  	[spmem:s4] =	stream.indirect.scatter.add.f32 [tilespmem:s29], [sflag:$0x9], $0x10, s24, s30, $0xb8;
	[tilespmem:$0x1ED80] =	vst v63  }
0x8b: {  	p4 =	sge.u32 @!p2 s23, s7;
	_ =	swait.ge @!p3 [sflag:s22], $0x800  }
0x8c: {  	p2 =	por p4, p2;
	[sflag:s22] =	ssyncset.done @!p3 $0x0  }
0x8d: {  	[sflag:s22] =	ssyncadd.s32 @!p3 $0xFFFFF800;
	s22 =	simm.s32 @!p2 $0x8  }
0x8e: {  	_ =	swait.ge @!p2 [sflag:s22], $0x2000  }
0x8f: {  	[sflag:s22] =	ssyncset.done @!p2 $0x0  }
0x90: {  	[sflag:s22] =	ssyncadd.s32 @!p2 $0xFFFFE000;
	s22 =	sshra.s32 @!p2 s18, $0x2  }
0x91: {  	s23 =	simm.s32 @!p2 $0x80;
	s24 =	simm.s32 @!p2 $0xF800;
	s22 =	sadd.s32 @!p2 $0x180, s22  }
0x92: {  	[tilespmem:s24], [sflag:$0x4] =	stream.indirect.gather @!p2 [hbm4b:s1+s23], $0x40, s22, s23, $0xb8;
	[tilespmem:$0x1ED80] =	vst v63  }
0x93: {  	_ =	swait.ge [sflag:s9], $0x2000  }
0x94: {  	[sflag:s9] =	ssyncset.done $0x0  }
0x95: {  	s11 =	sadd.s32 $0x4D00, s21;
	[sflag:s9] =	ssyncadd.s32 $0xFFFFE000  }
0x96: {  	[spmem:s3] =	stream.indirect.scatter.add.f32 [tilespmem:s5], [sflag:$0x7], $0x40, s11, s30, $0xb8;
	[tilespmem:$0x1ED80] =	vst v63  }
0x97: {  	_ = 	snop  }
0x98: {  	[spmem:s4] =	stream.indirect.scatter.add.f32 [tilespmem:s29], [sflag:$0x9], $0x10, s11, s30, $0xb8;
	[tilespmem:$0x1ED80] =	vst v63  }
0x99: {  	s22 =	sadd.s32 $0x4, s19;
	_ =	swait.ge @!p1 [sflag:s20], $0x800  }
0x9a: {  	p2 =	sge.u32 s22, s7;
	[sflag:s20] =	ssyncset.done @!p1 $0x0  }
0x9b: {  	s23 =	simm.s32 @!p2 $0x5;
	[sflag:s20] =	ssyncadd.s32 @!p1 $0xFFFFF800  }
0x9c: {  	_ =	swait.ge @!p2 [sflag:s23], $0x2000  }
0x9d: {  	[sflag:s23] =	ssyncset.done @!p2 $0x0  }
0x9e: {  	[sflag:s23] =	ssyncadd.s32 @!p2 $0xFFFFE000;
	s23 =	sshra.s32 @!p2 s18, $0x2  }
0x9f: {  	s24 =	simm.s32 @!p2 $0x80;
	s11 =	simm.s32 @!p2 $0x9800;
	s23 =	sadd.s32 @!p2 $0x200, s23  }
0xa0: {  	[tilespmem:s11], [sflag:$0x1] =	stream.indirect.gather @!p2 [hbm4b:s1+s24], $0x40, s23, s24, $0xb8;
	[tilespmem:$0x1ED80] =	vst v63  }
0xa1: {  	_ =	swait.ge [sflag:s10], $0x2000  }
0xa2: {  	[sflag:s10] =	ssyncset.done $0x0  }
0xa3: {  	s21 =	sadd.s32 $0x4D80, s21;
	[sflag:s10] =	ssyncadd.s32 $0xFFFFE000  }
0xa4: {  	[spmem:s3] =	stream.indirect.scatter.add.f32 [tilespmem:s2], [sflag:$0x8], $0x40, s21, s30, $0xb8;
	[tilespmem:$0x1ED80] =	vst v63  }
0xa5: {  	_ = 	snop  }
0xa6: {  	[spmem:s4] =	stream.indirect.scatter.add.f32 [tilespmem:s29], [sflag:$0x9], $0x10, s21, s30, $0xb8;
	[tilespmem:$0x1ED80] =	vst v63  }
0xa7: {  	s23 =	sadd.s32 $0x5, s19;
	_ =	swait.ge @!p1 [sflag:s20], $0x800  }
0xa8: {  	p2 =	sge.u32 s23, s7;
	[sflag:s20] =	ssyncset.done @!p1 $0x0  }
0xa9: {  	s11 =	simm.s32 @!p2 $0x6;
	[sflag:s20] =	ssyncadd.s32 @!p1 $0xFFFFF800  }
0xaa: {  	_ =	swait.ge @!p2 [sflag:s11], $0x2000  }
0xab: {  	s19 =	sshra.s32 @!p2 s18, $0x2;
	s18 =	sadd.s32 $0x800, s18;
	s24 =	rddreg [dreg:$0x5]  }
0xac: {  	p1 =	sne.s32 s24, s18  }
.Ltmp2:
0xad: {  	_ = 	snop;
	(pc) =	sbr.rel @p1 .LBB2_6-.Ltmp2, $4  }
0xae: {  	s20 =	simm.s32 @!p2 $0xB800;
	[sflag:s11] =	ssyncset.done @!p2 $0x0  }
0xaf: {  	[sflag:s11] =	ssyncadd.s32 @!p2 $0xFFFFE000;
	s11 =	sadd.s32 @!p2 $0x280, s19;
	s19 =	simm.s32 @!p2 $0x80  }
0xb0: {  	[tilespmem:s20], [sflag:$0x2] =	stream.indirect.gather @!p2 [hbm4b:s1+s19], $0x40, s11, s19, $0xb8;
	[tilespmem:$0x1ED80] =	vst v63  }
0xb1: {  	s19 =	smov.u32 s22  }
0xb2: {  	s11 =	simm.s32 $0x5  }
0xb3: {  	_ =	swait.ge [sflag:s11], $0x2000  }
0xb4: {  	[sflag:s11] =	ssyncset.done $0x0  }
0xb5: {  	[sflag:s11] =	ssyncadd.s32 $0xFFFFE000  }
0xb6: {  	_ =	swait.ge [sflag:s12], $0x2000  }
0xb7: {  	[sflag:s12] =	ssyncset.done $0x0  }
0xb8: {  	[sflag:s12] =	ssyncadd.s32 $0xFFFFE000  }
0xb9: {  	_ =	swait.ge [sflag:s13], $0x2000  }
0xba: {  	[sflag:s13] =	ssyncset.done $0x0  }
0xbb: {  	[sflag:s13] =	ssyncadd.s32 $0xFFFFE000  }
0xbc: {  	_ =	swait.ge [sflag:s14], $0x2000  }
0xbd: {  	[sflag:s14] =	ssyncset.done $0x0  }
0xbe: {  	[sflag:s14] =	ssyncadd.s32 $0xFFFFE000  }
0xbf: {  	_ =	swait.ge [sflag:s15], $0x800  }
0xc0: {  	[sflag:s15] =	ssyncset.done $0x0  }
0xc1: {  	[sflag:s15] =	ssyncadd.s32 $0xFFFFF800  }
0xc2: {  	_ =	swait.ge [sflag:s15], $0x800  }
0xc3: {  	[sflag:s15] =	ssyncset.done $0x0  }
0xc4: {  	[sflag:s15] =	ssyncadd.s32 $0xFFFFF800  }
0xc5: {  	_ =	swait.ge [sflag:s15], $0x800  }
0xc6: {  	[sflag:s15] =	ssyncset.done $0x0  }
0xc7: {  	[sflag:s15] =	ssyncadd.s32 $0xFFFFF800  }
0xc8: {  	_ =	swait.ge [sflag:s15], $0x800  }
0xc9: {  	[sflag:s15] =	ssyncset.done $0x0  }
0xca: {  	[sflag:s15] =	ssyncadd.s32 $0xFFFFF800  }
0xcb: {  	_ =	swait.ge [sflag:s15], $0x800  }
0xcc: {  	[sflag:s15] =	ssyncset.done $0x0  }
0xcd: {  	[sflag:s15] =	ssyncadd.s32 $0xFFFFF800  }
0xce: {  	_ =	swait.ge [sflag:s15], $0x800  }
0xcf: {  	[sflag:s15] =	ssyncset.done $0x0  }
0xd0: {  	[sflag:s15] =	ssyncadd.s32 $0xFFFFF800  }
0xd1: {  	_ =	swait.ge [sflag:s15], $0x800  }
0xd2: {  	[sflag:s15] =	ssyncset.done $0x0  }
0xd3: {  	[sflag:s15] =	ssyncadd.s32 $0xFFFFF800  }
0xd4: {  	_ =	swait.ge [sflag:s15], $0x800  }
0xd5: {  	[sflag:s15] =	ssyncset.done $0x0  }
0xd6: {  	s21 =	stileid.u32;
	[sflag:s15] =	ssyncadd.s32 $0xFFFFF800  }
0xd7: {  	s11 =	sshll.u32 s21, $0x6;
	[bflag:$0x0] =	sbarrier.arrive $0xFFFF  }
0xd8: {  	s18 =	sshrl.u32 s8, $0x3;
	s11 =	sor.u32 $0x1C0A, s11;
	s19 =	rddreg [dreg:$0x13]  }
0xd9: {  	[hbm:s19], [sflag:s11] =	dma.local [spmem:s18], $0x13C0  }
0xda: {  	_ =	swait.ge [sflag:s26], $0x13C0  }
0xdb: {  	[sflag:s26] =	ssyncset.done $0x0  }
0xdc: {  	s22 =	sshrl.u32 s17, $0x3;
	s23 =	rddreg [dreg:$0x14];
	[sflag:s26] =	ssyncadd.s32 $0xFFFFEC40  }
0xdd: {  	[hbm:s23], [sflag:s11] =	dma.local [spmem:s22], $0x4F0  }
0xde: {  	_ =	swait.ge [sflag:s26], $0x4F0  }
0xdf: {  	s16 =	sadd.s32 $0x1, s16;
	s24 =	rddreg [dreg:$0x15]  }
0xe0: {  	p1 =	sne.s32 s16, s24  }
.Ltmp3:
0xe1: {  	_ = 	snop;
	(pc) =	sbr.rel @p1 .LBB2_1-.Ltmp3, $3  }
0xe2: {  	_ =	sdelay $0x1  }
0xe3: {  	[sflag:s26] =	ssyncset.done $0x0  }
0xe4: {  	[sflag:s26] =	ssyncadd.s32 $0xFFFFFB10  }
0xe5: {  	_ =	sfence.sel $0x180000  }
0xe6: {  	[bflag:$0x0] =	sbarrier.arrive $0xFFFF  }
0xe7: {  	_ =	strace $0x90000047  }
0xe8: {  	s0 =	stileid.u32;
	[bflag:$0x2] =	sbarrier.arrive $0xFFFF  }
0xe9: {  	p0 =	sne.s32 s0, $0x0;
	s0 =	rddreg [dreg:$0x4]  }
0xea: {  	s0 =	sadd.s32 @!p0 $0x100000, s0  }
0xeb: {  	[sflag:s0] =	ssyncadd.tile.s32 @!p0 $0x1;
	_ =	shalt  }
.Lfunc_end2:
_tile_overlayer_lowered:
.L_overlay_start_2:
0xec: {  	(tag) =	ssettag $0x2  }
0xed: {  	s0 =	rddreg [dreg:$0x0];
	s2 =	stileid.u32  }
0xee: {  	s1 =	rddreg [dreg:$0x1];
	p0 =	sne.s32 s2, $0x0  }
0xef: {  	s3 =	rddreg [dreg:$0x2];
	[bflag:$0x3] =	sbarrier.arrive $0xFFFF;
	s2 =	simm.s32 @!p0 $0x1C0A  }
0xf0: {  	[timem:s3], [sflag:s2] =	dma.local @!p0 [hbm:s0], s1  }
0xf1: {  	s0 =	simm.s32 @!p0 $0xA  }
0xf2: {  	_ =	swait.ge @!p0 [sflag:s0], s1  }
0xf3: {  	s1 =	ssub.s32 @!p0 $0x0, s1;
	[sflag:s0] =	ssyncset.done @!p0 $0x0  }
0xf4: {  	[sflag:s0] =	ssyncadd.s32 @!p0 s1  }
0xf5: {  	[bflag:$0x3] =	sbarrier.arrive $0xFFFF  }
0xf6: {  	_ =	shalt  }

// kernel: kernel.13.cloned.1.call-start
scs
__scs_entry_jumppad:
0x0: {  	(pc) =	sbr.rel $0x88, $3  }
0x1: {  	(tag) =	ssettag $0x0;
	lr =	simm.s32 $0x1  }
0x2: {  	[smem:$0x3F8E] =	sst lr;
	_ =	strace $0xD0000000  }
0x3: {  	_ = 	snop  }
0x4: {  	_ = 	snop  }
0x5: {  	_ = 	snop  }
0x6: {  	_ = 	snop  }
0x7: {  	_ = 	snop  }
__scs_overlays_trampoline_lowered:
0x8: {  	[smem:$0x3F9D] =	sst s0  }
0x9: {  	[smem:$0x3F9E] =	sst s1  }
0xa: {  	[smem:$0x3F9F] =	sst s2  }
0xb: {  	[smem:$0x3FA0] =	sst s3  }
0xc: {  	[smem:$0x3FA1] =	sst s4  }
0xd: {  	[smem:$0x3FA2] =	sst s5  }
0xe: {  	[smem:$0x3FA3] =	sst s6  }
0xf: {  	[smem:$0x3FA4] =	sst s7  }
0x10: {  	[smem:$0x3FA5] =	sst s8  }
0x11: {  	[smem:$0x3FA6] =	sst s9;
	s0 =	simm.s32 @!p0 $0x0  }
0x12: {  	s1 =	sld [smem:$0x3F8C];
	s0 =	simm.s32 @p0 $0x1  }
0x13: {  	[smem:$0x3FA7] =	sst s0;
	s0 =	simm.s32 @!p1 $0x0  }
0x14: {  	s2 =	sld [smem:$0x3F8B];
	s0 =	simm.s32 @p1 $0x1  }
0x15: {  	[smem:$0x3FA8] =	sst s0;
	s0 =	simm.s32 @!p2 $0x0  }
0x16: {  	s3 =	sld [smem:$0x3FDB];
	s0 =	simm.s32 @p2 $0x1  }
0x17: {  	s4 =	simm.s32 $0x1BF5;
	[smem:$0x3FAA] =	sst s0  }
0x18: {  	s0 =	sld [smem:$0x3F8D];
	_ =	swait.ge [sflag:s4], $0x0  }
0x19: {  	s7 =	sld [smem:$0x3F8E]  }
0x1a: {  	s8 =	sadd.s32 $0xFFFFE003, lr  }
0x1b: {  	s9 =	sadd.s32 $0xFFFFFEF7, lr;
	s5 =	simm.s32 $0xFFFFFFFF;
	p2 =	slt.u32 s8, $0xFFFFF086  }
0x1c: {  	p1 =	slt.u32 s9, $0xF7A;
	s5 =	simm.s32 @!p2 $0x0  }
0x1d: {  	s5 =	simm.s32 @p1 $0x1;
	p0 =	seq.s32 s7, s2  }
0x1e: {  	s7 =	smul.u32 @!p0 $0xF7A, s2;
	p2 =	seq.s32 @!p0 s5, $0x0  }
0x1f: {  	s9 =	smul.u32 $0xF7A, s1;
	s8 =	simm.s32 @!p0 $0x1BF5;
	p2 =	por !p2, p0  }
0x20: {  	[sflag:s8] =	ssyncset.s32 @!p0 $0xFFFFF086;
	s6 =	sadd.s32 @!p0 s3, s7;
	s7 =	simm.s32 @!p0 $0x108  }
0x21: {  	s3 =	sadd.s32 s3, s9;
	s6 =	sadd.s32 @!p0 $0x88, s6;
	s7 =	simm.s32 @p2 $0x1082  }
0x22: {  	[simem:s7], [sflag:s8] =	dma.local @!p0 [hbm:s6], $0xF7A  }
0x23: {  	s9 =	sor.u32 $0xD0000000, s2;
	s6 =	simm.s32 $0x108;
	_ =	swait.ge @!p0 [sflag:s8], $0x0  }
0x24: {  	s3 =	sadd.s32 $0x88, s3;
	s6 =	simm.s32 @!p1 $0x1082;
	[sflag:s4] =	ssyncset.s32 $0xFFFFF086  }
0x25: {  	[simem:s6], [sflag:s4] =	dma.local [hbm:s3], $0xF7A  }
0x26: {  	[smem:$0x3F8E] =	sst s1;
	(tag) =	ssettag s2;
	_ =	strace s9  }
0x27: {  	s1 =	sld [smem:$0x3F9E]  }
0x28: {  	s2 =	sld [smem:$0x3F9F]  }
0x29: {  	s4 =	sld [smem:$0x3FA1]  }
0x2a: {  	p0 =	seq.s32 s5, $0x0;
	s5 =	sld [smem:$0x3FA2]  }
0x2b: {  	s6 =	sld [smem:$0x3FA3]  }
0x2c: {  	s7 =	sld [smem:$0x3FA4]  }
0x2d: {  	s3 =	simm.s32 $0x108;
	s8 =	sld [smem:$0x3FA5]  }
0x2e: {  	s3 =	simm.s32 @!p0 $0x1082;
	s9 =	sld [smem:$0x3FA6]  }
0x2f: {  	lr =	sadd.s32 s0, s3;
	s0 =	sld [smem:$0x3F9D]  }
0x30: {  	s3 =	sld [smem:$0x3FA0]  }
0x31: {  	[smem:$0x3FA9] =	sst s10  }
0x32: {  	s10 =	sld [smem:$0x3FA7];
	_ =	sdelay $0x3  }
0x33: {  	p0 =	seq.s32 s10, $0x1;
	s10 =	sld [smem:$0x3FA9];
	_ =	sdelay $0x3  }
0x34: {  	[smem:$0x3FA9] =	sst s10  }
0x35: {  	s10 =	sld [smem:$0x3FA8];
	_ =	sdelay $0x3  }
0x36: {  	p1 =	seq.s32 s10, $0x1;
	s10 =	sld [smem:$0x3FA9];
	_ =	sdelay $0x3  }
0x37: {  	[smem:$0x3FA9] =	sst s10  }
0x38: {  	s10 =	sld [smem:$0x3FAA]  }
0x39: {  	_ = 	snop;
	(pc) =	sbr.ind lr, $3  }
0x3a: {  	_ = 	snop  }
0x3b: {  	_ = 	snop  }
0x3c: {  	p2 =	seq.s32 s10, $0x1;
	s10 =	sld [smem:$0x3FA9]  }
0x3d: {  	_ =	shalt  }
0x3e: {  	_ =	shalt  }
0x3f: {  	_ =	shalt  }
0x40: {  	_ =	shalt  }
0x41: {  	_ =	shalt  }
0x42: {  	_ =	shalt  }
0x43: {  	_ =	shalt  }
0x44: {  	_ =	shalt  }
0x45: {  	_ =	shalt  }
0x46: {  	_ =	shalt  }
0x47: {  	_ =	shalt  }
0x48: {  	_ =	shalt  }
0x49: {  	_ =	shalt  }
0x4a: {  	_ =	shalt  }
0x4b: {  	_ =	shalt  }
0x4c: {  	_ =	shalt  }
0x4d: {  	_ =	shalt  }
0x4e: {  	_ =	shalt  }
0x4f: {  	_ =	shalt  }
0x50: {  	_ =	shalt  }
0x51: {  	_ =	shalt  }
0x52: {  	_ =	shalt  }
0x53: {  	_ =	shalt  }
0x54: {  	_ =	shalt  }
0x55: {  	_ =	shalt  }
0x56: {  	_ =	shalt  }
0x57: {  	_ =	shalt  }
0x58: {  	_ =	shalt  }
0x59: {  	_ =	shalt  }
0x5a: {  	_ =	shalt  }
0x5b: {  	_ =	shalt  }
0x5c: {  	_ =	shalt  }
0x5d: {  	_ =	shalt  }
0x5e: {  	_ =	shalt  }
0x5f: {  	_ =	shalt  }
0x60: {  	_ =	shalt  }
0x61: {  	_ =	shalt  }
0x62: {  	_ =	shalt  }
0x63: {  	_ =	shalt  }
0x64: {  	_ =	shalt  }
0x65: {  	_ =	shalt  }
0x66: {  	_ =	shalt  }
0x67: {  	_ =	shalt  }
0x68: {  	_ =	shalt  }
0x69: {  	_ =	shalt  }
0x6a: {  	_ =	shalt  }
0x6b: {  	_ =	shalt  }
0x6c: {  	_ =	shalt  }
0x6d: {  	_ =	shalt  }
0x6e: {  	_ =	shalt  }
0x6f: {  	_ =	shalt  }
0x70: {  	_ =	shalt  }
0x71: {  	_ =	shalt  }
0x72: {  	_ =	shalt  }
0x73: {  	_ =	shalt  }
0x74: {  	_ =	shalt  }
0x75: {  	_ =	shalt  }
0x76: {  	_ =	shalt  }
0x77: {  	_ =	shalt  }
0x78: {  	_ =	shalt  }
0x79: {  	_ =	shalt  }
0x7a: {  	_ =	shalt  }
0x7b: {  	_ =	shalt  }
0x7c: {  	_ =	shalt  }
0x7d: {  	_ =	shalt  }
0x7e: {  	_ =	shalt  }
0x7f: {  	_ =	shalt  }
0x80: {  	_ =	shalt  }
0x81: {  	_ =	shalt  }
0x82: {  	_ =	shalt  }
0x83: {  	_ =	shalt  }
0x84: {  	_ =	shalt  }
0x85: {  	_ =	shalt  }
0x86: {  	_ =	shalt  }
0x87: {  	_ =	shalt  }
.Lfunc_end0:
.L_simem_size_0:
called_computation.1_lowered:
.L_overlay_start_0:
0x88: {  	s2 =	sld [smem:$0x3FD9]  }
0x89: {  	s3 =	sld [smem:$0x3FFE];
	_ =	sdelay $0x1  }
0x8a: {  	s1 =	srdreg.scid  }
0x8b: {  	s0 =	sand.u32 $0x1, s1  }
0x8c: {  	s17 =	sshll.u32 s0, $0xA;
	s2 =	sadd.s32 s3, s2  }
0x8d: {  	s2 =	sadd.s32 s2, s17  }
0x8e: {  	[smem:$0x3FB5] =	sst s2  }
0x8f: {  	_ = 	snop  }
0x90: {  	s2 =	sld [smem:$0x3FD0];
	(tm) =	ssettm $0x1  }
0x91: {  	s18 =	sld [smem:$0x3FFB];
	_ =	sdelay $0x3  }
0x92: {  	_ =	strace s18  }
0x93: {  	s3 =	sld [smem:$0x3FFC];
	_ =	sdelay $0x3  }
0x94: {  	_ =	strace s3  }
0x95: {  	s3 =	sld [smem:$0x3FFD];
	_ =	sdelay $0x3  }
0x96: {  	_ =	strace s3  }
0x97: {  	_ =	strace $0x8FFFFFFF  }
0x98: {  	s19 =	sld [smem:$0x3FDB];
	_ =	sdelay $0x1  }
0x99: {  	s4 =	simm.s32 $_scs_section_size  }
0x9a: {  	s5 =	simm.s32 $_size__tile_overlayer_lowered;
	s6 =	simm.s32 $_tile_overlayer_lowered  }
0x9b: {  	s22 =	simm.s32 $0x1BFF;
	s21 =	sshll.u32 s6, $0x1;
	s3 =	sadd.s32 s4, s19  }
0x9c: {  	s7 =	simm.s32 $0x0;
	s20 =	sshll.u32 s5, $0x1;
	s5 =	sadd.s32 s21, s3  }
0x9d: {  	[timem:s7], [sflag:s22] =	dma.local [hbm:s5], s20  }
0x9e: {  	_ =	swait.ge [sflag:s22], s20  }
0x9f: {  	s4 =	ssub.s32 $0x0, s20;
	[sflag:s22] =	ssyncset.done $0x0  }
0xa0: {  	[sflag:s22] =	ssyncadd.s32 s4;
	_ =	sdelay $0x1  }
0xa1: {  	s23 =	simm.s32 $0x1B8B  }
0xa2: {  	_ =	swait.ge [sflag:s23], $0x1  }
0xa3: {  	[sflag:s23] =	ssyncset.done $0x0  }
0xa4: {  	s25 =	simm.s32 $0x1B8E;
	s24 =	sld [smem:$0x3FFE];
	[sflag:s23] =	ssyncadd.s32 $0xFFFFFFFF  }
0xa5: {  	s26 =	simm.s32 $execute0_lowered;
	[smem:$0x3FD2] =	sst s25  }
0xa6: {  	s5 =	sshll.u32 s26, $0x1;
	_ =	strace $0x80000049;
	[dreg:$0x1] =	wrdreg $0xFFFFFFFF  }
0xa7: {  	s28 =	simm.s32 $_size_execute0_lowered;
	s3 =	sadd.s32 s3, s5;
	[dreg:$0x0] =	wrdreg $0x0  }
0xa8: {  	s5 =	sshll.u32 s28, $0x1;
	[dreg:$0x2] =	wrdreg s3  }
0xa9: {  	[dreg:$0x3] =	wrdreg s5  }
0xaa: {  	[dreg:$0x4] =	wrdreg $0xC0  }
0xab: {  	_ =	task [dreg:s7], $0x5FFFF  }
0xac: {  	[dreg:$0x1] =	wrdreg $0xFFFFFFFF  }
0xad: {  	[dreg:$0x0] =	wrdreg $0x60  }
0xae: {  	[dreg:$0x2] =	wrdreg s2  }
0xaf: {  	[dreg:$0x3] =	wrdreg s24  }
0xb0: {  	[dreg:$0x4] =	wrdreg $0x118000  }
0xb1: {  	[dreg:$0x5] =	wrdreg $0x9  }
0xb2: {  	_ =	task.clear_ibuf [dreg:s7], $0x6FFFF;
	_ =	strace $0x90000049  }
0xb3: {  	s29 =	simm.s32 $0x9;
	_ =	strace $0x8000004B  }
0xb4: {  	_ =	swait.ge [sflag:s29], $0x1  }
0xb5: {  	[sflag:s29] =	ssyncadd.s32 $0xFFFFFFFF  }
0xb6: {  	_ =	strace $0x9000004B  }
0xb7: {  	_ =	sfence  }
0xb8: {  	s30 =	sld [smem:$0x0];
	_ =	sdelay $0x2  }
0xb9: {  	s31 =	sshll.u32 s1, $0xD;
	s1 =	sshrl.u32 s1, $0x2  }
0xba: {  	s3 =	sand.u32 $0x4000, s31;
	s1 =	sadd.s32 s1, s30  }
0xbb: {  	s0 =	sor.u32 s3, s0;
	s1 =	sshll.u32 s1, $0x11  }
0xbc: {  	s0 =	sor.u32 s1, s0  }
0xbd: {  	s0 =	sadd.s32 $0x8F2B, s0  }
0xbe: {  	[sflag:s0] =	ssyncadd.remote.s32 $0x1  }
0xbf: {  	_ =	sfence.sel $0xFFFF  }
0xc0: {  	[dreg:$0x0] =	wrdreg $0xFFFFFFFF;
	(pc) =	sbr.abs _section_cstart, $3  }
0xc1: {  	[dreg:$0x1] =	wrdreg $0xFFFFFFFF  }
0xc2: {  	_ =	task.clear_ibuf [dreg:s7], $0x2FFFF;
	_ =	strace $0x9FFFFFFF  }
0xc3: {  	(tm) =	ssettm $0x7FFFFFFF  }
tec
execute0_lowered:
.L_overlay_start_1:
0x0: {  	(tag) =	ssettag $0x1  }
0x1: {  	s1 =	rddreg [dreg:$0x0]  }
0x2: {  	s0 =	rddreg [dreg:$0x1]  }
0x3: {  	s3 =	rddreg [dreg:$0x2];
	s2 =	srdreg.scid  }
0x4: {  	s15 =	stileid.u32;
	s4 =	simm.s32 $0x0;
	s18 =	simm.s32 $0x9  }
0x5: {  	s19 =	simm.s32 $0x80;
	s20 =	simm.s32 $0xB800;
	s22 =	simm.s32 $0xD800  }
0x6: {  	s28 =	simm.s32 $0x2;
	s30 =	simm.s32 $0x3;
	s21 =	simm.s32 $0x4  }
0x7: {  	s31 =	simm.s32 $0x7;
	s2 =	sand.u32 $0x1, s2;
	s6 =	smul.u32 $0x9E00, s15  }
0x8: {  	[smem:$0x7FF] =	sst s4;
	s13 =	sadd.s32 $0xCE00, s0;
	s9 =	smul.u32 $0x27800, s15  }
0x9: {  	s14 =	sadd.s32 $0x2E00, s0;
	s11 =	sshll.u32 s15, $0x7;
	s15 =	smul.u32 $0x980, s15  }
0xa: {  	s5 =	smul.u32 $0x9E000, s2;
	_ =	strace $0x8000004A;
	s7 =	ssub.s32 $0x2, s2  }
0xb: {  	p0 =	seq.s32 s2, $0x0;
	s12 =	sor.u32 $0x9800, s11;
	s8 =	sshrl.u32 s7, $0x1  }
0xc: {  	s23 =	sshrl.u32 s9, $0x2;
	s11 =	sadd.s32 s13, s12;
	s12 =	sadd.s32 s14, s12  }
0xd: {  	s13 =	sadd.s32 s13, s15;
	s14 =	sadd.s32 s14, s15;
	s10 =	sadd.s32 s23, s3  }
0xe: {  	s5 =	sadd.s32 s6, s5;
	s16 =	ssub.s32 s7, s8;
	s7 =	sadd.s32 $0x2000, s10  }
0xf: {  	s6 =	sadd.s32 s6, s3;
	s24 =	sadd.s32 $0x4000, s10;
	[dreg:$0x5] =	wrdreg s7  }
0x10: {  	s5 =	sshrl.u32 s5, $0x3;
	s25 =	sadd.s32 $0x6000, s10;
	[dreg:$0x6] =	wrdreg s24  }
0x11: {  	s26 =	sadd.s32 $0x8000, s10;
	s16 =	smax.u32 s16, $0x1;
	[dreg:$0x7] =	wrdreg s25  }
0x12: {  	s0 =	sadd.s32 s5, s0;
	s5 =	simm.s32 $0x98;
	[dreg:$0x8] =	wrdreg s26  }
0x13: {  	s24 =	simm.s32 $0xF800;
	s25 =	simm.s32 $0x1;
	s5 =	simm.s32 @!p0 $0x8  }
0x14: {  	s26 =	simm.s32 $0x6;
	s15 =	sadd.s32 $0x65E00, s0;
	s17 =	sshll.u32 s5, $0x9  }
0x15: {  	p0 =	sne.s32 s2, $0x0;
	s0 =	simm.s32 $0x5;
	s29 =	sadd.s32 $0xFFFFF800, s17  }
0x16: {  	v0 =	vimm.f32 $0.0e+00;
	s2 =	simm.s32 $0x8;
	s17 =	simm.s32 $0x9800;
	[dreg:$0x4] =	wrdreg s29  }
.LBB2_1:
0x17: {  	s29 =	simm.s32 $0x100;
	s23 =	simm.s32 $0x0  }
.LBB2_2:
0x18: {  	p1 =	sne.s32 s29, $0x7F00;
	[tilespmem:s23+$0x9830] =	vst v0;
	s7 =	smov.u32 s29;
	s29 =	sadd.s32 $0x100, s29  }
.Ltmp0:
0x19: {  	[tilespmem:s23+$0x9820] =	vst v0;
	(pc) =	sbr.rel @p1 .LBB2_2-.Ltmp0, $3  }
0x1a: {  	[tilespmem:s23+$0x9800] =	vst v0  }
0x1b: {  	[tilespmem:s23+$0x9810] =	vst v0;
	_ =	sdelay $0x1  }
0x1c: {  	s23 =	sshra.s32 s7, $0x2  }
0x1d: {  	[tilespmem:s23+$0x9830] =	vst v0  }
0x1e: {  	[tilespmem:s23+$0x9820] =	vst v0  }
0x1f: {  	[tilespmem:s23+$0x9800] =	vst v0  }
0x20: {  	[tilespmem:s23+$0x9810] =	vst v0  }
0x21: {  	[spmem:s6] =	stream.linear.scatter [tilespmem:s17], [sflag:$0x9], $0x2000, $0x38;
	[tilespmem:$0x1B600] =	vst v63  }
0x22: {  	_ =	swait.ge [sflag:s18], $0x2000  }
0x23: {  	[sflag:s18] =	ssyncset.done $0x0  }
0x24: {  	s7 =	rddreg [dreg:$0x5];
	[sflag:s18] =	ssyncadd.s32 $0xFFFFE000  }
0x25: {  	[spmem:s7] =	stream.linear.scatter [tilespmem:s17], [sflag:$0x9], $0x2000, $0x38;
	[tilespmem:$0x1B600] =	vst v63  }
0x26: {  	_ =	swait.ge [sflag:s18], $0x2000  }
0x27: {  	[sflag:s18] =	ssyncset.done $0x0  }
0x28: {  	s10 =	rddreg [dreg:$0x6];
	[sflag:s18] =	ssyncadd.s32 $0xFFFFE000  }
0x29: {  	[spmem:s10] =	stream.linear.scatter [tilespmem:s17], [sflag:$0x9], $0x2000, $0x38;
	[tilespmem:$0x1B600] =	vst v63  }
0x2a: {  	_ =	swait.ge [sflag:s18], $0x2000  }
0x2b: {  	[sflag:s18] =	ssyncset.done $0x0  }
0x2c: {  	s23 =	rddreg [dreg:$0x7];
	[sflag:s18] =	ssyncadd.s32 $0xFFFFE000  }
0x2d: {  	[spmem:s23] =	stream.linear.scatter [tilespmem:s17], [sflag:$0x9], $0x2000, $0x38;
	[tilespmem:$0x1B600] =	vst v63  }
0x2e: {  	_ =	swait.ge [sflag:s18], $0x2000  }
0x2f: {  	[sflag:s18] =	ssyncset.done $0x0  }
0x30: {  	s8 =	rddreg [dreg:$0x8];
	[sflag:s18] =	ssyncadd.s32 $0xFFFFE000  }
0x31: {  	[spmem:s8] =	stream.linear.scatter [tilespmem:s17], [sflag:$0x9], $0x1E00, $0x38;
	[tilespmem:$0x1B600] =	vst v63  }
0x32: {  	_ =	swait.ge [sflag:s18], $0x1E00  }
0x33: {  	[sflag:s18] =	ssyncset.done $0x0  }
0x34: {  	s7 =	simm.s32 @p0 $0x0;
	s23 =	simm.s32 @p0 $0x9;
	[sflag:s18] =	ssyncadd.s32 $0xFFFFE200  }
0x35: {  	[tilespmem:s7], [sflag:$0x9] =	stream.linear.gather @p0 [hbm4b:s11+s7], $0x400, $0x38;
	[tilespmem:$0x1B600] =	vst v63  }
0x36: {  	_ =	swait.ge @p0 [sflag:s23], $0x400  }
0x37: {  	[sflag:s23] =	ssyncset.done @p0 $0x0  }
0x38: {  	s29 =	simm.s32 @p0 $0x4C00;
	[sflag:s23] =	ssyncadd.s32 @p0 $0xFFFFFC00  }
0x39: {  	[tilespmem:s29], [sflag:$0x9] =	stream.linear.gather @p0 [hbm4b:s12+s7], $0x400, $0x38;
	[tilespmem:$0x1B600] =	vst v63  }
0x3a: {  	_ =	swait.ge @p0 [sflag:s23], $0x400  }
0x3b: {  	[sflag:s23] =	ssyncset.done @p0 $0x0  }
0x3c: {  	s7 =	simm.s32 @!p0 $0x0;
	[sflag:s23] =	ssyncadd.s32 @p0 $0xFFFFFC00;
	s23 =	simm.s32 @!p0 $0x9  }
0x3d: {  	[tilespmem:s7], [sflag:$0x9] =	stream.linear.gather @!p0 [hbm4b:s13+s7], $0x4C00, $0x38;
	[tilespmem:$0x1B600] =	vst v63  }
0x3e: {  	_ =	swait.ge @!p0 [sflag:s23], $0x4C00  }
0x3f: {  	[sflag:s23] =	ssyncset.done @!p0 $0x0  }
0x40: {  	s29 =	simm.s32 @!p0 $0x4C00;
	[sflag:s23] =	ssyncadd.s32 @!p0 $0xFFFFB400  }
0x41: {  	[tilespmem:s29], [sflag:$0x9] =	stream.linear.gather @!p0 [hbm4b:s14+s7], $0x4C00, $0x38;
	[tilespmem:$0x1B600] =	vst v63  }
0x42: {  	_ =	swait.ge @!p0 [sflag:s23], $0x4C00  }
0x43: {  	[sflag:s23] =	ssyncset.done @!p0 $0x0  }
0x44: {  	[sflag:s23] =	ssyncadd.s32 @!p0 $0xFFFFB400  }
0x45: {  	s23 =	simm.s32 $0x0;
	[bflag:$0x0] =	sbarrier.arrive $0xFFFF  }
0x46: {  	[tilespmem:s17], [sflag:$0x1] =	stream.indirect.gather [hbm4b:s1+s19], $0x40, s23, s19, $0xb8;
	[tilespmem:$0x1B600] =	vst v63  }
0x47: {  	_ = 	snop  }
0x48: {  	[tilespmem:s20], [sflag:$0x2] =	stream.indirect.gather [hbm4b:s1+s19], $0x40, s19, s19, $0xb8;
	[tilespmem:$0x1B600] =	vst v63  }
0x49: {  	s9 =	simm.s32 $0x100  }
0x4a: {  	[tilespmem:s22], [sflag:$0x3] =	stream.indirect.gather [hbm4b:s1+s19], $0x40, s9, s19, $0xb8;
	[tilespmem:$0x1B600] =	vst v63  }
0x4b: {  	s10 =	simm.s32 $0x180  }
0x4c: {  	[tilespmem:s24], [sflag:$0x4] =	stream.indirect.gather [hbm4b:s1+s19], $0x40, s10, s19, $0xb8;
	[tilespmem:$0x1B600] =	vst v63  }
0x4d: {  	_ =	swait.ge [sflag:s25], $0x2000  }
0x4e: {  	[sflag:s25] =	ssyncset.done $0x0  }
0x4f: {  	s8 =	simm.s32 $0x4C00;
	[sflag:s25] =	ssyncadd.s32 $0xFFFFE000  }
0x50: {  	[spmem:s3] =	stream.indirect.scatter.add.f32 [tilespmem:s17], [sflag:$0x5], $0x40, s8, s19, $0xb8;
	[tilespmem:$0x1B600] =	vst v63  }
0x51: {  	_ =	swait.ge [sflag:s28], $0x2000  }
0x52: {  	[sflag:s28] =	ssyncset.done $0x0  }
0x53: {  	s9 =	simm.s32 $0x4C80;
	[sflag:s28] =	ssyncadd.s32 $0xFFFFE000  }
0x54: {  	[spmem:s3] =	stream.indirect.scatter.add.f32 [tilespmem:s20], [sflag:$0x6], $0x40, s9, s19, $0xb8;
	[tilespmem:$0x1B600] =	vst v63  }
0x55: {  	_ =	swait.ge [sflag:s30], $0x2000  }
0x56: {  	[sflag:s30] =	ssyncset.done $0x0  }
0x57: {  	s10 =	simm.s32 $0x4D00;
	[sflag:s30] =	ssyncadd.s32 $0xFFFFE000  }
0x58: {  	[spmem:s3] =	stream.indirect.scatter.add.f32 [tilespmem:s22], [sflag:$0x7], $0x40, s10, s19, $0xb8;
	[tilespmem:$0x1B600] =	vst v63  }
0x59: {  	_ =	swait.ge [sflag:s0], $0x2000  }
0x5a: {  	[sflag:s0] =	ssyncset.done $0x0  }
0x5b: {  	s8 =	simm.s32 $0x200;
	[sflag:s0] =	ssyncadd.s32 $0xFFFFE000  }
0x5c: {  	[tilespmem:s17], [sflag:$0x1] =	stream.indirect.gather [hbm4b:s1+s19], $0x40, s8, s19, $0xb8;
	[tilespmem:$0x1B600] =	vst v63  }
0x5d: {  	_ =	swait.ge [sflag:s21], $0x2000  }
0x5e: {  	[sflag:s21] =	ssyncset.done $0x0  }
0x5f: {  	s9 =	simm.s32 $0x4D80;
	[sflag:s21] =	ssyncadd.s32 $0xFFFFE000  }
0x60: {  	[spmem:s3] =	stream.indirect.scatter.add.f32 [tilespmem:s24], [sflag:$0x8], $0x40, s9, s19, $0xb8;
	[tilespmem:$0x1B600] =	vst v63  }
0x61: {  	_ =	swait.ge [sflag:s26], $0x2000  }
0x62: {  	[sflag:s26] =	ssyncset.done $0x0  }
0x63: {  	s29 =	simm.s32 $0x9;
	s10 =	simm.s32 $0x280;
	[sflag:s26] =	ssyncadd.s32 $0xFFFFE000  }
0x64: {  	[tilespmem:s20], [sflag:$0x2] =	stream.indirect.gather [hbm4b:s1+s19], $0x40, s10, s19, $0xb8;
	[tilespmem:$0x1B600] =	vst v63  }
.LBB2_4:
0x65: {  	_ =	swait.ge [sflag:s25], $0x2000  }
0x66: {  	s7 =	sshra.s32 s23, $0x2;
	s10 =	sadd.s32 $0xFFFFFFFD, s29;
	[sflag:s25] =	ssyncset.done $0x0  }
0x67: {  	s8 =	sadd.s32 $0x4E00, s7;
	p1 =	sge.u32 s10, s5;
	[sflag:s25] =	ssyncadd.s32 $0xFFFFE000  }
0x68: {  	[spmem:s3] =	stream.indirect.scatter.add.f32 [tilespmem:s17], [sflag:$0x5], $0x40, s8, s19, $0xb8;
	[tilespmem:$0x1B600] =	vst v63  }
0x69: {  	s8 =	simm.s32 @!p1 $0x7  }
0x6a: {  	_ =	swait.ge @!p1 [sflag:s8], $0x2000  }
0x6b: {  	[sflag:s8] =	ssyncset.done @!p1 $0x0  }
0x6c: {  	[sflag:s8] =	ssyncadd.s32 @!p1 $0xFFFFE000;
	s8 =	sshra.s32 @!p1 s23, $0x2  }
0x6d: {  	s9 =	simm.s32 @!p1 $0x80;
	s10 =	simm.s32 @!p1 $0xD800;
	s8 =	sadd.s32 @!p1 $0x300, s8  }
0x6e: {  	[tilespmem:s10], [sflag:$0x3] =	stream.indirect.gather @!p1 [hbm4b:s1+s9], $0x40, s8, s9, $0xb8;
	[tilespmem:$0x1B600] =	vst v63  }
0x6f: {  	s10 =	sadd.s32 $0xFFFFFFFE, s29;
	_ =	swait.ge [sflag:s28], $0x2000  }
0x70: {  	p1 =	sge.u32 s10, s5;
	[sflag:s28] =	ssyncset.done $0x0  }
0x71: {  	s9 =	sadd.s32 $0x4E80, s7;
	s8 =	simm.s32 @!p1 $0x8;
	[sflag:s28] =	ssyncadd.s32 $0xFFFFE000  }
0x72: {  	[spmem:s3] =	stream.indirect.scatter.add.f32 [tilespmem:s20], [sflag:$0x6], $0x40, s9, s19, $0xb8;
	[tilespmem:$0x1B600] =	vst v63  }
0x73: {  	_ =	swait.ge @!p1 [sflag:s8], $0x2000  }
0x74: {  	[sflag:s8] =	ssyncset.done @!p1 $0x0  }
0x75: {  	[sflag:s8] =	ssyncadd.s32 @!p1 $0xFFFFE000;
	s8 =	sshra.s32 @!p1 s23, $0x2  }
0x76: {  	s10 =	simm.s32 @!p1 $0xF800;
	s9 =	simm.s32 @!p1 $0x80;
	s8 =	sadd.s32 @!p1 $0x380, s8  }
0x77: {  	[tilespmem:s10], [sflag:$0x4] =	stream.indirect.gather @!p1 [hbm4b:s1+s9], $0x40, s8, s9, $0xb8;
	[tilespmem:$0x1B600] =	vst v63  }
0x78: {  	s10 =	sadd.s32 $0xFFFFFFFF, s29;
	_ =	swait.ge [sflag:s30], $0x2000  }
0x79: {  	p1 =	sge.u32 s10, s5;
	[sflag:s30] =	ssyncset.done $0x0  }
0x7a: {  	s9 =	sadd.s32 $0x4F00, s7;
	s8 =	simm.s32 @!p1 $0x5;
	[sflag:s30] =	ssyncadd.s32 $0xFFFFE000  }
0x7b: {  	[spmem:s3] =	stream.indirect.scatter.add.f32 [tilespmem:s22], [sflag:$0x7], $0x40, s9, s19, $0xb8;
	[tilespmem:$0x1B600] =	vst v63  }
0x7c: {  	_ =	swait.ge @!p1 [sflag:s8], $0x2000  }
0x7d: {  	[sflag:s8] =	ssyncset.done @!p1 $0x0  }
0x7e: {  	[sflag:s8] =	ssyncadd.s32 @!p1 $0xFFFFE000;
	s8 =	sshra.s32 @!p1 s23, $0x2  }
0x7f: {  	s10 =	simm.s32 @!p1 $0x9800;
	s9 =	simm.s32 @!p1 $0x80;
	s8 =	sadd.s32 @!p1 $0x400, s8  }
0x80: {  	[tilespmem:s10], [sflag:$0x1] =	stream.indirect.gather @!p1 [hbm4b:s1+s9], $0x40, s8, s9, $0xb8;
	[tilespmem:$0x1B600] =	vst v63  }
0x81: {  	_ =	swait.ge [sflag:s21], $0x2000  }
0x82: {  	[sflag:s21] =	ssyncset.done $0x0  }
0x83: {  	s7 =	sadd.s32 $0x4F80, s7;
	p1 =	sge.u32 s29, s5;
	[sflag:s21] =	ssyncadd.s32 $0xFFFFE000  }
0x84: {  	[spmem:s3] =	stream.indirect.scatter.add.f32 [tilespmem:s24], [sflag:$0x8], $0x40, s7, s19, $0xb8;
	[tilespmem:$0x1B600] =	vst v63  }
0x85: {  	s7 =	simm.s32 @!p1 $0x6  }
0x86: {  	s8 =	sshra.s32 @!p1 s23, $0x2;
	s9 =	simm.s32 @!p1 $0xB800;
	_ =	swait.ge @!p1 [sflag:s7], $0x2000  }
0x87: {  	s23 =	sadd.s32 $0x800, s23;
	[sflag:s7] =	ssyncset.done @!p1 $0x0;
	s10 =	rddreg [dreg:$0x4]  }
0x88: {  	[sflag:s7] =	ssyncadd.s32 @!p1 $0xFFFFE000;
	s7 =	sadd.s32 @!p1 $0x480, s8;
	s8 =	simm.s32 @!p1 $0x80  }
0x89: {  	[tilespmem:s9], [sflag:$0x2] =	stream.indirect.gather @!p1 [hbm4b:s1+s8], $0x40, s7, s8, $0xb8;
	[tilespmem:$0x1B600] =	vst v63  }
0x8a: {  	p1 =	sne.s32 s10, s23  }
.Ltmp1:
0x8b: {  	_ = 	snop;
	(pc) =	sbr.rel @p1 .LBB2_4-.Ltmp1, $2  }
0x8c: {  	_ =	sdelay $0x2  }
0x8d: {  	s29 =	sadd.s32 $0x4, s29  }
0x8e: {  	_ =	swait.ge [sflag:s0], $0x2000  }
0x8f: {  	[sflag:s0] =	ssyncset.done $0x0  }
0x90: {  	[sflag:s0] =	ssyncadd.s32 $0xFFFFE000  }
0x91: {  	_ =	swait.ge [sflag:s26], $0x2000  }
0x92: {  	[sflag:s26] =	ssyncset.done $0x0  }
0x93: {  	[sflag:s26] =	ssyncadd.s32 $0xFFFFE000  }
0x94: {  	_ =	swait.ge [sflag:s31], $0x2000  }
0x95: {  	[sflag:s31] =	ssyncset.done $0x0  }
0x96: {  	[sflag:s31] =	ssyncadd.s32 $0xFFFFE000  }
0x97: {  	s7 =	stileid.u32;
	_ =	swait.ge [sflag:s2], $0x2000  }
0x98: {  	s8 =	sshrl.u32 s6, $0x3;
	s4 =	sadd.s32 $0x1, s4;
	[sflag:s2] =	ssyncset.done $0x0  }
0x99: {  	s7 =	sshll.u32 s7, $0x6;
	p1 =	sne.s32 s4, s16;
	[sflag:s2] =	ssyncadd.s32 $0xFFFFE000  }
.Ltmp2:
0x9a: {  	s7 =	sor.u32 $0x1C09, s7;
	[bflag:$0x0] =	sbarrier.arrive $0xFFFF;
	(pc) =	sbr.rel @p1 .LBB2_1-.Ltmp2, $4  }
0x9b: {  	[hbm:s15], [sflag:s7] =	dma.local [spmem:s8], $0x13C0  }
0x9c: {  	_ =	swait.ge [sflag:s18], $0x13C0  }
0x9d: {  	[sflag:s18] =	ssyncset.done $0x0  }
0x9e: {  	[sflag:s18] =	ssyncadd.s32 $0xFFFFEC40  }
0x9f: {  	_ =	sfence.sel $0x180000  }
0xa0: {  	[bflag:$0x0] =	sbarrier.arrive $0xFFFF  }
0xa1: {  	_ =	strace $0x9000004A  }
0xa2: {  	s0 =	stileid.u32;
	[bflag:$0x2] =	sbarrier.arrive $0xFFFF  }
0xa3: {  	p0 =	sne.s32 s0, $0x0;
	s0 =	rddreg [dreg:$0x3]  }
0xa4: {  	s0 =	sadd.s32 @!p0 $0x100000, s0  }
0xa5: {  	[sflag:s0] =	ssyncadd.tile.s32 @!p0 $0x1;
	_ =	shalt  }
.Lfunc_end2:
_tile_overlayer_lowered:
.L_overlay_start_2:
0xa6: {  	(tag) =	ssettag $0x2  }
0xa7: {  	s0 =	rddreg [dreg:$0x0];
	s2 =	stileid.u32  }
0xa8: {  	s1 =	rddreg [dreg:$0x1];
	p0 =	sne.s32 s2, $0x0  }
0xa9: {  	s3 =	rddreg [dreg:$0x2];
	[bflag:$0x3] =	sbarrier.arrive $0xFFFF;
	s2 =	simm.s32 @!p0 $0x1C09  }
0xaa: {  	[timem:s3], [sflag:s2] =	dma.local @!p0 [hbm:s0], s1  }
0xab: {  	s0 =	simm.s32 @!p0 $0x9  }
0xac: {  	_ =	swait.ge @!p0 [sflag:s0], s1  }
0xad: {  	s1 =	ssub.s32 @!p0 $0x0, s1;
	[sflag:s0] =	ssyncset.done @!p0 $0x0  }
0xae: {  	[sflag:s0] =	ssyncadd.s32 @!p0 s1  }
0xaf: {  	[bflag:$0x3] =	sbarrier.arrive $0xFFFF  }
0xb0: {  	_ =	shalt  }

// kernel: kernel.16.cloned.1.call-start
scs
__scs_entry_jumppad:
0x0: {  	(pc) =	sbr.rel $0x88, $3  }
0x1: {  	(tag) =	ssettag $0x0;
	lr =	simm.s32 $0x1  }
0x2: {  	[smem:$0x3F8E] =	sst lr;
	_ =	strace $0xD0000000  }
0x3: {  	_ = 	snop  }
0x4: {  	_ = 	snop  }
0x5: {  	_ = 	snop  }
0x6: {  	_ = 	snop  }
0x7: {  	_ = 	snop  }
__scs_overlays_trampoline_lowered:
0x8: {  	[smem:$0x3F9D] =	sst s0  }
0x9: {  	[smem:$0x3F9E] =	sst s1  }
0xa: {  	[smem:$0x3F9F] =	sst s2  }
0xb: {  	[smem:$0x3FA0] =	sst s3  }
0xc: {  	[smem:$0x3FA1] =	sst s4  }
0xd: {  	[smem:$0x3FA2] =	sst s5  }
0xe: {  	[smem:$0x3FA3] =	sst s6  }
0xf: {  	[smem:$0x3FA4] =	sst s7  }
0x10: {  	[smem:$0x3FA5] =	sst s8  }
0x11: {  	[smem:$0x3FA6] =	sst s9;
	s0 =	simm.s32 @!p0 $0x0  }
0x12: {  	s1 =	sld [smem:$0x3F8C];
	s0 =	simm.s32 @p0 $0x1  }
0x13: {  	[smem:$0x3FA7] =	sst s0;
	s0 =	simm.s32 @!p1 $0x0  }
0x14: {  	s2 =	sld [smem:$0x3F8B];
	s0 =	simm.s32 @p1 $0x1  }
0x15: {  	[smem:$0x3FA8] =	sst s0;
	s0 =	simm.s32 @!p2 $0x0  }
0x16: {  	s3 =	sld [smem:$0x3FDB];
	s0 =	simm.s32 @p2 $0x1  }
0x17: {  	s4 =	simm.s32 $0x1BF5;
	[smem:$0x3FAA] =	sst s0  }
0x18: {  	s0 =	sld [smem:$0x3F8D];
	_ =	swait.ge [sflag:s4], $0x0  }
0x19: {  	s7 =	sld [smem:$0x3F8E]  }
0x1a: {  	s8 =	sadd.s32 $0xFFFFE003, lr  }
0x1b: {  	s9 =	sadd.s32 $0xFFFFFEF7, lr;
	s5 =	simm.s32 $0xFFFFFFFF;
	p2 =	slt.u32 s8, $0xFFFFF086  }
0x1c: {  	p1 =	slt.u32 s9, $0xF7A;
	s5 =	simm.s32 @!p2 $0x0  }
0x1d: {  	s5 =	simm.s32 @p1 $0x1;
	p0 =	seq.s32 s7, s2  }
0x1e: {  	s7 =	smul.u32 @!p0 $0xF7A, s2;
	p2 =	seq.s32 @!p0 s5, $0x0  }
0x1f: {  	s9 =	smul.u32 $0xF7A, s1;
	s8 =	simm.s32 @!p0 $0x1BF5;
	p2 =	por !p2, p0  }
0x20: {  	[sflag:s8] =	ssyncset.s32 @!p0 $0xFFFFF086;
	s6 =	sadd.s32 @!p0 s3, s7;
	s7 =	simm.s32 @!p0 $0x108  }
0x21: {  	s3 =	sadd.s32 s3, s9;
	s6 =	sadd.s32 @!p0 $0x88, s6;
	s7 =	simm.s32 @p2 $0x1082  }
0x22: {  	[simem:s7], [sflag:s8] =	dma.local @!p0 [hbm:s6], $0xF7A  }
0x23: {  	s9 =	sor.u32 $0xD0000000, s2;
	s6 =	simm.s32 $0x108;
	_ =	swait.ge @!p0 [sflag:s8], $0x0  }
0x24: {  	s3 =	sadd.s32 $0x88, s3;
	s6 =	simm.s32 @!p1 $0x1082;
	[sflag:s4] =	ssyncset.s32 $0xFFFFF086  }
0x25: {  	[simem:s6], [sflag:s4] =	dma.local [hbm:s3], $0xF7A  }
0x26: {  	[smem:$0x3F8E] =	sst s1;
	(tag) =	ssettag s2;
	_ =	strace s9  }
0x27: {  	s1 =	sld [smem:$0x3F9E]  }
0x28: {  	s2 =	sld [smem:$0x3F9F]  }
0x29: {  	s4 =	sld [smem:$0x3FA1]  }
0x2a: {  	p0 =	seq.s32 s5, $0x0;
	s5 =	sld [smem:$0x3FA2]  }
0x2b: {  	s6 =	sld [smem:$0x3FA3]  }
0x2c: {  	s7 =	sld [smem:$0x3FA4]  }
0x2d: {  	s3 =	simm.s32 $0x108;
	s8 =	sld [smem:$0x3FA5]  }
0x2e: {  	s3 =	simm.s32 @!p0 $0x1082;
	s9 =	sld [smem:$0x3FA6]  }
0x2f: {  	lr =	sadd.s32 s0, s3;
	s0 =	sld [smem:$0x3F9D]  }
0x30: {  	s3 =	sld [smem:$0x3FA0]  }
0x31: {  	[smem:$0x3FA9] =	sst s10  }
0x32: {  	s10 =	sld [smem:$0x3FA7];
	_ =	sdelay $0x3  }
0x33: {  	p0 =	seq.s32 s10, $0x1;
	s10 =	sld [smem:$0x3FA9];
	_ =	sdelay $0x3  }
0x34: {  	[smem:$0x3FA9] =	sst s10  }
0x35: {  	s10 =	sld [smem:$0x3FA8];
	_ =	sdelay $0x3  }
0x36: {  	p1 =	seq.s32 s10, $0x1;
	s10 =	sld [smem:$0x3FA9];
	_ =	sdelay $0x3  }
0x37: {  	[smem:$0x3FA9] =	sst s10  }
0x38: {  	s10 =	sld [smem:$0x3FAA]  }
0x39: {  	_ = 	snop;
	(pc) =	sbr.ind lr, $3  }
0x3a: {  	_ = 	snop  }
0x3b: {  	_ = 	snop  }
0x3c: {  	p2 =	seq.s32 s10, $0x1;
	s10 =	sld [smem:$0x3FA9]  }
0x3d: {  	_ =	shalt  }
0x3e: {  	_ =	shalt  }
0x3f: {  	_ =	shalt  }
0x40: {  	_ =	shalt  }
0x41: {  	_ =	shalt  }
0x42: {  	_ =	shalt  }
0x43: {  	_ =	shalt  }
0x44: {  	_ =	shalt  }
0x45: {  	_ =	shalt  }
0x46: {  	_ =	shalt  }
0x47: {  	_ =	shalt  }
0x48: {  	_ =	shalt  }
0x49: {  	_ =	shalt  }
0x4a: {  	_ =	shalt  }
0x4b: {  	_ =	shalt  }
0x4c: {  	_ =	shalt  }
0x4d: {  	_ =	shalt  }
0x4e: {  	_ =	shalt  }
0x4f: {  	_ =	shalt  }
0x50: {  	_ =	shalt  }
0x51: {  	_ =	shalt  }
0x52: {  	_ =	shalt  }
0x53: {  	_ =	shalt  }
0x54: {  	_ =	shalt  }
0x55: {  	_ =	shalt  }
0x56: {  	_ =	shalt  }
0x57: {  	_ =	shalt  }
0x58: {  	_ =	shalt  }
0x59: {  	_ =	shalt  }
0x5a: {  	_ =	shalt  }
0x5b: {  	_ =	shalt  }
0x5c: {  	_ =	shalt  }
0x5d: {  	_ =	shalt  }
0x5e: {  	_ =	shalt  }
0x5f: {  	_ =	shalt  }
0x60: {  	_ =	shalt  }
0x61: {  	_ =	shalt  }
0x62: {  	_ =	shalt  }
0x63: {  	_ =	shalt  }
0x64: {  	_ =	shalt  }
0x65: {  	_ =	shalt  }
0x66: {  	_ =	shalt  }
0x67: {  	_ =	shalt  }
0x68: {  	_ =	shalt  }
0x69: {  	_ =	shalt  }
0x6a: {  	_ =	shalt  }
0x6b: {  	_ =	shalt  }
0x6c: {  	_ =	shalt  }
0x6d: {  	_ =	shalt  }
0x6e: {  	_ =	shalt  }
0x6f: {  	_ =	shalt  }
0x70: {  	_ =	shalt  }
0x71: {  	_ =	shalt  }
0x72: {  	_ =	shalt  }
0x73: {  	_ =	shalt  }
0x74: {  	_ =	shalt  }
0x75: {  	_ =	shalt  }
0x76: {  	_ =	shalt  }
0x77: {  	_ =	shalt  }
0x78: {  	_ =	shalt  }
0x79: {  	_ =	shalt  }
0x7a: {  	_ =	shalt  }
0x7b: {  	_ =	shalt  }
0x7c: {  	_ =	shalt  }
0x7d: {  	_ =	shalt  }
0x7e: {  	_ =	shalt  }
0x7f: {  	_ =	shalt  }
0x80: {  	_ =	shalt  }
0x81: {  	_ =	shalt  }
0x82: {  	_ =	shalt  }
0x83: {  	_ =	shalt  }
0x84: {  	_ =	shalt  }
0x85: {  	_ =	shalt  }
0x86: {  	_ =	shalt  }
0x87: {  	_ =	shalt  }
.Lfunc_end0:
.L_simem_size_0:
called_computation.2_lowered:
.L_overlay_start_0:
0x88: {  	s2 =	sld [smem:$0x3FD9]  }
0x89: {  	s3 =	sld [smem:$0x3FFE];
	_ =	sdelay $0x1  }
0x8a: {  	s1 =	srdreg.scid  }
0x8b: {  	s0 =	sand.u32 $0x1, s1  }
0x8c: {  	s17 =	sshll.u32 s0, $0xA;
	s2 =	sadd.s32 s3, s2  }
0x8d: {  	s2 =	sadd.s32 s2, s17  }
0x8e: {  	[smem:$0x3FB5] =	sst s2  }
0x8f: {  	_ = 	snop  }
0x90: {  	s2 =	sld [smem:$0x3FD0];
	(tm) =	ssettm $0x1  }
0x91: {  	s18 =	sld [smem:$0x3FFB];
	_ =	sdelay $0x3  }
0x92: {  	_ =	strace s18  }
0x93: {  	s3 =	sld [smem:$0x3FFC];
	_ =	sdelay $0x3  }
0x94: {  	_ =	strace s3  }
0x95: {  	s3 =	sld [smem:$0x3FFD];
	_ =	sdelay $0x3  }
0x96: {  	_ =	strace s3  }
0x97: {  	_ =	strace $0x8FFFFFFF  }
0x98: {  	s19 =	sld [smem:$0x3FDB];
	_ =	sdelay $0x1  }
0x99: {  	s4 =	simm.s32 $_scs_section_size  }
0x9a: {  	s5 =	simm.s32 $_size__tile_overlayer_lowered;
	s6 =	simm.s32 $_tile_overlayer_lowered  }
0x9b: {  	s22 =	simm.s32 $0x1BFF;
	s21 =	sshll.u32 s6, $0x1;
	s3 =	sadd.s32 s4, s19  }
0x9c: {  	s7 =	simm.s32 $0x0;
	s20 =	sshll.u32 s5, $0x1;
	s5 =	sadd.s32 s21, s3  }
0x9d: {  	[timem:s7], [sflag:s22] =	dma.local [hbm:s5], s20  }
0x9e: {  	_ =	swait.ge [sflag:s22], s20  }
0x9f: {  	s4 =	ssub.s32 $0x0, s20;
	[sflag:s22] =	ssyncset.done $0x0  }
0xa0: {  	[sflag:s22] =	ssyncadd.s32 s4;
	_ =	sdelay $0x1  }
0xa1: {  	s23 =	simm.s32 $0x1B8B  }
0xa2: {  	_ =	swait.ge [sflag:s23], $0x1  }
0xa3: {  	[sflag:s23] =	ssyncset.done $0x0  }
0xa4: {  	s25 =	simm.s32 $0x1B8E;
	s24 =	sld [smem:$0x3FFE];
	[sflag:s23] =	ssyncadd.s32 $0xFFFFFFFF  }
0xa5: {  	s26 =	simm.s32 $execute0_lowered;
	[smem:$0x3FD2] =	sst s25  }
0xa6: {  	s5 =	sshll.u32 s26, $0x1;
	_ =	strace $0x8000004C;
	[dreg:$0x1] =	wrdreg $0xFFFFFFFF  }
0xa7: {  	s28 =	simm.s32 $_size_execute0_lowered;
	s3 =	sadd.s32 s3, s5;
	[dreg:$0x0] =	wrdreg $0x0  }
0xa8: {  	s5 =	sshll.u32 s28, $0x1;
	[dreg:$0x2] =	wrdreg s3  }
0xa9: {  	[dreg:$0x3] =	wrdreg s5  }
0xaa: {  	[dreg:$0x4] =	wrdreg $0xC0  }
0xab: {  	_ =	task [dreg:s7], $0x5FFFF  }
0xac: {  	[dreg:$0x1] =	wrdreg $0xFFFFFFFF  }
0xad: {  	[dreg:$0x0] =	wrdreg $0x60  }
0xae: {  	[dreg:$0x2] =	wrdreg s2  }
0xaf: {  	[dreg:$0x3] =	wrdreg s24  }
0xb0: {  	[dreg:$0x4] =	wrdreg $0x118000  }
0xb1: {  	[dreg:$0x5] =	wrdreg $0x9  }
0xb2: {  	_ =	task.clear_ibuf [dreg:s7], $0x6FFFF;
	_ =	strace $0x9000004C  }
0xb3: {  	s29 =	simm.s32 $0x9;
	_ =	strace $0x8000004E  }
0xb4: {  	_ =	swait.ge [sflag:s29], $0x1  }
0xb5: {  	[sflag:s29] =	ssyncadd.s32 $0xFFFFFFFF  }
0xb6: {  	_ =	strace $0x9000004E  }
0xb7: {  	_ =	sfence  }
0xb8: {  	s30 =	sld [smem:$0x0];
	_ =	sdelay $0x2  }
0xb9: {  	s31 =	sshll.u32 s1, $0xD;
	s1 =	sshrl.u32 s1, $0x2  }
0xba: {  	s3 =	sand.u32 $0x4000, s31;
	s1 =	sadd.s32 s1, s30  }
0xbb: {  	s0 =	sor.u32 s3, s0;
	s1 =	sshll.u32 s1, $0x11  }
0xbc: {  	s0 =	sor.u32 s1, s0  }
0xbd: {  	s0 =	sadd.s32 $0x8F2B, s0  }
0xbe: {  	[sflag:s0] =	ssyncadd.remote.s32 $0x1  }
0xbf: {  	_ =	sfence.sel $0xFFFF  }
0xc0: {  	[dreg:$0x0] =	wrdreg $0xFFFFFFFF;
	(pc) =	sbr.abs _section_cstart, $3  }
0xc1: {  	[dreg:$0x1] =	wrdreg $0xFFFFFFFF  }
0xc2: {  	_ =	task.clear_ibuf [dreg:s7], $0x2FFFF;
	_ =	strace $0x9FFFFFFF  }
0xc3: {  	(tm) =	ssettm $0x7FFFFFFF  }
tec
execute0_lowered:
.L_overlay_start_1:
0x0: {  	(tag) =	ssettag $0x1  }
0x1: {  	s1 =	rddreg [dreg:$0x0]  }
0x2: {  	s0 =	rddreg [dreg:$0x1]  }
0x3: {  	s3 =	rddreg [dreg:$0x2];
	s2 =	srdreg.scid  }
0x4: {  	s15 =	stileid.u32;
	s4 =	simm.s32 $0x0;
	s18 =	simm.s32 $0x9  }
0x5: {  	s19 =	simm.s32 $0x80;
	s20 =	simm.s32 $0xB800;
	s22 =	simm.s32 $0xD800  }
0x6: {  	s28 =	simm.s32 $0x2;
	s30 =	simm.s32 $0x3;
	s21 =	simm.s32 $0x4  }
0x7: {  	s31 =	simm.s32 $0x7;
	s2 =	sand.u32 $0x1, s2;
	s6 =	smul.u32 $0x9E00, s15  }
0x8: {  	[smem:$0x7FF] =	sst s4;
	s13 =	sadd.s32 $0xCE00, s0;
	s9 =	smul.u32 $0x27800, s15  }
0x9: {  	s14 =	sadd.s32 $0x2E00, s0;
	s11 =	sshll.u32 s15, $0x7;
	s15 =	smul.u32 $0x980, s15  }
0xa: {  	s5 =	smul.u32 $0x9E000, s2;
	_ =	strace $0x8000004D;
	s7 =	ssub.s32 $0x2, s2  }
0xb: {  	p0 =	seq.s32 s2, $0x0;
	s12 =	sor.u32 $0x9800, s11;
	s8 =	sshrl.u32 s7, $0x1  }
0xc: {  	s23 =	sshrl.u32 s9, $0x2;
	s11 =	sadd.s32 s13, s12;
	s12 =	sadd.s32 s14, s12  }
0xd: {  	s13 =	sadd.s32 s13, s15;
	s14 =	sadd.s32 s14, s15;
	s10 =	sadd.s32 s23, s3  }
0xe: {  	s5 =	sadd.s32 s6, s5;
	s16 =	ssub.s32 s7, s8;
	s7 =	sadd.s32 $0x2000, s10  }
0xf: {  	s6 =	sadd.s32 s6, s3;
	s24 =	sadd.s32 $0x4000, s10;
	[dreg:$0x5] =	wrdreg s7  }
0x10: {  	s5 =	sshrl.u32 s5, $0x3;
	s25 =	sadd.s32 $0x6000, s10;
	[dreg:$0x6] =	wrdreg s24  }
0x11: {  	s26 =	sadd.s32 $0x8000, s10;
	s16 =	smax.u32 s16, $0x1;
	[dreg:$0x7] =	wrdreg s25  }
0x12: {  	s0 =	sadd.s32 s5, s0;
	s5 =	simm.s32 $0x98;
	[dreg:$0x8] =	wrdreg s26  }
0x13: {  	s24 =	simm.s32 $0xF800;
	s25 =	simm.s32 $0x1;
	s5 =	simm.s32 @!p0 $0x8  }
0x14: {  	s26 =	simm.s32 $0x6;
	s15 =	sadd.s32 $0x65E00, s0;
	s17 =	sshll.u32 s5, $0x9  }
0x15: {  	p0 =	sne.s32 s2, $0x0;
	s0 =	simm.s32 $0x5;
	s29 =	sadd.s32 $0xFFFFF800, s17  }
0x16: {  	v0 =	vimm.f32 $0.0e+00;
	s2 =	simm.s32 $0x8;
	s17 =	simm.s32 $0x9800;
	[dreg:$0x4] =	wrdreg s29  }
.LBB2_1:
0x17: {  	s29 =	simm.s32 $0x100;
	s23 =	simm.s32 $0x0  }
.LBB2_2:
0x18: {  	p1 =	sne.s32 s29, $0x7F00;
	[tilespmem:s23+$0x9830] =	vst v0;
	s7 =	smov.u32 s29;
	s29 =	sadd.s32 $0x100, s29  }
.Ltmp0:
0x19: {  	[tilespmem:s23+$0x9820] =	vst v0;
	(pc) =	sbr.rel @p1 .LBB2_2-.Ltmp0, $3  }
0x1a: {  	[tilespmem:s23+$0x9800] =	vst v0  }
0x1b: {  	[tilespmem:s23+$0x9810] =	vst v0;
	_ =	sdelay $0x1  }
0x1c: {  	s23 =	sshra.s32 s7, $0x2  }
0x1d: {  	[tilespmem:s23+$0x9830] =	vst v0  }
0x1e: {  	[tilespmem:s23+$0x9820] =	vst v0  }
0x1f: {  	[tilespmem:s23+$0x9800] =	vst v0  }
0x20: {  	[tilespmem:s23+$0x9810] =	vst v0  }
0x21: {  	[spmem:s6] =	stream.linear.scatter [tilespmem:s17], [sflag:$0x9], $0x2000, $0x38;
	[tilespmem:$0x1B600] =	vst v63  }
0x22: {  	_ =	swait.ge [sflag:s18], $0x2000  }
0x23: {  	[sflag:s18] =	ssyncset.done $0x0  }
0x24: {  	s7 =	rddreg [dreg:$0x5];
	[sflag:s18] =	ssyncadd.s32 $0xFFFFE000  }
0x25: {  	[spmem:s7] =	stream.linear.scatter [tilespmem:s17], [sflag:$0x9], $0x2000, $0x38;
	[tilespmem:$0x1B600] =	vst v63  }
0x26: {  	_ =	swait.ge [sflag:s18], $0x2000  }
0x27: {  	[sflag:s18] =	ssyncset.done $0x0  }
0x28: {  	s10 =	rddreg [dreg:$0x6];
	[sflag:s18] =	ssyncadd.s32 $0xFFFFE000  }
0x29: {  	[spmem:s10] =	stream.linear.scatter [tilespmem:s17], [sflag:$0x9], $0x2000, $0x38;
	[tilespmem:$0x1B600] =	vst v63  }
0x2a: {  	_ =	swait.ge [sflag:s18], $0x2000  }
0x2b: {  	[sflag:s18] =	ssyncset.done $0x0  }
0x2c: {  	s23 =	rddreg [dreg:$0x7];
	[sflag:s18] =	ssyncadd.s32 $0xFFFFE000  }
0x2d: {  	[spmem:s23] =	stream.linear.scatter [tilespmem:s17], [sflag:$0x9], $0x2000, $0x38;
	[tilespmem:$0x1B600] =	vst v63  }
0x2e: {  	_ =	swait.ge [sflag:s18], $0x2000  }
0x2f: {  	[sflag:s18] =	ssyncset.done $0x0  }
0x30: {  	s8 =	rddreg [dreg:$0x8];
	[sflag:s18] =	ssyncadd.s32 $0xFFFFE000  }
0x31: {  	[spmem:s8] =	stream.linear.scatter [tilespmem:s17], [sflag:$0x9], $0x1E00, $0x38;
	[tilespmem:$0x1B600] =	vst v63  }
0x32: {  	_ =	swait.ge [sflag:s18], $0x1E00  }
0x33: {  	[sflag:s18] =	ssyncset.done $0x0  }
0x34: {  	s7 =	simm.s32 @p0 $0x0;
	s23 =	simm.s32 @p0 $0x9;
	[sflag:s18] =	ssyncadd.s32 $0xFFFFE200  }
0x35: {  	[tilespmem:s7], [sflag:$0x9] =	stream.linear.gather @p0 [hbm4b:s11+s7], $0x400, $0x38;
	[tilespmem:$0x1B600] =	vst v63  }
0x36: {  	_ =	swait.ge @p0 [sflag:s23], $0x400  }
0x37: {  	[sflag:s23] =	ssyncset.done @p0 $0x0  }
0x38: {  	s29 =	simm.s32 @p0 $0x4C00;
	[sflag:s23] =	ssyncadd.s32 @p0 $0xFFFFFC00  }
0x39: {  	[tilespmem:s29], [sflag:$0x9] =	stream.linear.gather @p0 [hbm4b:s12+s7], $0x400, $0x38;
	[tilespmem:$0x1B600] =	vst v63  }
0x3a: {  	_ =	swait.ge @p0 [sflag:s23], $0x400  }
0x3b: {  	[sflag:s23] =	ssyncset.done @p0 $0x0  }
0x3c: {  	s7 =	simm.s32 @!p0 $0x0;
	[sflag:s23] =	ssyncadd.s32 @p0 $0xFFFFFC00;
	s23 =	simm.s32 @!p0 $0x9  }
0x3d: {  	[tilespmem:s7], [sflag:$0x9] =	stream.linear.gather @!p0 [hbm4b:s13+s7], $0x4C00, $0x38;
	[tilespmem:$0x1B600] =	vst v63  }
0x3e: {  	_ =	swait.ge @!p0 [sflag:s23], $0x4C00  }
0x3f: {  	[sflag:s23] =	ssyncset.done @!p0 $0x0  }
0x40: {  	s29 =	simm.s32 @!p0 $0x4C00;
	[sflag:s23] =	ssyncadd.s32 @!p0 $0xFFFFB400  }
0x41: {  	[tilespmem:s29], [sflag:$0x9] =	stream.linear.gather @!p0 [hbm4b:s14+s7], $0x4C00, $0x38;
	[tilespmem:$0x1B600] =	vst v63  }
0x42: {  	_ =	swait.ge @!p0 [sflag:s23], $0x4C00  }
0x43: {  	[sflag:s23] =	ssyncset.done @!p0 $0x0  }
0x44: {  	[sflag:s23] =	ssyncadd.s32 @!p0 $0xFFFFB400  }
0x45: {  	s23 =	simm.s32 $0x0;
	[bflag:$0x0] =	sbarrier.arrive $0xFFFF  }
0x46: {  	[tilespmem:s17], [sflag:$0x1] =	stream.indirect.gather [hbm4b:s1+s19], $0x40, s23, s19, $0xb8;
	[tilespmem:$0x1B600] =	vst v63  }
0x47: {  	_ = 	snop  }
0x48: {  	[tilespmem:s20], [sflag:$0x2] =	stream.indirect.gather [hbm4b:s1+s19], $0x40, s19, s19, $0xb8;
	[tilespmem:$0x1B600] =	vst v63  }
0x49: {  	s9 =	simm.s32 $0x100  }
0x4a: {  	[tilespmem:s22], [sflag:$0x3] =	stream.indirect.gather [hbm4b:s1+s19], $0x40, s9, s19, $0xb8;
	[tilespmem:$0x1B600] =	vst v63  }
0x4b: {  	s10 =	simm.s32 $0x180  }
0x4c: {  	[tilespmem:s24], [sflag:$0x4] =	stream.indirect.gather [hbm4b:s1+s19], $0x40, s10, s19, $0xb8;
	[tilespmem:$0x1B600] =	vst v63  }
0x4d: {  	_ =	swait.ge [sflag:s25], $0x2000  }
0x4e: {  	[sflag:s25] =	ssyncset.done $0x0  }
0x4f: {  	s8 =	simm.s32 $0x4C00;
	[sflag:s25] =	ssyncadd.s32 $0xFFFFE000  }
0x50: {  	[spmem:s3] =	stream.indirect.scatter.add.f32 [tilespmem:s17], [sflag:$0x5], $0x40, s8, s19, $0xb8;
	[tilespmem:$0x1B600] =	vst v63  }
0x51: {  	_ =	swait.ge [sflag:s28], $0x2000  }
0x52: {  	[sflag:s28] =	ssyncset.done $0x0  }
0x53: {  	s9 =	simm.s32 $0x4C80;
	[sflag:s28] =	ssyncadd.s32 $0xFFFFE000  }
0x54: {  	[spmem:s3] =	stream.indirect.scatter.add.f32 [tilespmem:s20], [sflag:$0x6], $0x40, s9, s19, $0xb8;
	[tilespmem:$0x1B600] =	vst v63  }
0x55: {  	_ =	swait.ge [sflag:s30], $0x2000  }
0x56: {  	[sflag:s30] =	ssyncset.done $0x0  }
0x57: {  	s10 =	simm.s32 $0x4D00;
	[sflag:s30] =	ssyncadd.s32 $0xFFFFE000  }
0x58: {  	[spmem:s3] =	stream.indirect.scatter.add.f32 [tilespmem:s22], [sflag:$0x7], $0x40, s10, s19, $0xb8;
	[tilespmem:$0x1B600] =	vst v63  }
0x59: {  	_ =	swait.ge [sflag:s0], $0x2000  }
0x5a: {  	[sflag:s0] =	ssyncset.done $0x0  }
0x5b: {  	s8 =	simm.s32 $0x200;
	[sflag:s0] =	ssyncadd.s32 $0xFFFFE000  }
0x5c: {  	[tilespmem:s17], [sflag:$0x1] =	stream.indirect.gather [hbm4b:s1+s19], $0x40, s8, s19, $0xb8;
	[tilespmem:$0x1B600] =	vst v63  }
0x5d: {  	_ =	swait.ge [sflag:s21], $0x2000  }
0x5e: {  	[sflag:s21] =	ssyncset.done $0x0  }
0x5f: {  	s9 =	simm.s32 $0x4D80;
	[sflag:s21] =	ssyncadd.s32 $0xFFFFE000  }
0x60: {  	[spmem:s3] =	stream.indirect.scatter.add.f32 [tilespmem:s24], [sflag:$0x8], $0x40, s9, s19, $0xb8;
	[tilespmem:$0x1B600] =	vst v63  }
0x61: {  	_ =	swait.ge [sflag:s26], $0x2000  }
0x62: {  	[sflag:s26] =	ssyncset.done $0x0  }
0x63: {  	s29 =	simm.s32 $0x9;
	s10 =	simm.s32 $0x280;
	[sflag:s26] =	ssyncadd.s32 $0xFFFFE000  }
0x64: {  	[tilespmem:s20], [sflag:$0x2] =	stream.indirect.gather [hbm4b:s1+s19], $0x40, s10, s19, $0xb8;
	[tilespmem:$0x1B600] =	vst v63  }
.LBB2_4:
0x65: {  	_ =	swait.ge [sflag:s25], $0x2000  }
0x66: {  	s7 =	sshra.s32 s23, $0x2;
	s10 =	sadd.s32 $0xFFFFFFFD, s29;
	[sflag:s25] =	ssyncset.done $0x0  }
0x67: {  	s8 =	sadd.s32 $0x4E00, s7;
	p1 =	sge.u32 s10, s5;
	[sflag:s25] =	ssyncadd.s32 $0xFFFFE000  }
0x68: {  	[spmem:s3] =	stream.indirect.scatter.add.f32 [tilespmem:s17], [sflag:$0x5], $0x40, s8, s19, $0xb8;
	[tilespmem:$0x1B600] =	vst v63  }
0x69: {  	s8 =	simm.s32 @!p1 $0x7  }
0x6a: {  	_ =	swait.ge @!p1 [sflag:s8], $0x2000  }
0x6b: {  	[sflag:s8] =	ssyncset.done @!p1 $0x0  }
0x6c: {  	[sflag:s8] =	ssyncadd.s32 @!p1 $0xFFFFE000;
	s8 =	sshra.s32 @!p1 s23, $0x2  }
0x6d: {  	s9 =	simm.s32 @!p1 $0x80;
	s10 =	simm.s32 @!p1 $0xD800;
	s8 =	sadd.s32 @!p1 $0x300, s8  }
0x6e: {  	[tilespmem:s10], [sflag:$0x3] =	stream.indirect.gather @!p1 [hbm4b:s1+s9], $0x40, s8, s9, $0xb8;
	[tilespmem:$0x1B600] =	vst v63  }
0x6f: {  	s10 =	sadd.s32 $0xFFFFFFFE, s29;
	_ =	swait.ge [sflag:s28], $0x2000  }
0x70: {  	p1 =	sge.u32 s10, s5;
	[sflag:s28] =	ssyncset.done $0x0  }
0x71: {  	s9 =	sadd.s32 $0x4E80, s7;
	s8 =	simm.s32 @!p1 $0x8;
	[sflag:s28] =	ssyncadd.s32 $0xFFFFE000  }
0x72: {  	[spmem:s3] =	stream.indirect.scatter.add.f32 [tilespmem:s20], [sflag:$0x6], $0x40, s9, s19, $0xb8;
	[tilespmem:$0x1B600] =	vst v63  }
0x73: {  	_ =	swait.ge @!p1 [sflag:s8], $0x2000  }
0x74: {  	[sflag:s8] =	ssyncset.done @!p1 $0x0  }
0x75: {  	[sflag:s8] =	ssyncadd.s32 @!p1 $0xFFFFE000;
	s8 =	sshra.s32 @!p1 s23, $0x2  }
0x76: {  	s10 =	simm.s32 @!p1 $0xF800;
	s9 =	simm.s32 @!p1 $0x80;
	s8 =	sadd.s32 @!p1 $0x380, s8  }
0x77: {  	[tilespmem:s10], [sflag:$0x4] =	stream.indirect.gather @!p1 [hbm4b:s1+s9], $0x40, s8, s9, $0xb8;
	[tilespmem:$0x1B600] =	vst v63  }
0x78: {  	s10 =	sadd.s32 $0xFFFFFFFF, s29;
	_ =	swait.ge [sflag:s30], $0x2000  }
0x79: {  	p1 =	sge.u32 s10, s5;
	[sflag:s30] =	ssyncset.done $0x0  }
0x7a: {  	s9 =	sadd.s32 $0x4F00, s7;
	s8 =	simm.s32 @!p1 $0x5;
	[sflag:s30] =	ssyncadd.s32 $0xFFFFE000  }
0x7b: {  	[spmem:s3] =	stream.indirect.scatter.add.f32 [tilespmem:s22], [sflag:$0x7], $0x40, s9, s19, $0xb8;
	[tilespmem:$0x1B600] =	vst v63  }
0x7c: {  	_ =	swait.ge @!p1 [sflag:s8], $0x2000  }
0x7d: {  	[sflag:s8] =	ssyncset.done @!p1 $0x0  }
0x7e: {  	[sflag:s8] =	ssyncadd.s32 @!p1 $0xFFFFE000;
	s8 =	sshra.s32 @!p1 s23, $0x2  }
0x7f: {  	s10 =	simm.s32 @!p1 $0x9800;
	s9 =	simm.s32 @!p1 $0x80;
	s8 =	sadd.s32 @!p1 $0x400, s8  }
0x80: {  	[tilespmem:s10], [sflag:$0x1] =	stream.indirect.gather @!p1 [hbm4b:s1+s9], $0x40, s8, s9, $0xb8;
	[tilespmem:$0x1B600] =	vst v63  }
0x81: {  	_ =	swait.ge [sflag:s21], $0x2000  }
0x82: {  	[sflag:s21] =	ssyncset.done $0x0  }
0x83: {  	s7 =	sadd.s32 $0x4F80, s7;
	p1 =	sge.u32 s29, s5;
	[sflag:s21] =	ssyncadd.s32 $0xFFFFE000  }
0x84: {  	[spmem:s3] =	stream.indirect.scatter.add.f32 [tilespmem:s24], [sflag:$0x8], $0x40, s7, s19, $0xb8;
	[tilespmem:$0x1B600] =	vst v63  }
0x85: {  	s7 =	simm.s32 @!p1 $0x6  }
0x86: {  	s8 =	sshra.s32 @!p1 s23, $0x2;
	s9 =	simm.s32 @!p1 $0xB800;
	_ =	swait.ge @!p1 [sflag:s7], $0x2000  }
0x87: {  	s23 =	sadd.s32 $0x800, s23;
	[sflag:s7] =	ssyncset.done @!p1 $0x0;
	s10 =	rddreg [dreg:$0x4]  }
0x88: {  	[sflag:s7] =	ssyncadd.s32 @!p1 $0xFFFFE000;
	s7 =	sadd.s32 @!p1 $0x480, s8;
	s8 =	simm.s32 @!p1 $0x80  }
0x89: {  	[tilespmem:s9], [sflag:$0x2] =	stream.indirect.gather @!p1 [hbm4b:s1+s8], $0x40, s7, s8, $0xb8;
	[tilespmem:$0x1B600] =	vst v63  }
0x8a: {  	p1 =	sne.s32 s10, s23  }
.Ltmp1:
0x8b: {  	_ = 	snop;
	(pc) =	sbr.rel @p1 .LBB2_4-.Ltmp1, $2  }
0x8c: {  	_ =	sdelay $0x2  }
0x8d: {  	s29 =	sadd.s32 $0x4, s29  }
0x8e: {  	_ =	swait.ge [sflag:s0], $0x2000  }
0x8f: {  	[sflag:s0] =	ssyncset.done $0x0  }
0x90: {  	[sflag:s0] =	ssyncadd.s32 $0xFFFFE000  }
0x91: {  	_ =	swait.ge [sflag:s26], $0x2000  }
0x92: {  	[sflag:s26] =	ssyncset.done $0x0  }
0x93: {  	[sflag:s26] =	ssyncadd.s32 $0xFFFFE000  }
0x94: {  	_ =	swait.ge [sflag:s31], $0x2000  }
0x95: {  	[sflag:s31] =	ssyncset.done $0x0  }
0x96: {  	[sflag:s31] =	ssyncadd.s32 $0xFFFFE000  }
0x97: {  	s7 =	stileid.u32;
	_ =	swait.ge [sflag:s2], $0x2000  }
0x98: {  	s8 =	sshrl.u32 s6, $0x3;
	s4 =	sadd.s32 $0x1, s4;
	[sflag:s2] =	ssyncset.done $0x0  }
0x99: {  	s7 =	sshll.u32 s7, $0x6;
	p1 =	sne.s32 s4, s16;
	[sflag:s2] =	ssyncadd.s32 $0xFFFFE000  }
.Ltmp2:
0x9a: {  	s7 =	sor.u32 $0x1C09, s7;
	[bflag:$0x0] =	sbarrier.arrive $0xFFFF;
	(pc) =	sbr.rel @p1 .LBB2_1-.Ltmp2, $4  }
0x9b: {  	[hbm:s15], [sflag:s7] =	dma.local [spmem:s8], $0x13C0  }
0x9c: {  	_ =	swait.ge [sflag:s18], $0x13C0  }
0x9d: {  	[sflag:s18] =	ssyncset.done $0x0  }
0x9e: {  	[sflag:s18] =	ssyncadd.s32 $0xFFFFEC40  }
0x9f: {  	_ =	sfence.sel $0x180000  }
0xa0: {  	[bflag:$0x0] =	sbarrier.arrive $0xFFFF  }
0xa1: {  	_ =	strace $0x9000004D  }
0xa2: {  	s0 =	stileid.u32;
	[bflag:$0x2] =	sbarrier.arrive $0xFFFF  }
0xa3: {  	p0 =	sne.s32 s0, $0x0;
	s0 =	rddreg [dreg:$0x3]  }
0xa4: {  	s0 =	sadd.s32 @!p0 $0x100000, s0  }
0xa5: {  	[sflag:s0] =	ssyncadd.tile.s32 @!p0 $0x1;
	_ =	shalt  }
.Lfunc_end2:
_tile_overlayer_lowered:
.L_overlay_start_2:
0xa6: {  	(tag) =	ssettag $0x2  }
0xa7: {  	s0 =	rddreg [dreg:$0x0];
	s2 =	stileid.u32  }
0xa8: {  	s1 =	rddreg [dreg:$0x1];
	p0 =	sne.s32 s2, $0x0  }
0xa9: {  	s3 =	rddreg [dreg:$0x2];
	[bflag:$0x3] =	sbarrier.arrive $0xFFFF;
	s2 =	simm.s32 @!p0 $0x1C09  }
0xaa: {  	[timem:s3], [sflag:s2] =	dma.local @!p0 [hbm:s0], s1  }
0xab: {  	s0 =	simm.s32 @!p0 $0x9  }
0xac: {  	_ =	swait.ge @!p0 [sflag:s0], s1  }
0xad: {  	s1 =	ssub.s32 @!p0 $0x0, s1;
	[sflag:s0] =	ssyncset.done @!p0 $0x0  }
0xae: {  	[sflag:s0] =	ssyncadd.s32 @!p0 s1  }
0xaf: {  	[bflag:$0x3] =	sbarrier.arrive $0xFFFF  }
0xb0: {  	_ =	shalt  }

</sc_bundles>
